<compile_context>
chip_gen: v7x
topology: tpu7x:2x2x1
jax: 0.10.2.dev20260603
libtpu: 0.0.44.dev20260713+nightly
codegen_flags: <defaults>
</compile_context>

<pallas_src>
import functools

import jax
import jax.numpy as jnp
from jax import lax
from jax.experimental import pallas as pl
from jax.experimental.pallas import tpu as pltpu
from jax.experimental.pallas import tpu_sc as plsc

NN = 10000
NB = 2
NT = NN * NB
E = 160000
NSUB = 16
CH = 128
CPT = 80
EPAD = NSUB * CPT * CH
NCHUNK = EPAD // CH
RPT = 640
RPT_LAST = NN - RPT * (NSUB - 1)
SINK = NN
ACC_ROWS = NN + 16
HID = 128
NL = 12
OUTF = 64
NBUF = 2
HALF = CPT // 2

_mesh = plsc.VectorSubcoreMesh(core_axis_name="c", subcore_axis_name="s")


def _copy_tile_rows(s, src_ref, src_base, dst_ref, dst_base):
    @pl.when(s < NSUB - 1)
    def _():
        pltpu.sync_copy(src_ref.at[pl.ds(src_base + s * RPT, RPT)],
                        dst_ref.at[pl.ds(dst_base + s * RPT, RPT)])

    @pl.when(s == NSUB - 1)
    def _():
        off = (NSUB - 1) * RPT
        pltpu.sync_copy(src_ref.at[pl.ds(src_base + off, RPT_LAST)],
                        dst_ref.at[pl.ds(dst_base + off, RPT_LAST)])


def _copy_tile_rows_via(s, src_ref, src_base, dst_ref, dst_base, tmp_ref):
    @pl.when(s < NSUB - 1)
    def _():
        pltpu.sync_copy(src_ref.at[pl.ds(src_base + s * RPT, RPT)],
                        tmp_ref.at[pl.ds(0, RPT)])
        pltpu.sync_copy(tmp_ref.at[pl.ds(0, RPT)],
                        dst_ref.at[pl.ds(dst_base + s * RPT, RPT)])

    @pl.when(s == NSUB - 1)
    def _():
        off = (NSUB - 1) * RPT
        pltpu.sync_copy(src_ref.at[pl.ds(src_base + off, RPT_LAST)],
                        tmp_ref.at[pl.ds(0, RPT_LAST)])
        pltpu.sync_copy(tmp_ref.at[pl.ds(0, RPT_LAST)],
                        dst_ref.at[pl.ds(dst_base + off, RPT_LAST)])



@functools.partial(
    pl.kernel,
    out_type=jax.ShapeDtypeStruct((NT,), jnp.float32),
    mesh=_mesh,
    scratch_types=[
        pltpu.VMEM((CPT, CH), jnp.int32),
        pltpu.VMEM((CH,), jnp.float32),
        pltpu.VMEM((RPT,), jnp.float32),
        pltpu.VMEM_SHARED((ACC_ROWS,), jnp.float32),
    ],
)
def _sc_degree(dst_hbm, ones_src_hbm, ones_init_hbm, z16_hbm, out_hbm,
               didx, ones_v, tmp, acc):
    c = lax.axis_index("c")
    s = lax.axis_index("s")
    pltpu.sync_copy(dst_hbm.at[c, pl.ds(s * CPT, CPT)], didx)
    pltpu.sync_copy(ones_src_hbm, ones_v)
    _copy_tile_rows_via(s, ones_init_hbm, 0, acc, 0, tmp)
    @pl.when(s == 0)
    def _():
        pltpu.sync_copy(z16_hbm, tmp.at[pl.ds(0, 16)])
        pltpu.sync_copy(tmp.at[pl.ds(0, 16)], acc.at[pl.ds(SINK, 16)])
    plsc.subcore_barrier()

    def body(j, _):
        pltpu.sync_copy(ones_v, acc.at[didx.at[j]], add=True)
        return 0
    lax.fori_loop(0, CPT, body, 0)
    plsc.subcore_barrier()
    _copy_tile_rows_via(s, acc, 0, out_hbm, c * NN, tmp)


@functools.partial(
    pl.kernel,
    out_type=jax.ShapeDtypeStruct((NT,), jnp.float32),
    mesh=_mesh,
    scratch_types=[
        pltpu.VMEM((CPT, CH), jnp.int32),
        pltpu.VMEM((CPT, CH), jnp.int32),
        pltpu.VMEM((8, CH), jnp.float32),
        pltpu.VMEM((RPT,), jnp.float32),
        pltpu.VMEM_SHARED((ACC_ROWS,), jnp.float32),
        pltpu.SemaphoreType.DMA((8,)),
    ],
)
def _sc_scalar_agg(src_hbm, dst_hbm, table_hbm, z16_hbm, out_hbm,
                   sidx, didx, buf, tmp, acc, sem):
    c = lax.axis_index("c")
    s = lax.axis_index("s")
    pltpu.sync_copy(src_hbm.at[c, pl.ds(s * CPT, CPT)], sidx)
    pltpu.sync_copy(dst_hbm.at[c, pl.ds(s * CPT, CPT)], didx)
    _copy_tile_rows_via(s, table_hbm, c * NN, acc, 0, tmp)
    @pl.when(s == 0)
    def _():
        pltpu.sync_copy(z16_hbm, tmp.at[pl.ds(0, 16)])
        pltpu.sync_copy(tmp.at[pl.ds(0, 16)], acc.at[pl.ds(SINK, 16)])
    plsc.subcore_barrier()

    for b in range(8):
        pltpu.async_copy(table_hbm.at[sidx.at[b]], buf.at[b], sem.at[b])

    def body(g, _):
        j0 = g * 8
        for b in range(8):
            pltpu.make_async_copy(
                table_hbm.at[sidx.at[j0 + b]], buf.at[b], sem.at[b]).wait()
            pltpu.sync_copy(buf.at[b], acc.at[didx.at[j0 + b]], add=True)
            @pl.when(j0 + b + 8 < CPT)
            def _():
                pltpu.async_copy(table_hbm.at[sidx.at[j0 + b + 8]],
                                 buf.at[b], sem.at[b])
        return 0
    lax.fori_loop(0, CPT // 8, body, 0)
    plsc.subcore_barrier()
    _copy_tile_rows_via(s, acc, 0, out_hbm, c * NN, tmp)


@functools.partial(
    pl.kernel,
    out_type=jax.ShapeDtypeStruct((NT, HID), jnp.float32),
    mesh=_mesh,
    scratch_types=[
        pltpu.VMEM((HALF, CH), jnp.int32),
        pltpu.VMEM((HALF, CH), jnp.int32),
        pltpu.VMEM((NBUF, CH, HID), jnp.float32),
        pltpu.VMEM_SHARED((ACC_ROWS, HID), jnp.float32),
        pltpu.SemaphoreType.DMA((NBUF,)),
    ],
)
def _sc_row_agg(src_hbm, dst_hbm, table_hbm, zrow_hbm, out_hbm,
                sidx, didx, buf, acc, sem):
    c = lax.axis_index("c")
    s = lax.axis_index("s")
    _copy_tile_rows(s, table_hbm, c * NN, acc, 0)
    @pl.when(s == 0)
    def _():
        pltpu.sync_copy(zrow_hbm, acc.at[pl.ds(SINK, 16)])
    plsc.subcore_barrier()

    for half in range(2):
        base = s * CPT + half * HALF
        pltpu.sync_copy(src_hbm.at[c, pl.ds(base, HALF)], sidx)
        pltpu.sync_copy(dst_hbm.at[c, pl.ds(base, HALF)], didx)
        for b in range(NBUF):
            pltpu.async_copy(table_hbm.at[sidx.at[b]], buf.at[b], sem.at[b])

        def body(g, _):
            j0 = g * NBUF
            for b in range(NBUF):
                pltpu.make_async_copy(
                    table_hbm.at[sidx.at[j0 + b]], buf.at[b], sem.at[b]).wait()
                pltpu.sync_copy(buf.at[b], acc.at[didx.at[j0 + b]], add=True)
                @pl.when(j0 + b + NBUF < HALF)
                def _():
                    pltpu.async_copy(table_hbm.at[sidx.at[j0 + b + NBUF]],
                                     buf.at[b], sem.at[b])
            return 0
        lax.fori_loop(0, HALF // NBUF, body, 0)
    plsc.subcore_barrier()
    _copy_tile_rows(s, acc, 0, out_hbm, c * NN)



def _leaky(v):
    return jnp.where(v >= 0.0, v, 0.01 * v)


def _tc_prep_body(deg_ref, x0_ref, dinv_ref, a_ref):
    dinv = lax.rsqrt(deg_ref[...])
    dinv_ref[...] = dinv
    a_ref[...] = x0_ref[...] * dinv


def _tc_layer1_body(t_ref, x0_ref, dinv_ref, w1_ref, b1_ref, wc_ref,
                    x1_ref, h1_ref):
    conv = (dinv_ref[...] * t_ref[...]) * w1_ref[...] + b1_ref[...]
    x1 = x0_ref[...] + _leaky(conv)
    x1_ref[...] = x1
    h1_ref[...] = dinv_ref[...] * jnp.dot(
        x1, wc_ref[...], preferred_element_type=jnp.float32)


def _tc_epilogue_body(acc_ref, xp_ref, dinv_ref, bc_ref, wc_ref,
                      xn_ref, hn_ref):
    conv = dinv_ref[...] * acc_ref[...] + bc_ref[...]
    xn = xp_ref[...] + _leaky(conv)
    xn_ref[...] = xn
    hn_ref[...] = dinv_ref[...] * jnp.dot(
        xn, wc_ref[...], preferred_element_type=jnp.float32)


def _tc_final_body(acc_ref, xp_ref, dinv_ref, bc_ref,
                   wg_ref, bg_ref, wb_ref, bb_ref, o_ref, pool_ref):
    i = pl.program_id(0)
    nprog = pl.num_programs(0)
    conv = dinv_ref[...] * acc_ref[...] + bc_ref[...]
    xn = xp_ref[...] + _leaky(conv)
    part = jnp.sum(xn, axis=0, keepdims=True) * (1.0 / NN)

    @pl.when(i == 0)
    def _():
        pool_ref[...] = jnp.zeros_like(pool_ref)

    half = nprog // NB

    @pl.when(i < half)
    def _():
        pool_ref[0:1, :] += part

    @pl.when(i >= half)
    def _():
        pool_ref[1:2, :] += part

    @pl.when(i == nprog - 1)
    def _():
        pooled = pool_ref[0:NB, :]
        gm = jnp.dot(pooled, wg_ref[...],
                     preferred_element_type=jnp.float32) + bg_ref[...]
        bt = jnp.dot(pooled, wb_ref[...],
                     preferred_element_type=jnp.float32) + bb_ref[...]
        o_ref[0, :, :] = gm
        o_ref[1, :, :] = bt


def _rows_spec(rows, cols):
    return pl.BlockSpec((rows, cols), lambda i: (i, 0))


def _full_spec(shape):
    nd = len(shape)
    return pl.BlockSpec(shape, lambda i: (0,) * nd)



def kernel(sst, nan_idx, edge_index_batch, batch_vec, W1, b1, Wc, bc, Wg, bg,
           Wb, bb):
    f32 = jnp.float32
    offs = (jnp.arange(NB, dtype=jnp.int32) * NN)[:, None]
    src = edge_index_batch[0].reshape(NB, E)
    dst = edge_index_batch[1].reshape(NB, E) - offs
    pad = EPAD - E
    src_p = jnp.concatenate(
        [src, jnp.zeros((NB, pad), jnp.int32)], axis=1).reshape(NB, NCHUNK, CH)
    dst_p = jnp.concatenate(
        [dst, jnp.full((NB, pad), SINK, jnp.int32)], axis=1).reshape(
            NB, NCHUNK, CH)
    x0 = sst[:, :NN].reshape(NT, 1)
    ones_src = jnp.ones((CH,), f32)
    ones_init = jnp.ones((NN,), f32)
    z16 = jnp.zeros((16,), f32)
    zrow = jnp.zeros((16, HID), f32)
    w1r = W1.reshape(1, HID)
    b1r = b1.reshape(1, HID)
    bcr = bc.reshape(3, 1, HID)
    wg2 = Wg.transpose(1, 0, 2).reshape(HID, NL * OUTF)
    bg2 = bg.reshape(1, NL * OUTF)
    wb2 = Wb.transpose(1, 0, 2).reshape(HID, NL * OUTF)
    bb2 = bb.reshape(1, NL * OUTF)

    deg = _sc_degree(dst_p, ones_src, ones_init, z16)

    grid1 = 10
    rows = NT // grid1
    dinv, a_col = pl.pallas_call(
        _tc_prep_body,
        grid=(grid1,),
        in_specs=[_rows_spec(rows, 1), _rows_spec(rows, 1)],
        out_specs=[_rows_spec(rows, 1), _rows_spec(rows, 1)],
        out_shape=[jax.ShapeDtypeStruct((NT, 1), f32),
                   jax.ShapeDtypeStruct((NT, 1), f32)],
    )(deg.reshape(NT, 1), x0)

    t = _sc_scalar_agg(src_p, dst_p, a_col.reshape(NT), z16)

    x1, h = pl.pallas_call(
        _tc_layer1_body,
        grid=(grid1,),
        in_specs=[_rows_spec(rows, 1), _rows_spec(rows, 1),
                  _rows_spec(rows, 1), _full_spec((1, HID)),
                  _full_spec((1, HID)), _full_spec((HID, HID))],
        out_specs=[_rows_spec(rows, HID), _rows_spec(rows, HID)],
        out_shape=[jax.ShapeDtypeStruct((NT, HID), f32),
                   jax.ShapeDtypeStruct((NT, HID), f32)],
    )(t.reshape(NT, 1), x0, dinv, w1r, b1r, Wc[0])

    xp = x1
    for i in range(2):
        acc = _sc_row_agg(src_p, dst_p, h, zrow)
        xp, h = pl.pallas_call(
            _tc_epilogue_body,
            grid=(grid1,),
            in_specs=[_rows_spec(rows, HID), _rows_spec(rows, HID),
                      _rows_spec(rows, 1), _full_spec((1, HID)),
                      _full_spec((HID, HID))],
            out_specs=[_rows_spec(rows, HID), _rows_spec(rows, HID)],
            out_shape=[jax.ShapeDtypeStruct((NT, HID), f32),
                       jax.ShapeDtypeStruct((NT, HID), f32)],
        )(acc, xp, dinv, bcr[i], Wc[i + 1])

    acc = _sc_row_agg(src_p, dst_p, h, zrow)

    o = pl.pallas_call(
        _tc_final_body,
        grid=(grid1,),
        in_specs=[_rows_spec(rows, HID), _rows_spec(rows, HID),
                  _rows_spec(rows, 1), _full_spec((1, HID)),
                  _full_spec((HID, NL * OUTF)), _full_spec((1, NL * OUTF)),
                  _full_spec((HID, NL * OUTF)), _full_spec((1, NL * OUTF))],
        out_specs=pl.BlockSpec((2, NB, NL * OUTF), lambda i: (0, 0, 0)),
        out_shape=jax.ShapeDtypeStruct((2, NB, NL * OUTF), f32),
        scratch_shapes=[pltpu.VMEM((8, HID), f32)],
    )(acc, xp, dinv, bcr[2], wg2, bg2, wb2, bb2)

    gm = o[0].reshape(NB, NL, OUTF).transpose(1, 0, 2)
    bt = o[1].reshape(NB, NL, OUTF).transpose(1, 0, 2)
    return jnp.stack([gm, bt])

# --- scband reference (transcript-rebuilt; emitter-appended) ---
"""Pipeline reference for scband-gcn-58643483460179 (READ-ONLY COPY).

The authoritative reference and input builder live on the scoring server;
editing this copy changes nothing except your own understanding.
"""

import jax, jax.numpy as jnp
import numpy as np

NUM_NODES = 10000
NUM_FEAT = 20000
BATCH = 2
AVG_DEG = 16
NUM_EDGES = NUM_NODES * AVG_DEG
HIDDEN = 128
OUT_FEATURES = 64
NUM_LAYERS = 12
PERCEPTIVE = 3


def setup_inputs(seed: int = 0) -> dict:
    key = jax.random.key(seed)
    ks = jax.random.split(key, 12)
    sst = jax.random.normal(ks[0], (BATCH, NUM_FEAT), dtype=jnp.float32)
    # single-graph edge_index, replicated with per-batch node offsets (as in __init__)
    ei = jax.random.randint(ks[1], (2, NUM_EDGES), 0, NUM_NODES, dtype=jnp.int32)
    offset = jnp.repeat(jnp.arange(BATCH, dtype=jnp.int32) * NUM_NODES, NUM_EDGES)
    edge_index_batch = jnp.tile(ei, (1, BATCH)) + offset[None, :]
    batch_vec = jnp.repeat(jnp.arange(BATCH, dtype=jnp.int32), NUM_NODES)
    # nan_mask selects the first NUM_NODES features of each row; precomputed as flat gather indices
    nan_idx = (jnp.arange(BATCH, dtype=jnp.int32)[:, None] * NUM_FEAT + jnp.arange(NUM_NODES, dtype=jnp.int32)[None, :]).ravel()
    # learned parameters
    W1 = jax.random.normal(ks[2], (1, HIDDEN), dtype=jnp.float32) * 0.1
    b1 = jnp.zeros((HIDDEN,), dtype=jnp.float32)
    Wc = jax.random.normal(ks[3], (PERCEPTIVE, HIDDEN, HIDDEN), dtype=jnp.float32) * (1.0 / np.sqrt(HIDDEN))
    bc = jnp.zeros((PERCEPTIVE, HIDDEN), dtype=jnp.float32)
    Wg = jax.random.normal(ks[4], (NUM_LAYERS, HIDDEN, OUT_FEATURES), dtype=jnp.float32) * (1.0 / np.sqrt(HIDDEN))
    bg = jnp.zeros((NUM_LAYERS, OUT_FEATURES), dtype=jnp.float32)
    Wb = jax.random.normal(ks[5], (NUM_LAYERS, HIDDEN, OUT_FEATURES), dtype=jnp.float32) * (1.0 / np.sqrt(HIDDEN))
    bb = jnp.zeros((NUM_LAYERS, OUT_FEATURES), dtype=jnp.float32)
    return {"sst": sst, "nan_idx": nan_idx, "edge_index_batch": edge_index_batch, "batch_vec": batch_vec,
            "W1": W1, "b1": b1, "Wc": Wc, "bc": bc, "Wg": Wg, "bg": bg, "Wb": Wb, "bb": bb}


def _gcn_conv(x, W, b, src, dst, n_nodes):
    # GCNConv: add self-loops, symmetric normalization, linear transform, scatter-add aggregate
    h = x @ W
    loop = jnp.arange(n_nodes, dtype=src.dtype)
    s = jnp.concatenate([src, loop])
    d = jnp.concatenate([dst, loop])
    deg = jnp.zeros((n_nodes,), dtype=jnp.float32).at[d].add(1.0)
    dinv = jnp.where(deg > 0, 1.0 / jnp.sqrt(deg), 0.0)
    norm = dinv[s] * dinv[d]
    msg = h[s] * norm[:, None]
    out = jnp.zeros((n_nodes, h.shape[1]), dtype=h.dtype).at[d].add(msg)
    return out + b[None, :]


def reference(sst, nan_idx, edge_index_batch, batch_vec, W1, b1, Wc, bc, Wg, bg, Wb, bb):
    n_total = BATCH * NUM_NODES
    src = edge_index_batch[0]
    dst = edge_index_batch[1]
    # x = sst[batch_nan_mask][None].T
    x = jnp.take(sst.ravel(), nan_idx)[:, None]
    x = x + jax.nn.leaky_relu(_gcn_conv(x, W1, b1, src, dst, n_total), 0.01)
    for i in range(PERCEPTIVE):
        x = x + jax.nn.leaky_relu(_gcn_conv(x, Wc[i], bc[i], src, dst, n_total), 0.01)
    # global_mean_pool over batch segments
    seg_sum = jax.ops.segment_sum(x, batch_vec, num_segments=BATCH)
    counts = jax.ops.segment_sum(jnp.ones((n_total,), dtype=x.dtype), batch_vec, num_segments=BATCH)
    pooled = seg_sum / counts[:, None]
    gammas = jnp.stack([pooled @ Wg[i] + bg[i][None, :] for i in range(NUM_LAYERS)])
    betas = jnp.stack([pooled @ Wb[i] + bb[i][None, :] for i in range(NUM_LAYERS)])
    out = jnp.squeeze(jnp.stack([gammas, betas]))
    return out

if __name__ == "__main__":
    import jax
    _d = setup_inputs()
    print(jax.jit(kernel)(*tuple(_d.values())))

</pallas_src>

<mosaic_0001>
#map = affine_map<(d0, d1) -> (0, 0, 0)>
#map1 = affine_map<(d0, d1) -> (0)>
module attributes {stable_mosaic.version = 14 : i64} {
  func.func @_sc_scalar_agg(%arg0: i32, %arg1: i32, %arg2: memref<2x1280x128xi32, #tpu.memory_space<hbm>>, %arg3: memref<2x1280x128xi32, #tpu.memory_space<hbm>>, %arg4: memref<20000xf32, #tpu.memory_space<hbm>>, %arg5: memref<16xf32, #tpu.memory_space<hbm>>, %arg6: memref<20000xf32, #tpu.memory_space<hbm>>, %arg7: memref<80x128xi32, #tpu.memory_space<vmem>>, %arg8: memref<80x128xi32, #tpu.memory_space<vmem>>, %arg9: memref<8x128xf32, #tpu.memory_space<vmem>>, %arg10: memref<640xf32, #tpu.memory_space<vmem>>, %arg11: memref<10016xf32, #tpu.memory_space<vmem_shared>>, %arg12: memref<8x!tpu.dma_semaphore, #tpu.memory_space<semaphore_mem>>) attributes {dimension_semantics = [#tpu.dimension_semantics<core_parallel>, #tpu.dimension_semantics<subcore_parallel>], iteration_bounds = array<i64: 2, 16>, scalar_prefetch = 0 : i64, scratch_operands = 6 : i64, tpu.core_type = #tpu.core_type<sc_vector_subcore>, window_params = [{transform_indices = #map}, {transform_indices = #map}, {transform_indices = #map1}, {transform_indices = #map1}, {transform_indices = #map1}]} {
    %mul3A = arith.constant 80 : i32
    %mul3A_0 = arith.muli %arg1, %mul3A : i32
    "tpu.region"() ({
      %run_scoped3A = tpu.sem_alloc : memref<!tpu.dma_semaphore, #tpu.memory_space<semaphore_mem>>
      %dma_start3A_138 = arith.constant 0 : i32
      %dma_start3A_139 = tpu.memref_slice %arg2[%arg0, %mul3A_0, %dma_start3A_138] : memref<2x1280x128xi32, #tpu.memory_space<hbm>> -> memref<1x80x128xi32, #tpu.memory_space<hbm>>
      %dma_start3A_140 = tpu.memref_squeeze %dma_start3A_139 : memref<1x80x128xi32, #tpu.memory_space<hbm>> -> memref<80x128xi32, #tpu.memory_space<hbm>>
      %dma_start3A_141 = arith.constant 0 : i32
      %dma_start3A_142 = tpu.memref_slice %arg2[%arg0, %mul3A_0, %dma_start3A_141] : memref<2x1280x128xi32, #tpu.memory_space<hbm>> -> memref<1x80x128xi32, #tpu.memory_space<hbm>>
      %dma_start3A_143 = tpu.memref_squeeze %dma_start3A_142 : memref<1x80x128xi32, #tpu.memory_space<hbm>> -> memref<80x128xi32, #tpu.memory_space<hbm>>
      tpu.enqueue_dma source(%dma_start3A_143 : memref<80x128xi32, #tpu.memory_space<hbm>>) target(%arg7 : memref<80x128xi32, #tpu.memory_space<vmem>>) target_semaphore(%run_scoped3A : memref<!tpu.dma_semaphore, #tpu.memory_space<semaphore_mem>>)
      %dma_wait3A = arith.constant 0 : i32
      %dma_wait3A_144 = tpu.memref_slice %arg2[%arg0, %mul3A_0, %dma_wait3A] : memref<2x1280x128xi32, #tpu.memory_space<hbm>> -> memref<1x80x128xi32, #tpu.memory_space<hbm>>
      %dma_wait3A_145 = tpu.memref_squeeze %dma_wait3A_144 : memref<1x80x128xi32, #tpu.memory_space<hbm>> -> memref<80x128xi32, #tpu.memory_space<hbm>>
      %dma_wait3A_146 = arith.constant 0 : i32
      %dma_wait3A_147 = tpu.memref_slice %arg2[%arg0, %mul3A_0, %dma_wait3A_146] : memref<2x1280x128xi32, #tpu.memory_space<hbm>> -> memref<1x80x128xi32, #tpu.memory_space<hbm>>
      %dma_wait3A_148 = tpu.memref_squeeze %dma_wait3A_147 : memref<1x80x128xi32, #tpu.memory_space<hbm>> -> memref<80x128xi32, #tpu.memory_space<hbm>>
      tpu.wait_dma2 semaphore(%run_scoped3A : memref<!tpu.dma_semaphore, #tpu.memory_space<semaphore_mem>>) src(%dma_wait3A_148 : memref<80x128xi32, #tpu.memory_space<hbm>>) dst(%arg7 : memref<80x128xi32, #tpu.memory_space<vmem>>)
      tpu.yield
    }) : () -> ()
    %mul3A_1 = arith.constant 80 : i32
    %mul3A_2 = arith.muli %arg1, %mul3A_1 : i32
    "tpu.region"() ({
      %run_scoped3A = tpu.sem_alloc : memref<!tpu.dma_semaphore, #tpu.memory_space<semaphore_mem>>
      %dma_start3A_138 = arith.constant 0 : i32
      %dma_start3A_139 = tpu.memref_slice %arg3[%arg0, %mul3A_2, %dma_start3A_138] : memref<2x1280x128xi32, #tpu.memory_space<hbm>> -> memref<1x80x128xi32, #tpu.memory_space<hbm>>
      %dma_start3A_140 = tpu.memref_squeeze %dma_start3A_139 : memref<1x80x128xi32, #tpu.memory_space<hbm>> -> memref<80x128xi32, #tpu.memory_space<hbm>>
      %dma_start3A_141 = arith.constant 0 : i32
      %dma_start3A_142 = tpu.memref_slice %arg3[%arg0, %mul3A_2, %dma_start3A_141] : memref<2x1280x128xi32, #tpu.memory_space<hbm>> -> memref<1x80x128xi32, #tpu.memory_space<hbm>>
      %dma_start3A_143 = tpu.memref_squeeze %dma_start3A_142 : memref<1x80x128xi32, #tpu.memory_space<hbm>> -> memref<80x128xi32, #tpu.memory_space<hbm>>
      tpu.enqueue_dma source(%dma_start3A_143 : memref<80x128xi32, #tpu.memory_space<hbm>>) target(%arg8 : memref<80x128xi32, #tpu.memory_space<vmem>>) target_semaphore(%run_scoped3A : memref<!tpu.dma_semaphore, #tpu.memory_space<semaphore_mem>>)
      %dma_wait3A = arith.constant 0 : i32
      %dma_wait3A_144 = tpu.memref_slice %arg3[%arg0, %mul3A_2, %dma_wait3A] : memref<2x1280x128xi32, #tpu.memory_space<hbm>> -> memref<1x80x128xi32, #tpu.memory_space<hbm>>
      %dma_wait3A_145 = tpu.memref_squeeze %dma_wait3A_144 : memref<1x80x128xi32, #tpu.memory_space<hbm>> -> memref<80x128xi32, #tpu.memory_space<hbm>>
      %dma_wait3A_146 = arith.constant 0 : i32
      %dma_wait3A_147 = tpu.memref_slice %arg3[%arg0, %mul3A_2, %dma_wait3A_146] : memref<2x1280x128xi32, #tpu.memory_space<hbm>> -> memref<1x80x128xi32, #tpu.memory_space<hbm>>
      %dma_wait3A_148 = tpu.memref_squeeze %dma_wait3A_147 : memref<1x80x128xi32, #tpu.memory_space<hbm>> -> memref<80x128xi32, #tpu.memory_space<hbm>>
      tpu.wait_dma2 semaphore(%run_scoped3A : memref<!tpu.dma_semaphore, #tpu.memory_space<semaphore_mem>>) src(%dma_wait3A_148 : memref<80x128xi32, #tpu.memory_space<hbm>>) dst(%arg8 : memref<80x128xi32, #tpu.memory_space<vmem>>)
      tpu.yield
    }) : () -> ()
    %mul3A_3 = arith.constant 10000 : i32
    %mul3A_4 = arith.muli %arg0, %mul3A_3 : i32
    %lt3A = arith.constant 15 : i32
    %lt3A_5 = arith.cmpi slt, %arg1, %lt3A : i32
    %convert_element_type3A = arith.extui %lt3A_5 : i1 to i32
    %cond3A = arith.constant 0 : i32
    %cond3A_6 = arith.cmpi ne, %convert_element_type3A, %cond3A : i32
    scf.if %cond3A_6 {
      %mul3A_138 = arith.constant 640 : i32
      %mul3A_139 = arith.muli %arg1, %mul3A_138 : i32
      %add3A = arith.addi %mul3A_4, %mul3A_139 : i32
      "tpu.region"() ({
        %run_scoped3A = tpu.sem_alloc : memref<!tpu.dma_semaphore, #tpu.memory_space<semaphore_mem>>
        %dma_start3A_144 = arith.constant 0 : i32
        %dma_start3A_145 = tpu.memref_slice %arg10[%dma_start3A_144] : memref<640xf32, #tpu.memory_space<vmem>> -> memref<640xf32, #tpu.memory_space<vmem>>
        %dma_start3A_146 = tpu.memref_slice %arg4[%add3A] : memref<20000xf32, #tpu.memory_space<hbm>> -> memref<640xf32, #tpu.memory_space<hbm>>
        %dma_start3A_147 = arith.constant 0 : i32
        %dma_start3A_148 = tpu.memref_slice %arg10[%dma_start3A_147] : memref<640xf32, #tpu.memory_space<vmem>> -> memref<640xf32, #tpu.memory_space<vmem>>
        %dma_start3A_149 = tpu.memref_slice %arg4[%add3A] : memref<20000xf32, #tpu.memory_space<hbm>> -> memref<640xf32, #tpu.memory_space<hbm>>
        tpu.enqueue_dma source(%dma_start3A_149 : memref<640xf32, #tpu.memory_space<hbm>>) target(%dma_start3A_148 : memref<640xf32, #tpu.memory_space<vmem>>) target_semaphore(%run_scoped3A : memref<!tpu.dma_semaphore, #tpu.memory_space<semaphore_mem>>)
        %dma_wait3A = arith.constant 0 : i32
        %dma_wait3A_150 = tpu.memref_slice %arg10[%dma_wait3A] : memref<640xf32, #tpu.memory_space<vmem>> -> memref<640xf32, #tpu.memory_space<vmem>>
        %dma_wait3A_151 = tpu.memref_slice %arg4[%add3A] : memref<20000xf32, #tpu.memory_space<hbm>> -> memref<640xf32, #tpu.memory_space<hbm>>
        %dma_wait3A_152 = arith.constant 0 : i32
        %dma_wait3A_153 = tpu.memref_slice %arg10[%dma_wait3A_152] : memref<640xf32, #tpu.memory_space<vmem>> -> memref<640xf32, #tpu.memory_space<vmem>>
        %dma_wait3A_154 = tpu.memref_slice %arg4[%add3A] : memref<20000xf32, #tpu.memory_space<hbm>> -> memref<640xf32, #tpu.memory_space<hbm>>
        tpu.wait_dma2 semaphore(%run_scoped3A : memref<!tpu.dma_semaphore, #tpu.memory_space<semaphore_mem>>) src(%dma_wait3A_154 : memref<640xf32, #tpu.memory_space<hbm>>) dst(%dma_wait3A_153 : memref<640xf32, #tpu.memory_space<vmem>>)
        tpu.yield
      }) : () -> ()
      %mul3A_140 = arith.constant 640 : i32
      %mul3A_141 = arith.muli %arg1, %mul3A_140 : i32
      %add3A_142 = arith.constant 0 : i32
      %add3A_143 = arith.addi %add3A_142, %mul3A_141 : i32
      "tpu.region"() ({
        %run_scoped3A = tpu.sem_alloc : memref<!tpu.dma_semaphore, #tpu.memory_space<semaphore_mem>>
        %dma_start3A_144 = arith.constant 0 : i32
        %dma_start3A_145 = tpu.memref_slice %arg10[%dma_start3A_144] : memref<640xf32, #tpu.memory_space<vmem>> -> memref<640xf32, #tpu.memory_space<vmem>>
        %dma_start3A_146 = tpu.memref_slice %arg11[%add3A_143] : memref<10016xf32, #tpu.memory_space<vmem_shared>> -> memref<640xf32, #tpu.memory_space<vmem_shared>>
        %dma_start3A_147 = tpu.memref_slice %arg11[%add3A_143] : memref<10016xf32, #tpu.memory_space<vmem_shared>> -> memref<640xf32, #tpu.memory_space<vmem_shared>>
        %dma_start3A_148 = arith.constant 0 : i32
        %dma_start3A_149 = tpu.memref_slice %arg10[%dma_start3A_148] : memref<640xf32, #tpu.memory_space<vmem>> -> memref<640xf32, #tpu.memory_space<vmem>>
        tpu.enqueue_dma source(%dma_start3A_149 : memref<640xf32, #tpu.memory_space<vmem>>) target(%dma_start3A_147 : memref<640xf32, #tpu.memory_space<vmem_shared>>) target_semaphore(%run_scoped3A : memref<!tpu.dma_semaphore, #tpu.memory_space<semaphore_mem>>)
        %dma_wait3A = arith.constant 0 : i32
        %dma_wait3A_150 = tpu.memref_slice %arg10[%dma_wait3A] : memref<640xf32, #tpu.memory_space<vmem>> -> memref<640xf32, #tpu.memory_space<vmem>>
        %dma_wait3A_151 = tpu.memref_slice %arg11[%add3A_143] : memref<10016xf32, #tpu.memory_space<vmem_shared>> -> memref<640xf32, #tpu.memory_space<vmem_shared>>
        %dma_wait3A_152 = tpu.memref_slice %arg11[%add3A_143] : memref<10016xf32, #tpu.memory_space<vmem_shared>> -> memref<640xf32, #tpu.memory_space<vmem_shared>>
        %dma_wait3A_153 = arith.constant 0 : i32
        %dma_wait3A_154 = tpu.memref_slice %arg10[%dma_wait3A_153] : memref<640xf32, #tpu.memory_space<vmem>> -> memref<640xf32, #tpu.memory_space<vmem>>
        tpu.wait_dma2 semaphore(%run_scoped3A : memref<!tpu.dma_semaphore, #tpu.memory_space<semaphore_mem>>) src(%dma_wait3A_154 : memref<640xf32, #tpu.memory_space<vmem>>) dst(%dma_wait3A_152 : memref<640xf32, #tpu.memory_space<vmem_shared>>)
        tpu.yield
      }) : () -> ()
    } else {
    }
    %eq3A = arith.constant 15 : i32
    %eq3A_7 = arith.cmpi eq, %arg1, %eq3A : i32
    %convert_element_type3A_8 = arith.extui %eq3A_7 : i1 to i32
    %cond3A_9 = arith.constant 0 : i32
    %cond3A_10 = arith.cmpi ne, %convert_element_type3A_8, %cond3A_9 : i32
    scf.if %cond3A_10 {
      %add3A = arith.constant 9600 : i32
      %add3A_138 = arith.addi %mul3A_4, %add3A : i32
      "tpu.region"() ({
        %run_scoped3A = tpu.sem_alloc : memref<!tpu.dma_semaphore, #tpu.memory_space<semaphore_mem>>
        %dma_start3A_139 = arith.constant 0 : i32
        %dma_start3A_140 = tpu.memref_slice %arg10[%dma_start3A_139] : memref<640xf32, #tpu.memory_space<vmem>> -> memref<400xf32, #tpu.memory_space<vmem>>
        %dma_start3A_141 = tpu.memref_slice %arg4[%add3A_138] : memref<20000xf32, #tpu.memory_space<hbm>> -> memref<400xf32, #tpu.memory_space<hbm>>
        %dma_start3A_142 = arith.constant 0 : i32
        %dma_start3A_143 = tpu.memref_slice %arg10[%dma_start3A_142] : memref<640xf32, #tpu.memory_space<vmem>> -> memref<400xf32, #tpu.memory_space<vmem>>
        %dma_start3A_144 = tpu.memref_slice %arg4[%add3A_138] : memref<20000xf32, #tpu.memory_space<hbm>> -> memref<400xf32, #tpu.memory_space<hbm>>
        tpu.enqueue_dma source(%dma_start3A_144 : memref<400xf32, #tpu.memory_space<hbm>>) target(%dma_start3A_143 : memref<400xf32, #tpu.memory_space<vmem>>) target_semaphore(%run_scoped3A : memref<!tpu.dma_semaphore, #tpu.memory_space<semaphore_mem>>)
        %dma_wait3A = arith.constant 0 : i32
        %dma_wait3A_145 = tpu.memref_slice %arg10[%dma_wait3A] : memref<640xf32, #tpu.memory_space<vmem>> -> memref<400xf32, #tpu.memory_space<vmem>>
        %dma_wait3A_146 = tpu.memref_slice %arg4[%add3A_138] : memref<20000xf32, #tpu.memory_space<hbm>> -> memref<400xf32, #tpu.memory_space<hbm>>
        %dma_wait3A_147 = arith.constant 0 : i32
        %dma_wait3A_148 = tpu.memref_slice %arg10[%dma_wait3A_147] : memref<640xf32, #tpu.memory_space<vmem>> -> memref<400xf32, #tpu.memory_space<vmem>>
        %dma_wait3A_149 = tpu.memref_slice %arg4[%add3A_138] : memref<20000xf32, #tpu.memory_space<hbm>> -> memref<400xf32, #tpu.memory_space<hbm>>
        tpu.wait_dma2 semaphore(%run_scoped3A : memref<!tpu.dma_semaphore, #tpu.memory_space<semaphore_mem>>) src(%dma_wait3A_149 : memref<400xf32, #tpu.memory_space<hbm>>) dst(%dma_wait3A_148 : memref<400xf32, #tpu.memory_space<vmem>>)
        tpu.yield
      }) : () -> ()
      "tpu.region"() ({
        %run_scoped3A = tpu.sem_alloc : memref<!tpu.dma_semaphore, #tpu.memory_space<semaphore_mem>>
        %dma_start3A_139 = arith.constant 0 : i32
        %dma_start3A_140 = tpu.memref_slice %arg10[%dma_start3A_139] : memref<640xf32, #tpu.memory_space<vmem>> -> memref<400xf32, #tpu.memory_space<vmem>>
        %dma_start3A_141 = arith.constant 9600 : i32
        %dma_start3A_142 = tpu.memref_slice %arg11[%dma_start3A_141] : memref<10016xf32, #tpu.memory_space<vmem_shared>> -> memref<400xf32, #tpu.memory_space<vmem_shared>>
        %dma_start3A_143 = arith.constant 9600 : i32
        %dma_start3A_144 = tpu.memref_slice %arg11[%dma_start3A_143] : memref<10016xf32, #tpu.memory_space<vmem_shared>> -> memref<400xf32, #tpu.memory_space<vmem_shared>>
        %dma_start3A_145 = arith.constant 0 : i32
        %dma_start3A_146 = tpu.memref_slice %arg10[%dma_start3A_145] : memref<640xf32, #tpu.memory_space<vmem>> -> memref<400xf32, #tpu.memory_space<vmem>>
        tpu.enqueue_dma source(%dma_start3A_146 : memref<400xf32, #tpu.memory_space<vmem>>) target(%dma_start3A_144 : memref<400xf32, #tpu.memory_space<vmem_shared>>) target_semaphore(%run_scoped3A : memref<!tpu.dma_semaphore, #tpu.memory_space<semaphore_mem>>)
        %dma_wait3A = arith.constant 0 : i32
        %dma_wait3A_147 = tpu.memref_slice %arg10[%dma_wait3A] : memref<640xf32, #tpu.memory_space<vmem>> -> memref<400xf32, #tpu.memory_space<vmem>>
        %dma_wait3A_148 = arith.constant 9600 : i32
        %dma_wait3A_149 = tpu.memref_slice %arg11[%dma_wait3A_148] : memref<10016xf32, #tpu.memory_space<vmem_shared>> -> memref<400xf32, #tpu.memory_space<vmem_shared>>
        %dma_wait3A_150 = arith.constant 9600 : i32
        %dma_wait3A_151 = tpu.memref_slice %arg11[%dma_wait3A_150] : memref<10016xf32, #tpu.memory_space<vmem_shared>> -> memref<400xf32, #tpu.memory_space<vmem_shared>>
        %dma_wait3A_152 = arith.constant 0 : i32
        %dma_wait3A_153 = tpu.memref_slice %arg10[%dma_wait3A_152] : memref<640xf32, #tpu.memory_space<vmem>> -> memref<400xf32, #tpu.memory_space<vmem>>
        tpu.wait_dma2 semaphore(%run_scoped3A : memref<!tpu.dma_semaphore, #tpu.memory_space<semaphore_mem>>) src(%dma_wait3A_153 : memref<400xf32, #tpu.memory_space<vmem>>) dst(%dma_wait3A_151 : memref<400xf32, #tpu.memory_space<vmem_shared>>)
        tpu.yield
      }) : () -> ()
    } else {
    }
    %eq3A_11 = arith.constant 0 : i32
    %eq3A_12 = arith.cmpi eq, %arg1, %eq3A_11 : i32
    %convert_element_type3A_13 = arith.extui %eq3A_12 : i1 to i32
    %cond3A_14 = arith.constant 0 : i32
    %cond3A_15 = arith.cmpi ne, %convert_element_type3A_13, %cond3A_14 : i32
    scf.if %cond3A_15 {
      "tpu.region"() ({
        %run_scoped3A = tpu.sem_alloc : memref<!tpu.dma_semaphore, #tpu.memory_space<semaphore_mem>>
        %dma_start3A_138 = arith.constant 0 : i32
        %dma_start3A_139 = tpu.memref_slice %arg10[%dma_start3A_138] : memref<640xf32, #tpu.memory_space<vmem>> -> memref<16xf32, #tpu.memory_space<vmem>>
        %dma_start3A_140 = arith.constant 0 : i32
        %dma_start3A_141 = tpu.memref_slice %arg10[%dma_start3A_140] : memref<640xf32, #tpu.memory_space<vmem>> -> memref<16xf32, #tpu.memory_space<vmem>>
        tpu.enqueue_dma source(%arg5 : memref<16xf32, #tpu.memory_space<hbm>>) target(%dma_start3A_141 : memref<16xf32, #tpu.memory_space<vmem>>) target_semaphore(%run_scoped3A : memref<!tpu.dma_semaphore, #tpu.memory_space<semaphore_mem>>)
        %dma_wait3A = arith.constant 0 : i32
        %dma_wait3A_142 = tpu.memref_slice %arg10[%dma_wait3A] : memref<640xf32, #tpu.memory_space<vmem>> -> memref<16xf32, #tpu.memory_space<vmem>>
        %dma_wait3A_143 = arith.constant 0 : i32
        %dma_wait3A_144 = tpu.memref_slice %arg10[%dma_wait3A_143] : memref<640xf32, #tpu.memory_space<vmem>> -> memref<16xf32, #tpu.memory_space<vmem>>
        tpu.wait_dma2 semaphore(%run_scoped3A : memref<!tpu.dma_semaphore, #tpu.memory_space<semaphore_mem>>) src(%arg5 : memref<16xf32, #tpu.memory_space<hbm>>) dst(%dma_wait3A_144 : memref<16xf32, #tpu.memory_space<vmem>>)
        tpu.yield
      }) : () -> ()
      "tpu.region"() ({
        %run_scoped3A = tpu.sem_alloc : memref<!tpu.dma_semaphore, #tpu.memory_space<semaphore_mem>>
        %dma_start3A_138 = arith.constant 0 : i32
        %dma_start3A_139 = tpu.memref_slice %arg10[%dma_start3A_138] : memref<640xf32, #tpu.memory_space<vmem>> -> memref<16xf32, #tpu.memory_space<vmem>>
        %dma_start3A_140 = arith.constant 10000 : i32
        %dma_start3A_141 = tpu.memref_slice %arg11[%dma_start3A_140] : memref<10016xf32, #tpu.memory_space<vmem_shared>> -> memref<16xf32, #tpu.memory_space<vmem_shared>>
        %dma_start3A_142 = arith.constant 10000 : i32
        %dma_start3A_143 = tpu.memref_slice %arg11[%dma_start3A_142] : memref<10016xf32, #tpu.memory_space<vmem_shared>> -> memref<16xf32, #tpu.memory_space<vmem_shared>>
        %dma_start3A_144 = arith.constant 0 : i32
        %dma_start3A_145 = tpu.memref_slice %arg10[%dma_start3A_144] : memref<640xf32, #tpu.memory_space<vmem>> -> memref<16xf32, #tpu.memory_space<vmem>>
        tpu.enqueue_dma source(%dma_start3A_145 : memref<16xf32, #tpu.memory_space<vmem>>) target(%dma_start3A_143 : memref<16xf32, #tpu.memory_space<vmem_shared>>) target_semaphore(%run_scoped3A : memref<!tpu.dma_semaphore, #tpu.memory_space<semaphore_mem>>)
        %dma_wait3A = arith.constant 0 : i32
        %dma_wait3A_146 = tpu.memref_slice %arg10[%dma_wait3A] : memref<640xf32, #tpu.memory_space<vmem>> -> memref<16xf32, #tpu.memory_space<vmem>>
        %dma_wait3A_147 = arith.constant 10000 : i32
        %dma_wait3A_148 = tpu.memref_slice %arg11[%dma_wait3A_147] : memref<10016xf32, #tpu.memory_space<vmem_shared>> -> memref<16xf32, #tpu.memory_space<vmem_shared>>
        %dma_wait3A_149 = arith.constant 10000 : i32
        %dma_wait3A_150 = tpu.memref_slice %arg11[%dma_wait3A_149] : memref<10016xf32, #tpu.memory_space<vmem_shared>> -> memref<16xf32, #tpu.memory_space<vmem_shared>>
        %dma_wait3A_151 = arith.constant 0 : i32
        %dma_wait3A_152 = tpu.memref_slice %arg10[%dma_wait3A_151] : memref<640xf32, #tpu.memory_space<vmem>> -> memref<16xf32, #tpu.memory_space<vmem>>
        tpu.wait_dma2 semaphore(%run_scoped3A : memref<!tpu.dma_semaphore, #tpu.memory_space<semaphore_mem>>) src(%dma_wait3A_152 : memref<16xf32, #tpu.memory_space<vmem>>) dst(%dma_wait3A_150 : memref<16xf32, #tpu.memory_space<vmem_shared>>)
        tpu.yield
      }) : () -> ()
    } else {
    }
    %barrier3A = arith.constant 0 : index
    tpu.barrier barrier_id(%barrier3A)
    %dma_start3A = arith.constant 0 : i32
    %dma_start3A_16 = arith.constant 0 : i32
    %dma_start3A_17 = arith.constant 0 : i32
    %dma_start3A_18 = arith.constant 0 : i32
    %dma_start3A_19 = tpu.memref_slice %arg9[%dma_start3A_16, %dma_start3A_18] : memref<8x128xf32, #tpu.memory_space<vmem>> -> memref<1x128xf32, #tpu.memory_space<vmem>>
    %dma_start3A_20 = tpu.memref_squeeze %dma_start3A_19 : memref<1x128xf32, #tpu.memory_space<vmem>> -> memref<128xf32, #tpu.memory_space<vmem>>
    %dma_start3A_21 = arith.constant 0 : i32
    %dma_start3A_22 = tpu.memref_slice %arg7[%dma_start3A, %dma_start3A_21] : memref<80x128xi32, #tpu.memory_space<vmem>> -> memref<1x128xi32, #tpu.memory_space<vmem>>
    %dma_start3A_23 = tpu.memref_squeeze %dma_start3A_22 : memref<1x128xi32, #tpu.memory_space<vmem>> -> memref<128xi32, #tpu.memory_space<vmem>>
    %dma_start3A_24 = arith.constant 0 : i32
    %dma_start3A_25 = tpu.memref_slice %arg4[%dma_start3A_24] : memref<20000xf32, #tpu.memory_space<hbm>> -> memref<20000xf32, #tpu.memory_space<hbm>>
    %dma_start3A_26 = tpu.memref_slice %arg12[%dma_start3A_17] : memref<8x!tpu.dma_semaphore, #tpu.memory_space<semaphore_mem>> -> memref<1x!tpu.dma_semaphore, #tpu.memory_space<semaphore_mem>>
    %dma_start3A_27 = tpu.memref_squeeze %dma_start3A_26 : memref<1x!tpu.dma_semaphore, #tpu.memory_space<semaphore_mem>> -> memref<!tpu.dma_semaphore, #tpu.memory_space<semaphore_mem>>
    tpu.enqueue_indirect_dma source(%dma_start3A_25 : memref<20000xf32, #tpu.memory_space<hbm>>) target(%dma_start3A_20 : memref<128xf32, #tpu.memory_space<vmem>>) offsets(%dma_start3A_23 : memref<128xi32, #tpu.memory_space<vmem>>) semaphore(%dma_start3A_27 : memref<!tpu.dma_semaphore, #tpu.memory_space<semaphore_mem>>)
    %dma_start3A_28 = arith.constant 1 : i32
    %dma_start3A_29 = arith.constant 1 : i32
    %dma_start3A_30 = arith.constant 1 : i32
    %dma_start3A_31 = arith.constant 0 : i32
    %dma_start3A_32 = tpu.memref_slice %arg9[%dma_start3A_29, %dma_start3A_31] : memref<8x128xf32, #tpu.memory_space<vmem>> -> memref<1x128xf32, #tpu.memory_space<vmem>>
    %dma_start3A_33 = tpu.memref_squeeze %dma_start3A_32 : memref<1x128xf32, #tpu.memory_space<vmem>> -> memref<128xf32, #tpu.memory_space<vmem>>
    %dma_start3A_34 = arith.constant 0 : i32
    %dma_start3A_35 = tpu.memref_slice %arg7[%dma_start3A_28, %dma_start3A_34] : memref<80x128xi32, #tpu.memory_space<vmem>> -> memref<1x128xi32, #tpu.memory_space<vmem>>
    %dma_start3A_36 = tpu.memref_squeeze %dma_start3A_35 : memref<1x128xi32, #tpu.memory_space<vmem>> -> memref<128xi32, #tpu.memory_space<vmem>>
    %dma_start3A_37 = arith.constant 0 : i32
    %dma_start3A_38 = tpu.memref_slice %arg4[%dma_start3A_37] : memref<20000xf32, #tpu.memory_space<hbm>> -> memref<20000xf32, #tpu.memory_space<hbm>>
    %dma_start3A_39 = tpu.memref_slice %arg12[%dma_start3A_30] : memref<8x!tpu.dma_semaphore, #tpu.memory_space<semaphore_mem>> -> memref<1x!tpu.dma_semaphore, #tpu.memory_space<semaphore_mem>>
    %dma_start3A_40 = tpu.memref_squeeze %dma_start3A_39 : memref<1x!tpu.dma_semaphore, #tpu.memory_space<semaphore_mem>> -> memref<!tpu.dma_semaphore, #tpu.memory_space<semaphore_mem>>
    tpu.enqueue_indirect_dma source(%dma_start3A_38 : memref<20000xf32, #tpu.memory_space<hbm>>) target(%dma_start3A_33 : memref<128xf32, #tpu.memory_space<vmem>>) offsets(%dma_start3A_36 : memref<128xi32, #tpu.memory_space<vmem>>) semaphore(%dma_start3A_40 : memref<!tpu.dma_semaphore, #tpu.memory_space<semaphore_mem>>)
    %dma_start3A_41 = arith.constant 2 : i32
    %dma_start3A_42 = arith.constant 2 : i32
    %dma_start3A_43 = arith.constant 2 : i32
    %dma_start3A_44 = arith.constant 0 : i32
    %dma_start3A_45 = tpu.memref_slice %arg9[%dma_start3A_42, %dma_start3A_44] : memref<8x128xf32, #tpu.memory_space<vmem>> -> memref<1x128xf32, #tpu.memory_space<vmem>>
    %dma_start3A_46 = tpu.memref_squeeze %dma_start3A_45 : memref<1x128xf32, #tpu.memory_space<vmem>> -> memref<128xf32, #tpu.memory_space<vmem>>
    %dma_start3A_47 = arith.constant 0 : i32
    %dma_start3A_48 = tpu.memref_slice %arg7[%dma_start3A_41, %dma_start3A_47] : memref<80x128xi32, #tpu.memory_space<vmem>> -> memref<1x128xi32, #tpu.memory_space<vmem>>
    %dma_start3A_49 = tpu.memref_squeeze %dma_start3A_48 : memref<1x128xi32, #tpu.memory_space<vmem>> -> memref<128xi32, #tpu.memory_space<vmem>>
    %dma_start3A_50 = arith.constant 0 : i32
    %dma_start3A_51 = tpu.memref_slice %arg4[%dma_start3A_50] : memref<20000xf32, #tpu.memory_space<hbm>> -> memref<20000xf32, #tpu.memory_space<hbm>>
    %dma_start3A_52 = tpu.memref_slice %arg12[%dma_start3A_43] : memref<8x!tpu.dma_semaphore, #tpu.memory_space<semaphore_mem>> -> memref<1x!tpu.dma_semaphore, #tpu.memory_space<semaphore_mem>>
    %dma_start3A_53 = tpu.memref_squeeze %dma_start3A_52 : memref<1x!tpu.dma_semaphore, #tpu.memory_space<semaphore_mem>> -> memref<!tpu.dma_semaphore, #tpu.memory_space<semaphore_mem>>
    tpu.enqueue_indirect_dma source(%dma_start3A_51 : memref<20000xf32, #tpu.memory_space<hbm>>) target(%dma_start3A_46 : memref<128xf32, #tpu.memory_space<vmem>>) offsets(%dma_start3A_49 : memref<128xi32, #tpu.memory_space<vmem>>) semaphore(%dma_start3A_53 : memref<!tpu.dma_semaphore, #tpu.memory_space<semaphore_mem>>)
    %dma_start3A_54 = arith.constant 3 : i32
    %dma_start3A_55 = arith.constant 3 : i32
    %dma_start3A_56 = arith.constant 3 : i32
    %dma_start3A_57 = arith.constant 0 : i32
    %dma_start3A_58 = tpu.memref_slice %arg9[%dma_start3A_55, %dma_start3A_57] : memref<8x128xf32, #tpu.memory_space<vmem>> -> memref<1x128xf32, #tpu.memory_space<vmem>>
    %dma_start3A_59 = tpu.memref_squeeze %dma_start3A_58 : memref<1x128xf32, #tpu.memory_space<vmem>> -> memref<128xf32, #tpu.memory_space<vmem>>
    %dma_start3A_60 = arith.constant 0 : i32
    %dma_start3A_61 = tpu.memref_slice %arg7[%dma_start3A_54, %dma_start3A_60] : memref<80x128xi32, #tpu.memory_space<vmem>> -> memref<1x128xi32, #tpu.memory_space<vmem>>
    %dma_start3A_62 = tpu.memref_squeeze %dma_start3A_61 : memref<1x128xi32, #tpu.memory_space<vmem>> -> memref<128xi32, #tpu.memory_space<vmem>>
    %dma_start3A_63 = arith.constant 0 : i32
    %dma_start3A_64 = tpu.memref_slice %arg4[%dma_start3A_63] : memref<20000xf32, #tpu.memory_space<hbm>> -> memref<20000xf32, #tpu.memory_space<hbm>>
    %dma_start3A_65 = tpu.memref_slice %arg12[%dma_start3A_56] : memref<8x!tpu.dma_semaphore, #tpu.memory_space<semaphore_mem>> -> memref<1x!tpu.dma_semaphore, #tpu.memory_space<semaphore_mem>>
    %dma_start3A_66 = tpu.memref_squeeze %dma_start3A_65 : memref<1x!tpu.dma_semaphore, #tpu.memory_space<semaphore_mem>> -> memref<!tpu.dma_semaphore, #tpu.memory_space<semaphore_mem>>
    tpu.enqueue_indirect_dma source(%dma_start3A_64 : memref<20000xf32, #tpu.memory_space<hbm>>) target(%dma_start3A_59 : memref<128xf32, #tpu.memory_space<vmem>>) offsets(%dma_start3A_62 : memref<128xi32, #tpu.memory_space<vmem>>) semaphore(%dma_start3A_66 : memref<!tpu.dma_semaphore, #tpu.memory_space<semaphore_mem>>)
    %dma_start3A_67 = arith.constant 4 : i32
    %dma_start3A_68 = arith.constant 4 : i32
    %dma_start3A_69 = arith.constant 4 : i32
    %dma_start3A_70 = arith.constant 0 : i32
    %dma_start3A_71 = tpu.memref_slice %arg9[%dma_start3A_68, %dma_start3A_70] : memref<8x128xf32, #tpu.memory_space<vmem>> -> memref<1x128xf32, #tpu.memory_space<vmem>>
    %dma_start3A_72 = tpu.memref_squeeze %dma_start3A_71 : memref<1x128xf32, #tpu.memory_space<vmem>> -> memref<128xf32, #tpu.memory_space<vmem>>
    %dma_start3A_73 = arith.constant 0 : i32
    %dma_start3A_74 = tpu.memref_slice %arg7[%dma_start3A_67, %dma_start3A_73] : memref<80x128xi32, #tpu.memory_space<vmem>> -> memref<1x128xi32, #tpu.memory_space<vmem>>
    %dma_start3A_75 = tpu.memref_squeeze %dma_start3A_74 : memref<1x128xi32, #tpu.memory_space<vmem>> -> memref<128xi32, #tpu.memory_space<vmem>>
    %dma_start3A_76 = arith.constant 0 : i32
    %dma_start3A_77 = tpu.memref_slice %arg4[%dma_start3A_76] : memref<20000xf32, #tpu.memory_space<hbm>> -> memref<20000xf32, #tpu.memory_space<hbm>>
    %dma_start3A_78 = tpu.memref_slice %arg12[%dma_start3A_69] : memref<8x!tpu.dma_semaphore, #tpu.memory_space<semaphore_mem>> -> memref<1x!tpu.dma_semaphore, #tpu.memory_space<semaphore_mem>>
    %dma_start3A_79 = tpu.memref_squeeze %dma_start3A_78 : memref<1x!tpu.dma_semaphore, #tpu.memory_space<semaphore_mem>> -> memref<!tpu.dma_semaphore, #tpu.memory_space<semaphore_mem>>
    tpu.enqueue_indirect_dma source(%dma_start3A_77 : memref<20000xf32, #tpu.memory_space<hbm>>) target(%dma_start3A_72 : memref<128xf32, #tpu.memory_space<vmem>>) offsets(%dma_start3A_75 : memref<128xi32, #tpu.memory_space<vmem>>) semaphore(%dma_start3A_79 : memref<!tpu.dma_semaphore, #tpu.memory_space<semaphore_mem>>)
    %dma_start3A_80 = arith.constant 5 : i32
    %dma_start3A_81 = arith.constant 5 : i32
    %dma_start3A_82 = arith.constant 5 : i32
    %dma_start3A_83 = arith.constant 0 : i32
    %dma_start3A_84 = tpu.memref_slice %arg9[%dma_start3A_81, %dma_start3A_83] : memref<8x128xf32, #tpu.memory_space<vmem>> -> memref<1x128xf32, #tpu.memory_space<vmem>>
    %dma_start3A_85 = tpu.memref_squeeze %dma_start3A_84 : memref<1x128xf32, #tpu.memory_space<vmem>> -> memref<128xf32, #tpu.memory_space<vmem>>
    %dma_start3A_86 = arith.constant 0 : i32
    %dma_start3A_87 = tpu.memref_slice %arg7[%dma_start3A_80, %dma_start3A_86] : memref<80x128xi32, #tpu.memory_space<vmem>> -> memref<1x128xi32, #tpu.memory_space<vmem>>
    %dma_start3A_88 = tpu.memref_squeeze %dma_start3A_87 : memref<1x128xi32, #tpu.memory_space<vmem>> -> memref<128xi32, #tpu.memory_space<vmem>>
    %dma_start3A_89 = arith.constant 0 : i32
    %dma_start3A_90 = tpu.memref_slice %arg4[%dma_start3A_89] : memref<20000xf32, #tpu.memory_space<hbm>> -> memref<20000xf32, #tpu.memory_space<hbm>>
    %dma_start3A_91 = tpu.memref_slice %arg12[%dma_start3A_82] : memref<8x!tpu.dma_semaphore, #tpu.memory_space<semaphore_mem>> -> memref<1x!tpu.dma_semaphore, #tpu.memory_space<semaphore_mem>>
    %dma_start3A_92 = tpu.memref_squeeze %dma_start3A_91 : memref<1x!tpu.dma_semaphore, #tpu.memory_space<semaphore_mem>> -> memref<!tpu.dma_semaphore, #tpu.memory_space<semaphore_mem>>
    tpu.enqueue_indirect_dma source(%dma_start3A_90 : memref<20000xf32, #tpu.memory_space<hbm>>) target(%dma_start3A_85 : memref<128xf32, #tpu.memory_space<vmem>>) offsets(%dma_start3A_88 : memref<128xi32, #tpu.memory_space<vmem>>) semaphore(%dma_start3A_92 : memref<!tpu.dma_semaphore, #tpu.memory_space<semaphore_mem>>)
    %dma_start3A_93 = arith.constant 6 : i32
    %dma_start3A_94 = arith.constant 6 : i32
    %dma_start3A_95 = arith.constant 6 : i32
    %dma_start3A_96 = arith.constant 0 : i32
    %dma_start3A_97 = tpu.memref_slice %arg9[%dma_start3A_94, %dma_start3A_96] : memref<8x128xf32, #tpu.memory_space<vmem>> -> memref<1x128xf32, #tpu.memory_space<vmem>>
    %dma_start3A_98 = tpu.memref_squeeze %dma_start3A_97 : memref<1x128xf32, #tpu.memory_space<vmem>> -> memref<128xf32, #tpu.memory_space<vmem>>
    %dma_start3A_99 = arith.constant 0 : i32
    %dma_start3A_100 = tpu.memref_slice %arg7[%dma_start3A_93, %dma_start3A_99] : memref<80x128xi32, #tpu.memory_space<vmem>> -> memref<1x128xi32, #tpu.memory_space<vmem>>
    %dma_start3A_101 = tpu.memref_squeeze %dma_start3A_100 : memref<1x128xi32, #tpu.memory_space<vmem>> -> memref<128xi32, #tpu.memory_space<vmem>>
    %dma_start3A_102 = arith.constant 0 : i32
    %dma_start3A_103 = tpu.memref_slice %arg4[%dma_start3A_102] : memref<20000xf32, #tpu.memory_space<hbm>> -> memref<20000xf32, #tpu.memory_space<hbm>>
    %dma_start3A_104 = tpu.memref_slice %arg12[%dma_start3A_95] : memref<8x!tpu.dma_semaphore, #tpu.memory_space<semaphore_mem>> -> memref<1x!tpu.dma_semaphore, #tpu.memory_space<semaphore_mem>>
    %dma_start3A_105 = tpu.memref_squeeze %dma_start3A_104 : memref<1x!tpu.dma_semaphore, #tpu.memory_space<semaphore_mem>> -> memref<!tpu.dma_semaphore, #tpu.memory_space<semaphore_mem>>
    tpu.enqueue_indirect_dma source(%dma_start3A_103 : memref<20000xf32, #tpu.memory_space<hbm>>) target(%dma_start3A_98 : memref<128xf32, #tpu.memory_space<vmem>>) offsets(%dma_start3A_101 : memref<128xi32, #tpu.memory_space<vmem>>) semaphore(%dma_start3A_105 : memref<!tpu.dma_semaphore, #tpu.memory_space<semaphore_mem>>)
    %dma_start3A_106 = arith.constant 7 : i32
    %dma_start3A_107 = arith.constant 7 : i32
    %dma_start3A_108 = arith.constant 7 : i32
    %dma_start3A_109 = arith.constant 0 : i32
    %dma_start3A_110 = tpu.memref_slice %arg9[%dma_start3A_107, %dma_start3A_109] : memref<8x128xf32, #tpu.memory_space<vmem>> -> memref<1x128xf32, #tpu.memory_space<vmem>>
    %dma_start3A_111 = tpu.memref_squeeze %dma_start3A_110 : memref<1x128xf32, #tpu.memory_space<vmem>> -> memref<128xf32, #tpu.memory_space<vmem>>
    %dma_start3A_112 = arith.constant 0 : i32
    %dma_start3A_113 = tpu.memref_slice %arg7[%dma_start3A_106, %dma_start3A_112] : memref<80x128xi32, #tpu.memory_space<vmem>> -> memref<1x128xi32, #tpu.memory_space<vmem>>
    %dma_start3A_114 = tpu.memref_squeeze %dma_start3A_113 : memref<1x128xi32, #tpu.memory_space<vmem>> -> memref<128xi32, #tpu.memory_space<vmem>>
    %dma_start3A_115 = arith.constant 0 : i32
    %dma_start3A_116 = tpu.memref_slice %arg4[%dma_start3A_115] : memref<20000xf32, #tpu.memory_space<hbm>> -> memref<20000xf32, #tpu.memory_space<hbm>>
    %dma_start3A_117 = tpu.memref_slice %arg12[%dma_start3A_108] : memref<8x!tpu.dma_semaphore, #tpu.memory_space<semaphore_mem>> -> memref<1x!tpu.dma_semaphore, #tpu.memory_space<semaphore_mem>>
    %dma_start3A_118 = tpu.memref_squeeze %dma_start3A_117 : memref<1x!tpu.dma_semaphore, #tpu.memory_space<semaphore_mem>> -> memref<!tpu.dma_semaphore, #tpu.memory_space<semaphore_mem>>
    tpu.enqueue_indirect_dma source(%dma_start3A_116 : memref<20000xf32, #tpu.memory_space<hbm>>) target(%dma_start3A_111 : memref<128xf32, #tpu.memory_space<vmem>>) offsets(%dma_start3A_114 : memref<128xi32, #tpu.memory_space<vmem>>) semaphore(%dma_start3A_118 : memref<!tpu.dma_semaphore, #tpu.memory_space<semaphore_mem>>)
    %scan3A = arith.constant 0 : i32
    %scan3A_119 = arith.constant 0 : i32
    %scan3A_120 = arith.constant 10 : i32
    %scan3A_121 = arith.addi %scan3A_119, %scan3A_120 : i32
    %scan3A_122 = arith.constant 1 : i32
    %scan3A_123 = scf.for %scan3A_138 = %scan3A_119 to %scan3A_121 step %scan3A_122 iter_args(%scan3A_139 = %scan3A) -> (i32)  : i32 {
      %mul3A_140 = arith.constant 8 : i32
      %mul3A_141 = arith.muli %scan3A_138, %mul3A_140 : i32
      %add3A = arith.constant 0 : i32
      %add3A_142 = arith.addi %mul3A_141, %add3A : i32
      %dma_wait3A = arith.constant 0 : i32
      %dma_wait3A_143 = arith.constant 0 : i32
      %dma_wait3A_144 = arith.constant 0 : i32
      %dma_wait3A_145 = tpu.memref_slice %arg9[%dma_wait3A, %dma_wait3A_144] : memref<8x128xf32, #tpu.memory_space<vmem>> -> memref<1x128xf32, #tpu.memory_space<vmem>>
      %dma_wait3A_146 = tpu.memref_squeeze %dma_wait3A_145 : memref<1x128xf32, #tpu.memory_space<vmem>> -> memref<128xf32, #tpu.memory_space<vmem>>
      %dma_wait3A_147 = arith.constant 0 : i32
      %dma_wait3A_148 = tpu.memref_slice %arg7[%add3A_142, %dma_wait3A_147] : memref<80x128xi32, #tpu.memory_space<vmem>> -> memref<1x128xi32, #tpu.memory_space<vmem>>
      %dma_wait3A_149 = tpu.memref_squeeze %dma_wait3A_148 : memref<1x128xi32, #tpu.memory_space<vmem>> -> memref<128xi32, #tpu.memory_space<vmem>>
      %dma_wait3A_150 = arith.constant 0 : i32
      %dma_wait3A_151 = tpu.memref_slice %arg4[%dma_wait3A_150] : memref<20000xf32, #tpu.memory_space<hbm>> -> memref<20000xf32, #tpu.memory_space<hbm>>
      %dma_wait3A_152 = tpu.memref_slice %arg12[%dma_wait3A_143] : memref<8x!tpu.dma_semaphore, #tpu.memory_space<semaphore_mem>> -> memref<1x!tpu.dma_semaphore, #tpu.memory_space<semaphore_mem>>
      %dma_wait3A_153 = tpu.memref_squeeze %dma_wait3A_152 : memref<1x!tpu.dma_semaphore, #tpu.memory_space<semaphore_mem>> -> memref<!tpu.dma_semaphore, #tpu.memory_space<semaphore_mem>>
      tpu.wait_indirect_dma semaphore(%dma_wait3A_153 : memref<!tpu.dma_semaphore, #tpu.memory_space<semaphore_mem>>) src(%dma_wait3A_151 : memref<20000xf32, #tpu.memory_space<hbm>>) dst(%dma_wait3A_146 : memref<128xf32, #tpu.memory_space<vmem>>)
      %add3A_154 = arith.constant 0 : i32
      %add3A_155 = arith.addi %mul3A_141, %add3A_154 : i32
      %run_scoped3A = arith.constant 0 : i32
      "tpu.region"() ({
        %run_scoped3A_348 = tpu.sem_alloc : memref<!tpu.dma_semaphore, #tpu.memory_space<semaphore_mem>>
        %dma_start3A_349 = arith.constant 0 : i32
        %dma_start3A_350 = tpu.memref_slice %arg9[%run_scoped3A, %dma_start3A_349] : memref<8x128xf32, #tpu.memory_space<vmem>> -> memref<1x128xf32, #tpu.memory_space<vmem>>
        %dma_start3A_351 = tpu.memref_squeeze %dma_start3A_350 : memref<1x128xf32, #tpu.memory_space<vmem>> -> memref<128xf32, #tpu.memory_space<vmem>>
        %dma_start3A_352 = arith.constant 0 : i32
        %dma_start3A_353 = tpu.memref_slice %arg8[%add3A_155, %dma_start3A_352] : memref<80x128xi32, #tpu.memory_space<vmem>> -> memref<1x128xi32, #tpu.memory_space<vmem>>
        %dma_start3A_354 = tpu.memref_squeeze %dma_start3A_353 : memref<1x128xi32, #tpu.memory_space<vmem>> -> memref<128xi32, #tpu.memory_space<vmem>>
        %dma_start3A_355 = arith.constant 0 : i32
        %dma_start3A_356 = tpu.memref_slice %arg11[%dma_start3A_355] : memref<10016xf32, #tpu.memory_space<vmem_shared>> -> memref<10016xf32, #tpu.memory_space<vmem_shared>>
        tpu.enqueue_indirect_dma source(%dma_start3A_351 : memref<128xf32, #tpu.memory_space<vmem>>) target(%dma_start3A_356 : memref<10016xf32, #tpu.memory_space<vmem_shared>>) offsets(%dma_start3A_354 : memref<128xi32, #tpu.memory_space<vmem>>) semaphore(%run_scoped3A_348 : memref<!tpu.dma_semaphore, #tpu.memory_space<semaphore_mem>>) {add = true}
        %dma_wait3A_357 = arith.constant 0 : i32
        %dma_wait3A_358 = tpu.memref_slice %arg9[%run_scoped3A, %dma_wait3A_357] : memref<8x128xf32, #tpu.memory_space<vmem>> -> memref<1x128xf32, #tpu.memory_space<vmem>>
        %dma_wait3A_359 = tpu.memref_squeeze %dma_wait3A_358 : memref<1x128xf32, #tpu.memory_space<vmem>> -> memref<128xf32, #tpu.memory_space<vmem>>
        %dma_wait3A_360 = arith.constant 0 : i32
        %dma_wait3A_361 = tpu.memref_slice %arg8[%add3A_155, %dma_wait3A_360] : memref<80x128xi32, #tpu.memory_space<vmem>> -> memref<1x128xi32, #tpu.memory_space<vmem>>
        %dma_wait3A_362 = tpu.memref_squeeze %dma_wait3A_361 : memref<1x128xi32, #tpu.memory_space<vmem>> -> memref<128xi32, #tpu.memory_space<vmem>>
        %dma_wait3A_363 = arith.constant 0 : i32
        %dma_wait3A_364 = tpu.memref_slice %arg11[%dma_wait3A_363] : memref<10016xf32, #tpu.memory_space<vmem_shared>> -> memref<10016xf32, #tpu.memory_space<vmem_shared>>
        tpu.wait_indirect_dma semaphore(%run_scoped3A_348 : memref<!tpu.dma_semaphore, #tpu.memory_space<semaphore_mem>>) src(%dma_wait3A_359 : memref<128xf32, #tpu.memory_space<vmem>>) dst(%dma_wait3A_364 : memref<10016xf32, #tpu.memory_space<vmem_shared>>)
        tpu.yield
      }) : () -> ()
      %add3A_156 = arith.constant 0 : i32
      %add3A_157 = arith.addi %mul3A_141, %add3A_156 : i32
      %add3A_158 = arith.constant 8 : i32
      %add3A_159 = arith.addi %add3A_157, %add3A_158 : i32
      %lt3A_160 = arith.constant 80 : i32
      %lt3A_161 = arith.cmpi slt, %add3A_159, %lt3A_160 : i32
      %convert_element_type3A_162 = arith.extui %lt3A_161 : i1 to i32
      %cond3A_163 = arith.constant 0 : i32
      %cond3A_164 = arith.cmpi ne, %convert_element_type3A_162, %cond3A_163 : i32
      scf.if %cond3A_164 {
        %add3A_348 = arith.constant 0 : i32
        %add3A_349 = arith.addi %mul3A_141, %add3A_348 : i32
        %add3A_350 = arith.constant 8 : i32
        %add3A_351 = arith.addi %add3A_349, %add3A_350 : i32
        %dma_start3A_352 = arith.constant 0 : i32
        %dma_start3A_353 = arith.constant 0 : i32
        %dma_start3A_354 = arith.constant 0 : i32
        %dma_start3A_355 = tpu.memref_slice %arg9[%dma_start3A_352, %dma_start3A_354] : memref<8x128xf32, #tpu.memory_space<vmem>> -> memref<1x128xf32, #tpu.memory_space<vmem>>
        %dma_start3A_356 = tpu.memref_squeeze %dma_start3A_355 : memref<1x128xf32, #tpu.memory_space<vmem>> -> memref<128xf32, #tpu.memory_space<vmem>>
        %dma_start3A_357 = arith.constant 0 : i32
        %dma_start3A_358 = tpu.memref_slice %arg7[%add3A_351, %dma_start3A_357] : memref<80x128xi32, #tpu.memory_space<vmem>> -> memref<1x128xi32, #tpu.memory_space<vmem>>
        %dma_start3A_359 = tpu.memref_squeeze %dma_start3A_358 : memref<1x128xi32, #tpu.memory_space<vmem>> -> memref<128xi32, #tpu.memory_space<vmem>>
        %dma_start3A_360 = arith.constant 0 : i32
        %dma_start3A_361 = tpu.memref_slice %arg4[%dma_start3A_360] : memref<20000xf32, #tpu.memory_space<hbm>> -> memref<20000xf32, #tpu.memory_space<hbm>>
        %dma_start3A_362 = tpu.memref_slice %arg12[%dma_start3A_353] : memref<8x!tpu.dma_semaphore, #tpu.memory_space<semaphore_mem>> -> memref<1x!tpu.dma_semaphore, #tpu.memory_space<semaphore_mem>>
        %dma_start3A_363 = tpu.memref_squeeze %dma_start3A_362 : memref<1x!tpu.dma_semaphore, #tpu.memory_space<semaphore_mem>> -> memref<!tpu.dma_semaphore, #tpu.memory_space<semaphore_mem>>
        tpu.enqueue_indirect_dma source(%dma_start3A_361 : memref<20000xf32, #tpu.memory_space<hbm>>) target(%dma_start3A_356 : memref<128xf32, #tpu.memory_space<vmem>>) offsets(%dma_start3A_359 : memref<128xi32, #tpu.memory_space<vmem>>) semaphore(%dma_start3A_363 : memref<!tpu.dma_semaphore, #tpu.memory_space<semaphore_mem>>)
      } else {
      }
      %add3A_165 = arith.constant 1 : i32
      %add3A_166 = arith.addi %mul3A_141, %add3A_165 : i32
      %dma_wait3A_167 = arith.constant 1 : i32
      %dma_wait3A_168 = arith.constant 1 : i32
      %dma_wait3A_169 = arith.constant 0 : i32
      %dma_wait3A_170 = tpu.memref_slice %arg9[%dma_wait3A_167, %dma_wait3A_169] : memref<8x128xf32, #tpu.memory_space<vmem>> -> memref<1x128xf32, #tpu.memory_space<vmem>>
      %dma_wait3A_171 = tpu.memref_squeeze %dma_wait3A_170 : memref<1x128xf32, #tpu.memory_space<vmem>> -> memref<128xf32, #tpu.memory_space<vmem>>
      %dma_wait3A_172 = arith.constant 0 : i32
      %dma_wait3A_173 = tpu.memref_slice %arg7[%add3A_166, %dma_wait3A_172] : memref<80x128xi32, #tpu.memory_space<vmem>> -> memref<1x128xi32, #tpu.memory_space<vmem>>
      %dma_wait3A_174 = tpu.memref_squeeze %dma_wait3A_173 : memref<1x128xi32, #tpu.memory_space<vmem>> -> memref<128xi32, #tpu.memory_space<vmem>>
      %dma_wait3A_175 = arith.constant 0 : i32
      %dma_wait3A_176 = tpu.memref_slice %arg4[%dma_wait3A_175] : memref<20000xf32, #tpu.memory_space<hbm>> -> memref<20000xf32, #tpu.memory_space<hbm>>
      %dma_wait3A_177 = tpu.memref_slice %arg12[%dma_wait3A_168] : memref<8x!tpu.dma_semaphore, #tpu.memory_space<semaphore_mem>> -> memref<1x!tpu.dma_semaphore, #tpu.memory_space<semaphore_mem>>
      %dma_wait3A_178 = tpu.memref_squeeze %dma_wait3A_177 : memref<1x!tpu.dma_semaphore, #tpu.memory_space<semaphore_mem>> -> memref<!tpu.dma_semaphore, #tpu.memory_space<semaphore_mem>>
      tpu.wait_indirect_dma semaphore(%dma_wait3A_178 : memref<!tpu.dma_semaphore, #tpu.memory_space<semaphore_mem>>) src(%dma_wait3A_176 : memref<20000xf32, #tpu.memory_space<hbm>>) dst(%dma_wait3A_171 : memref<128xf32, #tpu.memory_space<vmem>>)
      %add3A_179 = arith.constant 1 : i32
      %add3A_180 = arith.addi %mul3A_141, %add3A_179 : i32
      %run_scoped3A_181 = arith.constant 1 : i32
      "tpu.region"() ({
        %run_scoped3A_348 = tpu.sem_alloc : memref<!tpu.dma_semaphore, #tpu.memory_space<semaphore_mem>>
        %dma_start3A_349 = arith.constant 0 : i32
        %dma_start3A_350 = tpu.memref_slice %arg9[%run_scoped3A_181, %dma_start3A_349] : memref<8x128xf32, #tpu.memory_space<vmem>> -> memref<1x128xf32, #tpu.memory_space<vmem>>
        %dma_start3A_351 = tpu.memref_squeeze %dma_start3A_350 : memref<1x128xf32, #tpu.memory_space<vmem>> -> memref<128xf32, #tpu.memory_space<vmem>>
        %dma_start3A_352 = arith.constant 0 : i32
        %dma_start3A_353 = tpu.memref_slice %arg8[%add3A_180, %dma_start3A_352] : memref<80x128xi32, #tpu.memory_space<vmem>> -> memref<1x128xi32, #tpu.memory_space<vmem>>
        %dma_start3A_354 = tpu.memref_squeeze %dma_start3A_353 : memref<1x128xi32, #tpu.memory_space<vmem>> -> memref<128xi32, #tpu.memory_space<vmem>>
        %dma_start3A_355 = arith.constant 0 : i32
        %dma_start3A_356 = tpu.memref_slice %arg11[%dma_start3A_355] : memref<10016xf32, #tpu.memory_space<vmem_shared>> -> memref<10016xf32, #tpu.memory_space<vmem_shared>>
        tpu.enqueue_indirect_dma source(%dma_start3A_351 : memref<128xf32, #tpu.memory_space<vmem>>) target(%dma_start3A_356 : memref<10016xf32, #tpu.memory_space<vmem_shared>>) offsets(%dma_start3A_354 : memref<128xi32, #tpu.memory_space<vmem>>) semaphore(%run_scoped3A_348 : memref<!tpu.dma_semaphore, #tpu.memory_space<semaphore_mem>>) {add = true}
        %dma_wait3A_357 = arith.constant 0 : i32
        %dma_wait3A_358 = tpu.memref_slice %arg9[%run_scoped3A_181, %dma_wait3A_357] : memref<8x128xf32, #tpu.memory_space<vmem>> -> memref<1x128xf32, #tpu.memory_space<vmem>>
        %dma_wait3A_359 = tpu.memref_squeeze %dma_wait3A_358 : memref<1x128xf32, #tpu.memory_space<vmem>> -> memref<128xf32, #tpu.memory_space<vmem>>
        %dma_wait3A_360 = arith.constant 0 : i32
        %dma_wait3A_361 = tpu.memref_slice %arg8[%add3A_180, %dma_wait3A_360] : memref<80x128xi32, #tpu.memory_space<vmem>> -> memref<1x128xi32, #tpu.memory_space<vmem>>
        %dma_wait3A_362 = tpu.memref_squeeze %dma_wait3A_361 : memref<1x128xi32, #tpu.memory_space<vmem>> -> memref<128xi32, #tpu.memory_space<vmem>>
        %dma_wait3A_363 = arith.constant 0 : i32
        %dma_wait3A_364 = tpu.memref_slice %arg11[%dma_wait3A_363] : memref<10016xf32, #tpu.memory_space<vmem_shared>> -> memref<10016xf32, #tpu.memory_space<vmem_shared>>
        tpu.wait_indirect_dma semaphore(%run_scoped3A_348 : memref<!tpu.dma_semaphore, #tpu.memory_space<semaphore_mem>>) src(%dma_wait3A_359 : memref<128xf32, #tpu.memory_space<vmem>>) dst(%dma_wait3A_364 : memref<10016xf32, #tpu.memory_space<vmem_shared>>)
        tpu.yield
      }) : () -> ()
      %add3A_182 = arith.constant 1 : i32
      %add3A_183 = arith.addi %mul3A_141, %add3A_182 : i32
      %add3A_184 = arith.constant 8 : i32
      %add3A_185 = arith.addi %add3A_183, %add3A_184 : i32
      %lt3A_186 = arith.constant 80 : i32
      %lt3A_187 = arith.cmpi slt, %add3A_185, %lt3A_186 : i32
      %convert_element_type3A_188 = arith.extui %lt3A_187 : i1 to i32
      %cond3A_189 = arith.constant 0 : i32
      %cond3A_190 = arith.cmpi ne, %convert_element_type3A_188, %cond3A_189 : i32
      scf.if %cond3A_190 {
        %add3A_348 = arith.constant 1 : i32
        %add3A_349 = arith.addi %mul3A_141, %add3A_348 : i32
        %add3A_350 = arith.constant 8 : i32
        %add3A_351 = arith.addi %add3A_349, %add3A_350 : i32
        %dma_start3A_352 = arith.constant 1 : i32
        %dma_start3A_353 = arith.constant 1 : i32
        %dma_start3A_354 = arith.constant 0 : i32
        %dma_start3A_355 = tpu.memref_slice %arg9[%dma_start3A_352, %dma_start3A_354] : memref<8x128xf32, #tpu.memory_space<vmem>> -> memref<1x128xf32, #tpu.memory_space<vmem>>
        %dma_start3A_356 = tpu.memref_squeeze %dma_start3A_355 : memref<1x128xf32, #tpu.memory_space<vmem>> -> memref<128xf32, #tpu.memory_space<vmem>>
        %dma_start3A_357 = arith.constant 0 : i32
        %dma_start3A_358 = tpu.memref_slice %arg7[%add3A_351, %dma_start3A_357] : memref<80x128xi32, #tpu.memory_space<vmem>> -> memref<1x128xi32, #tpu.memory_space<vmem>>
        %dma_start3A_359 = tpu.memref_squeeze %dma_start3A_358 : memref<1x128xi32, #tpu.memory_space<vmem>> -> memref<128xi32, #tpu.memory_space<vmem>>
        %dma_start3A_360 = arith.constant 0 : i32
        %dma_start3A_361 = tpu.memref_slice %arg4[%dma_start3A_360] : memref<20000xf32, #tpu.memory_space<hbm>> -> memref<20000xf32, #tpu.memory_space<hbm>>
        %dma_start3A_362 = tpu.memref_slice %arg12[%dma_start3A_353] : memref<8x!tpu.dma_semaphore, #tpu.memory_space<semaphore_mem>> -> memref<1x!tpu.dma_semaphore, #tpu.memory_space<semaphore_mem>>
        %dma_start3A_363 = tpu.memref_squeeze %dma_start3A_362 : memref<1x!tpu.dma_semaphore, #tpu.memory_space<semaphore_mem>> -> memref<!tpu.dma_semaphore, #tpu.memory_space<semaphore_mem>>
        tpu.enqueue_indirect_dma source(%dma_start3A_361 : memref<20000xf32, #tpu.memory_space<hbm>>) target(%dma_start3A_356 : memref<128xf32, #tpu.memory_space<vmem>>) offsets(%dma_start3A_359 : memref<128xi32, #tpu.memory_space<vmem>>) semaphore(%dma_start3A_363 : memref<!tpu.dma_semaphore, #tpu.memory_space<semaphore_mem>>)
      } else {
      }
      %add3A_191 = arith.constant 2 : i32
      %add3A_192 = arith.addi %mul3A_141, %add3A_191 : i32
      %dma_wait3A_193 = arith.constant 2 : i32
      %dma_wait3A_194 = arith.constant 2 : i32
      %dma_wait3A_195 = arith.constant 0 : i32
      %dma_wait3A_196 = tpu.memref_slice %arg9[%dma_wait3A_193, %dma_wait3A_195] : memref<8x128xf32, #tpu.memory_space<vmem>> -> memref<1x128xf32, #tpu.memory_space<vmem>>
      %dma_wait3A_197 = tpu.memref_squeeze %dma_wait3A_196 : memref<1x128xf32, #tpu.memory_space<vmem>> -> memref<128xf32, #tpu.memory_space<vmem>>
      %dma_wait3A_198 = arith.constant 0 : i32
      %dma_wait3A_199 = tpu.memref_slice %arg7[%add3A_192, %dma_wait3A_198] : memref<80x128xi32, #tpu.memory_space<vmem>> -> memref<1x128xi32, #tpu.memory_space<vmem>>
      %dma_wait3A_200 = tpu.memref_squeeze %dma_wait3A_199 : memref<1x128xi32, #tpu.memory_space<vmem>> -> memref<128xi32, #tpu.memory_space<vmem>>
      %dma_wait3A_201 = arith.constant 0 : i32
      %dma_wait3A_202 = tpu.memref_slice %arg4[%dma_wait3A_201] : memref<20000xf32, #tpu.memory_space<hbm>> -> memref<20000xf32, #tpu.memory_space<hbm>>
      %dma_wait3A_203 = tpu.memref_slice %arg12[%dma_wait3A_194] : memref<8x!tpu.dma_semaphore, #tpu.memory_space<semaphore_mem>> -> memref<1x!tpu.dma_semaphore, #tpu.memory_space<semaphore_mem>>
      %dma_wait3A_204 = tpu.memref_squeeze %dma_wait3A_203 : memref<1x!tpu.dma_semaphore, #tpu.memory_space<semaphore_mem>> -> memref<!tpu.dma_semaphore, #tpu.memory_space<semaphore_mem>>
      tpu.wait_indirect_dma semaphore(%dma_wait3A_204 : memref<!tpu.dma_semaphore, #tpu.memory_space<semaphore_mem>>) src(%dma_wait3A_202 : memref<20000xf32, #tpu.memory_space<hbm>>) dst(%dma_wait3A_197 : memref<128xf32, #tpu.memory_space<vmem>>)
      %add3A_205 = arith.constant 2 : i32
      %add3A_206 = arith.addi %mul3A_141, %add3A_205 : i32
      %run_scoped3A_207 = arith.constant 2 : i32
      "tpu.region"() ({
        %run_scoped3A_348 = tpu.sem_alloc : memref<!tpu.dma_semaphore, #tpu.memory_space<semaphore_mem>>
        %dma_start3A_349 = arith.constant 0 : i32
        %dma_start3A_350 = tpu.memref_slice %arg9[%run_scoped3A_207, %dma_start3A_349] : memref<8x128xf32, #tpu.memory_space<vmem>> -> memref<1x128xf32, #tpu.memory_space<vmem>>
        %dma_start3A_351 = tpu.memref_squeeze %dma_start3A_350 : memref<1x128xf32, #tpu.memory_space<vmem>> -> memref<128xf32, #tpu.memory_space<vmem>>
        %dma_start3A_352 = arith.constant 0 : i32
        %dma_start3A_353 = tpu.memref_slice %arg8[%add3A_206, %dma_start3A_352] : memref<80x128xi32, #tpu.memory_space<vmem>> -> memref<1x128xi32, #tpu.memory_space<vmem>>
        %dma_start3A_354 = tpu.memref_squeeze %dma_start3A_353 : memref<1x128xi32, #tpu.memory_space<vmem>> -> memref<128xi32, #tpu.memory_space<vmem>>
        %dma_start3A_355 = arith.constant 0 : i32
        %dma_start3A_356 = tpu.memref_slice %arg11[%dma_start3A_355] : memref<10016xf32, #tpu.memory_space<vmem_shared>> -> memref<10016xf32, #tpu.memory_space<vmem_shared>>
        tpu.enqueue_indirect_dma source(%dma_start3A_351 : memref<128xf32, #tpu.memory_space<vmem>>) target(%dma_start3A_356 : memref<10016xf32, #tpu.memory_space<vmem_shared>>) offsets(%dma_start3A_354 : memref<128xi32, #tpu.memory_space<vmem>>) semaphore(%run_scoped3A_348 : memref<!tpu.dma_semaphore, #tpu.memory_space<semaphore_mem>>) {add = true}
        %dma_wait3A_357 = arith.constant 0 : i32
        %dma_wait3A_358 = tpu.memref_slice %arg9[%run_scoped3A_207, %dma_wait3A_357] : memref<8x128xf32, #tpu.memory_space<vmem>> -> memref<1x128xf32, #tpu.memory_space<vmem>>
        %dma_wait3A_359 = tpu.memref_squeeze %dma_wait3A_358 : memref<1x128xf32, #tpu.memory_space<vmem>> -> memref<128xf32, #tpu.memory_space<vmem>>
        %dma_wait3A_360 = arith.constant 0 : i32
        %dma_wait3A_361 = tpu.memref_slice %arg8[%add3A_206, %dma_wait3A_360] : memref<80x128xi32, #tpu.memory_space<vmem>> -> memref<1x128xi32, #tpu.memory_space<vmem>>
        %dma_wait3A_362 = tpu.memref_squeeze %dma_wait3A_361 : memref<1x128xi32, #tpu.memory_space<vmem>> -> memref<128xi32, #tpu.memory_space<vmem>>
        %dma_wait3A_363 = arith.constant 0 : i32
        %dma_wait3A_364 = tpu.memref_slice %arg11[%dma_wait3A_363] : memref<10016xf32, #tpu.memory_space<vmem_shared>> -> memref<10016xf32, #tpu.memory_space<vmem_shared>>
        tpu.wait_indirect_dma semaphore(%run_scoped3A_348 : memref<!tpu.dma_semaphore, #tpu.memory_space<semaphore_mem>>) src(%dma_wait3A_359 : memref<128xf32, #tpu.memory_space<vmem>>) dst(%dma_wait3A_364 : memref<10016xf32, #tpu.memory_space<vmem_shared>>)
        tpu.yield
      }) : () -> ()
      %add3A_208 = arith.constant 2 : i32
      %add3A_209 = arith.addi %mul3A_141, %add3A_208 : i32
      %add3A_210 = arith.constant 8 : i32
      %add3A_211 = arith.addi %add3A_209, %add3A_210 : i32
      %lt3A_212 = arith.constant 80 : i32
      %lt3A_213 = arith.cmpi slt, %add3A_211, %lt3A_212 : i32
      %convert_element_type3A_214 = arith.extui %lt3A_213 : i1 to i32
      %cond3A_215 = arith.constant 0 : i32
      %cond3A_216 = arith.cmpi ne, %convert_element_type3A_214, %cond3A_215 : i32
      scf.if %cond3A_216 {
        %add3A_348 = arith.constant 2 : i32
        %add3A_349 = arith.addi %mul3A_141, %add3A_348 : i32
        %add3A_350 = arith.constant 8 : i32
        %add3A_351 = arith.addi %add3A_349, %add3A_350 : i32
        %dma_start3A_352 = arith.constant 2 : i32
        %dma_start3A_353 = arith.constant 2 : i32
        %dma_start3A_354 = arith.constant 0 : i32
        %dma_start3A_355 = tpu.memref_slice %arg9[%dma_start3A_352, %dma_start3A_354] : memref<8x128xf32, #tpu.memory_space<vmem>> -> memref<1x128xf32, #tpu.memory_space<vmem>>
        %dma_start3A_356 = tpu.memref_squeeze %dma_start3A_355 : memref<1x128xf32, #tpu.memory_space<vmem>> -> memref<128xf32, #tpu.memory_space<vmem>>
        %dma_start3A_357 = arith.constant 0 : i32
        %dma_start3A_358 = tpu.memref_slice %arg7[%add3A_351, %dma_start3A_357] : memref<80x128xi32, #tpu.memory_space<vmem>> -> memref<1x128xi32, #tpu.memory_space<vmem>>
        %dma_start3A_359 = tpu.memref_squeeze %dma_start3A_358 : memref<1x128xi32, #tpu.memory_space<vmem>> -> memref<128xi32, #tpu.memory_space<vmem>>
        %dma_start3A_360 = arith.constant 0 : i32
        %dma_start3A_361 = tpu.memref_slice %arg4[%dma_start3A_360] : memref<20000xf32, #tpu.memory_space<hbm>> -> memref<20000xf32, #tpu.memory_space<hbm>>
        %dma_start3A_362 = tpu.memref_slice %arg12[%dma_start3A_353] : memref<8x!tpu.dma_semaphore, #tpu.memory_space<semaphore_mem>> -> memref<1x!tpu.dma_semaphore, #tpu.memory_space<semaphore_mem>>
        %dma_start3A_363 = tpu.memref_squeeze %dma_start3A_362 : memref<1x!tpu.dma_semaphore, #tpu.memory_space<semaphore_mem>> -> memref<!tpu.dma_semaphore, #tpu.memory_space<semaphore_mem>>
        tpu.enqueue_indirect_dma source(%dma_start3A_361 : memref<20000xf32, #tpu.memory_space<hbm>>) target(%dma_start3A_356 : memref<128xf32, #tpu.memory_space<vmem>>) offsets(%dma_start3A_359 : memref<128xi32, #tpu.memory_space<vmem>>) semaphore(%dma_start3A_363 : memref<!tpu.dma_semaphore, #tpu.memory_space<semaphore_mem>>)
      } else {
      }
      %add3A_217 = arith.constant 3 : i32
      %add3A_218 = arith.addi %mul3A_141, %add3A_217 : i32
      %dma_wait3A_219 = arith.constant 3 : i32
      %dma_wait3A_220 = arith.constant 3 : i32
      %dma_wait3A_221 = arith.constant 0 : i32
      %dma_wait3A_222 = tpu.memref_slice %arg9[%dma_wait3A_219, %dma_wait3A_221] : memref<8x128xf32, #tpu.memory_space<vmem>> -> memref<1x128xf32, #tpu.memory_space<vmem>>
      %dma_wait3A_223 = tpu.memref_squeeze %dma_wait3A_222 : memref<1x128xf32, #tpu.memory_space<vmem>> -> memref<128xf32, #tpu.memory_space<vmem>>
      %dma_wait3A_224 = arith.constant 0 : i32
      %dma_wait3A_225 = tpu.memref_slice %arg7[%add3A_218, %dma_wait3A_224] : memref<80x128xi32, #tpu.memory_space<vmem>> -> memref<1x128xi32, #tpu.memory_space<vmem>>
      %dma_wait3A_226 = tpu.memref_squeeze %dma_wait3A_225 : memref<1x128xi32, #tpu.memory_space<vmem>> -> memref<128xi32, #tpu.memory_space<vmem>>
      %dma_wait3A_227 = arith.constant 0 : i32
      %dma_wait3A_228 = tpu.memref_slice %arg4[%dma_wait3A_227] : memref<20000xf32, #tpu.memory_space<hbm>> -> memref<20000xf32, #tpu.memory_space<hbm>>
      %dma_wait3A_229 = tpu.memref_slice %arg12[%dma_wait3A_220] : memref<8x!tpu.dma_semaphore, #tpu.memory_space<semaphore_mem>> -> memref<1x!tpu.dma_semaphore, #tpu.memory_space<semaphore_mem>>
      %dma_wait3A_230 = tpu.memref_squeeze %dma_wait3A_229 : memref<1x!tpu.dma_semaphore, #tpu.memory_space<semaphore_mem>> -> memref<!tpu.dma_semaphore, #tpu.memory_space<semaphore_mem>>
      tpu.wait_indirect_dma semaphore(%dma_wait3A_230 : memref<!tpu.dma_semaphore, #tpu.memory_space<semaphore_mem>>) src(%dma_wait3A_228 : memref<20000xf32, #tpu.memory_space<hbm>>) dst(%dma_wait3A_223 : memref<128xf32, #tpu.memory_space<vmem>>)
      %add3A_231 = arith.constant 3 : i32
      %add3A_232 = arith.addi %mul3A_141, %add3A_231 : i32
      %run_scoped3A_233 = arith.constant 3 : i32
      "tpu.region"() ({
        %run_scoped3A_348 = tpu.sem_alloc : memref<!tpu.dma_semaphore, #tpu.memory_space<semaphore_mem>>
        %dma_start3A_349 = arith.constant 0 : i32
        %dma_start3A_350 = tpu.memref_slice %arg9[%run_scoped3A_233, %dma_start3A_349] : memref<8x128xf32, #tpu.memory_space<vmem>> -> memref<1x128xf32, #tpu.memory_space<vmem>>
        %dma_start3A_351 = tpu.memref_squeeze %dma_start3A_350 : memref<1x128xf32, #tpu.memory_space<vmem>> -> memref<128xf32, #tpu.memory_space<vmem>>
        %dma_start3A_352 = arith.constant 0 : i32
        %dma_start3A_353 = tpu.memref_slice %arg8[%add3A_232, %dma_start3A_352] : memref<80x128xi32, #tpu.memory_space<vmem>> -> memref<1x128xi32, #tpu.memory_space<vmem>>
        %dma_start3A_354 = tpu.memref_squeeze %dma_start3A_353 : memref<1x128xi32, #tpu.memory_space<vmem>> -> memref<128xi32, #tpu.memory_space<vmem>>
        %dma_start3A_355 = arith.constant 0 : i32
        %dma_start3A_356 = tpu.memref_slice %arg11[%dma_start3A_355] : memref<10016xf32, #tpu.memory_space<vmem_shared>> -> memref<10016xf32, #tpu.memory_space<vmem_shared>>
        tpu.enqueue_indirect_dma source(%dma_start3A_351 : memref<128xf32, #tpu.memory_space<vmem>>) target(%dma_start3A_356 : memref<10016xf32, #tpu.memory_space<vmem_shared>>) offsets(%dma_start3A_354 : memref<128xi32, #tpu.memory_space<vmem>>) semaphore(%run_scoped3A_348 : memref<!tpu.dma_semaphore, #tpu.memory_space<semaphore_mem>>) {add = true}
        %dma_wait3A_357 = arith.constant 0 : i32
        %dma_wait3A_358 = tpu.memref_slice %arg9[%run_scoped3A_233, %dma_wait3A_357] : memref<8x128xf32, #tpu.memory_space<vmem>> -> memref<1x128xf32, #tpu.memory_space<vmem>>
        %dma_wait3A_359 = tpu.memref_squeeze %dma_wait3A_358 : memref<1x128xf32, #tpu.memory_space<vmem>> -> memref<128xf32, #tpu.memory_space<vmem>>
        %dma_wait3A_360 = arith.constant 0 : i32
        %dma_wait3A_361 = tpu.memref_slice %arg8[%add3A_232, %dma_wait3A_360] : memref<80x128xi32, #tpu.memory_space<vmem>> -> memref<1x128xi32, #tpu.memory_space<vmem>>
        %dma_wait3A_362 = tpu.memref_squeeze %dma_wait3A_361 : memref<1x128xi32, #tpu.memory_space<vmem>> -> memref<128xi32, #tpu.memory_space<vmem>>
        %dma_wait3A_363 = arith.constant 0 : i32
        %dma_wait3A_364 = tpu.memref_slice %arg11[%dma_wait3A_363] : memref<10016xf32, #tpu.memory_space<vmem_shared>> -> memref<10016xf32, #tpu.memory_space<vmem_shared>>
        tpu.wait_indirect_dma semaphore(%run_scoped3A_348 : memref<!tpu.dma_semaphore, #tpu.memory_space<semaphore_mem>>) src(%dma_wait3A_359 : memref<128xf32, #tpu.memory_space<vmem>>) dst(%dma_wait3A_364 : memref<10016xf32, #tpu.memory_space<vmem_shared>>)
        tpu.yield
      }) : () -> ()
      %add3A_234 = arith.constant 3 : i32
      %add3A_235 = arith.addi %mul3A_141, %add3A_234 : i32
      %add3A_236 = arith.constant 8 : i32
      %add3A_237 = arith.addi %add3A_235, %add3A_236 : i32
      %lt3A_238 = arith.constant 80 : i32
      %lt3A_239 = arith.cmpi slt, %add3A_237, %lt3A_238 : i32
      %convert_element_type3A_240 = arith.extui %lt3A_239 : i1 to i32
      %cond3A_241 = arith.constant 0 : i32
      %cond3A_242 = arith.cmpi ne, %convert_element_type3A_240, %cond3A_241 : i32
      scf.if %cond3A_242 {
        %add3A_348 = arith.constant 3 : i32
        %add3A_349 = arith.addi %mul3A_141, %add3A_348 : i32
        %add3A_350 = arith.constant 8 : i32
        %add3A_351 = arith.addi %add3A_349, %add3A_350 : i32
        %dma_start3A_352 = arith.constant 3 : i32
        %dma_start3A_353 = arith.constant 3 : i32
        %dma_start3A_354 = arith.constant 0 : i32
        %dma_start3A_355 = tpu.memref_slice %arg9[%dma_start3A_352, %dma_start3A_354] : memref<8x128xf32, #tpu.memory_space<vmem>> -> memref<1x128xf32, #tpu.memory_space<vmem>>
        %dma_start3A_356 = tpu.memref_squeeze %dma_start3A_355 : memref<1x128xf32, #tpu.memory_space<vmem>> -> memref<128xf32, #tpu.memory_space<vmem>>
        %dma_start3A_357 = arith.constant 0 : i32
        %dma_start3A_358 = tpu.memref_slice %arg7[%add3A_351, %dma_start3A_357] : memref<80x128xi32, #tpu.memory_space<vmem>> -> memref<1x128xi32, #tpu.memory_space<vmem>>
        %dma_start3A_359 = tpu.memref_squeeze %dma_start3A_358 : memref<1x128xi32, #tpu.memory_space<vmem>> -> memref<128xi32, #tpu.memory_space<vmem>>
        %dma_start3A_360 = arith.constant 0 : i32
        %dma_start3A_361 = tpu.memref_slice %arg4[%dma_start3A_360] : memref<20000xf32, #tpu.memory_space<hbm>> -> memref<20000xf32, #tpu.memory_space<hbm>>
        %dma_start3A_362 = tpu.memref_slice %arg12[%dma_start3A_353] : memref<8x!tpu.dma_semaphore, #tpu.memory_space<semaphore_mem>> -> memref<1x!tpu.dma_semaphore, #tpu.memory_space<semaphore_mem>>
        %dma_start3A_363 = tpu.memref_squeeze %dma_start3A_362 : memref<1x!tpu.dma_semaphore, #tpu.memory_space<semaphore_mem>> -> memref<!tpu.dma_semaphore, #tpu.memory_space<semaphore_mem>>
        tpu.enqueue_indirect_dma source(%dma_start3A_361 : memref<20000xf32, #tpu.memory_space<hbm>>) target(%dma_start3A_356 : memref<128xf32, #tpu.memory_space<vmem>>) offsets(%dma_start3A_359 : memref<128xi32, #tpu.memory_space<vmem>>) semaphore(%dma_start3A_363 : memref<!tpu.dma_semaphore, #tpu.memory_space<semaphore_mem>>)
      } else {
      }
      %add3A_243 = arith.constant 4 : i32
      %add3A_244 = arith.addi %mul3A_141, %add3A_243 : i32
      %dma_wait3A_245 = arith.constant 4 : i32
      %dma_wait3A_246 = arith.constant 4 : i32
      %dma_wait3A_247 = arith.constant 0 : i32
      %dma_wait3A_248 = tpu.memref_slice %arg9[%dma_wait3A_245, %dma_wait3A_247] : memref<8x128xf32, #tpu.memory_space<vmem>> -> memref<1x128xf32, #tpu.memory_space<vmem>>
      %dma_wait3A_249 = tpu.memref_squeeze %dma_wait3A_248 : memref<1x128xf32, #tpu.memory_space<vmem>> -> memref<128xf32, #tpu.memory_space<vmem>>
      %dma_wait3A_250 = arith.constant 0 : i32
      %dma_wait3A_251 = tpu.memref_slice %arg7[%add3A_244, %dma_wait3A_250] : memref<80x128xi32, #tpu.memory_space<vmem>> -> memref<1x128xi32, #tpu.memory_space<vmem>>
      %dma_wait3A_252 = tpu.memref_squeeze %dma_wait3A_251 : memref<1x128xi32, #tpu.memory_space<vmem>> -> memref<128xi32, #tpu.memory_space<vmem>>
      %dma_wait3A_253 = arith.constant 0 : i32
      %dma_wait3A_254 = tpu.memref_slice %arg4[%dma_wait3A_253] : memref<20000xf32, #tpu.memory_space<hbm>> -> memref<20000xf32, #tpu.memory_space<hbm>>
      %dma_wait3A_255 = tpu.memref_slice %arg12[%dma_wait3A_246] : memref<8x!tpu.dma_semaphore, #tpu.memory_space<semaphore_mem>> -> memref<1x!tpu.dma_semaphore, #tpu.memory_space<semaphore_mem>>
      %dma_wait3A_256 = tpu.memref_squeeze %dma_wait3A_255 : memref<1x!tpu.dma_semaphore, #tpu.memory_space<semaphore_mem>> -> memref<!tpu.dma_semaphore, #tpu.memory_space<semaphore_mem>>
      tpu.wait_indirect_dma semaphore(%dma_wait3A_256 : memref<!tpu.dma_semaphore, #tpu.memory_space<semaphore_mem>>) src(%dma_wait3A_254 : memref<20000xf32, #tpu.memory_space<hbm>>) dst(%dma_wait3A_249 : memref<128xf32, #tpu.memory_space<vmem>>)
      %add3A_257 = arith.constant 4 : i32
      %add3A_258 = arith.addi %mul3A_141, %add3A_257 : i32
      %run_scoped3A_259 = arith.constant 4 : i32
      "tpu.region"() ({
        %run_scoped3A_348 = tpu.sem_alloc : memref<!tpu.dma_semaphore, #tpu.memory_space<semaphore_mem>>
        %dma_start3A_349 = arith.constant 0 : i32
        %dma_start3A_350 = tpu.memref_slice %arg9[%run_scoped3A_259, %dma_start3A_349] : memref<8x128xf32, #tpu.memory_space<vmem>> -> memref<1x128xf32, #tpu.memory_space<vmem>>
        %dma_start3A_351 = tpu.memref_squeeze %dma_start3A_350 : memref<1x128xf32, #tpu.memory_space<vmem>> -> memref<128xf32, #tpu.memory_space<vmem>>
        %dma_start3A_352 = arith.constant 0 : i32
        %dma_start3A_353 = tpu.memref_slice %arg8[%add3A_258, %dma_start3A_352] : memref<80x128xi32, #tpu.memory_space<vmem>> -> memref<1x128xi32, #tpu.memory_space<vmem>>
        %dma_start3A_354 = tpu.memref_squeeze %dma_start3A_353 : memref<1x128xi32, #tpu.memory_space<vmem>> -> memref<128xi32, #tpu.memory_space<vmem>>
        %dma_start3A_355 = arith.constant 0 : i32
        %dma_start3A_356 = tpu.memref_slice %arg11[%dma_start3A_355] : memref<10016xf32, #tpu.memory_space<vmem_shared>> -> memref<10016xf32, #tpu.memory_space<vmem_shared>>
        tpu.enqueue_indirect_dma source(%dma_start3A_351 : memref<128xf32, #tpu.memory_space<vmem>>) target(%dma_start3A_356 : memref<10016xf32, #tpu.memory_space<vmem_shared>>) offsets(%dma_start3A_354 : memref<128xi32, #tpu.memory_space<vmem>>) semaphore(%run_scoped3A_348 : memref<!tpu.dma_semaphore, #tpu.memory_space<semaphore_mem>>) {add = true}
        %dma_wait3A_357 = arith.constant 0 : i32
        %dma_wait3A_358 = tpu.memref_slice %arg9[%run_scoped3A_259, %dma_wait3A_357] : memref<8x128xf32, #tpu.memory_space<vmem>> -> memref<1x128xf32, #tpu.memory_space<vmem>>
        %dma_wait3A_359 = tpu.memref_squeeze %dma_wait3A_358 : memref<1x128xf32, #tpu.memory_space<vmem>> -> memref<128xf32, #tpu.memory_space<vmem>>
        %dma_wait3A_360 = arith.constant 0 : i32
        %dma_wait3A_361 = tpu.memref_slice %arg8[%add3A_258, %dma_wait3A_360] : memref<80x128xi32, #tpu.memory_space<vmem>> -> memref<1x128xi32, #tpu.memory_space<vmem>>
        %dma_wait3A_362 = tpu.memref_squeeze %dma_wait3A_361 : memref<1x128xi32, #tpu.memory_space<vmem>> -> memref<128xi32, #tpu.memory_space<vmem>>
        %dma_wait3A_363 = arith.constant 0 : i32
        %dma_wait3A_364 = tpu.memref_slice %arg11[%dma_wait3A_363] : memref<10016xf32, #tpu.memory_space<vmem_shared>> -> memref<10016xf32, #tpu.memory_space<vmem_shared>>
        tpu.wait_indirect_dma semaphore(%run_scoped3A_348 : memref<!tpu.dma_semaphore, #tpu.memory_space<semaphore_mem>>) src(%dma_wait3A_359 : memref<128xf32, #tpu.memory_space<vmem>>) dst(%dma_wait3A_364 : memref<10016xf32, #tpu.memory_space<vmem_shared>>)
        tpu.yield
      }) : () -> ()
      %add3A_260 = arith.constant 4 : i32
      %add3A_261 = arith.addi %mul3A_141, %add3A_260 : i32
      %add3A_262 = arith.constant 8 : i32
      %add3A_263 = arith.addi %add3A_261, %add3A_262 : i32
      %lt3A_264 = arith.constant 80 : i32
      %lt3A_265 = arith.cmpi slt, %add3A_263, %lt3A_264 : i32
      %convert_element_type3A_266 = arith.extui %lt3A_265 : i1 to i32
      %cond3A_267 = arith.constant 0 : i32
      %cond3A_268 = arith.cmpi ne, %convert_element_type3A_266, %cond3A_267 : i32
      scf.if %cond3A_268 {
        %add3A_348 = arith.constant 4 : i32
        %add3A_349 = arith.addi %mul3A_141, %add3A_348 : i32
        %add3A_350 = arith.constant 8 : i32
        %add3A_351 = arith.addi %add3A_349, %add3A_350 : i32
        %dma_start3A_352 = arith.constant 4 : i32
        %dma_start3A_353 = arith.constant 4 : i32
        %dma_start3A_354 = arith.constant 0 : i32
        %dma_start3A_355 = tpu.memref_slice %arg9[%dma_start3A_352, %dma_start3A_354] : memref<8x128xf32, #tpu.memory_space<vmem>> -> memref<1x128xf32, #tpu.memory_space<vmem>>
        %dma_start3A_356 = tpu.memref_squeeze %dma_start3A_355 : memref<1x128xf32, #tpu.memory_space<vmem>> -> memref<128xf32, #tpu.memory_space<vmem>>
        %dma_start3A_357 = arith.constant 0 : i32
        %dma_start3A_358 = tpu.memref_slice %arg7[%add3A_351, %dma_start3A_357] : memref<80x128xi32, #tpu.memory_space<vmem>> -> memref<1x128xi32, #tpu.memory_space<vmem>>
        %dma_start3A_359 = tpu.memref_squeeze %dma_start3A_358 : memref<1x128xi32, #tpu.memory_space<vmem>> -> memref<128xi32, #tpu.memory_space<vmem>>
        %dma_start3A_360 = arith.constant 0 : i32
        %dma_start3A_361 = tpu.memref_slice %arg4[%dma_start3A_360] : memref<20000xf32, #tpu.memory_space<hbm>> -> memref<20000xf32, #tpu.memory_space<hbm>>
        %dma_start3A_362 = tpu.memref_slice %arg12[%dma_start3A_353] : memref<8x!tpu.dma_semaphore, #tpu.memory_space<semaphore_mem>> -> memref<1x!tpu.dma_semaphore, #tpu.memory_space<semaphore_mem>>
        %dma_start3A_363 = tpu.memref_squeeze %dma_start3A_362 : memref<1x!tpu.dma_semaphore, #tpu.memory_space<semaphore_mem>> -> memref<!tpu.dma_semaphore, #tpu.memory_space<semaphore_mem>>
        tpu.enqueue_indirect_dma source(%dma_start3A_361 : memref<20000xf32, #tpu.memory_space<hbm>>) target(%dma_start3A_356 : memref<128xf32, #tpu.memory_space<vmem>>) offsets(%dma_start3A_359 : memref<128xi32, #tpu.memory_space<vmem>>) semaphore(%dma_start3A_363 : memref<!tpu.dma_semaphore, #tpu.memory_space<semaphore_mem>>)
      } else {
      }
      %add3A_269 = arith.constant 5 : i32
      %add3A_270 = arith.addi %mul3A_141, %add3A_269 : i32
      %dma_wait3A_271 = arith.constant 5 : i32
      %dma_wait3A_272 = arith.constant 5 : i32
      %dma_wait3A_273 = arith.constant 0 : i32
      %dma_wait3A_274 = tpu.memref_slice %arg9[%dma_wait3A_271, %dma_wait3A_273] : memref<8x128xf32, #tpu.memory_space<vmem>> -> memref<1x128xf32, #tpu.memory_space<vmem>>
      %dma_wait3A_275 = tpu.memref_squeeze %dma_wait3A_274 : memref<1x128xf32, #tpu.memory_space<vmem>> -> memref<128xf32, #tpu.memory_space<vmem>>
      %dma_wait3A_276 = arith.constant 0 : i32
      %dma_wait3A_277 = tpu.memref_slice %arg7[%add3A_270, %dma_wait3A_276] : memref<80x128xi32, #tpu.memory_space<vmem>> -> memref<1x128xi32, #tpu.memory_space<vmem>>
      %dma_wait3A_278 = tpu.memref_squeeze %dma_wait3A_277 : memref<1x128xi32, #tpu.memory_space<vmem>> -> memref<128xi32, #tpu.memory_space<vmem>>
      %dma_wait3A_279 = arith.constant 0 : i32
      %dma_wait3A_280 = tpu.memref_slice %arg4[%dma_wait3A_279] : memref<20000xf32, #tpu.memory_space<hbm>> -> memref<20000xf32, #tpu.memory_space<hbm>>
      %dma_wait3A_281 = tpu.memref_slice %arg12[%dma_wait3A_272] : memref<8x!tpu.dma_semaphore, #tpu.memory_space<semaphore_mem>> -> memref<1x!tpu.dma_semaphore, #tpu.memory_space<semaphore_mem>>
      %dma_wait3A_282 = tpu.memref_squeeze %dma_wait3A_281 : memref<1x!tpu.dma_semaphore, #tpu.memory_space<semaphore_mem>> -> memref<!tpu.dma_semaphore, #tpu.memory_space<semaphore_mem>>
      tpu.wait_indirect_dma semaphore(%dma_wait3A_282 : memref<!tpu.dma_semaphore, #tpu.memory_space<semaphore_mem>>) src(%dma_wait3A_280 : memref<20000xf32, #tpu.memory_space<hbm>>) dst(%dma_wait3A_275 : memref<128xf32, #tpu.memory_space<vmem>>)
      %add3A_283 = arith.constant 5 : i32
      %add3A_284 = arith.addi %mul3A_141, %add3A_283 : i32
      %run_scoped3A_285 = arith.constant 5 : i32
      "tpu.region"() ({
        %run_scoped3A_348 = tpu.sem_alloc : memref<!tpu.dma_semaphore, #tpu.memory_space<semaphore_mem>>
        %dma_start3A_349 = arith.constant 0 : i32
        %dma_start3A_350 = tpu.memref_slice %arg9[%run_scoped3A_285, %dma_start3A_349] : memref<8x128xf32, #tpu.memory_space<vmem>> -> memref<1x128xf32, #tpu.memory_space<vmem>>
        %dma_start3A_351 = tpu.memref_squeeze %dma_start3A_350 : memref<1x128xf32, #tpu.memory_space<vmem>> -> memref<128xf32, #tpu.memory_space<vmem>>
        %dma_start3A_352 = arith.constant 0 : i32
        %dma_start3A_353 = tpu.memref_slice %arg8[%add3A_284, %dma_start3A_352] : memref<80x128xi32, #tpu.memory_space<vmem>> -> memref<1x128xi32, #tpu.memory_space<vmem>>
        %dma_start3A_354 = tpu.memref_squeeze %dma_start3A_353 : memref<1x128xi32, #tpu.memory_space<vmem>> -> memref<128xi32, #tpu.memory_space<vmem>>
        %dma_start3A_355 = arith.constant 0 : i32
        %dma_start3A_356 = tpu.memref_slice %arg11[%dma_start3A_355] : memref<10016xf32, #tpu.memory_space<vmem_shared>> -> memref<10016xf32, #tpu.memory_space<vmem_shared>>
        tpu.enqueue_indirect_dma source(%dma_start3A_351 : memref<128xf32, #tpu.memory_space<vmem>>) target(%dma_start3A_356 : memref<10016xf32, #tpu.memory_space<vmem_shared>>) offsets(%dma_start3A_354 : memref<128xi32, #tpu.memory_space<vmem>>) semaphore(%run_scoped3A_348 : memref<!tpu.dma_semaphore, #tpu.memory_space<semaphore_mem>>) {add = true}
        %dma_wait3A_357 = arith.constant 0 : i32
        %dma_wait3A_358 = tpu.memref_slice %arg9[%run_scoped3A_285, %dma_wait3A_357] : memref<8x128xf32, #tpu.memory_space<vmem>> -> memref<1x128xf32, #tpu.memory_space<vmem>>
        %dma_wait3A_359 = tpu.memref_squeeze %dma_wait3A_358 : memref<1x128xf32, #tpu.memory_space<vmem>> -> memref<128xf32, #tpu.memory_space<vmem>>
        %dma_wait3A_360 = arith.constant 0 : i32
        %dma_wait3A_361 = tpu.memref_slice %arg8[%add3A_284, %dma_wait3A_360] : memref<80x128xi32, #tpu.memory_space<vmem>> -> memref<1x128xi32, #tpu.memory_space<vmem>>
        %dma_wait3A_362 = tpu.memref_squeeze %dma_wait3A_361 : memref<1x128xi32, #tpu.memory_space<vmem>> -> memref<128xi32, #tpu.memory_space<vmem>>
        %dma_wait3A_363 = arith.constant 0 : i32
        %dma_wait3A_364 = tpu.memref_slice %arg11[%dma_wait3A_363] : memref<10016xf32, #tpu.memory_space<vmem_shared>> -> memref<10016xf32, #tpu.memory_space<vmem_shared>>
        tpu.wait_indirect_dma semaphore(%run_scoped3A_348 : memref<!tpu.dma_semaphore, #tpu.memory_space<semaphore_mem>>) src(%dma_wait3A_359 : memref<128xf32, #tpu.memory_space<vmem>>) dst(%dma_wait3A_364 : memref<10016xf32, #tpu.memory_space<vmem_shared>>)
        tpu.yield
      }) : () -> ()
      %add3A_286 = arith.constant 5 : i32
      %add3A_287 = arith.addi %mul3A_141, %add3A_286 : i32
      %add3A_288 = arith.constant 8 : i32
      %add3A_289 = arith.addi %add3A_287, %add3A_288 : i32
      %lt3A_290 = arith.constant 80 : i32
      %lt3A_291 = arith.cmpi slt, %add3A_289, %lt3A_290 : i32
      %convert_element_type3A_292 = arith.extui %lt3A_291 : i1 to i32
      %cond3A_293 = arith.constant 0 : i32
      %cond3A_294 = arith.cmpi ne, %convert_element_type3A_292, %cond3A_293 : i32
      scf.if %cond3A_294 {
        %add3A_348 = arith.constant 5 : i32
        %add3A_349 = arith.addi %mul3A_141, %add3A_348 : i32
        %add3A_350 = arith.constant 8 : i32
        %add3A_351 = arith.addi %add3A_349, %add3A_350 : i32
        %dma_start3A_352 = arith.constant 5 : i32
        %dma_start3A_353 = arith.constant 5 : i32
        %dma_start3A_354 = arith.constant 0 : i32
        %dma_start3A_355 = tpu.memref_slice %arg9[%dma_start3A_352, %dma_start3A_354] : memref<8x128xf32, #tpu.memory_space<vmem>> -> memref<1x128xf32, #tpu.memory_space<vmem>>
        %dma_start3A_356 = tpu.memref_squeeze %dma_start3A_355 : memref<1x128xf32, #tpu.memory_space<vmem>> -> memref<128xf32, #tpu.memory_space<vmem>>
        %dma_start3A_357 = arith.constant 0 : i32
        %dma_start3A_358 = tpu.memref_slice %arg7[%add3A_351, %dma_start3A_357] : memref<80x128xi32, #tpu.memory_space<vmem>> -> memref<1x128xi32, #tpu.memory_space<vmem>>
        %dma_start3A_359 = tpu.memref_squeeze %dma_start3A_358 : memref<1x128xi32, #tpu.memory_space<vmem>> -> memref<128xi32, #tpu.memory_space<vmem>>
        %dma_start3A_360 = arith.constant 0 : i32
        %dma_start3A_361 = tpu.memref_slice %arg4[%dma_start3A_360] : memref<20000xf32, #tpu.memory_space<hbm>> -> memref<20000xf32, #tpu.memory_space<hbm>>
        %dma_start3A_362 = tpu.memref_slice %arg12[%dma_start3A_353] : memref<8x!tpu.dma_semaphore, #tpu.memory_space<semaphore_mem>> -> memref<1x!tpu.dma_semaphore, #tpu.memory_space<semaphore_mem>>
        %dma_start3A_363 = tpu.memref_squeeze %dma_start3A_362 : memref<1x!tpu.dma_semaphore, #tpu.memory_space<semaphore_mem>> -> memref<!tpu.dma_semaphore, #tpu.memory_space<semaphore_mem>>
        tpu.enqueue_indirect_dma source(%dma_start3A_361 : memref<20000xf32, #tpu.memory_space<hbm>>) target(%dma_start3A_356 : memref<128xf32, #tpu.memory_space<vmem>>) offsets(%dma_start3A_359 : memref<128xi32, #tpu.memory_space<vmem>>) semaphore(%dma_start3A_363 : memref<!tpu.dma_semaphore, #tpu.memory_space<semaphore_mem>>)
      } else {
      }
      %add3A_295 = arith.constant 6 : i32
      %add3A_296 = arith.addi %mul3A_141, %add3A_295 : i32
      %dma_wait3A_297 = arith.constant 6 : i32
      %dma_wait3A_298 = arith.constant 6 : i32
      %dma_wait3A_299 = arith.constant 0 : i32
      %dma_wait3A_300 = tpu.memref_slice %arg9[%dma_wait3A_297, %dma_wait3A_299] : memref<8x128xf32, #tpu.memory_space<vmem>> -> memref<1x128xf32, #tpu.memory_space<vmem>>
      %dma_wait3A_301 = tpu.memref_squeeze %dma_wait3A_300 : memref<1x128xf32, #tpu.memory_space<vmem>> -> memref<128xf32, #tpu.memory_space<vmem>>
      %dma_wait3A_302 = arith.constant 0 : i32
      %dma_wait3A_303 = tpu.memref_slice %arg7[%add3A_296, %dma_wait3A_302] : memref<80x128xi32, #tpu.memory_space<vmem>> -> memref<1x128xi32, #tpu.memory_space<vmem>>
      %dma_wait3A_304 = tpu.memref_squeeze %dma_wait3A_303 : memref<1x128xi32, #tpu.memory_space<vmem>> -> memref<128xi32, #tpu.memory_space<vmem>>
      %dma_wait3A_305 = arith.constant 0 : i32
      %dma_wait3A_306 = tpu.memref_slice %arg4[%dma_wait3A_305] : memref<20000xf32, #tpu.memory_space<hbm>> -> memref<20000xf32, #tpu.memory_space<hbm>>
      %dma_wait3A_307 = tpu.memref_slice %arg12[%dma_wait3A_298] : memref<8x!tpu.dma_semaphore, #tpu.memory_space<semaphore_mem>> -> memref<1x!tpu.dma_semaphore, #tpu.memory_space<semaphore_mem>>
      %dma_wait3A_308 = tpu.memref_squeeze %dma_wait3A_307 : memref<1x!tpu.dma_semaphore, #tpu.memory_space<semaphore_mem>> -> memref<!tpu.dma_semaphore, #tpu.memory_space<semaphore_mem>>
      tpu.wait_indirect_dma semaphore(%dma_wait3A_308 : memref<!tpu.dma_semaphore, #tpu.memory_space<semaphore_mem>>) src(%dma_wait3A_306 : memref<20000xf32, #tpu.memory_space<hbm>>) dst(%dma_wait3A_301 : memref<128xf32, #tpu.memory_space<vmem>>)
      %add3A_309 = arith.constant 6 : i32
      %add3A_310 = arith.addi %mul3A_141, %add3A_309 : i32
      %run_scoped3A_311 = arith.constant 6 : i32
      "tpu.region"() ({
        %run_scoped3A_348 = tpu.sem_alloc : memref<!tpu.dma_semaphore, #tpu.memory_space<semaphore_mem>>
        %dma_start3A_349 = arith.constant 0 : i32
        %dma_start3A_350 = tpu.memref_slice %arg9[%run_scoped3A_311, %dma_start3A_349] : memref<8x128xf32, #tpu.memory_space<vmem>> -> memref<1x128xf32, #tpu.memory_space<vmem>>
        %dma_start3A_351 = tpu.memref_squeeze %dma_start3A_350 : memref<1x128xf32, #tpu.memory_space<vmem>> -> memref<128xf32, #tpu.memory_space<vmem>>
        %dma_start3A_352 = arith.constant 0 : i32
        %dma_start3A_353 = tpu.memref_slice %arg8[%add3A_310, %dma_start3A_352] : memref<80x128xi32, #tpu.memory_space<vmem>> -> memref<1x128xi32, #tpu.memory_space<vmem>>
        %dma_start3A_354 = tpu.memref_squeeze %dma_start3A_353 : memref<1x128xi32, #tpu.memory_space<vmem>> -> memref<128xi32, #tpu.memory_space<vmem>>
        %dma_start3A_355 = arith.constant 0 : i32
        %dma_start3A_356 = tpu.memref_slice %arg11[%dma_start3A_355] : memref<10016xf32, #tpu.memory_space<vmem_shared>> -> memref<10016xf32, #tpu.memory_space<vmem_shared>>
        tpu.enqueue_indirect_dma source(%dma_start3A_351 : memref<128xf32, #tpu.memory_space<vmem>>) target(%dma_start3A_356 : memref<10016xf32, #tpu.memory_space<vmem_shared>>) offsets(%dma_start3A_354 : memref<128xi32, #tpu.memory_space<vmem>>) semaphore(%run_scoped3A_348 : memref<!tpu.dma_semaphore, #tpu.memory_space<semaphore_mem>>) {add = true}
        %dma_wait3A_357 = arith.constant 0 : i32
        %dma_wait3A_358 = tpu.memref_slice %arg9[%run_scoped3A_311, %dma_wait3A_357] : memref<8x128xf32, #tpu.memory_space<vmem>> -> memref<1x128xf32, #tpu.memory_space<vmem>>
        %dma_wait3A_359 = tpu.memref_squeeze %dma_wait3A_358 : memref<1x128xf32, #tpu.memory_space<vmem>> -> memref<128xf32, #tpu.memory_space<vmem>>
        %dma_wait3A_360 = arith.constant 0 : i32
        %dma_wait3A_361 = tpu.memref_slice %arg8[%add3A_310, %dma_wait3A_360] : memref<80x128xi32, #tpu.memory_space<vmem>> -> memref<1x128xi32, #tpu.memory_space<vmem>>
        %dma_wait3A_362 = tpu.memref_squeeze %dma_wait3A_361 : memref<1x128xi32, #tpu.memory_space<vmem>> -> memref<128xi32, #tpu.memory_space<vmem>>
        %dma_wait3A_363 = arith.constant 0 : i32
        %dma_wait3A_364 = tpu.memref_slice %arg11[%dma_wait3A_363] : memref<10016xf32, #tpu.memory_space<vmem_shared>> -> memref<10016xf32, #tpu.memory_space<vmem_shared>>
        tpu.wait_indirect_dma semaphore(%run_scoped3A_348 : memref<!tpu.dma_semaphore, #tpu.memory_space<semaphore_mem>>) src(%dma_wait3A_359 : memref<128xf32, #tpu.memory_space<vmem>>) dst(%dma_wait3A_364 : memref<10016xf32, #tpu.memory_space<vmem_shared>>)
        tpu.yield
      }) : () -> ()
      %add3A_312 = arith.constant 6 : i32
      %add3A_313 = arith.addi %mul3A_141, %add3A_312 : i32
      %add3A_314 = arith.constant 8 : i32
      %add3A_315 = arith.addi %add3A_313, %add3A_314 : i32
      %lt3A_316 = arith.constant 80 : i32
      %lt3A_317 = arith.cmpi slt, %add3A_315, %lt3A_316 : i32
      %convert_element_type3A_318 = arith.extui %lt3A_317 : i1 to i32
      %cond3A_319 = arith.constant 0 : i32
      %cond3A_320 = arith.cmpi ne, %convert_element_type3A_318, %cond3A_319 : i32
      scf.if %cond3A_320 {
        %add3A_348 = arith.constant 6 : i32
        %add3A_349 = arith.addi %mul3A_141, %add3A_348 : i32
        %add3A_350 = arith.constant 8 : i32
        %add3A_351 = arith.addi %add3A_349, %add3A_350 : i32
        %dma_start3A_352 = arith.constant 6 : i32
        %dma_start3A_353 = arith.constant 6 : i32
        %dma_start3A_354 = arith.constant 0 : i32
        %dma_start3A_355 = tpu.memref_slice %arg9[%dma_start3A_352, %dma_start3A_354] : memref<8x128xf32, #tpu.memory_space<vmem>> -> memref<1x128xf32, #tpu.memory_space<vmem>>
        %dma_start3A_356 = tpu.memref_squeeze %dma_start3A_355 : memref<1x128xf32, #tpu.memory_space<vmem>> -> memref<128xf32, #tpu.memory_space<vmem>>
        %dma_start3A_357 = arith.constant 0 : i32
        %dma_start3A_358 = tpu.memref_slice %arg7[%add3A_351, %dma_start3A_357] : memref<80x128xi32, #tpu.memory_space<vmem>> -> memref<1x128xi32, #tpu.memory_space<vmem>>
        %dma_start3A_359 = tpu.memref_squeeze %dma_start3A_358 : memref<1x128xi32, #tpu.memory_space<vmem>> -> memref<128xi32, #tpu.memory_space<vmem>>
        %dma_start3A_360 = arith.constant 0 : i32
        %dma_start3A_361 = tpu.memref_slice %arg4[%dma_start3A_360] : memref<20000xf32, #tpu.memory_space<hbm>> -> memref<20000xf32, #tpu.memory_space<hbm>>
        %dma_start3A_362 = tpu.memref_slice %arg12[%dma_start3A_353] : memref<8x!tpu.dma_semaphore, #tpu.memory_space<semaphore_mem>> -> memref<1x!tpu.dma_semaphore, #tpu.memory_space<semaphore_mem>>
        %dma_start3A_363 = tpu.memref_squeeze %dma_start3A_362 : memref<1x!tpu.dma_semaphore, #tpu.memory_space<semaphore_mem>> -> memref<!tpu.dma_semaphore, #tpu.memory_space<semaphore_mem>>
        tpu.enqueue_indirect_dma source(%dma_start3A_361 : memref<20000xf32, #tpu.memory_space<hbm>>) target(%dma_start3A_356 : memref<128xf32, #tpu.memory_space<vmem>>) offsets(%dma_start3A_359 : memref<128xi32, #tpu.memory_space<vmem>>) semaphore(%dma_start3A_363 : memref<!tpu.dma_semaphore, #tpu.memory_space<semaphore_mem>>)
      } else {
      }
      %add3A_321 = arith.constant 7 : i32
      %add3A_322 = arith.addi %mul3A_141, %add3A_321 : i32
      %dma_wait3A_323 = arith.constant 7 : i32
      %dma_wait3A_324 = arith.constant 7 : i32
      %dma_wait3A_325 = arith.constant 0 : i32
      %dma_wait3A_326 = tpu.memref_slice %arg9[%dma_wait3A_323, %dma_wait3A_325] : memref<8x128xf32, #tpu.memory_space<vmem>> -> memref<1x128xf32, #tpu.memory_space<vmem>>
      %dma_wait3A_327 = tpu.memref_squeeze %dma_wait3A_326 : memref<1x128xf32, #tpu.memory_space<vmem>> -> memref<128xf32, #tpu.memory_space<vmem>>
      %dma_wait3A_328 = arith.constant 0 : i32
      %dma_wait3A_329 = tpu.memref_slice %arg7[%add3A_322, %dma_wait3A_328] : memref<80x128xi32, #tpu.memory_space<vmem>> -> memref<1x128xi32, #tpu.memory_space<vmem>>
      %dma_wait3A_330 = tpu.memref_squeeze %dma_wait3A_329 : memref<1x128xi32, #tpu.memory_space<vmem>> -> memref<128xi32, #tpu.memory_space<vmem>>
      %dma_wait3A_331 = arith.constant 0 : i32
      %dma_wait3A_332 = tpu.memref_slice %arg4[%dma_wait3A_331] : memref<20000xf32, #tpu.memory_space<hbm>> -> memref<20000xf32, #tpu.memory_space<hbm>>
      %dma_wait3A_333 = tpu.memref_slice %arg12[%dma_wait3A_324] : memref<8x!tpu.dma_semaphore, #tpu.memory_space<semaphore_mem>> -> memref<1x!tpu.dma_semaphore, #tpu.memory_space<semaphore_mem>>
      %dma_wait3A_334 = tpu.memref_squeeze %dma_wait3A_333 : memref<1x!tpu.dma_semaphore, #tpu.memory_space<semaphore_mem>> -> memref<!tpu.dma_semaphore, #tpu.memory_space<semaphore_mem>>
      tpu.wait_indirect_dma semaphore(%dma_wait3A_334 : memref<!tpu.dma_semaphore, #tpu.memory_space<semaphore_mem>>) src(%dma_wait3A_332 : memref<20000xf32, #tpu.memory_space<hbm>>) dst(%dma_wait3A_327 : memref<128xf32, #tpu.memory_space<vmem>>)
      %add3A_335 = arith.constant 7 : i32
      %add3A_336 = arith.addi %mul3A_141, %add3A_335 : i32
      %run_scoped3A_337 = arith.constant 7 : i32
      "tpu.region"() ({
        %run_scoped3A_348 = tpu.sem_alloc : memref<!tpu.dma_semaphore, #tpu.memory_space<semaphore_mem>>
        %dma_start3A_349 = arith.constant 0 : i32
        %dma_start3A_350 = tpu.memref_slice %arg9[%run_scoped3A_337, %dma_start3A_349] : memref<8x128xf32, #tpu.memory_space<vmem>> -> memref<1x128xf32, #tpu.memory_space<vmem>>
        %dma_start3A_351 = tpu.memref_squeeze %dma_start3A_350 : memref<1x128xf32, #tpu.memory_space<vmem>> -> memref<128xf32, #tpu.memory_space<vmem>>
        %dma_start3A_352 = arith.constant 0 : i32
        %dma_start3A_353 = tpu.memref_slice %arg8[%add3A_336, %dma_start3A_352] : memref<80x128xi32, #tpu.memory_space<vmem>> -> memref<1x128xi32, #tpu.memory_space<vmem>>
        %dma_start3A_354 = tpu.memref_squeeze %dma_start3A_353 : memref<1x128xi32, #tpu.memory_space<vmem>> -> memref<128xi32, #tpu.memory_space<vmem>>
        %dma_start3A_355 = arith.constant 0 : i32
        %dma_start3A_356 = tpu.memref_slice %arg11[%dma_start3A_355] : memref<10016xf32, #tpu.memory_space<vmem_shared>> -> memref<10016xf32, #tpu.memory_space<vmem_shared>>
        tpu.enqueue_indirect_dma source(%dma_start3A_351 : memref<128xf32, #tpu.memory_space<vmem>>) target(%dma_start3A_356 : memref<10016xf32, #tpu.memory_space<vmem_shared>>) offsets(%dma_start3A_354 : memref<128xi32, #tpu.memory_space<vmem>>) semaphore(%run_scoped3A_348 : memref<!tpu.dma_semaphore, #tpu.memory_space<semaphore_mem>>) {add = true}
        %dma_wait3A_357 = arith.constant 0 : i32
        %dma_wait3A_358 = tpu.memref_slice %arg9[%run_scoped3A_337, %dma_wait3A_357] : memref<8x128xf32, #tpu.memory_space<vmem>> -> memref<1x128xf32, #tpu.memory_space<vmem>>
        %dma_wait3A_359 = tpu.memref_squeeze %dma_wait3A_358 : memref<1x128xf32, #tpu.memory_space<vmem>> -> memref<128xf32, #tpu.memory_space<vmem>>
        %dma_wait3A_360 = arith.constant 0 : i32
        %dma_wait3A_361 = tpu.memref_slice %arg8[%add3A_336, %dma_wait3A_360] : memref<80x128xi32, #tpu.memory_space<vmem>> -> memref<1x128xi32, #tpu.memory_space<vmem>>
        %dma_wait3A_362 = tpu.memref_squeeze %dma_wait3A_361 : memref<1x128xi32, #tpu.memory_space<vmem>> -> memref<128xi32, #tpu.memory_space<vmem>>
        %dma_wait3A_363 = arith.constant 0 : i32
        %dma_wait3A_364 = tpu.memref_slice %arg11[%dma_wait3A_363] : memref<10016xf32, #tpu.memory_space<vmem_shared>> -> memref<10016xf32, #tpu.memory_space<vmem_shared>>
        tpu.wait_indirect_dma semaphore(%run_scoped3A_348 : memref<!tpu.dma_semaphore, #tpu.memory_space<semaphore_mem>>) src(%dma_wait3A_359 : memref<128xf32, #tpu.memory_space<vmem>>) dst(%dma_wait3A_364 : memref<10016xf32, #tpu.memory_space<vmem_shared>>)
        tpu.yield
      }) : () -> ()
      %add3A_338 = arith.constant 7 : i32
      %add3A_339 = arith.addi %mul3A_141, %add3A_338 : i32
      %add3A_340 = arith.constant 8 : i32
      %add3A_341 = arith.addi %add3A_339, %add3A_340 : i32
      %lt3A_342 = arith.constant 80 : i32
      %lt3A_343 = arith.cmpi slt, %add3A_341, %lt3A_342 : i32
      %convert_element_type3A_344 = arith.extui %lt3A_343 : i1 to i32
      %cond3A_345 = arith.constant 0 : i32
      %cond3A_346 = arith.cmpi ne, %convert_element_type3A_344, %cond3A_345 : i32
      scf.if %cond3A_346 {
        %add3A_348 = arith.constant 7 : i32
        %add3A_349 = arith.addi %mul3A_141, %add3A_348 : i32
        %add3A_350 = arith.constant 8 : i32
        %add3A_351 = arith.addi %add3A_349, %add3A_350 : i32
        %dma_start3A_352 = arith.constant 7 : i32
        %dma_start3A_353 = arith.constant 7 : i32
        %dma_start3A_354 = arith.constant 0 : i32
        %dma_start3A_355 = tpu.memref_slice %arg9[%dma_start3A_352, %dma_start3A_354] : memref<8x128xf32, #tpu.memory_space<vmem>> -> memref<1x128xf32, #tpu.memory_space<vmem>>
        %dma_start3A_356 = tpu.memref_squeeze %dma_start3A_355 : memref<1x128xf32, #tpu.memory_space<vmem>> -> memref<128xf32, #tpu.memory_space<vmem>>
        %dma_start3A_357 = arith.constant 0 : i32
        %dma_start3A_358 = tpu.memref_slice %arg7[%add3A_351, %dma_start3A_357] : memref<80x128xi32, #tpu.memory_space<vmem>> -> memref<1x128xi32, #tpu.memory_space<vmem>>
        %dma_start3A_359 = tpu.memref_squeeze %dma_start3A_358 : memref<1x128xi32, #tpu.memory_space<vmem>> -> memref<128xi32, #tpu.memory_space<vmem>>
        %dma_start3A_360 = arith.constant 0 : i32
        %dma_start3A_361 = tpu.memref_slice %arg4[%dma_start3A_360] : memref<20000xf32, #tpu.memory_space<hbm>> -> memref<20000xf32, #tpu.memory_space<hbm>>
        %dma_start3A_362 = tpu.memref_slice %arg12[%dma_start3A_353] : memref<8x!tpu.dma_semaphore, #tpu.memory_space<semaphore_mem>> -> memref<1x!tpu.dma_semaphore, #tpu.memory_space<semaphore_mem>>
        %dma_start3A_363 = tpu.memref_squeeze %dma_start3A_362 : memref<1x!tpu.dma_semaphore, #tpu.memory_space<semaphore_mem>> -> memref<!tpu.dma_semaphore, #tpu.memory_space<semaphore_mem>>
        tpu.enqueue_indirect_dma source(%dma_start3A_361 : memref<20000xf32, #tpu.memory_space<hbm>>) target(%dma_start3A_356 : memref<128xf32, #tpu.memory_space<vmem>>) offsets(%dma_start3A_359 : memref<128xi32, #tpu.memory_space<vmem>>) semaphore(%dma_start3A_363 : memref<!tpu.dma_semaphore, #tpu.memory_space<semaphore_mem>>)
      } else {
      }
      %scan3A_347 = arith.constant 0 : i32
      scf.yield %scan3A_347 : i32
    }
    %scan3A_124 = arith.constant 10 : i32
    %barrier3A_125 = arith.constant 0 : index
    tpu.barrier barrier_id(%barrier3A_125)
    %mul3A_126 = arith.constant 10000 : i32
    %mul3A_127 = arith.muli %arg0, %mul3A_126 : i32
    %lt3A_128 = arith.constant 15 : i32
    %lt3A_129 = arith.cmpi slt, %arg1, %lt3A_128 : i32
    %convert_element_type3A_130 = arith.extui %lt3A_129 : i1 to i32
    %cond3A_131 = arith.constant 0 : i32
    %cond3A_132 = arith.cmpi ne, %convert_element_type3A_130, %cond3A_131 : i32
    scf.if %cond3A_132 {
      %mul3A_138 = arith.constant 640 : i32
      %mul3A_139 = arith.muli %arg1, %mul3A_138 : i32
      %add3A = arith.constant 0 : i32
      %add3A_140 = arith.addi %add3A, %mul3A_139 : i32
      "tpu.region"() ({
        %run_scoped3A = tpu.sem_alloc : memref<!tpu.dma_semaphore, #tpu.memory_space<semaphore_mem>>
        %dma_start3A_144 = arith.constant 0 : i32
        %dma_start3A_145 = tpu.memref_slice %arg10[%dma_start3A_144] : memref<640xf32, #tpu.memory_space<vmem>> -> memref<640xf32, #tpu.memory_space<vmem>>
        %dma_start3A_146 = tpu.memref_slice %arg11[%add3A_140] : memref<10016xf32, #tpu.memory_space<vmem_shared>> -> memref<640xf32, #tpu.memory_space<vmem_shared>>
        %dma_start3A_147 = arith.constant 0 : i32
        %dma_start3A_148 = tpu.memref_slice %arg10[%dma_start3A_147] : memref<640xf32, #tpu.memory_space<vmem>> -> memref<640xf32, #tpu.memory_space<vmem>>
        %dma_start3A_149 = tpu.memref_slice %arg11[%add3A_140] : memref<10016xf32, #tpu.memory_space<vmem_shared>> -> memref<640xf32, #tpu.memory_space<vmem_shared>>
        tpu.enqueue_dma source(%dma_start3A_149 : memref<640xf32, #tpu.memory_space<vmem_shared>>) target(%dma_start3A_148 : memref<640xf32, #tpu.memory_space<vmem>>) target_semaphore(%run_scoped3A : memref<!tpu.dma_semaphore, #tpu.memory_space<semaphore_mem>>)
        %dma_wait3A = arith.constant 0 : i32
        %dma_wait3A_150 = tpu.memref_slice %arg10[%dma_wait3A] : memref<640xf32, #tpu.memory_space<vmem>> -> memref<640xf32, #tpu.memory_space<vmem>>
        %dma_wait3A_151 = tpu.memref_slice %arg11[%add3A_140] : memref<10016xf32, #tpu.memory_space<vmem_shared>> -> memref<640xf32, #tpu.memory_space<vmem_shared>>
        %dma_wait3A_152 = arith.constant 0 : i32
        %dma_wait3A_153 = tpu.memref_slice %arg10[%dma_wait3A_152] : memref<640xf32, #tpu.memory_space<vmem>> -> memref<640xf32, #tpu.memory_space<vmem>>
        %dma_wait3A_154 = tpu.memref_slice %arg11[%add3A_140] : memref<10016xf32, #tpu.memory_space<vmem_shared>> -> memref<640xf32, #tpu.memory_space<vmem_shared>>
        tpu.wait_dma2 semaphore(%run_scoped3A : memref<!tpu.dma_semaphore, #tpu.memory_space<semaphore_mem>>) src(%dma_wait3A_154 : memref<640xf32, #tpu.memory_space<vmem_shared>>) dst(%dma_wait3A_153 : memref<640xf32, #tpu.memory_space<vmem>>)
        tpu.yield
      }) : () -> ()
      %mul3A_141 = arith.constant 640 : i32
      %mul3A_142 = arith.muli %arg1, %mul3A_141 : i32
      %add3A_143 = arith.addi %mul3A_127, %mul3A_142 : i32
      "tpu.region"() ({
        %run_scoped3A = tpu.sem_alloc : memref<!tpu.dma_semaphore, #tpu.memory_space<semaphore_mem>>
        %dma_start3A_144 = arith.constant 0 : i32
        %dma_start3A_145 = tpu.memref_slice %arg10[%dma_start3A_144] : memref<640xf32, #tpu.memory_space<vmem>> -> memref<640xf32, #tpu.memory_space<vmem>>
        %dma_start3A_146 = tpu.memref_slice %arg6[%add3A_143] : memref<20000xf32, #tpu.memory_space<hbm>> -> memref<640xf32, #tpu.memory_space<hbm>>
        %dma_start3A_147 = tpu.memref_slice %arg6[%add3A_143] : memref<20000xf32, #tpu.memory_space<hbm>> -> memref<640xf32, #tpu.memory_space<hbm>>
        %dma_start3A_148 = arith.constant 0 : i32
        %dma_start3A_149 = tpu.memref_slice %arg10[%dma_start3A_148] : memref<640xf32, #tpu.memory_space<vmem>> -> memref<640xf32, #tpu.memory_space<vmem>>
        tpu.enqueue_dma source(%dma_start3A_149 : memref<640xf32, #tpu.memory_space<vmem>>) target(%dma_start3A_147 : memref<640xf32, #tpu.memory_space<hbm>>) target_semaphore(%run_scoped3A : memref<!tpu.dma_semaphore, #tpu.memory_space<semaphore_mem>>)
        %dma_wait3A = arith.constant 0 : i32
        %dma_wait3A_150 = tpu.memref_slice %arg10[%dma_wait3A] : memref<640xf32, #tpu.memory_space<vmem>> -> memref<640xf32, #tpu.memory_space<vmem>>
        %dma_wait3A_151 = tpu.memref_slice %arg6[%add3A_143] : memref<20000xf32, #tpu.memory_space<hbm>> -> memref<640xf32, #tpu.memory_space<hbm>>
        %dma_wait3A_152 = tpu.memref_slice %arg6[%add3A_143] : memref<20000xf32, #tpu.memory_space<hbm>> -> memref<640xf32, #tpu.memory_space<hbm>>
        %dma_wait3A_153 = arith.constant 0 : i32
        %dma_wait3A_154 = tpu.memref_slice %arg10[%dma_wait3A_153] : memref<640xf32, #tpu.memory_space<vmem>> -> memref<640xf32, #tpu.memory_space<vmem>>
        tpu.wait_dma2 semaphore(%run_scoped3A : memref<!tpu.dma_semaphore, #tpu.memory_space<semaphore_mem>>) src(%dma_wait3A_154 : memref<640xf32, #tpu.memory_space<vmem>>) dst(%dma_wait3A_152 : memref<640xf32, #tpu.memory_space<hbm>>)
        tpu.yield
      }) : () -> ()
    } else {
    }
    %eq3A_133 = arith.constant 15 : i32
    %eq3A_134 = arith.cmpi eq, %arg1, %eq3A_133 : i32
    %convert_element_type3A_135 = arith.extui %eq3A_134 : i1 to i32
    %cond3A_136 = arith.constant 0 : i32
    %cond3A_137 = arith.cmpi ne, %convert_element_type3A_135, %cond3A_136 : i32
    scf.if %cond3A_137 {
      "tpu.region"() ({
        %run_scoped3A = tpu.sem_alloc : memref<!tpu.dma_semaphore, #tpu.memory_space<semaphore_mem>>
        %dma_start3A_139 = arith.constant 0 : i32
        %dma_start3A_140 = tpu.memref_slice %arg10[%dma_start3A_139] : memref<640xf32, #tpu.memory_space<vmem>> -> memref<400xf32, #tpu.memory_space<vmem>>
        %dma_start3A_141 = arith.constant 9600 : i32
        %dma_start3A_142 = tpu.memref_slice %arg11[%dma_start3A_141] : memref<10016xf32, #tpu.memory_space<vmem_shared>> -> memref<400xf32, #tpu.memory_space<vmem_shared>>
        %dma_start3A_143 = arith.constant 0 : i32
        %dma_start3A_144 = tpu.memref_slice %arg10[%dma_start3A_143] : memref<640xf32, #tpu.memory_space<vmem>> -> memref<400xf32, #tpu.memory_space<vmem>>
        %dma_start3A_145 = arith.constant 9600 : i32
        %dma_start3A_146 = tpu.memref_slice %arg11[%dma_start3A_145] : memref<10016xf32, #tpu.memory_space<vmem_shared>> -> memref<400xf32, #tpu.memory_space<vmem_shared>>
        tpu.enqueue_dma source(%dma_start3A_146 : memref<400xf32, #tpu.memory_space<vmem_shared>>) target(%dma_start3A_144 : memref<400xf32, #tpu.memory_space<vmem>>) target_semaphore(%run_scoped3A : memref<!tpu.dma_semaphore, #tpu.memory_space<semaphore_mem>>)
        %dma_wait3A = arith.constant 0 : i32
        %dma_wait3A_147 = tpu.memref_slice %arg10[%dma_wait3A] : memref<640xf32, #tpu.memory_space<vmem>> -> memref<400xf32, #tpu.memory_space<vmem>>
        %dma_wait3A_148 = arith.constant 9600 : i32
        %dma_wait3A_149 = tpu.memref_slice %arg11[%dma_wait3A_148] : memref<10016xf32, #tpu.memory_space<vmem_shared>> -> memref<400xf32, #tpu.memory_space<vmem_shared>>
        %dma_wait3A_150 = arith.constant 0 : i32
        %dma_wait3A_151 = tpu.memref_slice %arg10[%dma_wait3A_150] : memref<640xf32, #tpu.memory_space<vmem>> -> memref<400xf32, #tpu.memory_space<vmem>>
        %dma_wait3A_152 = arith.constant 9600 : i32
        %dma_wait3A_153 = tpu.memref_slice %arg11[%dma_wait3A_152] : memref<10016xf32, #tpu.memory_space<vmem_shared>> -> memref<400xf32, #tpu.memory_space<vmem_shared>>
        tpu.wait_dma2 semaphore(%run_scoped3A : memref<!tpu.dma_semaphore, #tpu.memory_space<semaphore_mem>>) src(%dma_wait3A_153 : memref<400xf32, #tpu.memory_space<vmem_shared>>) dst(%dma_wait3A_151 : memref<400xf32, #tpu.memory_space<vmem>>)
        tpu.yield
      }) : () -> ()
      %add3A = arith.constant 9600 : i32
      %add3A_138 = arith.addi %mul3A_127, %add3A : i32
      "tpu.region"() ({
        %run_scoped3A = tpu.sem_alloc : memref<!tpu.dma_semaphore, #tpu.memory_space<semaphore_mem>>
        %dma_start3A_139 = arith.constant 0 : i32
        %dma_start3A_140 = tpu.memref_slice %arg10[%dma_start3A_139] : memref<640xf32, #tpu.memory_space<vmem>> -> memref<400xf32, #tpu.memory_space<vmem>>
        %dma_start3A_141 = tpu.memref_slice %arg6[%add3A_138] : memref<20000xf32, #tpu.memory_space<hbm>> -> memref<400xf32, #tpu.memory_space<hbm>>
        %dma_start3A_142 = tpu.memref_slice %arg6[%add3A_138] : memref<20000xf32, #tpu.memory_space<hbm>> -> memref<400xf32, #tpu.memory_space<hbm>>
        %dma_start3A_143 = arith.constant 0 : i32
        %dma_start3A_144 = tpu.memref_slice %arg10[%dma_start3A_143] : memref<640xf32, #tpu.memory_space<vmem>> -> memref<400xf32, #tpu.memory_space<vmem>>
        tpu.enqueue_dma source(%dma_start3A_144 : memref<400xf32, #tpu.memory_space<vmem>>) target(%dma_start3A_142 : memref<400xf32, #tpu.memory_space<hbm>>) target_semaphore(%run_scoped3A : memref<!tpu.dma_semaphore, #tpu.memory_space<semaphore_mem>>)
        %dma_wait3A = arith.constant 0 : i32
        %dma_wait3A_145 = tpu.memref_slice %arg10[%dma_wait3A] : memref<640xf32, #tpu.memory_space<vmem>> -> memref<400xf32, #tpu.memory_space<vmem>>
        %dma_wait3A_146 = tpu.memref_slice %arg6[%add3A_138] : memref<20000xf32, #tpu.memory_space<hbm>> -> memref<400xf32, #tpu.memory_space<hbm>>
        %dma_wait3A_147 = tpu.memref_slice %arg6[%add3A_138] : memref<20000xf32, #tpu.memory_space<hbm>> -> memref<400xf32, #tpu.memory_space<hbm>>
        %dma_wait3A_148 = arith.constant 0 : i32
        %dma_wait3A_149 = tpu.memref_slice %arg10[%dma_wait3A_148] : memref<640xf32, #tpu.memory_space<vmem>> -> memref<400xf32, #tpu.memory_space<vmem>>
        tpu.wait_dma2 semaphore(%run_scoped3A : memref<!tpu.dma_semaphore, #tpu.memory_space<semaphore_mem>>) src(%dma_wait3A_149 : memref<400xf32, #tpu.memory_space<vmem>>) dst(%dma_wait3A_147 : memref<400xf32, #tpu.memory_space<hbm>>)
        tpu.yield
      }) : () -> ()
    } else {
    }
    return
  }
}

#map = affine_map<(d0, d1) -> (0, 0, 0)>
#map1 = affine_map<(d0, d1) -> (0)>
module attributes {stable_mosaic.version = 14 : i64} {
  func.func @_sc_degree(%arg0: i32, %arg1: i32, %arg2: memref<2x1280x128xi32, #tpu.memory_space<hbm>>, %arg3: memref<128xf32, #tpu.memory_space<hbm>>, %arg4: memref<10000xf32, #tpu.memory_space<hbm>>, %arg5: memref<16xf32, #tpu.memory_space<hbm>>, %arg6: memref<20000xf32, #tpu.memory_space<hbm>>, %arg7: memref<80x128xi32, #tpu.memory_space<vmem>>, %arg8: memref<128xf32, #tpu.memory_space<vmem>>, %arg9: memref<640xf32, #tpu.memory_space<vmem>>, %arg10: memref<10016xf32, #tpu.memory_space<vmem_shared>>) attributes {dimension_semantics = [#tpu.dimension_semantics<core_parallel>, #tpu.dimension_semantics<subcore_parallel>], iteration_bounds = array<i64: 2, 16>, scalar_prefetch = 0 : i64, scratch_operands = 4 : i64, tpu.core_type = #tpu.core_type<sc_vector_subcore>, window_params = [{transform_indices = #map}, {transform_indices = #map1}, {transform_indices = #map1}, {transform_indices = #map1}, {transform_indices = #map1}]} {
    %mul3A = arith.constant 80 : i32
    %mul3A_0 = arith.muli %arg1, %mul3A : i32
    "tpu.region"() ({
      %run_scoped3A = tpu.sem_alloc : memref<!tpu.dma_semaphore, #tpu.memory_space<semaphore_mem>>
      %dma_start3A = arith.constant 0 : i32
      %dma_start3A_31 = tpu.memref_slice %arg2[%arg0, %mul3A_0, %dma_start3A] : memref<2x1280x128xi32, #tpu.memory_space<hbm>> -> memref<1x80x128xi32, #tpu.memory_space<hbm>>
      %dma_start3A_32 = tpu.memref_squeeze %dma_start3A_31 : memref<1x80x128xi32, #tpu.memory_space<hbm>> -> memref<80x128xi32, #tpu.memory_space<hbm>>
      %dma_start3A_33 = arith.constant 0 : i32
      %dma_start3A_34 = tpu.memref_slice %arg2[%arg0, %mul3A_0, %dma_start3A_33] : memref<2x1280x128xi32, #tpu.memory_space<hbm>> -> memref<1x80x128xi32, #tpu.memory_space<hbm>>
      %dma_start3A_35 = tpu.memref_squeeze %dma_start3A_34 : memref<1x80x128xi32, #tpu.memory_space<hbm>> -> memref<80x128xi32, #tpu.memory_space<hbm>>
      tpu.enqueue_dma source(%dma_start3A_35 : memref<80x128xi32, #tpu.memory_space<hbm>>) target(%arg7 : memref<80x128xi32, #tpu.memory_space<vmem>>) target_semaphore(%run_scoped3A : memref<!tpu.dma_semaphore, #tpu.memory_space<semaphore_mem>>)
      %dma_wait3A = arith.constant 0 : i32
      %dma_wait3A_36 = tpu.memref_slice %arg2[%arg0, %mul3A_0, %dma_wait3A] : memref<2x1280x128xi32, #tpu.memory_space<hbm>> -> memref<1x80x128xi32, #tpu.memory_space<hbm>>
      %dma_wait3A_37 = tpu.memref_squeeze %dma_wait3A_36 : memref<1x80x128xi32, #tpu.memory_space<hbm>> -> memref<80x128xi32, #tpu.memory_space<hbm>>
      %dma_wait3A_38 = arith.constant 0 : i32
      %dma_wait3A_39 = tpu.memref_slice %arg2[%arg0, %mul3A_0, %dma_wait3A_38] : memref<2x1280x128xi32, #tpu.memory_space<hbm>> -> memref<1x80x128xi32, #tpu.memory_space<hbm>>
      %dma_wait3A_40 = tpu.memref_squeeze %dma_wait3A_39 : memref<1x80x128xi32, #tpu.memory_space<hbm>> -> memref<80x128xi32, #tpu.memory_space<hbm>>
      tpu.wait_dma2 semaphore(%run_scoped3A : memref<!tpu.dma_semaphore, #tpu.memory_space<semaphore_mem>>) src(%dma_wait3A_40 : memref<80x128xi32, #tpu.memory_space<hbm>>) dst(%arg7 : memref<80x128xi32, #tpu.memory_space<vmem>>)
      tpu.yield
    }) : () -> ()
    "tpu.region"() ({
      %run_scoped3A = tpu.sem_alloc : memref<!tpu.dma_semaphore, #tpu.memory_space<semaphore_mem>>
      tpu.enqueue_dma source(%arg3 : memref<128xf32, #tpu.memory_space<hbm>>) target(%arg8 : memref<128xf32, #tpu.memory_space<vmem>>) target_semaphore(%run_scoped3A : memref<!tpu.dma_semaphore, #tpu.memory_space<semaphore_mem>>)
      tpu.wait_dma2 semaphore(%run_scoped3A : memref<!tpu.dma_semaphore, #tpu.memory_space<semaphore_mem>>) src(%arg3 : memref<128xf32, #tpu.memory_space<hbm>>) dst(%arg8 : memref<128xf32, #tpu.memory_space<vmem>>)
      tpu.yield
    }) : () -> ()
    %lt3A = arith.constant 15 : i32
    %lt3A_1 = arith.cmpi slt, %arg1, %lt3A : i32
    %convert_element_type3A = arith.extui %lt3A_1 : i1 to i32
    %cond3A = arith.constant 0 : i32
    %cond3A_2 = arith.cmpi ne, %convert_element_type3A, %cond3A : i32
    scf.if %cond3A_2 {
      %mul3A_31 = arith.constant 640 : i32
      %mul3A_32 = arith.muli %arg1, %mul3A_31 : i32
      %add3A = arith.constant 0 : i32
      %add3A_33 = arith.addi %add3A, %mul3A_32 : i32
      "tpu.region"() ({
        %run_scoped3A = tpu.sem_alloc : memref<!tpu.dma_semaphore, #tpu.memory_space<semaphore_mem>>
        %dma_start3A = arith.constant 0 : i32
        %dma_start3A_38 = tpu.memref_slice %arg9[%dma_start3A] : memref<640xf32, #tpu.memory_space<vmem>> -> memref<640xf32, #tpu.memory_space<vmem>>
        %dma_start3A_39 = tpu.memref_slice %arg4[%add3A_33] : memref<10000xf32, #tpu.memory_space<hbm>> -> memref<640xf32, #tpu.memory_space<hbm>>
        %dma_start3A_40 = arith.constant 0 : i32
        %dma_start3A_41 = tpu.memref_slice %arg9[%dma_start3A_40] : memref<640xf32, #tpu.memory_space<vmem>> -> memref<640xf32, #tpu.memory_space<vmem>>
        %dma_start3A_42 = tpu.memref_slice %arg4[%add3A_33] : memref<10000xf32, #tpu.memory_space<hbm>> -> memref<640xf32, #tpu.memory_space<hbm>>
        tpu.enqueue_dma source(%dma_start3A_42 : memref<640xf32, #tpu.memory_space<hbm>>) target(%dma_start3A_41 : memref<640xf32, #tpu.memory_space<vmem>>) target_semaphore(%run_scoped3A : memref<!tpu.dma_semaphore, #tpu.memory_space<semaphore_mem>>)
        %dma_wait3A = arith.constant 0 : i32
        %dma_wait3A_43 = tpu.memref_slice %arg9[%dma_wait3A] : memref<640xf32, #tpu.memory_space<vmem>> -> memref<640xf32, #tpu.memory_space<vmem>>
        %dma_wait3A_44 = tpu.memref_slice %arg4[%add3A_33] : memref<10000xf32, #tpu.memory_space<hbm>> -> memref<640xf32, #tpu.memory_space<hbm>>
        %dma_wait3A_45 = arith.constant 0 : i32
        %dma_wait3A_46 = tpu.memref_slice %arg9[%dma_wait3A_45] : memref<640xf32, #tpu.memory_space<vmem>> -> memref<640xf32, #tpu.memory_space<vmem>>
        %dma_wait3A_47 = tpu.memref_slice %arg4[%add3A_33] : memref<10000xf32, #tpu.memory_space<hbm>> -> memref<640xf32, #tpu.memory_space<hbm>>
        tpu.wait_dma2 semaphore(%run_scoped3A : memref<!tpu.dma_semaphore, #tpu.memory_space<semaphore_mem>>) src(%dma_wait3A_47 : memref<640xf32, #tpu.memory_space<hbm>>) dst(%dma_wait3A_46 : memref<640xf32, #tpu.memory_space<vmem>>)
        tpu.yield
      }) : () -> ()
      %mul3A_34 = arith.constant 640 : i32
      %mul3A_35 = arith.muli %arg1, %mul3A_34 : i32
      %add3A_36 = arith.constant 0 : i32
      %add3A_37 = arith.addi %add3A_36, %mul3A_35 : i32
      "tpu.region"() ({
        %run_scoped3A = tpu.sem_alloc : memref<!tpu.dma_semaphore, #tpu.memory_space<semaphore_mem>>
        %dma_start3A = arith.constant 0 : i32
        %dma_start3A_38 = tpu.memref_slice %arg9[%dma_start3A] : memref<640xf32, #tpu.memory_space<vmem>> -> memref<640xf32, #tpu.memory_space<vmem>>
        %dma_start3A_39 = tpu.memref_slice %arg10[%add3A_37] : memref<10016xf32, #tpu.memory_space<vmem_shared>> -> memref<640xf32, #tpu.memory_space<vmem_shared>>
        %dma_start3A_40 = tpu.memref_slice %arg10[%add3A_37] : memref<10016xf32, #tpu.memory_space<vmem_shared>> -> memref<640xf32, #tpu.memory_space<vmem_shared>>
        %dma_start3A_41 = arith.constant 0 : i32
        %dma_start3A_42 = tpu.memref_slice %arg9[%dma_start3A_41] : memref<640xf32, #tpu.memory_space<vmem>> -> memref<640xf32, #tpu.memory_space<vmem>>
        tpu.enqueue_dma source(%dma_start3A_42 : memref<640xf32, #tpu.memory_space<vmem>>) target(%dma_start3A_40 : memref<640xf32, #tpu.memory_space<vmem_shared>>) target_semaphore(%run_scoped3A : memref<!tpu.dma_semaphore, #tpu.memory_space<semaphore_mem>>)
        %dma_wait3A = arith.constant 0 : i32
        %dma_wait3A_43 = tpu.memref_slice %arg9[%dma_wait3A] : memref<640xf32, #tpu.memory_space<vmem>> -> memref<640xf32, #tpu.memory_space<vmem>>
        %dma_wait3A_44 = tpu.memref_slice %arg10[%add3A_37] : memref<10016xf32, #tpu.memory_space<vmem_shared>> -> memref<640xf32, #tpu.memory_space<vmem_shared>>
        %dma_wait3A_45 = tpu.memref_slice %arg10[%add3A_37] : memref<10016xf32, #tpu.memory_space<vmem_shared>> -> memref<640xf32, #tpu.memory_space<vmem_shared>>
        %dma_wait3A_46 = arith.constant 0 : i32
        %dma_wait3A_47 = tpu.memref_slice %arg9[%dma_wait3A_46] : memref<640xf32, #tpu.memory_space<vmem>> -> memref<640xf32, #tpu.memory_space<vmem>>
        tpu.wait_dma2 semaphore(%run_scoped3A : memref<!tpu.dma_semaphore, #tpu.memory_space<semaphore_mem>>) src(%dma_wait3A_47 : memref<640xf32, #tpu.memory_space<vmem>>) dst(%dma_wait3A_45 : memref<640xf32, #tpu.memory_space<vmem_shared>>)
        tpu.yield
      }) : () -> ()
    } else {
    }
    %eq3A = arith.constant 15 : i32
    %eq3A_3 = arith.cmpi eq, %arg1, %eq3A : i32
    %convert_element_type3A_4 = arith.extui %eq3A_3 : i1 to i32
    %cond3A_5 = arith.constant 0 : i32
    %cond3A_6 = arith.cmpi ne, %convert_element_type3A_4, %cond3A_5 : i32
    scf.if %cond3A_6 {
      "tpu.region"() ({
        %run_scoped3A = tpu.sem_alloc : memref<!tpu.dma_semaphore, #tpu.memory_space<semaphore_mem>>
        %dma_start3A = arith.constant 0 : i32
        %dma_start3A_31 = tpu.memref_slice %arg9[%dma_start3A] : memref<640xf32, #tpu.memory_space<vmem>> -> memref<400xf32, #tpu.memory_space<vmem>>
        %dma_start3A_32 = arith.constant 9600 : i32
        %dma_start3A_33 = tpu.memref_slice %arg4[%dma_start3A_32] : memref<10000xf32, #tpu.memory_space<hbm>> -> memref<400xf32, #tpu.memory_space<hbm>>
        %dma_start3A_34 = arith.constant 0 : i32
        %dma_start3A_35 = tpu.memref_slice %arg9[%dma_start3A_34] : memref<640xf32, #tpu.memory_space<vmem>> -> memref<400xf32, #tpu.memory_space<vmem>>
        %dma_start3A_36 = arith.constant 9600 : i32
        %dma_start3A_37 = tpu.memref_slice %arg4[%dma_start3A_36] : memref<10000xf32, #tpu.memory_space<hbm>> -> memref<400xf32, #tpu.memory_space<hbm>>
        tpu.enqueue_dma source(%dma_start3A_37 : memref<400xf32, #tpu.memory_space<hbm>>) target(%dma_start3A_35 : memref<400xf32, #tpu.memory_space<vmem>>) target_semaphore(%run_scoped3A : memref<!tpu.dma_semaphore, #tpu.memory_space<semaphore_mem>>)
        %dma_wait3A = arith.constant 0 : i32
        %dma_wait3A_38 = tpu.memref_slice %arg9[%dma_wait3A] : memref<640xf32, #tpu.memory_space<vmem>> -> memref<400xf32, #tpu.memory_space<vmem>>
        %dma_wait3A_39 = arith.constant 9600 : i32
        %dma_wait3A_40 = tpu.memref_slice %arg4[%dma_wait3A_39] : memref<10000xf32, #tpu.memory_space<hbm>> -> memref<400xf32, #tpu.memory_space<hbm>>
        %dma_wait3A_41 = arith.constant 0 : i32
        %dma_wait3A_42 = tpu.memref_slice %arg9[%dma_wait3A_41] : memref<640xf32, #tpu.memory_space<vmem>> -> memref<400xf32, #tpu.memory_space<vmem>>
        %dma_wait3A_43 = arith.constant 9600 : i32
        %dma_wait3A_44 = tpu.memref_slice %arg4[%dma_wait3A_43] : memref<10000xf32, #tpu.memory_space<hbm>> -> memref<400xf32, #tpu.memory_space<hbm>>
        tpu.wait_dma2 semaphore(%run_scoped3A : memref<!tpu.dma_semaphore, #tpu.memory_space<semaphore_mem>>) src(%dma_wait3A_44 : memref<400xf32, #tpu.memory_space<hbm>>) dst(%dma_wait3A_42 : memref<400xf32, #tpu.memory_space<vmem>>)
        tpu.yield
      }) : () -> ()
      "tpu.region"() ({
        %run_scoped3A = tpu.sem_alloc : memref<!tpu.dma_semaphore, #tpu.memory_space<semaphore_mem>>
        %dma_start3A = arith.constant 0 : i32
        %dma_start3A_31 = tpu.memref_slice %arg9[%dma_start3A] : memref<640xf32, #tpu.memory_space<vmem>> -> memref<400xf32, #tpu.memory_space<vmem>>
        %dma_start3A_32 = arith.constant 9600 : i32
        %dma_start3A_33 = tpu.memref_slice %arg10[%dma_start3A_32] : memref<10016xf32, #tpu.memory_space<vmem_shared>> -> memref<400xf32, #tpu.memory_space<vmem_shared>>
        %dma_start3A_34 = arith.constant 9600 : i32
        %dma_start3A_35 = tpu.memref_slice %arg10[%dma_start3A_34] : memref<10016xf32, #tpu.memory_space<vmem_shared>> -> memref<400xf32, #tpu.memory_space<vmem_shared>>
        %dma_start3A_36 = arith.constant 0 : i32
        %dma_start3A_37 = tpu.memref_slice %arg9[%dma_start3A_36] : memref<640xf32, #tpu.memory_space<vmem>> -> memref<400xf32, #tpu.memory_space<vmem>>
        tpu.enqueue_dma source(%dma_start3A_37 : memref<400xf32, #tpu.memory_space<vmem>>) target(%dma_start3A_35 : memref<400xf32, #tpu.memory_space<vmem_shared>>) target_semaphore(%run_scoped3A : memref<!tpu.dma_semaphore, #tpu.memory_space<semaphore_mem>>)
        %dma_wait3A = arith.constant 0 : i32
        %dma_wait3A_38 = tpu.memref_slice %arg9[%dma_wait3A] : memref<640xf32, #tpu.memory_space<vmem>> -> memref<400xf32, #tpu.memory_space<vmem>>
        %dma_wait3A_39 = arith.constant 9600 : i32
        %dma_wait3A_40 = tpu.memref_slice %arg10[%dma_wait3A_39] : memref<10016xf32, #tpu.memory_space<vmem_shared>> -> memref<400xf32, #tpu.memory_space<vmem_shared>>
        %dma_wait3A_41 = arith.constant 9600 : i32
        %dma_wait3A_42 = tpu.memref_slice %arg10[%dma_wait3A_41] : memref<10016xf32, #tpu.memory_space<vmem_shared>> -> memref<400xf32, #tpu.memory_space<vmem_shared>>
        %dma_wait3A_43 = arith.constant 0 : i32
        %dma_wait3A_44 = tpu.memref_slice %arg9[%dma_wait3A_43] : memref<640xf32, #tpu.memory_space<vmem>> -> memref<400xf32, #tpu.memory_space<vmem>>
        tpu.wait_dma2 semaphore(%run_scoped3A : memref<!tpu.dma_semaphore, #tpu.memory_space<semaphore_mem>>) src(%dma_wait3A_44 : memref<400xf32, #tpu.memory_space<vmem>>) dst(%dma_wait3A_42 : memref<400xf32, #tpu.memory_space<vmem_shared>>)
        tpu.yield
      }) : () -> ()
    } else {
    }
    %eq3A_7 = arith.constant 0 : i32
    %eq3A_8 = arith.cmpi eq, %arg1, %eq3A_7 : i32
    %convert_element_type3A_9 = arith.extui %eq3A_8 : i1 to i32
    %cond3A_10 = arith.constant 0 : i32
    %cond3A_11 = arith.cmpi ne, %convert_element_type3A_9, %cond3A_10 : i32
    scf.if %cond3A_11 {
      "tpu.region"() ({
        %run_scoped3A = tpu.sem_alloc : memref<!tpu.dma_semaphore, #tpu.memory_space<semaphore_mem>>
        %dma_start3A = arith.constant 0 : i32
        %dma_start3A_31 = tpu.memref_slice %arg9[%dma_start3A] : memref<640xf32, #tpu.memory_space<vmem>> -> memref<16xf32, #tpu.memory_space<vmem>>
        %dma_start3A_32 = arith.constant 0 : i32
        %dma_start3A_33 = tpu.memref_slice %arg9[%dma_start3A_32] : memref<640xf32, #tpu.memory_space<vmem>> -> memref<16xf32, #tpu.memory_space<vmem>>
        tpu.enqueue_dma source(%arg5 : memref<16xf32, #tpu.memory_space<hbm>>) target(%dma_start3A_33 : memref<16xf32, #tpu.memory_space<vmem>>) target_semaphore(%run_scoped3A : memref<!tpu.dma_semaphore, #tpu.memory_space<semaphore_mem>>)
        %dma_wait3A = arith.constant 0 : i32
        %dma_wait3A_34 = tpu.memref_slice %arg9[%dma_wait3A] : memref<640xf32, #tpu.memory_space<vmem>> -> memref<16xf32, #tpu.memory_space<vmem>>
        %dma_wait3A_35 = arith.constant 0 : i32
        %dma_wait3A_36 = tpu.memref_slice %arg9[%dma_wait3A_35] : memref<640xf32, #tpu.memory_space<vmem>> -> memref<16xf32, #tpu.memory_space<vmem>>
        tpu.wait_dma2 semaphore(%run_scoped3A : memref<!tpu.dma_semaphore, #tpu.memory_space<semaphore_mem>>) src(%arg5 : memref<16xf32, #tpu.memory_space<hbm>>) dst(%dma_wait3A_36 : memref<16xf32, #tpu.memory_space<vmem>>)
        tpu.yield
      }) : () -> ()
      "tpu.region"() ({
        %run_scoped3A = tpu.sem_alloc : memref<!tpu.dma_semaphore, #tpu.memory_space<semaphore_mem>>
        %dma_start3A = arith.constant 0 : i32
        %dma_start3A_31 = tpu.memref_slice %arg9[%dma_start3A] : memref<640xf32, #tpu.memory_space<vmem>> -> memref<16xf32, #tpu.memory_space<vmem>>
        %dma_start3A_32 = arith.constant 10000 : i32
        %dma_start3A_33 = tpu.memref_slice %arg10[%dma_start3A_32] : memref<10016xf32, #tpu.memory_space<vmem_shared>> -> memref<16xf32, #tpu.memory_space<vmem_shared>>
        %dma_start3A_34 = arith.constant 10000 : i32
        %dma_start3A_35 = tpu.memref_slice %arg10[%dma_start3A_34] : memref<10016xf32, #tpu.memory_space<vmem_shared>> -> memref<16xf32, #tpu.memory_space<vmem_shared>>
        %dma_start3A_36 = arith.constant 0 : i32
        %dma_start3A_37 = tpu.memref_slice %arg9[%dma_start3A_36] : memref<640xf32, #tpu.memory_space<vmem>> -> memref<16xf32, #tpu.memory_space<vmem>>
        tpu.enqueue_dma source(%dma_start3A_37 : memref<16xf32, #tpu.memory_space<vmem>>) target(%dma_start3A_35 : memref<16xf32, #tpu.memory_space<vmem_shared>>) target_semaphore(%run_scoped3A : memref<!tpu.dma_semaphore, #tpu.memory_space<semaphore_mem>>)
        %dma_wait3A = arith.constant 0 : i32
        %dma_wait3A_38 = tpu.memref_slice %arg9[%dma_wait3A] : memref<640xf32, #tpu.memory_space<vmem>> -> memref<16xf32, #tpu.memory_space<vmem>>
        %dma_wait3A_39 = arith.constant 10000 : i32
        %dma_wait3A_40 = tpu.memref_slice %arg10[%dma_wait3A_39] : memref<10016xf32, #tpu.memory_space<vmem_shared>> -> memref<16xf32, #tpu.memory_space<vmem_shared>>
        %dma_wait3A_41 = arith.constant 10000 : i32
        %dma_wait3A_42 = tpu.memref_slice %arg10[%dma_wait3A_41] : memref<10016xf32, #tpu.memory_space<vmem_shared>> -> memref<16xf32, #tpu.memory_space<vmem_shared>>
        %dma_wait3A_43 = arith.constant 0 : i32
        %dma_wait3A_44 = tpu.memref_slice %arg9[%dma_wait3A_43] : memref<640xf32, #tpu.memory_space<vmem>> -> memref<16xf32, #tpu.memory_space<vmem>>
        tpu.wait_dma2 semaphore(%run_scoped3A : memref<!tpu.dma_semaphore, #tpu.memory_space<semaphore_mem>>) src(%dma_wait3A_44 : memref<16xf32, #tpu.memory_space<vmem>>) dst(%dma_wait3A_42 : memref<16xf32, #tpu.memory_space<vmem_shared>>)
        tpu.yield
      }) : () -> ()
    } else {
    }
    %barrier3A = arith.constant 0 : index
    tpu.barrier barrier_id(%barrier3A)
    %scan3A = arith.constant 0 : i32
    %scan3A_12 = arith.constant 0 : i32
    %scan3A_13 = arith.constant 80 : i32
    %scan3A_14 = arith.addi %scan3A_12, %scan3A_13 : i32
    %scan3A_15 = arith.constant 1 : i32
    %scan3A_16 = scf.for %scan3A_31 = %scan3A_12 to %scan3A_14 step %scan3A_15 iter_args(%scan3A_32 = %scan3A) -> (i32)  : i32 {
      "tpu.region"() ({
        %run_scoped3A = tpu.sem_alloc : memref<!tpu.dma_semaphore, #tpu.memory_space<semaphore_mem>>
        %dma_start3A = arith.constant 0 : i32
        %dma_start3A_34 = tpu.memref_slice %arg7[%scan3A_31, %dma_start3A] : memref<80x128xi32, #tpu.memory_space<vmem>> -> memref<1x128xi32, #tpu.memory_space<vmem>>
        %dma_start3A_35 = tpu.memref_squeeze %dma_start3A_34 : memref<1x128xi32, #tpu.memory_space<vmem>> -> memref<128xi32, #tpu.memory_space<vmem>>
        %dma_start3A_36 = arith.constant 0 : i32
        %dma_start3A_37 = tpu.memref_slice %arg10[%dma_start3A_36] : memref<10016xf32, #tpu.memory_space<vmem_shared>> -> memref<10016xf32, #tpu.memory_space<vmem_shared>>
        tpu.enqueue_indirect_dma source(%arg8 : memref<128xf32, #tpu.memory_space<vmem>>) target(%dma_start3A_37 : memref<10016xf32, #tpu.memory_space<vmem_shared>>) offsets(%dma_start3A_35 : memref<128xi32, #tpu.memory_space<vmem>>) semaphore(%run_scoped3A : memref<!tpu.dma_semaphore, #tpu.memory_space<semaphore_mem>>) {add = true}
        %dma_wait3A = arith.constant 0 : i32
        %dma_wait3A_38 = tpu.memref_slice %arg7[%scan3A_31, %dma_wait3A] : memref<80x128xi32, #tpu.memory_space<vmem>> -> memref<1x128xi32, #tpu.memory_space<vmem>>
        %dma_wait3A_39 = tpu.memref_squeeze %dma_wait3A_38 : memref<1x128xi32, #tpu.memory_space<vmem>> -> memref<128xi32, #tpu.memory_space<vmem>>
        %dma_wait3A_40 = arith.constant 0 : i32
        %dma_wait3A_41 = tpu.memref_slice %arg10[%dma_wait3A_40] : memref<10016xf32, #tpu.memory_space<vmem_shared>> -> memref<10016xf32, #tpu.memory_space<vmem_shared>>
        tpu.wait_indirect_dma semaphore(%run_scoped3A : memref<!tpu.dma_semaphore, #tpu.memory_space<semaphore_mem>>) src(%arg8 : memref<128xf32, #tpu.memory_space<vmem>>) dst(%dma_wait3A_41 : memref<10016xf32, #tpu.memory_space<vmem_shared>>)
        tpu.yield
      }) : () -> ()
      %scan3A_33 = arith.constant 0 : i32
      scf.yield %scan3A_33 : i32
    }
    %scan3A_17 = arith.constant 80 : i32
    %barrier3A_18 = arith.constant 0 : index
    tpu.barrier barrier_id(%barrier3A_18)
    %mul3A_19 = arith.constant 10000 : i32
    %mul3A_20 = arith.muli %arg0, %mul3A_19 : i32
    %lt3A_21 = arith.constant 15 : i32
    %lt3A_22 = arith.cmpi slt, %arg1, %lt3A_21 : i32
    %convert_element_type3A_23 = arith.extui %lt3A_22 : i1 to i32
    %cond3A_24 = arith.constant 0 : i32
    %cond3A_25 = arith.cmpi ne, %convert_element_type3A_23, %cond3A_24 : i32
    scf.if %cond3A_25 {
      %mul3A_31 = arith.constant 640 : i32
      %mul3A_32 = arith.muli %arg1, %mul3A_31 : i32
      %add3A = arith.constant 0 : i32
      %add3A_33 = arith.addi %add3A, %mul3A_32 : i32
      "tpu.region"() ({
        %run_scoped3A = tpu.sem_alloc : memref<!tpu.dma_semaphore, #tpu.memory_space<semaphore_mem>>
        %dma_start3A = arith.constant 0 : i32
        %dma_start3A_37 = tpu.memref_slice %arg9[%dma_start3A] : memref<640xf32, #tpu.memory_space<vmem>> -> memref<640xf32, #tpu.memory_space<vmem>>
        %dma_start3A_38 = tpu.memref_slice %arg10[%add3A_33] : memref<10016xf32, #tpu.memory_space<vmem_shared>> -> memref<640xf32, #tpu.memory_space<vmem_shared>>
        %dma_start3A_39 = arith.constant 0 : i32
        %dma_start3A_40 = tpu.memref_slice %arg9[%dma_start3A_39] : memref<640xf32, #tpu.memory_space<vmem>> -> memref<640xf32, #tpu.memory_space<vmem>>
        %dma_start3A_41 = tpu.memref_slice %arg10[%add3A_33] : memref<10016xf32, #tpu.memory_space<vmem_shared>> -> memref<640xf32, #tpu.memory_space<vmem_shared>>
        tpu.enqueue_dma source(%dma_start3A_41 : memref<640xf32, #tpu.memory_space<vmem_shared>>) target(%dma_start3A_40 : memref<640xf32, #tpu.memory_space<vmem>>) target_semaphore(%run_scoped3A : memref<!tpu.dma_semaphore, #tpu.memory_space<semaphore_mem>>)
        %dma_wait3A = arith.constant 0 : i32
        %dma_wait3A_42 = tpu.memref_slice %arg9[%dma_wait3A] : memref<640xf32, #tpu.memory_space<vmem>> -> memref<640xf32, #tpu.memory_space<vmem>>
        %dma_wait3A_43 = tpu.memref_slice %arg10[%add3A_33] : memref<10016xf32, #tpu.memory_space<vmem_shared>> -> memref<640xf32, #tpu.memory_space<vmem_shared>>
        %dma_wait3A_44 = arith.constant 0 : i32
        %dma_wait3A_45 = tpu.memref_slice %arg9[%dma_wait3A_44] : memref<640xf32, #tpu.memory_space<vmem>> -> memref<640xf32, #tpu.memory_space<vmem>>
        %dma_wait3A_46 = tpu.memref_slice %arg10[%add3A_33] : memref<10016xf32, #tpu.memory_space<vmem_shared>> -> memref<640xf32, #tpu.memory_space<vmem_shared>>
        tpu.wait_dma2 semaphore(%run_scoped3A : memref<!tpu.dma_semaphore, #tpu.memory_space<semaphore_mem>>) src(%dma_wait3A_46 : memref<640xf32, #tpu.memory_space<vmem_shared>>) dst(%dma_wait3A_45 : memref<640xf32, #tpu.memory_space<vmem>>)
        tpu.yield
      }) : () -> ()
      %mul3A_34 = arith.constant 640 : i32
      %mul3A_35 = arith.muli %arg1, %mul3A_34 : i32
      %add3A_36 = arith.addi %mul3A_20, %mul3A_35 : i32
      "tpu.region"() ({
        %run_scoped3A = tpu.sem_alloc : memref<!tpu.dma_semaphore, #tpu.memory_space<semaphore_mem>>
        %dma_start3A = arith.constant 0 : i32
        %dma_start3A_37 = tpu.memref_slice %arg9[%dma_start3A] : memref<640xf32, #tpu.memory_space<vmem>> -> memref<640xf32, #tpu.memory_space<vmem>>
        %dma_start3A_38 = tpu.memref_slice %arg6[%add3A_36] : memref<20000xf32, #tpu.memory_space<hbm>> -> memref<640xf32, #tpu.memory_space<hbm>>
        %dma_start3A_39 = tpu.memref_slice %arg6[%add3A_36] : memref<20000xf32, #tpu.memory_space<hbm>> -> memref<640xf32, #tpu.memory_space<hbm>>
        %dma_start3A_40 = arith.constant 0 : i32
        %dma_start3A_41 = tpu.memref_slice %arg9[%dma_start3A_40] : memref<640xf32, #tpu.memory_space<vmem>> -> memref<640xf32, #tpu.memory_space<vmem>>
        tpu.enqueue_dma source(%dma_start3A_41 : memref<640xf32, #tpu.memory_space<vmem>>) target(%dma_start3A_39 : memref<640xf32, #tpu.memory_space<hbm>>) target_semaphore(%run_scoped3A : memref<!tpu.dma_semaphore, #tpu.memory_space<semaphore_mem>>)
        %dma_wait3A = arith.constant 0 : i32
        %dma_wait3A_42 = tpu.memref_slice %arg9[%dma_wait3A] : memref<640xf32, #tpu.memory_space<vmem>> -> memref<640xf32, #tpu.memory_space<vmem>>
        %dma_wait3A_43 = tpu.memref_slice %arg6[%add3A_36] : memref<20000xf32, #tpu.memory_space<hbm>> -> memref<640xf32, #tpu.memory_space<hbm>>
        %dma_wait3A_44 = tpu.memref_slice %arg6[%add3A_36] : memref<20000xf32, #tpu.memory_space<hbm>> -> memref<640xf32, #tpu.memory_space<hbm>>
        %dma_wait3A_45 = arith.constant 0 : i32
        %dma_wait3A_46 = tpu.memref_slice %arg9[%dma_wait3A_45] : memref<640xf32, #tpu.memory_space<vmem>> -> memref<640xf32, #tpu.memory_space<vmem>>
        tpu.wait_dma2 semaphore(%run_scoped3A : memref<!tpu.dma_semaphore, #tpu.memory_space<semaphore_mem>>) src(%dma_wait3A_46 : memref<640xf32, #tpu.memory_space<vmem>>) dst(%dma_wait3A_44 : memref<640xf32, #tpu.memory_space<hbm>>)
        tpu.yield
      }) : () -> ()
    } else {
    }
    %eq3A_26 = arith.constant 15 : i32
    %eq3A_27 = arith.cmpi eq, %arg1, %eq3A_26 : i32
    %convert_element_type3A_28 = arith.extui %eq3A_27 : i1 to i32
    %cond3A_29 = arith.constant 0 : i32
    %cond3A_30 = arith.cmpi ne, %convert_element_type3A_28, %cond3A_29 : i32
    scf.if %cond3A_30 {
      "tpu.region"() ({
        %run_scoped3A = tpu.sem_alloc : memref<!tpu.dma_semaphore, #tpu.memory_space<semaphore_mem>>
        %dma_start3A = arith.constant 0 : i32
        %dma_start3A_32 = tpu.memref_slice %arg9[%dma_start3A] : memref<640xf32, #tpu.memory_space<vmem>> -> memref<400xf32, #tpu.memory_space<vmem>>
        %dma_start3A_33 = arith.constant 9600 : i32
        %dma_start3A_34 = tpu.memref_slice %arg10[%dma_start3A_33] : memref<10016xf32, #tpu.memory_space<vmem_shared>> -> memref<400xf32, #tpu.memory_space<vmem_shared>>
        %dma_start3A_35 = arith.constant 0 : i32
        %dma_start3A_36 = tpu.memref_slice %arg9[%dma_start3A_35] : memref<640xf32, #tpu.memory_space<vmem>> -> memref<400xf32, #tpu.memory_space<vmem>>
        %dma_start3A_37 = arith.constant 9600 : i32
        %dma_start3A_38 = tpu.memref_slice %arg10[%dma_start3A_37] : memref<10016xf32, #tpu.memory_space<vmem_shared>> -> memref<400xf32, #tpu.memory_space<vmem_shared>>
        tpu.enqueue_dma source(%dma_start3A_38 : memref<400xf32, #tpu.memory_space<vmem_shared>>) target(%dma_start3A_36 : memref<400xf32, #tpu.memory_space<vmem>>) target_semaphore(%run_scoped3A : memref<!tpu.dma_semaphore, #tpu.memory_space<semaphore_mem>>)
        %dma_wait3A = arith.constant 0 : i32
        %dma_wait3A_39 = tpu.memref_slice %arg9[%dma_wait3A] : memref<640xf32, #tpu.memory_space<vmem>> -> memref<400xf32, #tpu.memory_space<vmem>>
        %dma_wait3A_40 = arith.constant 9600 : i32
        %dma_wait3A_41 = tpu.memref_slice %arg10[%dma_wait3A_40] : memref<10016xf32, #tpu.memory_space<vmem_shared>> -> memref<400xf32, #tpu.memory_space<vmem_shared>>
        %dma_wait3A_42 = arith.constant 0 : i32
        %dma_wait3A_43 = tpu.memref_slice %arg9[%dma_wait3A_42] : memref<640xf32, #tpu.memory_space<vmem>> -> memref<400xf32, #tpu.memory_space<vmem>>
        %dma_wait3A_44 = arith.constant 9600 : i32
        %dma_wait3A_45 = tpu.memref_slice %arg10[%dma_wait3A_44] : memref<10016xf32, #tpu.memory_space<vmem_shared>> -> memref<400xf32, #tpu.memory_space<vmem_shared>>
        tpu.wait_dma2 semaphore(%run_scoped3A : memref<!tpu.dma_semaphore, #tpu.memory_space<semaphore_mem>>) src(%dma_wait3A_45 : memref<400xf32, #tpu.memory_space<vmem_shared>>) dst(%dma_wait3A_43 : memref<400xf32, #tpu.memory_space<vmem>>)
        tpu.yield
      }) : () -> ()
      %add3A = arith.constant 9600 : i32
      %add3A_31 = arith.addi %mul3A_20, %add3A : i32
      "tpu.region"() ({
        %run_scoped3A = tpu.sem_alloc : memref<!tpu.dma_semaphore, #tpu.memory_space<semaphore_mem>>
        %dma_start3A = arith.constant 0 : i32
        %dma_start3A_32 = tpu.memref_slice %arg9[%dma_start3A] : memref<640xf32, #tpu.memory_space<vmem>> -> memref<400xf32, #tpu.memory_space<vmem>>
        %dma_start3A_33 = tpu.memref_slice %arg6[%add3A_31] : memref<20000xf32, #tpu.memory_space<hbm>> -> memref<400xf32, #tpu.memory_space<hbm>>
        %dma_start3A_34 = tpu.memref_slice %arg6[%add3A_31] : memref<20000xf32, #tpu.memory_space<hbm>> -> memref<400xf32, #tpu.memory_space<hbm>>
        %dma_start3A_35 = arith.constant 0 : i32
        %dma_start3A_36 = tpu.memref_slice %arg9[%dma_start3A_35] : memref<640xf32, #tpu.memory_space<vmem>> -> memref<400xf32, #tpu.memory_space<vmem>>
        tpu.enqueue_dma source(%dma_start3A_36 : memref<400xf32, #tpu.memory_space<vmem>>) target(%dma_start3A_34 : memref<400xf32, #tpu.memory_space<hbm>>) target_semaphore(%run_scoped3A : memref<!tpu.dma_semaphore, #tpu.memory_space<semaphore_mem>>)
        %dma_wait3A = arith.constant 0 : i32
        %dma_wait3A_37 = tpu.memref_slice %arg9[%dma_wait3A] : memref<640xf32, #tpu.memory_space<vmem>> -> memref<400xf32, #tpu.memory_space<vmem>>
        %dma_wait3A_38 = tpu.memref_slice %arg6[%add3A_31] : memref<20000xf32, #tpu.memory_space<hbm>> -> memref<400xf32, #tpu.memory_space<hbm>>
        %dma_wait3A_39 = tpu.memref_slice %arg6[%add3A_31] : memref<20000xf32, #tpu.memory_space<hbm>> -> memref<400xf32, #tpu.memory_space<hbm>>
        %dma_wait3A_40 = arith.constant 0 : i32
        %dma_wait3A_41 = tpu.memref_slice %arg9[%dma_wait3A_40] : memref<640xf32, #tpu.memory_space<vmem>> -> memref<400xf32, #tpu.memory_space<vmem>>
        tpu.wait_dma2 semaphore(%run_scoped3A : memref<!tpu.dma_semaphore, #tpu.memory_space<semaphore_mem>>) src(%dma_wait3A_41 : memref<400xf32, #tpu.memory_space<vmem>>) dst(%dma_wait3A_39 : memref<400xf32, #tpu.memory_space<hbm>>)
        tpu.yield
      }) : () -> ()
    } else {
    }
    return
  }
}

#map = affine_map<(d0, d1) -> (0, 0, 0)>
#map1 = affine_map<(d0, d1) -> (0, 0)>
module attributes {stable_mosaic.version = 14 : i64} {
  func.func @_sc_row_agg(%arg0: i32, %arg1: i32, %arg2: memref<2x1280x128xi32, #tpu.memory_space<hbm>>, %arg3: memref<2x1280x128xi32, #tpu.memory_space<hbm>>, %arg4: memref<20000x128xf32, #tpu.memory_space<hbm>>, %arg5: memref<16x128xf32, #tpu.memory_space<hbm>>, %arg6: memref<20000x128xf32, #tpu.memory_space<hbm>>, %arg7: memref<40x128xi32, #tpu.memory_space<vmem>>, %arg8: memref<40x128xi32, #tpu.memory_space<vmem>>, %arg9: memref<2x128x128xf32, #tpu.memory_space<vmem>>, %arg10: memref<10016x128xf32, #tpu.memory_space<vmem_shared>>, %arg11: memref<2x!tpu.dma_semaphore, #tpu.memory_space<semaphore_mem>>) attributes {dimension_semantics = [#tpu.dimension_semantics<core_parallel>, #tpu.dimension_semantics<subcore_parallel>], iteration_bounds = array<i64: 2, 16>, scalar_prefetch = 0 : i64, scratch_operands = 5 : i64, tpu.core_type = #tpu.core_type<sc_vector_subcore>, window_params = [{transform_indices = #map}, {transform_indices = #map}, {transform_indices = #map1}, {transform_indices = #map1}, {transform_indices = #map1}]} {
    %mul3A = arith.constant 10000 : i32
    %mul3A_0 = arith.muli %arg0, %mul3A : i32
    %lt3A = arith.constant 15 : i32
    %lt3A_1 = arith.cmpi slt, %arg1, %lt3A : i32
    %convert_element_type3A = arith.extui %lt3A_1 : i1 to i32
    %cond3A = arith.constant 0 : i32
    %cond3A_2 = arith.cmpi ne, %convert_element_type3A, %cond3A : i32
    scf.if %cond3A_2 {
      %mul3A_104 = arith.constant 640 : i32
      %mul3A_105 = arith.muli %arg1, %mul3A_104 : i32
      %add3A_106 = arith.addi %mul3A_0, %mul3A_105 : i32
      %mul3A_107 = arith.constant 640 : i32
      %mul3A_108 = arith.muli %arg1, %mul3A_107 : i32
      %add3A_109 = arith.constant 0 : i32
      %add3A_110 = arith.addi %add3A_109, %mul3A_108 : i32
      "tpu.region"() ({
        %run_scoped3A = tpu.sem_alloc : memref<!tpu.dma_semaphore, #tpu.memory_space<semaphore_mem>>
        %dma_start3A_111 = arith.constant 0 : i32
        %dma_start3A_112 = tpu.memref_slice %arg10[%add3A_110, %dma_start3A_111] : memref<10016x128xf32, #tpu.memory_space<vmem_shared>> -> memref<640x128xf32, #tpu.memory_space<vmem_shared>>
        %dma_start3A_113 = arith.constant 0 : i32
        %dma_start3A_114 = tpu.memref_slice %arg4[%add3A_106, %dma_start3A_113] : memref<20000x128xf32, #tpu.memory_space<hbm>> -> memref<640x128xf32, #tpu.memory_space<hbm>>
        tpu.enqueue_dma source(%dma_start3A_114 : memref<640x128xf32, #tpu.memory_space<hbm>>) target(%dma_start3A_112 : memref<640x128xf32, #tpu.memory_space<vmem_shared>>) target_semaphore(%run_scoped3A : memref<!tpu.dma_semaphore, #tpu.memory_space<semaphore_mem>>)
        %dma_wait3A = arith.constant 0 : i32
        %dma_wait3A_115 = tpu.memref_slice %arg10[%add3A_110, %dma_wait3A] : memref<10016x128xf32, #tpu.memory_space<vmem_shared>> -> memref<640x128xf32, #tpu.memory_space<vmem_shared>>
        %dma_wait3A_116 = arith.constant 0 : i32
        %dma_wait3A_117 = tpu.memref_slice %arg4[%add3A_106, %dma_wait3A_116] : memref<20000x128xf32, #tpu.memory_space<hbm>> -> memref<640x128xf32, #tpu.memory_space<hbm>>
        tpu.wait_dma2 semaphore(%run_scoped3A : memref<!tpu.dma_semaphore, #tpu.memory_space<semaphore_mem>>) src(%dma_wait3A_117 : memref<640x128xf32, #tpu.memory_space<hbm>>) dst(%dma_wait3A_115 : memref<640x128xf32, #tpu.memory_space<vmem_shared>>)
        tpu.yield
      }) : () -> ()
    } else {
    }
    %eq3A = arith.constant 15 : i32
    %eq3A_3 = arith.cmpi eq, %arg1, %eq3A : i32
    %convert_element_type3A_4 = arith.extui %eq3A_3 : i1 to i32
    %cond3A_5 = arith.constant 0 : i32
    %cond3A_6 = arith.cmpi ne, %convert_element_type3A_4, %cond3A_5 : i32
    scf.if %cond3A_6 {
      %add3A_104 = arith.constant 9600 : i32
      %add3A_105 = arith.addi %mul3A_0, %add3A_104 : i32
      "tpu.region"() ({
        %run_scoped3A = tpu.sem_alloc : memref<!tpu.dma_semaphore, #tpu.memory_space<semaphore_mem>>
        %dma_start3A_106 = arith.constant 9600 : i32
        %dma_start3A_107 = arith.constant 0 : i32
        %dma_start3A_108 = tpu.memref_slice %arg10[%dma_start3A_106, %dma_start3A_107] : memref<10016x128xf32, #tpu.memory_space<vmem_shared>> -> memref<400x128xf32, #tpu.memory_space<vmem_shared>>
        %dma_start3A_109 = arith.constant 0 : i32
        %dma_start3A_110 = tpu.memref_slice %arg4[%add3A_105, %dma_start3A_109] : memref<20000x128xf32, #tpu.memory_space<hbm>> -> memref<400x128xf32, #tpu.memory_space<hbm>>
        tpu.enqueue_dma source(%dma_start3A_110 : memref<400x128xf32, #tpu.memory_space<hbm>>) target(%dma_start3A_108 : memref<400x128xf32, #tpu.memory_space<vmem_shared>>) target_semaphore(%run_scoped3A : memref<!tpu.dma_semaphore, #tpu.memory_space<semaphore_mem>>)
        %dma_wait3A = arith.constant 9600 : i32
        %dma_wait3A_111 = arith.constant 0 : i32
        %dma_wait3A_112 = tpu.memref_slice %arg10[%dma_wait3A, %dma_wait3A_111] : memref<10016x128xf32, #tpu.memory_space<vmem_shared>> -> memref<400x128xf32, #tpu.memory_space<vmem_shared>>
        %dma_wait3A_113 = arith.constant 0 : i32
        %dma_wait3A_114 = tpu.memref_slice %arg4[%add3A_105, %dma_wait3A_113] : memref<20000x128xf32, #tpu.memory_space<hbm>> -> memref<400x128xf32, #tpu.memory_space<hbm>>
        tpu.wait_dma2 semaphore(%run_scoped3A : memref<!tpu.dma_semaphore, #tpu.memory_space<semaphore_mem>>) src(%dma_wait3A_114 : memref<400x128xf32, #tpu.memory_space<hbm>>) dst(%dma_wait3A_112 : memref<400x128xf32, #tpu.memory_space<vmem_shared>>)
        tpu.yield
      }) : () -> ()
    } else {
    }
    %eq3A_7 = arith.constant 0 : i32
    %eq3A_8 = arith.cmpi eq, %arg1, %eq3A_7 : i32
    %convert_element_type3A_9 = arith.extui %eq3A_8 : i1 to i32
    %cond3A_10 = arith.constant 0 : i32
    %cond3A_11 = arith.cmpi ne, %convert_element_type3A_9, %cond3A_10 : i32
    scf.if %cond3A_11 {
      "tpu.region"() ({
        %run_scoped3A = tpu.sem_alloc : memref<!tpu.dma_semaphore, #tpu.memory_space<semaphore_mem>>
        %dma_start3A_104 = arith.constant 10000 : i32
        %dma_start3A_105 = arith.constant 0 : i32
        %dma_start3A_106 = tpu.memref_slice %arg10[%dma_start3A_104, %dma_start3A_105] : memref<10016x128xf32, #tpu.memory_space<vmem_shared>> -> memref<16x128xf32, #tpu.memory_space<vmem_shared>>
        tpu.enqueue_dma source(%arg5 : memref<16x128xf32, #tpu.memory_space<hbm>>) target(%dma_start3A_106 : memref<16x128xf32, #tpu.memory_space<vmem_shared>>) target_semaphore(%run_scoped3A : memref<!tpu.dma_semaphore, #tpu.memory_space<semaphore_mem>>)
        %dma_wait3A = arith.constant 10000 : i32
        %dma_wait3A_107 = arith.constant 0 : i32
        %dma_wait3A_108 = tpu.memref_slice %arg10[%dma_wait3A, %dma_wait3A_107] : memref<10016x128xf32, #tpu.memory_space<vmem_shared>> -> memref<16x128xf32, #tpu.memory_space<vmem_shared>>
        tpu.wait_dma2 semaphore(%run_scoped3A : memref<!tpu.dma_semaphore, #tpu.memory_space<semaphore_mem>>) src(%arg5 : memref<16x128xf32, #tpu.memory_space<hbm>>) dst(%dma_wait3A_108 : memref<16x128xf32, #tpu.memory_space<vmem_shared>>)
        tpu.yield
      }) : () -> ()
    } else {
    }
    %barrier3A = arith.constant 0 : index
    tpu.barrier barrier_id(%barrier3A)
    %mul3A_12 = arith.constant 80 : i32
    %mul3A_13 = arith.muli %arg1, %mul3A_12 : i32
    %add3A = arith.constant 0 : i32
    %add3A_14 = arith.addi %mul3A_13, %add3A : i32
    "tpu.region"() ({
      %run_scoped3A = tpu.sem_alloc : memref<!tpu.dma_semaphore, #tpu.memory_space<semaphore_mem>>
      %dma_start3A_104 = arith.constant 0 : i32
      %dma_start3A_105 = tpu.memref_slice %arg2[%arg0, %add3A_14, %dma_start3A_104] : memref<2x1280x128xi32, #tpu.memory_space<hbm>> -> memref<1x40x128xi32, #tpu.memory_space<hbm>>
      %dma_start3A_106 = tpu.memref_squeeze %dma_start3A_105 : memref<1x40x128xi32, #tpu.memory_space<hbm>> -> memref<40x128xi32, #tpu.memory_space<hbm>>
      %dma_start3A_107 = arith.constant 0 : i32
      %dma_start3A_108 = tpu.memref_slice %arg2[%arg0, %add3A_14, %dma_start3A_107] : memref<2x1280x128xi32, #tpu.memory_space<hbm>> -> memref<1x40x128xi32, #tpu.memory_space<hbm>>
      %dma_start3A_109 = tpu.memref_squeeze %dma_start3A_108 : memref<1x40x128xi32, #tpu.memory_space<hbm>> -> memref<40x128xi32, #tpu.memory_space<hbm>>
      tpu.enqueue_dma source(%dma_start3A_109 : memref<40x128xi32, #tpu.memory_space<hbm>>) target(%arg7 : memref<40x128xi32, #tpu.memory_space<vmem>>) target_semaphore(%run_scoped3A : memref<!tpu.dma_semaphore, #tpu.memory_space<semaphore_mem>>)
      %dma_wait3A = arith.constant 0 : i32
      %dma_wait3A_110 = tpu.memref_slice %arg2[%arg0, %add3A_14, %dma_wait3A] : memref<2x1280x128xi32, #tpu.memory_space<hbm>> -> memref<1x40x128xi32, #tpu.memory_space<hbm>>
      %dma_wait3A_111 = tpu.memref_squeeze %dma_wait3A_110 : memref<1x40x128xi32, #tpu.memory_space<hbm>> -> memref<40x128xi32, #tpu.memory_space<hbm>>
      %dma_wait3A_112 = arith.constant 0 : i32
      %dma_wait3A_113 = tpu.memref_slice %arg2[%arg0, %add3A_14, %dma_wait3A_112] : memref<2x1280x128xi32, #tpu.memory_space<hbm>> -> memref<1x40x128xi32, #tpu.memory_space<hbm>>
      %dma_wait3A_114 = tpu.memref_squeeze %dma_wait3A_113 : memref<1x40x128xi32, #tpu.memory_space<hbm>> -> memref<40x128xi32, #tpu.memory_space<hbm>>
      tpu.wait_dma2 semaphore(%run_scoped3A : memref<!tpu.dma_semaphore, #tpu.memory_space<semaphore_mem>>) src(%dma_wait3A_114 : memref<40x128xi32, #tpu.memory_space<hbm>>) dst(%arg7 : memref<40x128xi32, #tpu.memory_space<vmem>>)
      tpu.yield
    }) : () -> ()
    "tpu.region"() ({
      %run_scoped3A = tpu.sem_alloc : memref<!tpu.dma_semaphore, #tpu.memory_space<semaphore_mem>>
      %dma_start3A_104 = arith.constant 0 : i32
      %dma_start3A_105 = tpu.memref_slice %arg3[%arg0, %add3A_14, %dma_start3A_104] : memref<2x1280x128xi32, #tpu.memory_space<hbm>> -> memref<1x40x128xi32, #tpu.memory_space<hbm>>
      %dma_start3A_106 = tpu.memref_squeeze %dma_start3A_105 : memref<1x40x128xi32, #tpu.memory_space<hbm>> -> memref<40x128xi32, #tpu.memory_space<hbm>>
      %dma_start3A_107 = arith.constant 0 : i32
      %dma_start3A_108 = tpu.memref_slice %arg3[%arg0, %add3A_14, %dma_start3A_107] : memref<2x1280x128xi32, #tpu.memory_space<hbm>> -> memref<1x40x128xi32, #tpu.memory_space<hbm>>
      %dma_start3A_109 = tpu.memref_squeeze %dma_start3A_108 : memref<1x40x128xi32, #tpu.memory_space<hbm>> -> memref<40x128xi32, #tpu.memory_space<hbm>>
      tpu.enqueue_dma source(%dma_start3A_109 : memref<40x128xi32, #tpu.memory_space<hbm>>) target(%arg8 : memref<40x128xi32, #tpu.memory_space<vmem>>) target_semaphore(%run_scoped3A : memref<!tpu.dma_semaphore, #tpu.memory_space<semaphore_mem>>)
      %dma_wait3A = arith.constant 0 : i32
      %dma_wait3A_110 = tpu.memref_slice %arg3[%arg0, %add3A_14, %dma_wait3A] : memref<2x1280x128xi32, #tpu.memory_space<hbm>> -> memref<1x40x128xi32, #tpu.memory_space<hbm>>
      %dma_wait3A_111 = tpu.memref_squeeze %dma_wait3A_110 : memref<1x40x128xi32, #tpu.memory_space<hbm>> -> memref<40x128xi32, #tpu.memory_space<hbm>>
      %dma_wait3A_112 = arith.constant 0 : i32
      %dma_wait3A_113 = tpu.memref_slice %arg3[%arg0, %add3A_14, %dma_wait3A_112] : memref<2x1280x128xi32, #tpu.memory_space<hbm>> -> memref<1x40x128xi32, #tpu.memory_space<hbm>>
      %dma_wait3A_114 = tpu.memref_squeeze %dma_wait3A_113 : memref<1x40x128xi32, #tpu.memory_space<hbm>> -> memref<40x128xi32, #tpu.memory_space<hbm>>
      tpu.wait_dma2 semaphore(%run_scoped3A : memref<!tpu.dma_semaphore, #tpu.memory_space<semaphore_mem>>) src(%dma_wait3A_114 : memref<40x128xi32, #tpu.memory_space<hbm>>) dst(%arg8 : memref<40x128xi32, #tpu.memory_space<vmem>>)
      tpu.yield
    }) : () -> ()
    %dma_start3A = arith.constant 0 : i32
    %dma_start3A_15 = arith.constant 0 : i32
    %dma_start3A_16 = arith.constant 0 : i32
    %dma_start3A_17 = arith.constant 0 : i32
    %dma_start3A_18 = arith.constant 0 : i32
    %dma_start3A_19 = tpu.memref_slice %arg9[%dma_start3A_15, %dma_start3A_17, %dma_start3A_18] : memref<2x128x128xf32, #tpu.memory_space<vmem>> -> memref<1x128x128xf32, #tpu.memory_space<vmem>>
    %dma_start3A_20 = tpu.memref_squeeze %dma_start3A_19 : memref<1x128x128xf32, #tpu.memory_space<vmem>> -> memref<128x128xf32, #tpu.memory_space<vmem>>
    %dma_start3A_21 = arith.constant 0 : i32
    %dma_start3A_22 = tpu.memref_slice %arg7[%dma_start3A, %dma_start3A_21] : memref<40x128xi32, #tpu.memory_space<vmem>> -> memref<1x128xi32, #tpu.memory_space<vmem>>
    %dma_start3A_23 = tpu.memref_squeeze %dma_start3A_22 : memref<1x128xi32, #tpu.memory_space<vmem>> -> memref<128xi32, #tpu.memory_space<vmem>>
    %dma_start3A_24 = arith.constant 0 : i32
    %dma_start3A_25 = arith.constant 0 : i32
    %dma_start3A_26 = tpu.memref_slice %arg4[%dma_start3A_24, %dma_start3A_25] : memref<20000x128xf32, #tpu.memory_space<hbm>> -> memref<20000x128xf32, #tpu.memory_space<hbm>>
    %dma_start3A_27 = tpu.memref_slice %arg11[%dma_start3A_16] : memref<2x!tpu.dma_semaphore, #tpu.memory_space<semaphore_mem>> -> memref<1x!tpu.dma_semaphore, #tpu.memory_space<semaphore_mem>>
    %dma_start3A_28 = tpu.memref_squeeze %dma_start3A_27 : memref<1x!tpu.dma_semaphore, #tpu.memory_space<semaphore_mem>> -> memref<!tpu.dma_semaphore, #tpu.memory_space<semaphore_mem>>
    tpu.enqueue_indirect_dma source(%dma_start3A_26 : memref<20000x128xf32, #tpu.memory_space<hbm>>) target(%dma_start3A_20 : memref<128x128xf32, #tpu.memory_space<vmem>>) offsets(%dma_start3A_23 : memref<128xi32, #tpu.memory_space<vmem>>) semaphore(%dma_start3A_28 : memref<!tpu.dma_semaphore, #tpu.memory_space<semaphore_mem>>)
    %dma_start3A_29 = arith.constant 1 : i32
    %dma_start3A_30 = arith.constant 1 : i32
    %dma_start3A_31 = arith.constant 1 : i32
    %dma_start3A_32 = arith.constant 0 : i32
    %dma_start3A_33 = arith.constant 0 : i32
    %dma_start3A_34 = tpu.memref_slice %arg9[%dma_start3A_30, %dma_start3A_32, %dma_start3A_33] : memref<2x128x128xf32, #tpu.memory_space<vmem>> -> memref<1x128x128xf32, #tpu.memory_space<vmem>>
    %dma_start3A_35 = tpu.memref_squeeze %dma_start3A_34 : memref<1x128x128xf32, #tpu.memory_space<vmem>> -> memref<128x128xf32, #tpu.memory_space<vmem>>
    %dma_start3A_36 = arith.constant 0 : i32
    %dma_start3A_37 = tpu.memref_slice %arg7[%dma_start3A_29, %dma_start3A_36] : memref<40x128xi32, #tpu.memory_space<vmem>> -> memref<1x128xi32, #tpu.memory_space<vmem>>
    %dma_start3A_38 = tpu.memref_squeeze %dma_start3A_37 : memref<1x128xi32, #tpu.memory_space<vmem>> -> memref<128xi32, #tpu.memory_space<vmem>>
    %dma_start3A_39 = arith.constant 0 : i32
    %dma_start3A_40 = arith.constant 0 : i32
    %dma_start3A_41 = tpu.memref_slice %arg4[%dma_start3A_39, %dma_start3A_40] : memref<20000x128xf32, #tpu.memory_space<hbm>> -> memref<20000x128xf32, #tpu.memory_space<hbm>>
    %dma_start3A_42 = tpu.memref_slice %arg11[%dma_start3A_31] : memref<2x!tpu.dma_semaphore, #tpu.memory_space<semaphore_mem>> -> memref<1x!tpu.dma_semaphore, #tpu.memory_space<semaphore_mem>>
    %dma_start3A_43 = tpu.memref_squeeze %dma_start3A_42 : memref<1x!tpu.dma_semaphore, #tpu.memory_space<semaphore_mem>> -> memref<!tpu.dma_semaphore, #tpu.memory_space<semaphore_mem>>
    tpu.enqueue_indirect_dma source(%dma_start3A_41 : memref<20000x128xf32, #tpu.memory_space<hbm>>) target(%dma_start3A_35 : memref<128x128xf32, #tpu.memory_space<vmem>>) offsets(%dma_start3A_38 : memref<128xi32, #tpu.memory_space<vmem>>) semaphore(%dma_start3A_43 : memref<!tpu.dma_semaphore, #tpu.memory_space<semaphore_mem>>)
    %scan3A = arith.constant 0 : i32
    %scan3A_44 = arith.constant 0 : i32
    %scan3A_45 = arith.constant 20 : i32
    %scan3A_46 = arith.addi %scan3A_44, %scan3A_45 : i32
    %scan3A_47 = arith.constant 1 : i32
    %scan3A_48 = scf.for %scan3A_104 = %scan3A_44 to %scan3A_46 step %scan3A_47 iter_args(%scan3A_105 = %scan3A) -> (i32)  : i32 {
      %mul3A_106 = arith.constant 2 : i32
      %mul3A_107 = arith.muli %scan3A_104, %mul3A_106 : i32
      %add3A_108 = arith.constant 0 : i32
      %add3A_109 = arith.addi %mul3A_107, %add3A_108 : i32
      %dma_wait3A = arith.constant 0 : i32
      %dma_wait3A_110 = arith.constant 0 : i32
      %dma_wait3A_111 = arith.constant 0 : i32
      %dma_wait3A_112 = arith.constant 0 : i32
      %dma_wait3A_113 = tpu.memref_slice %arg9[%dma_wait3A, %dma_wait3A_111, %dma_wait3A_112] : memref<2x128x128xf32, #tpu.memory_space<vmem>> -> memref<1x128x128xf32, #tpu.memory_space<vmem>>
      %dma_wait3A_114 = tpu.memref_squeeze %dma_wait3A_113 : memref<1x128x128xf32, #tpu.memory_space<vmem>> -> memref<128x128xf32, #tpu.memory_space<vmem>>
      %dma_wait3A_115 = arith.constant 0 : i32
      %dma_wait3A_116 = tpu.memref_slice %arg7[%add3A_109, %dma_wait3A_115] : memref<40x128xi32, #tpu.memory_space<vmem>> -> memref<1x128xi32, #tpu.memory_space<vmem>>
      %dma_wait3A_117 = tpu.memref_squeeze %dma_wait3A_116 : memref<1x128xi32, #tpu.memory_space<vmem>> -> memref<128xi32, #tpu.memory_space<vmem>>
      %dma_wait3A_118 = arith.constant 0 : i32
      %dma_wait3A_119 = arith.constant 0 : i32
      %dma_wait3A_120 = tpu.memref_slice %arg4[%dma_wait3A_118, %dma_wait3A_119] : memref<20000x128xf32, #tpu.memory_space<hbm>> -> memref<20000x128xf32, #tpu.memory_space<hbm>>
      %dma_wait3A_121 = tpu.memref_slice %arg11[%dma_wait3A_110] : memref<2x!tpu.dma_semaphore, #tpu.memory_space<semaphore_mem>> -> memref<1x!tpu.dma_semaphore, #tpu.memory_space<semaphore_mem>>
      %dma_wait3A_122 = tpu.memref_squeeze %dma_wait3A_121 : memref<1x!tpu.dma_semaphore, #tpu.memory_space<semaphore_mem>> -> memref<!tpu.dma_semaphore, #tpu.memory_space<semaphore_mem>>
      tpu.wait_indirect_dma semaphore(%dma_wait3A_122 : memref<!tpu.dma_semaphore, #tpu.memory_space<semaphore_mem>>) src(%dma_wait3A_120 : memref<20000x128xf32, #tpu.memory_space<hbm>>) dst(%dma_wait3A_114 : memref<128x128xf32, #tpu.memory_space<vmem>>)
      %add3A_123 = arith.constant 0 : i32
      %add3A_124 = arith.addi %mul3A_107, %add3A_123 : i32
      %run_scoped3A = arith.constant 0 : i32
      "tpu.region"() ({
        %run_scoped3A_163 = tpu.sem_alloc : memref<!tpu.dma_semaphore, #tpu.memory_space<semaphore_mem>>
        %dma_start3A_164 = arith.constant 0 : i32
        %dma_start3A_165 = arith.constant 0 : i32
        %dma_start3A_166 = tpu.memref_slice %arg9[%run_scoped3A, %dma_start3A_164, %dma_start3A_165] : memref<2x128x128xf32, #tpu.memory_space<vmem>> -> memref<1x128x128xf32, #tpu.memory_space<vmem>>
        %dma_start3A_167 = tpu.memref_squeeze %dma_start3A_166 : memref<1x128x128xf32, #tpu.memory_space<vmem>> -> memref<128x128xf32, #tpu.memory_space<vmem>>
        %dma_start3A_168 = arith.constant 0 : i32
        %dma_start3A_169 = tpu.memref_slice %arg8[%add3A_124, %dma_start3A_168] : memref<40x128xi32, #tpu.memory_space<vmem>> -> memref<1x128xi32, #tpu.memory_space<vmem>>
        %dma_start3A_170 = tpu.memref_squeeze %dma_start3A_169 : memref<1x128xi32, #tpu.memory_space<vmem>> -> memref<128xi32, #tpu.memory_space<vmem>>
        %dma_start3A_171 = arith.constant 0 : i32
        %dma_start3A_172 = arith.constant 0 : i32
        %dma_start3A_173 = tpu.memref_slice %arg10[%dma_start3A_171, %dma_start3A_172] : memref<10016x128xf32, #tpu.memory_space<vmem_shared>> -> memref<10016x128xf32, #tpu.memory_space<vmem_shared>>
        tpu.enqueue_indirect_dma source(%dma_start3A_167 : memref<128x128xf32, #tpu.memory_space<vmem>>) target(%dma_start3A_173 : memref<10016x128xf32, #tpu.memory_space<vmem_shared>>) offsets(%dma_start3A_170 : memref<128xi32, #tpu.memory_space<vmem>>) semaphore(%run_scoped3A_163 : memref<!tpu.dma_semaphore, #tpu.memory_space<semaphore_mem>>) {add = true}
        %dma_wait3A_174 = arith.constant 0 : i32
        %dma_wait3A_175 = arith.constant 0 : i32
        %dma_wait3A_176 = tpu.memref_slice %arg9[%run_scoped3A, %dma_wait3A_174, %dma_wait3A_175] : memref<2x128x128xf32, #tpu.memory_space<vmem>> -> memref<1x128x128xf32, #tpu.memory_space<vmem>>
        %dma_wait3A_177 = tpu.memref_squeeze %dma_wait3A_176 : memref<1x128x128xf32, #tpu.memory_space<vmem>> -> memref<128x128xf32, #tpu.memory_space<vmem>>
        %dma_wait3A_178 = arith.constant 0 : i32
        %dma_wait3A_179 = tpu.memref_slice %arg8[%add3A_124, %dma_wait3A_178] : memref<40x128xi32, #tpu.memory_space<vmem>> -> memref<1x128xi32, #tpu.memory_space<vmem>>
        %dma_wait3A_180 = tpu.memref_squeeze %dma_wait3A_179 : memref<1x128xi32, #tpu.memory_space<vmem>> -> memref<128xi32, #tpu.memory_space<vmem>>
        %dma_wait3A_181 = arith.constant 0 : i32
        %dma_wait3A_182 = arith.constant 0 : i32
        %dma_wait3A_183 = tpu.memref_slice %arg10[%dma_wait3A_181, %dma_wait3A_182] : memref<10016x128xf32, #tpu.memory_space<vmem_shared>> -> memref<10016x128xf32, #tpu.memory_space<vmem_shared>>
        tpu.wait_indirect_dma semaphore(%run_scoped3A_163 : memref<!tpu.dma_semaphore, #tpu.memory_space<semaphore_mem>>) src(%dma_wait3A_177 : memref<128x128xf32, #tpu.memory_space<vmem>>) dst(%dma_wait3A_183 : memref<10016x128xf32, #tpu.memory_space<vmem_shared>>)
        tpu.yield
      }) : () -> ()
      %add3A_125 = arith.constant 0 : i32
      %add3A_126 = arith.addi %mul3A_107, %add3A_125 : i32
      %add3A_127 = arith.constant 2 : i32
      %add3A_128 = arith.addi %add3A_126, %add3A_127 : i32
      %lt3A_129 = arith.constant 40 : i32
      %lt3A_130 = arith.cmpi slt, %add3A_128, %lt3A_129 : i32
      %convert_element_type3A_131 = arith.extui %lt3A_130 : i1 to i32
      %cond3A_132 = arith.constant 0 : i32
      %cond3A_133 = arith.cmpi ne, %convert_element_type3A_131, %cond3A_132 : i32
      scf.if %cond3A_133 {
        %add3A_163 = arith.constant 0 : i32
        %add3A_164 = arith.addi %mul3A_107, %add3A_163 : i32
        %add3A_165 = arith.constant 2 : i32
        %add3A_166 = arith.addi %add3A_164, %add3A_165 : i32
        %dma_start3A_167 = arith.constant 0 : i32
        %dma_start3A_168 = arith.constant 0 : i32
        %dma_start3A_169 = arith.constant 0 : i32
        %dma_start3A_170 = arith.constant 0 : i32
        %dma_start3A_171 = tpu.memref_slice %arg9[%dma_start3A_167, %dma_start3A_169, %dma_start3A_170] : memref<2x128x128xf32, #tpu.memory_space<vmem>> -> memref<1x128x128xf32, #tpu.memory_space<vmem>>
        %dma_start3A_172 = tpu.memref_squeeze %dma_start3A_171 : memref<1x128x128xf32, #tpu.memory_space<vmem>> -> memref<128x128xf32, #tpu.memory_space<vmem>>
        %dma_start3A_173 = arith.constant 0 : i32
        %dma_start3A_174 = tpu.memref_slice %arg7[%add3A_166, %dma_start3A_173] : memref<40x128xi32, #tpu.memory_space<vmem>> -> memref<1x128xi32, #tpu.memory_space<vmem>>
        %dma_start3A_175 = tpu.memref_squeeze %dma_start3A_174 : memref<1x128xi32, #tpu.memory_space<vmem>> -> memref<128xi32, #tpu.memory_space<vmem>>
        %dma_start3A_176 = arith.constant 0 : i32
        %dma_start3A_177 = arith.constant 0 : i32
        %dma_start3A_178 = tpu.memref_slice %arg4[%dma_start3A_176, %dma_start3A_177] : memref<20000x128xf32, #tpu.memory_space<hbm>> -> memref<20000x128xf32, #tpu.memory_space<hbm>>
        %dma_start3A_179 = tpu.memref_slice %arg11[%dma_start3A_168] : memref<2x!tpu.dma_semaphore, #tpu.memory_space<semaphore_mem>> -> memref<1x!tpu.dma_semaphore, #tpu.memory_space<semaphore_mem>>
        %dma_start3A_180 = tpu.memref_squeeze %dma_start3A_179 : memref<1x!tpu.dma_semaphore, #tpu.memory_space<semaphore_mem>> -> memref<!tpu.dma_semaphore, #tpu.memory_space<semaphore_mem>>
        tpu.enqueue_indirect_dma source(%dma_start3A_178 : memref<20000x128xf32, #tpu.memory_space<hbm>>) target(%dma_start3A_172 : memref<128x128xf32, #tpu.memory_space<vmem>>) offsets(%dma_start3A_175 : memref<128xi32, #tpu.memory_space<vmem>>) semaphore(%dma_start3A_180 : memref<!tpu.dma_semaphore, #tpu.memory_space<semaphore_mem>>)
      } else {
      }
      %add3A_134 = arith.constant 1 : i32
      %add3A_135 = arith.addi %mul3A_107, %add3A_134 : i32
      %dma_wait3A_136 = arith.constant 1 : i32
      %dma_wait3A_137 = arith.constant 1 : i32
      %dma_wait3A_138 = arith.constant 0 : i32
      %dma_wait3A_139 = arith.constant 0 : i32
      %dma_wait3A_140 = tpu.memref_slice %arg9[%dma_wait3A_136, %dma_wait3A_138, %dma_wait3A_139] : memref<2x128x128xf32, #tpu.memory_space<vmem>> -> memref<1x128x128xf32, #tpu.memory_space<vmem>>
      %dma_wait3A_141 = tpu.memref_squeeze %dma_wait3A_140 : memref<1x128x128xf32, #tpu.memory_space<vmem>> -> memref<128x128xf32, #tpu.memory_space<vmem>>
      %dma_wait3A_142 = arith.constant 0 : i32
      %dma_wait3A_143 = tpu.memref_slice %arg7[%add3A_135, %dma_wait3A_142] : memref<40x128xi32, #tpu.memory_space<vmem>> -> memref<1x128xi32, #tpu.memory_space<vmem>>
      %dma_wait3A_144 = tpu.memref_squeeze %dma_wait3A_143 : memref<1x128xi32, #tpu.memory_space<vmem>> -> memref<128xi32, #tpu.memory_space<vmem>>
      %dma_wait3A_145 = arith.constant 0 : i32
      %dma_wait3A_146 = arith.constant 0 : i32
      %dma_wait3A_147 = tpu.memref_slice %arg4[%dma_wait3A_145, %dma_wait3A_146] : memref<20000x128xf32, #tpu.memory_space<hbm>> -> memref<20000x128xf32, #tpu.memory_space<hbm>>
      %dma_wait3A_148 = tpu.memref_slice %arg11[%dma_wait3A_137] : memref<2x!tpu.dma_semaphore, #tpu.memory_space<semaphore_mem>> -> memref<1x!tpu.dma_semaphore, #tpu.memory_space<semaphore_mem>>
      %dma_wait3A_149 = tpu.memref_squeeze %dma_wait3A_148 : memref<1x!tpu.dma_semaphore, #tpu.memory_space<semaphore_mem>> -> memref<!tpu.dma_semaphore, #tpu.memory_space<semaphore_mem>>
      tpu.wait_indirect_dma semaphore(%dma_wait3A_149 : memref<!tpu.dma_semaphore, #tpu.memory_space<semaphore_mem>>) src(%dma_wait3A_147 : memref<20000x128xf32, #tpu.memory_space<hbm>>) dst(%dma_wait3A_141 : memref<128x128xf32, #tpu.memory_space<vmem>>)
      %add3A_150 = arith.constant 1 : i32
      %add3A_151 = arith.addi %mul3A_107, %add3A_150 : i32
      %run_scoped3A_152 = arith.constant 1 : i32
      "tpu.region"() ({
        %run_scoped3A_163 = tpu.sem_alloc : memref<!tpu.dma_semaphore, #tpu.memory_space<semaphore_mem>>
        %dma_start3A_164 = arith.constant 0 : i32
        %dma_start3A_165 = arith.constant 0 : i32
        %dma_start3A_166 = tpu.memref_slice %arg9[%run_scoped3A_152, %dma_start3A_164, %dma_start3A_165] : memref<2x128x128xf32, #tpu.memory_space<vmem>> -> memref<1x128x128xf32, #tpu.memory_space<vmem>>
        %dma_start3A_167 = tpu.memref_squeeze %dma_start3A_166 : memref<1x128x128xf32, #tpu.memory_space<vmem>> -> memref<128x128xf32, #tpu.memory_space<vmem>>
        %dma_start3A_168 = arith.constant 0 : i32
        %dma_start3A_169 = tpu.memref_slice %arg8[%add3A_151, %dma_start3A_168] : memref<40x128xi32, #tpu.memory_space<vmem>> -> memref<1x128xi32, #tpu.memory_space<vmem>>
        %dma_start3A_170 = tpu.memref_squeeze %dma_start3A_169 : memref<1x128xi32, #tpu.memory_space<vmem>> -> memref<128xi32, #tpu.memory_space<vmem>>
        %dma_start3A_171 = arith.constant 0 : i32
        %dma_start3A_172 = arith.constant 0 : i32
        %dma_start3A_173 = tpu.memref_slice %arg10[%dma_start3A_171, %dma_start3A_172] : memref<10016x128xf32, #tpu.memory_space<vmem_shared>> -> memref<10016x128xf32, #tpu.memory_space<vmem_shared>>
        tpu.enqueue_indirect_dma source(%dma_start3A_167 : memref<128x128xf32, #tpu.memory_space<vmem>>) target(%dma_start3A_173 : memref<10016x128xf32, #tpu.memory_space<vmem_shared>>) offsets(%dma_start3A_170 : memref<128xi32, #tpu.memory_space<vmem>>) semaphore(%run_scoped3A_163 : memref<!tpu.dma_semaphore, #tpu.memory_space<semaphore_mem>>) {add = true}
        %dma_wait3A_174 = arith.constant 0 : i32
        %dma_wait3A_175 = arith.constant 0 : i32
        %dma_wait3A_176 = tpu.memref_slice %arg9[%run_scoped3A_152, %dma_wait3A_174, %dma_wait3A_175] : memref<2x128x128xf32, #tpu.memory_space<vmem>> -> memref<1x128x128xf32, #tpu.memory_space<vmem>>
        %dma_wait3A_177 = tpu.memref_squeeze %dma_wait3A_176 : memref<1x128x128xf32, #tpu.memory_space<vmem>> -> memref<128x128xf32, #tpu.memory_space<vmem>>
        %dma_wait3A_178 = arith.constant 0 : i32
        %dma_wait3A_179 = tpu.memref_slice %arg8[%add3A_151, %dma_wait3A_178] : memref<40x128xi32, #tpu.memory_space<vmem>> -> memref<1x128xi32, #tpu.memory_space<vmem>>
        %dma_wait3A_180 = tpu.memref_squeeze %dma_wait3A_179 : memref<1x128xi32, #tpu.memory_space<vmem>> -> memref<128xi32, #tpu.memory_space<vmem>>
        %dma_wait3A_181 = arith.constant 0 : i32
        %dma_wait3A_182 = arith.constant 0 : i32
        %dma_wait3A_183 = tpu.memref_slice %arg10[%dma_wait3A_181, %dma_wait3A_182] : memref<10016x128xf32, #tpu.memory_space<vmem_shared>> -> memref<10016x128xf32, #tpu.memory_space<vmem_shared>>
        tpu.wait_indirect_dma semaphore(%run_scoped3A_163 : memref<!tpu.dma_semaphore, #tpu.memory_space<semaphore_mem>>) src(%dma_wait3A_177 : memref<128x128xf32, #tpu.memory_space<vmem>>) dst(%dma_wait3A_183 : memref<10016x128xf32, #tpu.memory_space<vmem_shared>>)
        tpu.yield
      }) : () -> ()
      %add3A_153 = arith.constant 1 : i32
      %add3A_154 = arith.addi %mul3A_107, %add3A_153 : i32
      %add3A_155 = arith.constant 2 : i32
      %add3A_156 = arith.addi %add3A_154, %add3A_155 : i32
      %lt3A_157 = arith.constant 40 : i32
      %lt3A_158 = arith.cmpi slt, %add3A_156, %lt3A_157 : i32
      %convert_element_type3A_159 = arith.extui %lt3A_158 : i1 to i32
      %cond3A_160 = arith.constant 0 : i32
      %cond3A_161 = arith.cmpi ne, %convert_element_type3A_159, %cond3A_160 : i32
      scf.if %cond3A_161 {
        %add3A_163 = arith.constant 1 : i32
        %add3A_164 = arith.addi %mul3A_107, %add3A_163 : i32
        %add3A_165 = arith.constant 2 : i32
        %add3A_166 = arith.addi %add3A_164, %add3A_165 : i32
        %dma_start3A_167 = arith.constant 1 : i32
        %dma_start3A_168 = arith.constant 1 : i32
        %dma_start3A_169 = arith.constant 0 : i32
        %dma_start3A_170 = arith.constant 0 : i32
        %dma_start3A_171 = tpu.memref_slice %arg9[%dma_start3A_167, %dma_start3A_169, %dma_start3A_170] : memref<2x128x128xf32, #tpu.memory_space<vmem>> -> memref<1x128x128xf32, #tpu.memory_space<vmem>>
        %dma_start3A_172 = tpu.memref_squeeze %dma_start3A_171 : memref<1x128x128xf32, #tpu.memory_space<vmem>> -> memref<128x128xf32, #tpu.memory_space<vmem>>
        %dma_start3A_173 = arith.constant 0 : i32
        %dma_start3A_174 = tpu.memref_slice %arg7[%add3A_166, %dma_start3A_173] : memref<40x128xi32, #tpu.memory_space<vmem>> -> memref<1x128xi32, #tpu.memory_space<vmem>>
        %dma_start3A_175 = tpu.memref_squeeze %dma_start3A_174 : memref<1x128xi32, #tpu.memory_space<vmem>> -> memref<128xi32, #tpu.memory_space<vmem>>
        %dma_start3A_176 = arith.constant 0 : i32
        %dma_start3A_177 = arith.constant 0 : i32
        %dma_start3A_178 = tpu.memref_slice %arg4[%dma_start3A_176, %dma_start3A_177] : memref<20000x128xf32, #tpu.memory_space<hbm>> -> memref<20000x128xf32, #tpu.memory_space<hbm>>
        %dma_start3A_179 = tpu.memref_slice %arg11[%dma_start3A_168] : memref<2x!tpu.dma_semaphore, #tpu.memory_space<semaphore_mem>> -> memref<1x!tpu.dma_semaphore, #tpu.memory_space<semaphore_mem>>
        %dma_start3A_180 = tpu.memref_squeeze %dma_start3A_179 : memref<1x!tpu.dma_semaphore, #tpu.memory_space<semaphore_mem>> -> memref<!tpu.dma_semaphore, #tpu.memory_space<semaphore_mem>>
        tpu.enqueue_indirect_dma source(%dma_start3A_178 : memref<20000x128xf32, #tpu.memory_space<hbm>>) target(%dma_start3A_172 : memref<128x128xf32, #tpu.memory_space<vmem>>) offsets(%dma_start3A_175 : memref<128xi32, #tpu.memory_space<vmem>>) semaphore(%dma_start3A_180 : memref<!tpu.dma_semaphore, #tpu.memory_space<semaphore_mem>>)
      } else {
      }
      %scan3A_162 = arith.constant 0 : i32
      scf.yield %scan3A_162 : i32
    }
    %scan3A_49 = arith.constant 20 : i32
    %mul3A_50 = arith.constant 80 : i32
    %mul3A_51 = arith.muli %arg1, %mul3A_50 : i32
    %add3A_52 = arith.constant 40 : i32
    %add3A_53 = arith.addi %mul3A_51, %add3A_52 : i32
    "tpu.region"() ({
      %run_scoped3A = tpu.sem_alloc : memref<!tpu.dma_semaphore, #tpu.memory_space<semaphore_mem>>
      %dma_start3A_104 = arith.constant 0 : i32
      %dma_start3A_105 = tpu.memref_slice %arg2[%arg0, %add3A_53, %dma_start3A_104] : memref<2x1280x128xi32, #tpu.memory_space<hbm>> -> memref<1x40x128xi32, #tpu.memory_space<hbm>>
      %dma_start3A_106 = tpu.memref_squeeze %dma_start3A_105 : memref<1x40x128xi32, #tpu.memory_space<hbm>> -> memref<40x128xi32, #tpu.memory_space<hbm>>
      %dma_start3A_107 = arith.constant 0 : i32
      %dma_start3A_108 = tpu.memref_slice %arg2[%arg0, %add3A_53, %dma_start3A_107] : memref<2x1280x128xi32, #tpu.memory_space<hbm>> -> memref<1x40x128xi32, #tpu.memory_space<hbm>>
      %dma_start3A_109 = tpu.memref_squeeze %dma_start3A_108 : memref<1x40x128xi32, #tpu.memory_space<hbm>> -> memref<40x128xi32, #tpu.memory_space<hbm>>
      tpu.enqueue_dma source(%dma_start3A_109 : memref<40x128xi32, #tpu.memory_space<hbm>>) target(%arg7 : memref<40x128xi32, #tpu.memory_space<vmem>>) target_semaphore(%run_scoped3A : memref<!tpu.dma_semaphore, #tpu.memory_space<semaphore_mem>>)
      %dma_wait3A = arith.constant 0 : i32
      %dma_wait3A_110 = tpu.memref_slice %arg2[%arg0, %add3A_53, %dma_wait3A] : memref<2x1280x128xi32, #tpu.memory_space<hbm>> -> memref<1x40x128xi32, #tpu.memory_space<hbm>>
      %dma_wait3A_111 = tpu.memref_squeeze %dma_wait3A_110 : memref<1x40x128xi32, #tpu.memory_space<hbm>> -> memref<40x128xi32, #tpu.memory_space<hbm>>
      %dma_wait3A_112 = arith.constant 0 : i32
      %dma_wait3A_113 = tpu.memref_slice %arg2[%arg0, %add3A_53, %dma_wait3A_112] : memref<2x1280x128xi32, #tpu.memory_space<hbm>> -> memref<1x40x128xi32, #tpu.memory_space<hbm>>
      %dma_wait3A_114 = tpu.memref_squeeze %dma_wait3A_113 : memref<1x40x128xi32, #tpu.memory_space<hbm>> -> memref<40x128xi32, #tpu.memory_space<hbm>>
      tpu.wait_dma2 semaphore(%run_scoped3A : memref<!tpu.dma_semaphore, #tpu.memory_space<semaphore_mem>>) src(%dma_wait3A_114 : memref<40x128xi32, #tpu.memory_space<hbm>>) dst(%arg7 : memref<40x128xi32, #tpu.memory_space<vmem>>)
      tpu.yield
    }) : () -> ()
    "tpu.region"() ({
      %run_scoped3A = tpu.sem_alloc : memref<!tpu.dma_semaphore, #tpu.memory_space<semaphore_mem>>
      %dma_start3A_104 = arith.constant 0 : i32
      %dma_start3A_105 = tpu.memref_slice %arg3[%arg0, %add3A_53, %dma_start3A_104] : memref<2x1280x128xi32, #tpu.memory_space<hbm>> -> memref<1x40x128xi32, #tpu.memory_space<hbm>>
      %dma_start3A_106 = tpu.memref_squeeze %dma_start3A_105 : memref<1x40x128xi32, #tpu.memory_space<hbm>> -> memref<40x128xi32, #tpu.memory_space<hbm>>
      %dma_start3A_107 = arith.constant 0 : i32
      %dma_start3A_108 = tpu.memref_slice %arg3[%arg0, %add3A_53, %dma_start3A_107] : memref<2x1280x128xi32, #tpu.memory_space<hbm>> -> memref<1x40x128xi32, #tpu.memory_space<hbm>>
      %dma_start3A_109 = tpu.memref_squeeze %dma_start3A_108 : memref<1x40x128xi32, #tpu.memory_space<hbm>> -> memref<40x128xi32, #tpu.memory_space<hbm>>
      tpu.enqueue_dma source(%dma_start3A_109 : memref<40x128xi32, #tpu.memory_space<hbm>>) target(%arg8 : memref<40x128xi32, #tpu.memory_space<vmem>>) target_semaphore(%run_scoped3A : memref<!tpu.dma_semaphore, #tpu.memory_space<semaphore_mem>>)
      %dma_wait3A = arith.constant 0 : i32
      %dma_wait3A_110 = tpu.memref_slice %arg3[%arg0, %add3A_53, %dma_wait3A] : memref<2x1280x128xi32, #tpu.memory_space<hbm>> -> memref<1x40x128xi32, #tpu.memory_space<hbm>>
      %dma_wait3A_111 = tpu.memref_squeeze %dma_wait3A_110 : memref<1x40x128xi32, #tpu.memory_space<hbm>> -> memref<40x128xi32, #tpu.memory_space<hbm>>
      %dma_wait3A_112 = arith.constant 0 : i32
      %dma_wait3A_113 = tpu.memref_slice %arg3[%arg0, %add3A_53, %dma_wait3A_112] : memref<2x1280x128xi32, #tpu.memory_space<hbm>> -> memref<1x40x128xi32, #tpu.memory_space<hbm>>
      %dma_wait3A_114 = tpu.memref_squeeze %dma_wait3A_113 : memref<1x40x128xi32, #tpu.memory_space<hbm>> -> memref<40x128xi32, #tpu.memory_space<hbm>>
      tpu.wait_dma2 semaphore(%run_scoped3A : memref<!tpu.dma_semaphore, #tpu.memory_space<semaphore_mem>>) src(%dma_wait3A_114 : memref<40x128xi32, #tpu.memory_space<hbm>>) dst(%arg8 : memref<40x128xi32, #tpu.memory_space<vmem>>)
      tpu.yield
    }) : () -> ()
    %dma_start3A_54 = arith.constant 0 : i32
    %dma_start3A_55 = arith.constant 0 : i32
    %dma_start3A_56 = arith.constant 0 : i32
    %dma_start3A_57 = arith.constant 0 : i32
    %dma_start3A_58 = arith.constant 0 : i32
    %dma_start3A_59 = tpu.memref_slice %arg9[%dma_start3A_55, %dma_start3A_57, %dma_start3A_58] : memref<2x128x128xf32, #tpu.memory_space<vmem>> -> memref<1x128x128xf32, #tpu.memory_space<vmem>>
    %dma_start3A_60 = tpu.memref_squeeze %dma_start3A_59 : memref<1x128x128xf32, #tpu.memory_space<vmem>> -> memref<128x128xf32, #tpu.memory_space<vmem>>
    %dma_start3A_61 = arith.constant 0 : i32
    %dma_start3A_62 = tpu.memref_slice %arg7[%dma_start3A_54, %dma_start3A_61] : memref<40x128xi32, #tpu.memory_space<vmem>> -> memref<1x128xi32, #tpu.memory_space<vmem>>
    %dma_start3A_63 = tpu.memref_squeeze %dma_start3A_62 : memref<1x128xi32, #tpu.memory_space<vmem>> -> memref<128xi32, #tpu.memory_space<vmem>>
    %dma_start3A_64 = arith.constant 0 : i32
    %dma_start3A_65 = arith.constant 0 : i32
    %dma_start3A_66 = tpu.memref_slice %arg4[%dma_start3A_64, %dma_start3A_65] : memref<20000x128xf32, #tpu.memory_space<hbm>> -> memref<20000x128xf32, #tpu.memory_space<hbm>>
    %dma_start3A_67 = tpu.memref_slice %arg11[%dma_start3A_56] : memref<2x!tpu.dma_semaphore, #tpu.memory_space<semaphore_mem>> -> memref<1x!tpu.dma_semaphore, #tpu.memory_space<semaphore_mem>>
    %dma_start3A_68 = tpu.memref_squeeze %dma_start3A_67 : memref<1x!tpu.dma_semaphore, #tpu.memory_space<semaphore_mem>> -> memref<!tpu.dma_semaphore, #tpu.memory_space<semaphore_mem>>
    tpu.enqueue_indirect_dma source(%dma_start3A_66 : memref<20000x128xf32, #tpu.memory_space<hbm>>) target(%dma_start3A_60 : memref<128x128xf32, #tpu.memory_space<vmem>>) offsets(%dma_start3A_63 : memref<128xi32, #tpu.memory_space<vmem>>) semaphore(%dma_start3A_68 : memref<!tpu.dma_semaphore, #tpu.memory_space<semaphore_mem>>)
    %dma_start3A_69 = arith.constant 1 : i32
    %dma_start3A_70 = arith.constant 1 : i32
    %dma_start3A_71 = arith.constant 1 : i32
    %dma_start3A_72 = arith.constant 0 : i32
    %dma_start3A_73 = arith.constant 0 : i32
    %dma_start3A_74 = tpu.memref_slice %arg9[%dma_start3A_70, %dma_start3A_72, %dma_start3A_73] : memref<2x128x128xf32, #tpu.memory_space<vmem>> -> memref<1x128x128xf32, #tpu.memory_space<vmem>>
    %dma_start3A_75 = tpu.memref_squeeze %dma_start3A_74 : memref<1x128x128xf32, #tpu.memory_space<vmem>> -> memref<128x128xf32, #tpu.memory_space<vmem>>
    %dma_start3A_76 = arith.constant 0 : i32
    %dma_start3A_77 = tpu.memref_slice %arg7[%dma_start3A_69, %dma_start3A_76] : memref<40x128xi32, #tpu.memory_space<vmem>> -> memref<1x128xi32, #tpu.memory_space<vmem>>
    %dma_start3A_78 = tpu.memref_squeeze %dma_start3A_77 : memref<1x128xi32, #tpu.memory_space<vmem>> -> memref<128xi32, #tpu.memory_space<vmem>>
    %dma_start3A_79 = arith.constant 0 : i32
    %dma_start3A_80 = arith.constant 0 : i32
    %dma_start3A_81 = tpu.memref_slice %arg4[%dma_start3A_79, %dma_start3A_80] : memref<20000x128xf32, #tpu.memory_space<hbm>> -> memref<20000x128xf32, #tpu.memory_space<hbm>>
    %dma_start3A_82 = tpu.memref_slice %arg11[%dma_start3A_71] : memref<2x!tpu.dma_semaphore, #tpu.memory_space<semaphore_mem>> -> memref<1x!tpu.dma_semaphore, #tpu.memory_space<semaphore_mem>>
    %dma_start3A_83 = tpu.memref_squeeze %dma_start3A_82 : memref<1x!tpu.dma_semaphore, #tpu.memory_space<semaphore_mem>> -> memref<!tpu.dma_semaphore, #tpu.memory_space<semaphore_mem>>
    tpu.enqueue_indirect_dma source(%dma_start3A_81 : memref<20000x128xf32, #tpu.memory_space<hbm>>) target(%dma_start3A_75 : memref<128x128xf32, #tpu.memory_space<vmem>>) offsets(%dma_start3A_78 : memref<128xi32, #tpu.memory_space<vmem>>) semaphore(%dma_start3A_83 : memref<!tpu.dma_semaphore, #tpu.memory_space<semaphore_mem>>)
    %scan3A_84 = arith.constant 0 : i32
    %scan3A_85 = arith.constant 0 : i32
    %scan3A_86 = arith.constant 20 : i32
    %scan3A_87 = arith.addi %scan3A_85, %scan3A_86 : i32
    %scan3A_88 = arith.constant 1 : i32
    %scan3A_89 = scf.for %scan3A_104 = %scan3A_85 to %scan3A_87 step %scan3A_88 iter_args(%scan3A_105 = %scan3A_84) -> (i32)  : i32 {
      %mul3A_106 = arith.constant 2 : i32
      %mul3A_107 = arith.muli %scan3A_104, %mul3A_106 : i32
      %add3A_108 = arith.constant 0 : i32
      %add3A_109 = arith.addi %mul3A_107, %add3A_108 : i32
      %dma_wait3A = arith.constant 0 : i32
      %dma_wait3A_110 = arith.constant 0 : i32
      %dma_wait3A_111 = arith.constant 0 : i32
      %dma_wait3A_112 = arith.constant 0 : i32
      %dma_wait3A_113 = tpu.memref_slice %arg9[%dma_wait3A, %dma_wait3A_111, %dma_wait3A_112] : memref<2x128x128xf32, #tpu.memory_space<vmem>> -> memref<1x128x128xf32, #tpu.memory_space<vmem>>
      %dma_wait3A_114 = tpu.memref_squeeze %dma_wait3A_113 : memref<1x128x128xf32, #tpu.memory_space<vmem>> -> memref<128x128xf32, #tpu.memory_space<vmem>>
      %dma_wait3A_115 = arith.constant 0 : i32
      %dma_wait3A_116 = tpu.memref_slice %arg7[%add3A_109, %dma_wait3A_115] : memref<40x128xi32, #tpu.memory_space<vmem>> -> memref<1x128xi32, #tpu.memory_space<vmem>>
      %dma_wait3A_117 = tpu.memref_squeeze %dma_wait3A_116 : memref<1x128xi32, #tpu.memory_space<vmem>> -> memref<128xi32, #tpu.memory_space<vmem>>
      %dma_wait3A_118 = arith.constant 0 : i32
      %dma_wait3A_119 = arith.constant 0 : i32
      %dma_wait3A_120 = tpu.memref_slice %arg4[%dma_wait3A_118, %dma_wait3A_119] : memref<20000x128xf32, #tpu.memory_space<hbm>> -> memref<20000x128xf32, #tpu.memory_space<hbm>>
      %dma_wait3A_121 = tpu.memref_slice %arg11[%dma_wait3A_110] : memref<2x!tpu.dma_semaphore, #tpu.memory_space<semaphore_mem>> -> memref<1x!tpu.dma_semaphore, #tpu.memory_space<semaphore_mem>>
      %dma_wait3A_122 = tpu.memref_squeeze %dma_wait3A_121 : memref<1x!tpu.dma_semaphore, #tpu.memory_space<semaphore_mem>> -> memref<!tpu.dma_semaphore, #tpu.memory_space<semaphore_mem>>
      tpu.wait_indirect_dma semaphore(%dma_wait3A_122 : memref<!tpu.dma_semaphore, #tpu.memory_space<semaphore_mem>>) src(%dma_wait3A_120 : memref<20000x128xf32, #tpu.memory_space<hbm>>) dst(%dma_wait3A_114 : memref<128x128xf32, #tpu.memory_space<vmem>>)
      %add3A_123 = arith.constant 0 : i32
      %add3A_124 = arith.addi %mul3A_107, %add3A_123 : i32
      %run_scoped3A = arith.constant 0 : i32
      "tpu.region"() ({
        %run_scoped3A_163 = tpu.sem_alloc : memref<!tpu.dma_semaphore, #tpu.memory_space<semaphore_mem>>
        %dma_start3A_164 = arith.constant 0 : i32
        %dma_start3A_165 = arith.constant 0 : i32
        %dma_start3A_166 = tpu.memref_slice %arg9[%run_scoped3A, %dma_start3A_164, %dma_start3A_165] : memref<2x128x128xf32, #tpu.memory_space<vmem>> -> memref<1x128x128xf32, #tpu.memory_space<vmem>>
        %dma_start3A_167 = tpu.memref_squeeze %dma_start3A_166 : memref<1x128x128xf32, #tpu.memory_space<vmem>> -> memref<128x128xf32, #tpu.memory_space<vmem>>
        %dma_start3A_168 = arith.constant 0 : i32
        %dma_start3A_169 = tpu.memref_slice %arg8[%add3A_124, %dma_start3A_168] : memref<40x128xi32, #tpu.memory_space<vmem>> -> memref<1x128xi32, #tpu.memory_space<vmem>>
        %dma_start3A_170 = tpu.memref_squeeze %dma_start3A_169 : memref<1x128xi32, #tpu.memory_space<vmem>> -> memref<128xi32, #tpu.memory_space<vmem>>
        %dma_start3A_171 = arith.constant 0 : i32
        %dma_start3A_172 = arith.constant 0 : i32
        %dma_start3A_173 = tpu.memref_slice %arg10[%dma_start3A_171, %dma_start3A_172] : memref<10016x128xf32, #tpu.memory_space<vmem_shared>> -> memref<10016x128xf32, #tpu.memory_space<vmem_shared>>
        tpu.enqueue_indirect_dma source(%dma_start3A_167 : memref<128x128xf32, #tpu.memory_space<vmem>>) target(%dma_start3A_173 : memref<10016x128xf32, #tpu.memory_space<vmem_shared>>) offsets(%dma_start3A_170 : memref<128xi32, #tpu.memory_space<vmem>>) semaphore(%run_scoped3A_163 : memref<!tpu.dma_semaphore, #tpu.memory_space<semaphore_mem>>) {add = true}
        %dma_wait3A_174 = arith.constant 0 : i32
        %dma_wait3A_175 = arith.constant 0 : i32
        %dma_wait3A_176 = tpu.memref_slice %arg9[%run_scoped3A, %dma_wait3A_174, %dma_wait3A_175] : memref<2x128x128xf32, #tpu.memory_space<vmem>> -> memref<1x128x128xf32, #tpu.memory_space<vmem>>
        %dma_wait3A_177 = tpu.memref_squeeze %dma_wait3A_176 : memref<1x128x128xf32, #tpu.memory_space<vmem>> -> memref<128x128xf32, #tpu.memory_space<vmem>>
        %dma_wait3A_178 = arith.constant 0 : i32
        %dma_wait3A_179 = tpu.memref_slice %arg8[%add3A_124, %dma_wait3A_178] : memref<40x128xi32, #tpu.memory_space<vmem>> -> memref<1x128xi32, #tpu.memory_space<vmem>>
        %dma_wait3A_180 = tpu.memref_squeeze %dma_wait3A_179 : memref<1x128xi32, #tpu.memory_space<vmem>> -> memref<128xi32, #tpu.memory_space<vmem>>
        %dma_wait3A_181 = arith.constant 0 : i32
        %dma_wait3A_182 = arith.constant 0 : i32
        %dma_wait3A_183 = tpu.memref_slice %arg10[%dma_wait3A_181, %dma_wait3A_182] : memref<10016x128xf32, #tpu.memory_space<vmem_shared>> -> memref<10016x128xf32, #tpu.memory_space<vmem_shared>>
        tpu.wait_indirect_dma semaphore(%run_scoped3A_163 : memref<!tpu.dma_semaphore, #tpu.memory_space<semaphore_mem>>) src(%dma_wait3A_177 : memref<128x128xf32, #tpu.memory_space<vmem>>) dst(%dma_wait3A_183 : memref<10016x128xf32, #tpu.memory_space<vmem_shared>>)
        tpu.yield
      }) : () -> ()
      %add3A_125 = arith.constant 0 : i32
      %add3A_126 = arith.addi %mul3A_107, %add3A_125 : i32
      %add3A_127 = arith.constant 2 : i32
      %add3A_128 = arith.addi %add3A_126, %add3A_127 : i32
      %lt3A_129 = arith.constant 40 : i32
      %lt3A_130 = arith.cmpi slt, %add3A_128, %lt3A_129 : i32
      %convert_element_type3A_131 = arith.extui %lt3A_130 : i1 to i32
      %cond3A_132 = arith.constant 0 : i32
      %cond3A_133 = arith.cmpi ne, %convert_element_type3A_131, %cond3A_132 : i32
      scf.if %cond3A_133 {
        %add3A_163 = arith.constant 0 : i32
        %add3A_164 = arith.addi %mul3A_107, %add3A_163 : i32
        %add3A_165 = arith.constant 2 : i32
        %add3A_166 = arith.addi %add3A_164, %add3A_165 : i32
        %dma_start3A_167 = arith.constant 0 : i32
        %dma_start3A_168 = arith.constant 0 : i32
        %dma_start3A_169 = arith.constant 0 : i32
        %dma_start3A_170 = arith.constant 0 : i32
        %dma_start3A_171 = tpu.memref_slice %arg9[%dma_start3A_167, %dma_start3A_169, %dma_start3A_170] : memref<2x128x128xf32, #tpu.memory_space<vmem>> -> memref<1x128x128xf32, #tpu.memory_space<vmem>>
        %dma_start3A_172 = tpu.memref_squeeze %dma_start3A_171 : memref<1x128x128xf32, #tpu.memory_space<vmem>> -> memref<128x128xf32, #tpu.memory_space<vmem>>
        %dma_start3A_173 = arith.constant 0 : i32
        %dma_start3A_174 = tpu.memref_slice %arg7[%add3A_166, %dma_start3A_173] : memref<40x128xi32, #tpu.memory_space<vmem>> -> memref<1x128xi32, #tpu.memory_space<vmem>>
        %dma_start3A_175 = tpu.memref_squeeze %dma_start3A_174 : memref<1x128xi32, #tpu.memory_space<vmem>> -> memref<128xi32, #tpu.memory_space<vmem>>
        %dma_start3A_176 = arith.constant 0 : i32
        %dma_start3A_177 = arith.constant 0 : i32
        %dma_start3A_178 = tpu.memref_slice %arg4[%dma_start3A_176, %dma_start3A_177] : memref<20000x128xf32, #tpu.memory_space<hbm>> -> memref<20000x128xf32, #tpu.memory_space<hbm>>
        %dma_start3A_179 = tpu.memref_slice %arg11[%dma_start3A_168] : memref<2x!tpu.dma_semaphore, #tpu.memory_space<semaphore_mem>> -> memref<1x!tpu.dma_semaphore, #tpu.memory_space<semaphore_mem>>
        %dma_start3A_180 = tpu.memref_squeeze %dma_start3A_179 : memref<1x!tpu.dma_semaphore, #tpu.memory_space<semaphore_mem>> -> memref<!tpu.dma_semaphore, #tpu.memory_space<semaphore_mem>>
        tpu.enqueue_indirect_dma source(%dma_start3A_178 : memref<20000x128xf32, #tpu.memory_space<hbm>>) target(%dma_start3A_172 : memref<128x128xf32, #tpu.memory_space<vmem>>) offsets(%dma_start3A_175 : memref<128xi32, #tpu.memory_space<vmem>>) semaphore(%dma_start3A_180 : memref<!tpu.dma_semaphore, #tpu.memory_space<semaphore_mem>>)
      } else {
      }
      %add3A_134 = arith.constant 1 : i32
      %add3A_135 = arith.addi %mul3A_107, %add3A_134 : i32
      %dma_wait3A_136 = arith.constant 1 : i32
      %dma_wait3A_137 = arith.constant 1 : i32
      %dma_wait3A_138 = arith.constant 0 : i32
      %dma_wait3A_139 = arith.constant 0 : i32
      %dma_wait3A_140 = tpu.memref_slice %arg9[%dma_wait3A_136, %dma_wait3A_138, %dma_wait3A_139] : memref<2x128x128xf32, #tpu.memory_space<vmem>> -> memref<1x128x128xf32, #tpu.memory_space<vmem>>
      %dma_wait3A_141 = tpu.memref_squeeze %dma_wait3A_140 : memref<1x128x128xf32, #tpu.memory_space<vmem>> -> memref<128x128xf32, #tpu.memory_space<vmem>>
      %dma_wait3A_142 = arith.constant 0 : i32
      %dma_wait3A_143 = tpu.memref_slice %arg7[%add3A_135, %dma_wait3A_142] : memref<40x128xi32, #tpu.memory_space<vmem>> -> memref<1x128xi32, #tpu.memory_space<vmem>>
      %dma_wait3A_144 = tpu.memref_squeeze %dma_wait3A_143 : memref<1x128xi32, #tpu.memory_space<vmem>> -> memref<128xi32, #tpu.memory_space<vmem>>
      %dma_wait3A_145 = arith.constant 0 : i32
      %dma_wait3A_146 = arith.constant 0 : i32
      %dma_wait3A_147 = tpu.memref_slice %arg4[%dma_wait3A_145, %dma_wait3A_146] : memref<20000x128xf32, #tpu.memory_space<hbm>> -> memref<20000x128xf32, #tpu.memory_space<hbm>>
      %dma_wait3A_148 = tpu.memref_slice %arg11[%dma_wait3A_137] : memref<2x!tpu.dma_semaphore, #tpu.memory_space<semaphore_mem>> -> memref<1x!tpu.dma_semaphore, #tpu.memory_space<semaphore_mem>>
      %dma_wait3A_149 = tpu.memref_squeeze %dma_wait3A_148 : memref<1x!tpu.dma_semaphore, #tpu.memory_space<semaphore_mem>> -> memref<!tpu.dma_semaphore, #tpu.memory_space<semaphore_mem>>
      tpu.wait_indirect_dma semaphore(%dma_wait3A_149 : memref<!tpu.dma_semaphore, #tpu.memory_space<semaphore_mem>>) src(%dma_wait3A_147 : memref<20000x128xf32, #tpu.memory_space<hbm>>) dst(%dma_wait3A_141 : memref<128x128xf32, #tpu.memory_space<vmem>>)
      %add3A_150 = arith.constant 1 : i32
      %add3A_151 = arith.addi %mul3A_107, %add3A_150 : i32
      %run_scoped3A_152 = arith.constant 1 : i32
      "tpu.region"() ({
        %run_scoped3A_163 = tpu.sem_alloc : memref<!tpu.dma_semaphore, #tpu.memory_space<semaphore_mem>>
        %dma_start3A_164 = arith.constant 0 : i32
        %dma_start3A_165 = arith.constant 0 : i32
        %dma_start3A_166 = tpu.memref_slice %arg9[%run_scoped3A_152, %dma_start3A_164, %dma_start3A_165] : memref<2x128x128xf32, #tpu.memory_space<vmem>> -> memref<1x128x128xf32, #tpu.memory_space<vmem>>
        %dma_start3A_167 = tpu.memref_squeeze %dma_start3A_166 : memref<1x128x128xf32, #tpu.memory_space<vmem>> -> memref<128x128xf32, #tpu.memory_space<vmem>>
        %dma_start3A_168 = arith.constant 0 : i32
        %dma_start3A_169 = tpu.memref_slice %arg8[%add3A_151, %dma_start3A_168] : memref<40x128xi32, #tpu.memory_space<vmem>> -> memref<1x128xi32, #tpu.memory_space<vmem>>
        %dma_start3A_170 = tpu.memref_squeeze %dma_start3A_169 : memref<1x128xi32, #tpu.memory_space<vmem>> -> memref<128xi32, #tpu.memory_space<vmem>>
        %dma_start3A_171 = arith.constant 0 : i32
        %dma_start3A_172 = arith.constant 0 : i32
        %dma_start3A_173 = tpu.memref_slice %arg10[%dma_start3A_171, %dma_start3A_172] : memref<10016x128xf32, #tpu.memory_space<vmem_shared>> -> memref<10016x128xf32, #tpu.memory_space<vmem_shared>>
        tpu.enqueue_indirect_dma source(%dma_start3A_167 : memref<128x128xf32, #tpu.memory_space<vmem>>) target(%dma_start3A_173 : memref<10016x128xf32, #tpu.memory_space<vmem_shared>>) offsets(%dma_start3A_170 : memref<128xi32, #tpu.memory_space<vmem>>) semaphore(%run_scoped3A_163 : memref<!tpu.dma_semaphore, #tpu.memory_space<semaphore_mem>>) {add = true}
        %dma_wait3A_174 = arith.constant 0 : i32
        %dma_wait3A_175 = arith.constant 0 : i32
        %dma_wait3A_176 = tpu.memref_slice %arg9[%run_scoped3A_152, %dma_wait3A_174, %dma_wait3A_175] : memref<2x128x128xf32, #tpu.memory_space<vmem>> -> memref<1x128x128xf32, #tpu.memory_space<vmem>>
        %dma_wait3A_177 = tpu.memref_squeeze %dma_wait3A_176 : memref<1x128x128xf32, #tpu.memory_space<vmem>> -> memref<128x128xf32, #tpu.memory_space<vmem>>
        %dma_wait3A_178 = arith.constant 0 : i32
        %dma_wait3A_179 = tpu.memref_slice %arg8[%add3A_151, %dma_wait3A_178] : memref<40x128xi32, #tpu.memory_space<vmem>> -> memref<1x128xi32, #tpu.memory_space<vmem>>
        %dma_wait3A_180 = tpu.memref_squeeze %dma_wait3A_179 : memref<1x128xi32, #tpu.memory_space<vmem>> -> memref<128xi32, #tpu.memory_space<vmem>>
        %dma_wait3A_181 = arith.constant 0 : i32
        %dma_wait3A_182 = arith.constant 0 : i32
        %dma_wait3A_183 = tpu.memref_slice %arg10[%dma_wait3A_181, %dma_wait3A_182] : memref<10016x128xf32, #tpu.memory_space<vmem_shared>> -> memref<10016x128xf32, #tpu.memory_space<vmem_shared>>
        tpu.wait_indirect_dma semaphore(%run_scoped3A_163 : memref<!tpu.dma_semaphore, #tpu.memory_space<semaphore_mem>>) src(%dma_wait3A_177 : memref<128x128xf32, #tpu.memory_space<vmem>>) dst(%dma_wait3A_183 : memref<10016x128xf32, #tpu.memory_space<vmem_shared>>)
        tpu.yield
      }) : () -> ()
      %add3A_153 = arith.constant 1 : i32
      %add3A_154 = arith.addi %mul3A_107, %add3A_153 : i32
      %add3A_155 = arith.constant 2 : i32
      %add3A_156 = arith.addi %add3A_154, %add3A_155 : i32
      %lt3A_157 = arith.constant 40 : i32
      %lt3A_158 = arith.cmpi slt, %add3A_156, %lt3A_157 : i32
      %convert_element_type3A_159 = arith.extui %lt3A_158 : i1 to i32
      %cond3A_160 = arith.constant 0 : i32
      %cond3A_161 = arith.cmpi ne, %convert_element_type3A_159, %cond3A_160 : i32
      scf.if %cond3A_161 {
        %add3A_163 = arith.constant 1 : i32
        %add3A_164 = arith.addi %mul3A_107, %add3A_163 : i32
        %add3A_165 = arith.constant 2 : i32
        %add3A_166 = arith.addi %add3A_164, %add3A_165 : i32
        %dma_start3A_167 = arith.constant 1 : i32
        %dma_start3A_168 = arith.constant 1 : i32
        %dma_start3A_169 = arith.constant 0 : i32
        %dma_start3A_170 = arith.constant 0 : i32
        %dma_start3A_171 = tpu.memref_slice %arg9[%dma_start3A_167, %dma_start3A_169, %dma_start3A_170] : memref<2x128x128xf32, #tpu.memory_space<vmem>> -> memref<1x128x128xf32, #tpu.memory_space<vmem>>
        %dma_start3A_172 = tpu.memref_squeeze %dma_start3A_171 : memref<1x128x128xf32, #tpu.memory_space<vmem>> -> memref<128x128xf32, #tpu.memory_space<vmem>>
        %dma_start3A_173 = arith.constant 0 : i32
        %dma_start3A_174 = tpu.memref_slice %arg7[%add3A_166, %dma_start3A_173] : memref<40x128xi32, #tpu.memory_space<vmem>> -> memref<1x128xi32, #tpu.memory_space<vmem>>
        %dma_start3A_175 = tpu.memref_squeeze %dma_start3A_174 : memref<1x128xi32, #tpu.memory_space<vmem>> -> memref<128xi32, #tpu.memory_space<vmem>>
        %dma_start3A_176 = arith.constant 0 : i32
        %dma_start3A_177 = arith.constant 0 : i32
        %dma_start3A_178 = tpu.memref_slice %arg4[%dma_start3A_176, %dma_start3A_177] : memref<20000x128xf32, #tpu.memory_space<hbm>> -> memref<20000x128xf32, #tpu.memory_space<hbm>>
        %dma_start3A_179 = tpu.memref_slice %arg11[%dma_start3A_168] : memref<2x!tpu.dma_semaphore, #tpu.memory_space<semaphore_mem>> -> memref<1x!tpu.dma_semaphore, #tpu.memory_space<semaphore_mem>>
        %dma_start3A_180 = tpu.memref_squeeze %dma_start3A_179 : memref<1x!tpu.dma_semaphore, #tpu.memory_space<semaphore_mem>> -> memref<!tpu.dma_semaphore, #tpu.memory_space<semaphore_mem>>
        tpu.enqueue_indirect_dma source(%dma_start3A_178 : memref<20000x128xf32, #tpu.memory_space<hbm>>) target(%dma_start3A_172 : memref<128x128xf32, #tpu.memory_space<vmem>>) offsets(%dma_start3A_175 : memref<128xi32, #tpu.memory_space<vmem>>) semaphore(%dma_start3A_180 : memref<!tpu.dma_semaphore, #tpu.memory_space<semaphore_mem>>)
      } else {
      }
      %scan3A_162 = arith.constant 0 : i32
      scf.yield %scan3A_162 : i32
    }
    %scan3A_90 = arith.constant 20 : i32
    %barrier3A_91 = arith.constant 0 : index
    tpu.barrier barrier_id(%barrier3A_91)
    %mul3A_92 = arith.constant 10000 : i32
    %mul3A_93 = arith.muli %arg0, %mul3A_92 : i32
    %lt3A_94 = arith.constant 15 : i32
    %lt3A_95 = arith.cmpi slt, %arg1, %lt3A_94 : i32
    %convert_element_type3A_96 = arith.extui %lt3A_95 : i1 to i32
    %cond3A_97 = arith.constant 0 : i32
    %cond3A_98 = arith.cmpi ne, %convert_element_type3A_96, %cond3A_97 : i32
    scf.if %cond3A_98 {
      %mul3A_104 = arith.constant 640 : i32
      %mul3A_105 = arith.muli %arg1, %mul3A_104 : i32
      %add3A_106 = arith.constant 0 : i32
      %add3A_107 = arith.addi %add3A_106, %mul3A_105 : i32
      %mul3A_108 = arith.constant 640 : i32
      %mul3A_109 = arith.muli %arg1, %mul3A_108 : i32
      %add3A_110 = arith.addi %mul3A_93, %mul3A_109 : i32
      "tpu.region"() ({
        %run_scoped3A = tpu.sem_alloc : memref<!tpu.dma_semaphore, #tpu.memory_space<semaphore_mem>>
        %dma_start3A_111 = arith.constant 0 : i32
        %dma_start3A_112 = tpu.memref_slice %arg6[%add3A_110, %dma_start3A_111] : memref<20000x128xf32, #tpu.memory_space<hbm>> -> memref<640x128xf32, #tpu.memory_space<hbm>>
        %dma_start3A_113 = arith.constant 0 : i32
        %dma_start3A_114 = tpu.memref_slice %arg10[%add3A_107, %dma_start3A_113] : memref<10016x128xf32, #tpu.memory_space<vmem_shared>> -> memref<640x128xf32, #tpu.memory_space<vmem_shared>>
        tpu.enqueue_dma source(%dma_start3A_114 : memref<640x128xf32, #tpu.memory_space<vmem_shared>>) target(%dma_start3A_112 : memref<640x128xf32, #tpu.memory_space<hbm>>) target_semaphore(%run_scoped3A : memref<!tpu.dma_semaphore, #tpu.memory_space<semaphore_mem>>)
        %dma_wait3A = arith.constant 0 : i32
        %dma_wait3A_115 = tpu.memref_slice %arg6[%add3A_110, %dma_wait3A] : memref<20000x128xf32, #tpu.memory_space<hbm>> -> memref<640x128xf32, #tpu.memory_space<hbm>>
        %dma_wait3A_116 = arith.constant 0 : i32
        %dma_wait3A_117 = tpu.memref_slice %arg10[%add3A_107, %dma_wait3A_116] : memref<10016x128xf32, #tpu.memory_space<vmem_shared>> -> memref<640x128xf32, #tpu.memory_space<vmem_shared>>
        tpu.wait_dma2 semaphore(%run_scoped3A : memref<!tpu.dma_semaphore, #tpu.memory_space<semaphore_mem>>) src(%dma_wait3A_117 : memref<640x128xf32, #tpu.memory_space<vmem_shared>>) dst(%dma_wait3A_115 : memref<640x128xf32, #tpu.memory_space<hbm>>)
        tpu.yield
      }) : () -> ()
    } else {
    }
    %eq3A_99 = arith.constant 15 : i32
    %eq3A_100 = arith.cmpi eq, %arg1, %eq3A_99 : i32
    %convert_element_type3A_101 = arith.extui %eq3A_100 : i1 to i32
    %cond3A_102 = arith.constant 0 : i32
    %cond3A_103 = arith.cmpi ne, %convert_element_type3A_101, %cond3A_102 : i32
    scf.if %cond3A_103 {
      %add3A_104 = arith.constant 9600 : i32
      %add3A_105 = arith.addi %mul3A_93, %add3A_104 : i32
      "tpu.region"() ({
        %run_scoped3A = tpu.sem_alloc : memref<!tpu.dma_semaphore, #tpu.memory_space<semaphore_mem>>
        %dma_start3A_106 = arith.constant 0 : i32
        %dma_start3A_107 = tpu.memref_slice %arg6[%add3A_105, %dma_start3A_106] : memref<20000x128xf32, #tpu.memory_space<hbm>> -> memref<400x128xf32, #tpu.memory_space<hbm>>
        %dma_start3A_108 = arith.constant 9600 : i32
        %dma_start3A_109 = arith.constant 0 : i32
        %dma_start3A_110 = tpu.memref_slice %arg10[%dma_start3A_108, %dma_start3A_109] : memref<10016x128xf32, #tpu.memory_space<vmem_shared>> -> memref<400x128xf32, #tpu.memory_space<vmem_shared>>
        tpu.enqueue_dma source(%dma_start3A_110 : memref<400x128xf32, #tpu.memory_space<vmem_shared>>) target(%dma_start3A_107 : memref<400x128xf32, #tpu.memory_space<hbm>>) target_semaphore(%run_scoped3A : memref<!tpu.dma_semaphore, #tpu.memory_space<semaphore_mem>>)
        %dma_wait3A = arith.constant 0 : i32
        %dma_wait3A_111 = tpu.memref_slice %arg6[%add3A_105, %dma_wait3A] : memref<20000x128xf32, #tpu.memory_space<hbm>> -> memref<400x128xf32, #tpu.memory_space<hbm>>
        %dma_wait3A_112 = arith.constant 9600 : i32
        %dma_wait3A_113 = arith.constant 0 : i32
        %dma_wait3A_114 = tpu.memref_slice %arg10[%dma_wait3A_112, %dma_wait3A_113] : memref<10016x128xf32, #tpu.memory_space<vmem_shared>> -> memref<400x128xf32, #tpu.memory_space<vmem_shared>>
        tpu.wait_dma2 semaphore(%run_scoped3A : memref<!tpu.dma_semaphore, #tpu.memory_space<semaphore_mem>>) src(%dma_wait3A_114 : memref<400x128xf32, #tpu.memory_space<vmem_shared>>) dst(%dma_wait3A_111 : memref<400x128xf32, #tpu.memory_space<hbm>>)
        tpu.yield
      }) : () -> ()
    } else {
    }
    return
  }
}

#map = affine_map<(d0, d1) -> (0, 0, 0)>
#map1 = affine_map<(d0, d1) -> (0, 0)>
module attributes {stable_mosaic.version = 14 : i64} {
  func.func @_sc_row_agg(%arg0: i32, %arg1: i32, %arg2: memref<2x1280x128xi32, #tpu.memory_space<hbm>>, %arg3: memref<2x1280x128xi32, #tpu.memory_space<hbm>>, %arg4: memref<20000x128xf32, #tpu.memory_space<hbm>>, %arg5: memref<16x128xf32, #tpu.memory_space<hbm>>, %arg6: memref<20000x128xf32, #tpu.memory_space<hbm>>, %arg7: memref<40x128xi32, #tpu.memory_space<vmem>>, %arg8: memref<40x128xi32, #tpu.memory_space<vmem>>, %arg9: memref<2x128x128xf32, #tpu.memory_space<vmem>>, %arg10: memref<10016x128xf32, #tpu.memory_space<vmem_shared>>, %arg11: memref<2x!tpu.dma_semaphore, #tpu.memory_space<semaphore_mem>>) attributes {dimension_semantics = [#tpu.dimension_semantics<core_parallel>, #tpu.dimension_semantics<subcore_parallel>], iteration_bounds = array<i64: 2, 16>, scalar_prefetch = 0 : i64, scratch_operands = 5 : i64, tpu.core_type = #tpu.core_type<sc_vector_subcore>, window_params = [{transform_indices = #map}, {transform_indices = #map}, {transform_indices = #map1}, {transform_indices = #map1}, {transform_indices = #map1}]} {
    %mul3A = arith.constant 10000 : i32
    %mul3A_0 = arith.muli %arg0, %mul3A : i32
    %lt3A = arith.constant 15 : i32
    %lt3A_1 = arith.cmpi slt, %arg1, %lt3A : i32
    %convert_element_type3A = arith.extui %lt3A_1 : i1 to i32
    %cond3A = arith.constant 0 : i32
    %cond3A_2 = arith.cmpi ne, %convert_element_type3A, %cond3A : i32
    scf.if %cond3A_2 {
      %mul3A_104 = arith.constant 640 : i32
      %mul3A_105 = arith.muli %arg1, %mul3A_104 : i32
      %add3A_106 = arith.addi %mul3A_0, %mul3A_105 : i32
      %mul3A_107 = arith.constant 640 : i32
      %mul3A_108 = arith.muli %arg1, %mul3A_107 : i32
      %add3A_109 = arith.constant 0 : i32
      %add3A_110 = arith.addi %add3A_109, %mul3A_108 : i32
      "tpu.region"() ({
        %run_scoped3A = tpu.sem_alloc : memref<!tpu.dma_semaphore, #tpu.memory_space<semaphore_mem>>
        %dma_start3A_111 = arith.constant 0 : i32
        %dma_start3A_112 = tpu.memref_slice %arg10[%add3A_110, %dma_start3A_111] : memref<10016x128xf32, #tpu.memory_space<vmem_shared>> -> memref<640x128xf32, #tpu.memory_space<vmem_shared>>
        %dma_start3A_113 = arith.constant 0 : i32
        %dma_start3A_114 = tpu.memref_slice %arg4[%add3A_106, %dma_start3A_113] : memref<20000x128xf32, #tpu.memory_space<hbm>> -> memref<640x128xf32, #tpu.memory_space<hbm>>
        tpu.enqueue_dma source(%dma_start3A_114 : memref<640x128xf32, #tpu.memory_space<hbm>>) target(%dma_start3A_112 : memref<640x128xf32, #tpu.memory_space<vmem_shared>>) target_semaphore(%run_scoped3A : memref<!tpu.dma_semaphore, #tpu.memory_space<semaphore_mem>>)
        %dma_wait3A = arith.constant 0 : i32
        %dma_wait3A_115 = tpu.memref_slice %arg10[%add3A_110, %dma_wait3A] : memref<10016x128xf32, #tpu.memory_space<vmem_shared>> -> memref<640x128xf32, #tpu.memory_space<vmem_shared>>
        %dma_wait3A_116 = arith.constant 0 : i32
        %dma_wait3A_117 = tpu.memref_slice %arg4[%add3A_106, %dma_wait3A_116] : memref<20000x128xf32, #tpu.memory_space<hbm>> -> memref<640x128xf32, #tpu.memory_space<hbm>>
        tpu.wait_dma2 semaphore(%run_scoped3A : memref<!tpu.dma_semaphore, #tpu.memory_space<semaphore_mem>>) src(%dma_wait3A_117 : memref<640x128xf32, #tpu.memory_space<hbm>>) dst(%dma_wait3A_115 : memref<640x128xf32, #tpu.memory_space<vmem_shared>>)
        tpu.yield
      }) : () -> ()
    } else {
    }
    %eq3A = arith.constant 15 : i32
    %eq3A_3 = arith.cmpi eq, %arg1, %eq3A : i32
    %convert_element_type3A_4 = arith.extui %eq3A_3 : i1 to i32
    %cond3A_5 = arith.constant 0 : i32
    %cond3A_6 = arith.cmpi ne, %convert_element_type3A_4, %cond3A_5 : i32
    scf.if %cond3A_6 {
      %add3A_104 = arith.constant 9600 : i32
      %add3A_105 = arith.addi %mul3A_0, %add3A_104 : i32
      "tpu.region"() ({
        %run_scoped3A = tpu.sem_alloc : memref<!tpu.dma_semaphore, #tpu.memory_space<semaphore_mem>>
        %dma_start3A_106 = arith.constant 9600 : i32
        %dma_start3A_107 = arith.constant 0 : i32
        %dma_start3A_108 = tpu.memref_slice %arg10[%dma_start3A_106, %dma_start3A_107] : memref<10016x128xf32, #tpu.memory_space<vmem_shared>> -> memref<400x128xf32, #tpu.memory_space<vmem_shared>>
        %dma_start3A_109 = arith.constant 0 : i32
        %dma_start3A_110 = tpu.memref_slice %arg4[%add3A_105, %dma_start3A_109] : memref<20000x128xf32, #tpu.memory_space<hbm>> -> memref<400x128xf32, #tpu.memory_space<hbm>>
        tpu.enqueue_dma source(%dma_start3A_110 : memref<400x128xf32, #tpu.memory_space<hbm>>) target(%dma_start3A_108 : memref<400x128xf32, #tpu.memory_space<vmem_shared>>) target_semaphore(%run_scoped3A : memref<!tpu.dma_semaphore, #tpu.memory_space<semaphore_mem>>)
        %dma_wait3A = arith.constant 9600 : i32
        %dma_wait3A_111 = arith.constant 0 : i32
        %dma_wait3A_112 = tpu.memref_slice %arg10[%dma_wait3A, %dma_wait3A_111] : memref<10016x128xf32, #tpu.memory_space<vmem_shared>> -> memref<400x128xf32, #tpu.memory_space<vmem_shared>>
        %dma_wait3A_113 = arith.constant 0 : i32
        %dma_wait3A_114 = tpu.memref_slice %arg4[%add3A_105, %dma_wait3A_113] : memref<20000x128xf32, #tpu.memory_space<hbm>> -> memref<400x128xf32, #tpu.memory_space<hbm>>
        tpu.wait_dma2 semaphore(%run_scoped3A : memref<!tpu.dma_semaphore, #tpu.memory_space<semaphore_mem>>) src(%dma_wait3A_114 : memref<400x128xf32, #tpu.memory_space<hbm>>) dst(%dma_wait3A_112 : memref<400x128xf32, #tpu.memory_space<vmem_shared>>)
        tpu.yield
      }) : () -> ()
    } else {
    }
    %eq3A_7 = arith.constant 0 : i32
    %eq3A_8 = arith.cmpi eq, %arg1, %eq3A_7 : i32
    %convert_element_type3A_9 = arith.extui %eq3A_8 : i1 to i32
    %cond3A_10 = arith.constant 0 : i32
    %cond3A_11 = arith.cmpi ne, %convert_element_type3A_9, %cond3A_10 : i32
    scf.if %cond3A_11 {
      "tpu.region"() ({
        %run_scoped3A = tpu.sem_alloc : memref<!tpu.dma_semaphore, #tpu.memory_space<semaphore_mem>>
        %dma_start3A_104 = arith.constant 10000 : i32
        %dma_start3A_105 = arith.constant 0 : i32
        %dma_start3A_106 = tpu.memref_slice %arg10[%dma_start3A_104, %dma_start3A_105] : memref<10016x128xf32, #tpu.memory_space<vmem_shared>> -> memref<16x128xf32, #tpu.memory_space<vmem_shared>>
        tpu.enqueue_dma source(%arg5 : memref<16x128xf32, #tpu.memory_space<hbm>>) target(%dma_start3A_106 : memref<16x128xf32, #tpu.memory_space<vmem_shared>>) target_semaphore(%run_scoped3A : memref<!tpu.dma_semaphore, #tpu.memory_space<semaphore_mem>>)
        %dma_wait3A = arith.constant 10000 : i32
        %dma_wait3A_107 = arith.constant 0 : i32
        %dma_wait3A_108 = tpu.memref_slice %arg10[%dma_wait3A, %dma_wait3A_107] : memref<10016x128xf32, #tpu.memory_space<vmem_shared>> -> memref<16x128xf32, #tpu.memory_space<vmem_shared>>
        tpu.wait_dma2 semaphore(%run_scoped3A : memref<!tpu.dma_semaphore, #tpu.memory_space<semaphore_mem>>) src(%arg5 : memref<16x128xf32, #tpu.memory_space<hbm>>) dst(%dma_wait3A_108 : memref<16x128xf32, #tpu.memory_space<vmem_shared>>)
        tpu.yield
      }) : () -> ()
    } else {
    }
    %barrier3A = arith.constant 0 : index
    tpu.barrier barrier_id(%barrier3A)
    %mul3A_12 = arith.constant 80 : i32
    %mul3A_13 = arith.muli %arg1, %mul3A_12 : i32
    %add3A = arith.constant 0 : i32
    %add3A_14 = arith.addi %mul3A_13, %add3A : i32
    "tpu.region"() ({
      %run_scoped3A = tpu.sem_alloc : memref<!tpu.dma_semaphore, #tpu.memory_space<semaphore_mem>>
      %dma_start3A_104 = arith.constant 0 : i32
      %dma_start3A_105 = tpu.memref_slice %arg2[%arg0, %add3A_14, %dma_start3A_104] : memref<2x1280x128xi32, #tpu.memory_space<hbm>> -> memref<1x40x128xi32, #tpu.memory_space<hbm>>
      %dma_start3A_106 = tpu.memref_squeeze %dma_start3A_105 : memref<1x40x128xi32, #tpu.memory_space<hbm>> -> memref<40x128xi32, #tpu.memory_space<hbm>>
      %dma_start3A_107 = arith.constant 0 : i32
      %dma_start3A_108 = tpu.memref_slice %arg2[%arg0, %add3A_14, %dma_start3A_107] : memref<2x1280x128xi32, #tpu.memory_space<hbm>> -> memref<1x40x128xi32, #tpu.memory_space<hbm>>
      %dma_start3A_109 = tpu.memref_squeeze %dma_start3A_108 : memref<1x40x128xi32, #tpu.memory_space<hbm>> -> memref<40x128xi32, #tpu.memory_space<hbm>>
      tpu.enqueue_dma source(%dma_start3A_109 : memref<40x128xi32, #tpu.memory_space<hbm>>) target(%arg7 : memref<40x128xi32, #tpu.memory_space<vmem>>) target_semaphore(%run_scoped3A : memref<!tpu.dma_semaphore, #tpu.memory_space<semaphore_mem>>)
      %dma_wait3A = arith.constant 0 : i32
      %dma_wait3A_110 = tpu.memref_slice %arg2[%arg0, %add3A_14, %dma_wait3A] : memref<2x1280x128xi32, #tpu.memory_space<hbm>> -> memref<1x40x128xi32, #tpu.memory_space<hbm>>
      %dma_wait3A_111 = tpu.memref_squeeze %dma_wait3A_110 : memref<1x40x128xi32, #tpu.memory_space<hbm>> -> memref<40x128xi32, #tpu.memory_space<hbm>>
      %dma_wait3A_112 = arith.constant 0 : i32
      %dma_wait3A_113 = tpu.memref_slice %arg2[%arg0, %add3A_14, %dma_wait3A_112] : memref<2x1280x128xi32, #tpu.memory_space<hbm>> -> memref<1x40x128xi32, #tpu.memory_space<hbm>>
      %dma_wait3A_114 = tpu.memref_squeeze %dma_wait3A_113 : memref<1x40x128xi32, #tpu.memory_space<hbm>> -> memref<40x128xi32, #tpu.memory_space<hbm>>
      tpu.wait_dma2 semaphore(%run_scoped3A : memref<!tpu.dma_semaphore, #tpu.memory_space<semaphore_mem>>) src(%dma_wait3A_114 : memref<40x128xi32, #tpu.memory_space<hbm>>) dst(%arg7 : memref<40x128xi32, #tpu.memory_space<vmem>>)
      tpu.yield
    }) : () -> ()
    "tpu.region"() ({
      %run_scoped3A = tpu.sem_alloc : memref<!tpu.dma_semaphore, #tpu.memory_space<semaphore_mem>>
      %dma_start3A_104 = arith.constant 0 : i32
      %dma_start3A_105 = tpu.memref_slice %arg3[%arg0, %add3A_14, %dma_start3A_104] : memref<2x1280x128xi32, #tpu.memory_space<hbm>> -> memref<1x40x128xi32, #tpu.memory_space<hbm>>
      %dma_start3A_106 = tpu.memref_squeeze %dma_start3A_105 : memref<1x40x128xi32, #tpu.memory_space<hbm>> -> memref<40x128xi32, #tpu.memory_space<hbm>>
      %dma_start3A_107 = arith.constant 0 : i32
      %dma_start3A_108 = tpu.memref_slice %arg3[%arg0, %add3A_14, %dma_start3A_107] : memref<2x1280x128xi32, #tpu.memory_space<hbm>> -> memref<1x40x128xi32, #tpu.memory_space<hbm>>
      %dma_start3A_109 = tpu.memref_squeeze %dma_start3A_108 : memref<1x40x128xi32, #tpu.memory_space<hbm>> -> memref<40x128xi32, #tpu.memory_space<hbm>>
      tpu.enqueue_dma source(%dma_start3A_109 : memref<40x128xi32, #tpu.memory_space<hbm>>) target(%arg8 : memref<40x128xi32, #tpu.memory_space<vmem>>) target_semaphore(%run_scoped3A : memref<!tpu.dma_semaphore, #tpu.memory_space<semaphore_mem>>)
      %dma_wait3A = arith.constant 0 : i32
      %dma_wait3A_110 = tpu.memref_slice %arg3[%arg0, %add3A_14, %dma_wait3A] : memref<2x1280x128xi32, #tpu.memory_space<hbm>> -> memref<1x40x128xi32, #tpu.memory_space<hbm>>
      %dma_wait3A_111 = tpu.memref_squeeze %dma_wait3A_110 : memref<1x40x128xi32, #tpu.memory_space<hbm>> -> memref<40x128xi32, #tpu.memory_space<hbm>>
      %dma_wait3A_112 = arith.constant 0 : i32
      %dma_wait3A_113 = tpu.memref_slice %arg3[%arg0, %add3A_14, %dma_wait3A_112] : memref<2x1280x128xi32, #tpu.memory_space<hbm>> -> memref<1x40x128xi32, #tpu.memory_space<hbm>>
      %dma_wait3A_114 = tpu.memref_squeeze %dma_wait3A_113 : memref<1x40x128xi32, #tpu.memory_space<hbm>> -> memref<40x128xi32, #tpu.memory_space<hbm>>
      tpu.wait_dma2 semaphore(%run_scoped3A : memref<!tpu.dma_semaphore, #tpu.memory_space<semaphore_mem>>) src(%dma_wait3A_114 : memref<40x128xi32, #tpu.memory_space<hbm>>) dst(%arg8 : memref<40x128xi32, #tpu.memory_space<vmem>>)
      tpu.yield
    }) : () -> ()
    %dma_start3A = arith.constant 0 : i32
    %dma_start3A_15 = arith.constant 0 : i32
    %dma_start3A_16 = arith.constant 0 : i32
    %dma_start3A_17 = arith.constant 0 : i32
    %dma_start3A_18 = arith.constant 0 : i32
    %dma_start3A_19 = tpu.memref_slice %arg9[%dma_start3A_15, %dma_start3A_17, %dma_start3A_18] : memref<2x128x128xf32, #tpu.memory_space<vmem>> -> memref<1x128x128xf32, #tpu.memory_space<vmem>>
    %dma_start3A_20 = tpu.memref_squeeze %dma_start3A_19 : memref<1x128x128xf32, #tpu.memory_space<vmem>> -> memref<128x128xf32, #tpu.memory_space<vmem>>
    %dma_start3A_21 = arith.constant 0 : i32
    %dma_start3A_22 = tpu.memref_slice %arg7[%dma_start3A, %dma_start3A_21] : memref<40x128xi32, #tpu.memory_space<vmem>> -> memref<1x128xi32, #tpu.memory_space<vmem>>
    %dma_start3A_23 = tpu.memref_squeeze %dma_start3A_22 : memref<1x128xi32, #tpu.memory_space<vmem>> -> memref<128xi32, #tpu.memory_space<vmem>>
    %dma_start3A_24 = arith.constant 0 : i32
    %dma_start3A_25 = arith.constant 0 : i32
    %dma_start3A_26 = tpu.memref_slice %arg4[%dma_start3A_24, %dma_start3A_25] : memref<20000x128xf32, #tpu.memory_space<hbm>> -> memref<20000x128xf32, #tpu.memory_space<hbm>>
    %dma_start3A_27 = tpu.memref_slice %arg11[%dma_start3A_16] : memref<2x!tpu.dma_semaphore, #tpu.memory_space<semaphore_mem>> -> memref<1x!tpu.dma_semaphore, #tpu.memory_space<semaphore_mem>>
    %dma_start3A_28 = tpu.memref_squeeze %dma_start3A_27 : memref<1x!tpu.dma_semaphore, #tpu.memory_space<semaphore_mem>> -> memref<!tpu.dma_semaphore, #tpu.memory_space<semaphore_mem>>
    tpu.enqueue_indirect_dma source(%dma_start3A_26 : memref<20000x128xf32, #tpu.memory_space<hbm>>) target(%dma_start3A_20 : memref<128x128xf32, #tpu.memory_space<vmem>>) offsets(%dma_start3A_23 : memref<128xi32, #tpu.memory_space<vmem>>) semaphore(%dma_start3A_28 : memref<!tpu.dma_semaphore, #tpu.memory_space<semaphore_mem>>)
    %dma_start3A_29 = arith.constant 1 : i32
    %dma_start3A_30 = arith.constant 1 : i32
    %dma_start3A_31 = arith.constant 1 : i32
    %dma_start3A_32 = arith.constant 0 : i32
    %dma_start3A_33 = arith.constant 0 : i32
    %dma_start3A_34 = tpu.memref_slice %arg9[%dma_start3A_30, %dma_start3A_32, %dma_start3A_33] : memref<2x128x128xf32, #tpu.memory_space<vmem>> -> memref<1x128x128xf32, #tpu.memory_space<vmem>>
    %dma_start3A_35 = tpu.memref_squeeze %dma_start3A_34 : memref<1x128x128xf32, #tpu.memory_space<vmem>> -> memref<128x128xf32, #tpu.memory_space<vmem>>
    %dma_start3A_36 = arith.constant 0 : i32
    %dma_start3A_37 = tpu.memref_slice %arg7[%dma_start3A_29, %dma_start3A_36] : memref<40x128xi32, #tpu.memory_space<vmem>> -> memref<1x128xi32, #tpu.memory_space<vmem>>
    %dma_start3A_38 = tpu.memref_squeeze %dma_start3A_37 : memref<1x128xi32, #tpu.memory_space<vmem>> -> memref<128xi32, #tpu.memory_space<vmem>>
    %dma_start3A_39 = arith.constant 0 : i32
    %dma_start3A_40 = arith.constant 0 : i32
    %dma_start3A_41 = tpu.memref_slice %arg4[%dma_start3A_39, %dma_start3A_40] : memref<20000x128xf32, #tpu.memory_space<hbm>> -> memref<20000x128xf32, #tpu.memory_space<hbm>>
    %dma_start3A_42 = tpu.memref_slice %arg11[%dma_start3A_31] : memref<2x!tpu.dma_semaphore, #tpu.memory_space<semaphore_mem>> -> memref<1x!tpu.dma_semaphore, #tpu.memory_space<semaphore_mem>>
    %dma_start3A_43 = tpu.memref_squeeze %dma_start3A_42 : memref<1x!tpu.dma_semaphore, #tpu.memory_space<semaphore_mem>> -> memref<!tpu.dma_semaphore, #tpu.memory_space<semaphore_mem>>
    tpu.enqueue_indirect_dma source(%dma_start3A_41 : memref<20000x128xf32, #tpu.memory_space<hbm>>) target(%dma_start3A_35 : memref<128x128xf32, #tpu.memory_space<vmem>>) offsets(%dma_start3A_38 : memref<128xi32, #tpu.memory_space<vmem>>) semaphore(%dma_start3A_43 : memref<!tpu.dma_semaphore, #tpu.memory_space<semaphore_mem>>)
    %scan3A = arith.constant 0 : i32
    %scan3A_44 = arith.constant 0 : i32
    %scan3A_45 = arith.constant 20 : i32
    %scan3A_46 = arith.addi %scan3A_44, %scan3A_45 : i32
    %scan3A_47 = arith.constant 1 : i32
    %scan3A_48 = scf.for %scan3A_104 = %scan3A_44 to %scan3A_46 step %scan3A_47 iter_args(%scan3A_105 = %scan3A) -> (i32)  : i32 {
      %mul3A_106 = arith.constant 2 : i32
      %mul3A_107 = arith.muli %scan3A_104, %mul3A_106 : i32
      %add3A_108 = arith.constant 0 : i32
      %add3A_109 = arith.addi %mul3A_107, %add3A_108 : i32
      %dma_wait3A = arith.constant 0 : i32
      %dma_wait3A_110 = arith.constant 0 : i32
      %dma_wait3A_111 = arith.constant 0 : i32
      %dma_wait3A_112 = arith.constant 0 : i32
      %dma_wait3A_113 = tpu.memref_slice %arg9[%dma_wait3A, %dma_wait3A_111, %dma_wait3A_112] : memref<2x128x128xf32, #tpu.memory_space<vmem>> -> memref<1x128x128xf32, #tpu.memory_space<vmem>>
      %dma_wait3A_114 = tpu.memref_squeeze %dma_wait3A_113 : memref<1x128x128xf32, #tpu.memory_space<vmem>> -> memref<128x128xf32, #tpu.memory_space<vmem>>
      %dma_wait3A_115 = arith.constant 0 : i32
      %dma_wait3A_116 = tpu.memref_slice %arg7[%add3A_109, %dma_wait3A_115] : memref<40x128xi32, #tpu.memory_space<vmem>> -> memref<1x128xi32, #tpu.memory_space<vmem>>
      %dma_wait3A_117 = tpu.memref_squeeze %dma_wait3A_116 : memref<1x128xi32, #tpu.memory_space<vmem>> -> memref<128xi32, #tpu.memory_space<vmem>>
      %dma_wait3A_118 = arith.constant 0 : i32
      %dma_wait3A_119 = arith.constant 0 : i32
      %dma_wait3A_120 = tpu.memref_slice %arg4[%dma_wait3A_118, %dma_wait3A_119] : memref<20000x128xf32, #tpu.memory_space<hbm>> -> memref<20000x128xf32, #tpu.memory_space<hbm>>
      %dma_wait3A_121 = tpu.memref_slice %arg11[%dma_wait3A_110] : memref<2x!tpu.dma_semaphore, #tpu.memory_space<semaphore_mem>> -> memref<1x!tpu.dma_semaphore, #tpu.memory_space<semaphore_mem>>
      %dma_wait3A_122 = tpu.memref_squeeze %dma_wait3A_121 : memref<1x!tpu.dma_semaphore, #tpu.memory_space<semaphore_mem>> -> memref<!tpu.dma_semaphore, #tpu.memory_space<semaphore_mem>>
      tpu.wait_indirect_dma semaphore(%dma_wait3A_122 : memref<!tpu.dma_semaphore, #tpu.memory_space<semaphore_mem>>) src(%dma_wait3A_120 : memref<20000x128xf32, #tpu.memory_space<hbm>>) dst(%dma_wait3A_114 : memref<128x128xf32, #tpu.memory_space<vmem>>)
      %add3A_123 = arith.constant 0 : i32
      %add3A_124 = arith.addi %mul3A_107, %add3A_123 : i32
      %run_scoped3A = arith.constant 0 : i32
      "tpu.region"() ({
        %run_scoped3A_163 = tpu.sem_alloc : memref<!tpu.dma_semaphore, #tpu.memory_space<semaphore_mem>>
        %dma_start3A_164 = arith.constant 0 : i32
        %dma_start3A_165 = arith.constant 0 : i32
        %dma_start3A_166 = tpu.memref_slice %arg9[%run_scoped3A, %dma_start3A_164, %dma_start3A_165] : memref<2x128x128xf32, #tpu.memory_space<vmem>> -> memref<1x128x128xf32, #tpu.memory_space<vmem>>
        %dma_start3A_167 = tpu.memref_squeeze %dma_start3A_166 : memref<1x128x128xf32, #tpu.memory_space<vmem>> -> memref<128x128xf32, #tpu.memory_space<vmem>>
        %dma_start3A_168 = arith.constant 0 : i32
        %dma_start3A_169 = tpu.memref_slice %arg8[%add3A_124, %dma_start3A_168] : memref<40x128xi32, #tpu.memory_space<vmem>> -> memref<1x128xi32, #tpu.memory_space<vmem>>
        %dma_start3A_170 = tpu.memref_squeeze %dma_start3A_169 : memref<1x128xi32, #tpu.memory_space<vmem>> -> memref<128xi32, #tpu.memory_space<vmem>>
        %dma_start3A_171 = arith.constant 0 : i32
        %dma_start3A_172 = arith.constant 0 : i32
        %dma_start3A_173 = tpu.memref_slice %arg10[%dma_start3A_171, %dma_start3A_172] : memref<10016x128xf32, #tpu.memory_space<vmem_shared>> -> memref<10016x128xf32, #tpu.memory_space<vmem_shared>>
        tpu.enqueue_indirect_dma source(%dma_start3A_167 : memref<128x128xf32, #tpu.memory_space<vmem>>) target(%dma_start3A_173 : memref<10016x128xf32, #tpu.memory_space<vmem_shared>>) offsets(%dma_start3A_170 : memref<128xi32, #tpu.memory_space<vmem>>) semaphore(%run_scoped3A_163 : memref<!tpu.dma_semaphore, #tpu.memory_space<semaphore_mem>>) {add = true}
        %dma_wait3A_174 = arith.constant 0 : i32
        %dma_wait3A_175 = arith.constant 0 : i32
        %dma_wait3A_176 = tpu.memref_slice %arg9[%run_scoped3A, %dma_wait3A_174, %dma_wait3A_175] : memref<2x128x128xf32, #tpu.memory_space<vmem>> -> memref<1x128x128xf32, #tpu.memory_space<vmem>>
        %dma_wait3A_177 = tpu.memref_squeeze %dma_wait3A_176 : memref<1x128x128xf32, #tpu.memory_space<vmem>> -> memref<128x128xf32, #tpu.memory_space<vmem>>
        %dma_wait3A_178 = arith.constant 0 : i32
        %dma_wait3A_179 = tpu.memref_slice %arg8[%add3A_124, %dma_wait3A_178] : memref<40x128xi32, #tpu.memory_space<vmem>> -> memref<1x128xi32, #tpu.memory_space<vmem>>
        %dma_wait3A_180 = tpu.memref_squeeze %dma_wait3A_179 : memref<1x128xi32, #tpu.memory_space<vmem>> -> memref<128xi32, #tpu.memory_space<vmem>>
        %dma_wait3A_181 = arith.constant 0 : i32
        %dma_wait3A_182 = arith.constant 0 : i32
        %dma_wait3A_183 = tpu.memref_slice %arg10[%dma_wait3A_181, %dma_wait3A_182] : memref<10016x128xf32, #tpu.memory_space<vmem_shared>> -> memref<10016x128xf32, #tpu.memory_space<vmem_shared>>
        tpu.wait_indirect_dma semaphore(%run_scoped3A_163 : memref<!tpu.dma_semaphore, #tpu.memory_space<semaphore_mem>>) src(%dma_wait3A_177 : memref<128x128xf32, #tpu.memory_space<vmem>>) dst(%dma_wait3A_183 : memref<10016x128xf32, #tpu.memory_space<vmem_shared>>)
        tpu.yield
      }) : () -> ()
      %add3A_125 = arith.constant 0 : i32
      %add3A_126 = arith.addi %mul3A_107, %add3A_125 : i32
      %add3A_127 = arith.constant 2 : i32
      %add3A_128 = arith.addi %add3A_126, %add3A_127 : i32
      %lt3A_129 = arith.constant 40 : i32
      %lt3A_130 = arith.cmpi slt, %add3A_128, %lt3A_129 : i32
      %convert_element_type3A_131 = arith.extui %lt3A_130 : i1 to i32
      %cond3A_132 = arith.constant 0 : i32
      %cond3A_133 = arith.cmpi ne, %convert_element_type3A_131, %cond3A_132 : i32
      scf.if %cond3A_133 {
        %add3A_163 = arith.constant 0 : i32
        %add3A_164 = arith.addi %mul3A_107, %add3A_163 : i32
        %add3A_165 = arith.constant 2 : i32
        %add3A_166 = arith.addi %add3A_164, %add3A_165 : i32
        %dma_start3A_167 = arith.constant 0 : i32
        %dma_start3A_168 = arith.constant 0 : i32
        %dma_start3A_169 = arith.constant 0 : i32
        %dma_start3A_170 = arith.constant 0 : i32
        %dma_start3A_171 = tpu.memref_slice %arg9[%dma_start3A_167, %dma_start3A_169, %dma_start3A_170] : memref<2x128x128xf32, #tpu.memory_space<vmem>> -> memref<1x128x128xf32, #tpu.memory_space<vmem>>
        %dma_start3A_172 = tpu.memref_squeeze %dma_start3A_171 : memref<1x128x128xf32, #tpu.memory_space<vmem>> -> memref<128x128xf32, #tpu.memory_space<vmem>>
        %dma_start3A_173 = arith.constant 0 : i32
        %dma_start3A_174 = tpu.memref_slice %arg7[%add3A_166, %dma_start3A_173] : memref<40x128xi32, #tpu.memory_space<vmem>> -> memref<1x128xi32, #tpu.memory_space<vmem>>
        %dma_start3A_175 = tpu.memref_squeeze %dma_start3A_174 : memref<1x128xi32, #tpu.memory_space<vmem>> -> memref<128xi32, #tpu.memory_space<vmem>>
        %dma_start3A_176 = arith.constant 0 : i32
        %dma_start3A_177 = arith.constant 0 : i32
        %dma_start3A_178 = tpu.memref_slice %arg4[%dma_start3A_176, %dma_start3A_177] : memref<20000x128xf32, #tpu.memory_space<hbm>> -> memref<20000x128xf32, #tpu.memory_space<hbm>>
        %dma_start3A_179 = tpu.memref_slice %arg11[%dma_start3A_168] : memref<2x!tpu.dma_semaphore, #tpu.memory_space<semaphore_mem>> -> memref<1x!tpu.dma_semaphore, #tpu.memory_space<semaphore_mem>>
        %dma_start3A_180 = tpu.memref_squeeze %dma_start3A_179 : memref<1x!tpu.dma_semaphore, #tpu.memory_space<semaphore_mem>> -> memref<!tpu.dma_semaphore, #tpu.memory_space<semaphore_mem>>
        tpu.enqueue_indirect_dma source(%dma_start3A_178 : memref<20000x128xf32, #tpu.memory_space<hbm>>) target(%dma_start3A_172 : memref<128x128xf32, #tpu.memory_space<vmem>>) offsets(%dma_start3A_175 : memref<128xi32, #tpu.memory_space<vmem>>) semaphore(%dma_start3A_180 : memref<!tpu.dma_semaphore, #tpu.memory_space<semaphore_mem>>)
      } else {
      }
      %add3A_134 = arith.constant 1 : i32
      %add3A_135 = arith.addi %mul3A_107, %add3A_134 : i32
      %dma_wait3A_136 = arith.constant 1 : i32
      %dma_wait3A_137 = arith.constant 1 : i32
      %dma_wait3A_138 = arith.constant 0 : i32
      %dma_wait3A_139 = arith.constant 0 : i32
      %dma_wait3A_140 = tpu.memref_slice %arg9[%dma_wait3A_136, %dma_wait3A_138, %dma_wait3A_139] : memref<2x128x128xf32, #tpu.memory_space<vmem>> -> memref<1x128x128xf32, #tpu.memory_space<vmem>>
      %dma_wait3A_141 = tpu.memref_squeeze %dma_wait3A_140 : memref<1x128x128xf32, #tpu.memory_space<vmem>> -> memref<128x128xf32, #tpu.memory_space<vmem>>
      %dma_wait3A_142 = arith.constant 0 : i32
      %dma_wait3A_143 = tpu.memref_slice %arg7[%add3A_135, %dma_wait3A_142] : memref<40x128xi32, #tpu.memory_space<vmem>> -> memref<1x128xi32, #tpu.memory_space<vmem>>
      %dma_wait3A_144 = tpu.memref_squeeze %dma_wait3A_143 : memref<1x128xi32, #tpu.memory_space<vmem>> -> memref<128xi32, #tpu.memory_space<vmem>>
      %dma_wait3A_145 = arith.constant 0 : i32
      %dma_wait3A_146 = arith.constant 0 : i32
      %dma_wait3A_147 = tpu.memref_slice %arg4[%dma_wait3A_145, %dma_wait3A_146] : memref<20000x128xf32, #tpu.memory_space<hbm>> -> memref<20000x128xf32, #tpu.memory_space<hbm>>
      %dma_wait3A_148 = tpu.memref_slice %arg11[%dma_wait3A_137] : memref<2x!tpu.dma_semaphore, #tpu.memory_space<semaphore_mem>> -> memref<1x!tpu.dma_semaphore, #tpu.memory_space<semaphore_mem>>
      %dma_wait3A_149 = tpu.memref_squeeze %dma_wait3A_148 : memref<1x!tpu.dma_semaphore, #tpu.memory_space<semaphore_mem>> -> memref<!tpu.dma_semaphore, #tpu.memory_space<semaphore_mem>>
      tpu.wait_indirect_dma semaphore(%dma_wait3A_149 : memref<!tpu.dma_semaphore, #tpu.memory_space<semaphore_mem>>) src(%dma_wait3A_147 : memref<20000x128xf32, #tpu.memory_space<hbm>>) dst(%dma_wait3A_141 : memref<128x128xf32, #tpu.memory_space<vmem>>)
      %add3A_150 = arith.constant 1 : i32
      %add3A_151 = arith.addi %mul3A_107, %add3A_150 : i32
      %run_scoped3A_152 = arith.constant 1 : i32
      "tpu.region"() ({
        %run_scoped3A_163 = tpu.sem_alloc : memref<!tpu.dma_semaphore, #tpu.memory_space<semaphore_mem>>
        %dma_start3A_164 = arith.constant 0 : i32
        %dma_start3A_165 = arith.constant 0 : i32
        %dma_start3A_166 = tpu.memref_slice %arg9[%run_scoped3A_152, %dma_start3A_164, %dma_start3A_165] : memref<2x128x128xf32, #tpu.memory_space<vmem>> -> memref<1x128x128xf32, #tpu.memory_space<vmem>>
        %dma_start3A_167 = tpu.memref_squeeze %dma_start3A_166 : memref<1x128x128xf32, #tpu.memory_space<vmem>> -> memref<128x128xf32, #tpu.memory_space<vmem>>
        %dma_start3A_168 = arith.constant 0 : i32
        %dma_start3A_169 = tpu.memref_slice %arg8[%add3A_151, %dma_start3A_168] : memref<40x128xi32, #tpu.memory_space<vmem>> -> memref<1x128xi32, #tpu.memory_space<vmem>>
        %dma_start3A_170 = tpu.memref_squeeze %dma_start3A_169 : memref<1x128xi32, #tpu.memory_space<vmem>> -> memref<128xi32, #tpu.memory_space<vmem>>
        %dma_start3A_171 = arith.constant 0 : i32
        %dma_start3A_172 = arith.constant 0 : i32
        %dma_start3A_173 = tpu.memref_slice %arg10[%dma_start3A_171, %dma_start3A_172] : memref<10016x128xf32, #tpu.memory_space<vmem_shared>> -> memref<10016x128xf32, #tpu.memory_space<vmem_shared>>
        tpu.enqueue_indirect_dma source(%dma_start3A_167 : memref<128x128xf32, #tpu.memory_space<vmem>>) target(%dma_start3A_173 : memref<10016x128xf32, #tpu.memory_space<vmem_shared>>) offsets(%dma_start3A_170 : memref<128xi32, #tpu.memory_space<vmem>>) semaphore(%run_scoped3A_163 : memref<!tpu.dma_semaphore, #tpu.memory_space<semaphore_mem>>) {add = true}
        %dma_wait3A_174 = arith.constant 0 : i32
        %dma_wait3A_175 = arith.constant 0 : i32
        %dma_wait3A_176 = tpu.memref_slice %arg9[%run_scoped3A_152, %dma_wait3A_174, %dma_wait3A_175] : memref<2x128x128xf32, #tpu.memory_space<vmem>> -> memref<1x128x128xf32, #tpu.memory_space<vmem>>
        %dma_wait3A_177 = tpu.memref_squeeze %dma_wait3A_176 : memref<1x128x128xf32, #tpu.memory_space<vmem>> -> memref<128x128xf32, #tpu.memory_space<vmem>>
        %dma_wait3A_178 = arith.constant 0 : i32
        %dma_wait3A_179 = tpu.memref_slice %arg8[%add3A_151, %dma_wait3A_178] : memref<40x128xi32, #tpu.memory_space<vmem>> -> memref<1x128xi32, #tpu.memory_space<vmem>>
        %dma_wait3A_180 = tpu.memref_squeeze %dma_wait3A_179 : memref<1x128xi32, #tpu.memory_space<vmem>> -> memref<128xi32, #tpu.memory_space<vmem>>
        %dma_wait3A_181 = arith.constant 0 : i32
        %dma_wait3A_182 = arith.constant 0 : i32
        %dma_wait3A_183 = tpu.memref_slice %arg10[%dma_wait3A_181, %dma_wait3A_182] : memref<10016x128xf32, #tpu.memory_space<vmem_shared>> -> memref<10016x128xf32, #tpu.memory_space<vmem_shared>>
        tpu.wait_indirect_dma semaphore(%run_scoped3A_163 : memref<!tpu.dma_semaphore, #tpu.memory_space<semaphore_mem>>) src(%dma_wait3A_177 : memref<128x128xf32, #tpu.memory_space<vmem>>) dst(%dma_wait3A_183 : memref<10016x128xf32, #tpu.memory_space<vmem_shared>>)
        tpu.yield
      }) : () -> ()
      %add3A_153 = arith.constant 1 : i32
      %add3A_154 = arith.addi %mul3A_107, %add3A_153 : i32
      %add3A_155 = arith.constant 2 : i32
      %add3A_156 = arith.addi %add3A_154, %add3A_155 : i32
      %lt3A_157 = arith.constant 40 : i32
      %lt3A_158 = arith.cmpi slt, %add3A_156, %lt3A_157 : i32
      %convert_element_type3A_159 = arith.extui %lt3A_158 : i1 to i32
      %cond3A_160 = arith.constant 0 : i32
      %cond3A_161 = arith.cmpi ne, %convert_element_type3A_159, %cond3A_160 : i32
      scf.if %cond3A_161 {
        %add3A_163 = arith.constant 1 : i32
        %add3A_164 = arith.addi %mul3A_107, %add3A_163 : i32
        %add3A_165 = arith.constant 2 : i32
        %add3A_166 = arith.addi %add3A_164, %add3A_165 : i32
        %dma_start3A_167 = arith.constant 1 : i32
        %dma_start3A_168 = arith.constant 1 : i32
        %dma_start3A_169 = arith.constant 0 : i32
        %dma_start3A_170 = arith.constant 0 : i32
        %dma_start3A_171 = tpu.memref_slice %arg9[%dma_start3A_167, %dma_start3A_169, %dma_start3A_170] : memref<2x128x128xf32, #tpu.memory_space<vmem>> -> memref<1x128x128xf32, #tpu.memory_space<vmem>>
        %dma_start3A_172 = tpu.memref_squeeze %dma_start3A_171 : memref<1x128x128xf32, #tpu.memory_space<vmem>> -> memref<128x128xf32, #tpu.memory_space<vmem>>
        %dma_start3A_173 = arith.constant 0 : i32
        %dma_start3A_174 = tpu.memref_slice %arg7[%add3A_166, %dma_start3A_173] : memref<40x128xi32, #tpu.memory_space<vmem>> -> memref<1x128xi32, #tpu.memory_space<vmem>>
        %dma_start3A_175 = tpu.memref_squeeze %dma_start3A_174 : memref<1x128xi32, #tpu.memory_space<vmem>> -> memref<128xi32, #tpu.memory_space<vmem>>
        %dma_start3A_176 = arith.constant 0 : i32
        %dma_start3A_177 = arith.constant 0 : i32
        %dma_start3A_178 = tpu.memref_slice %arg4[%dma_start3A_176, %dma_start3A_177] : memref<20000x128xf32, #tpu.memory_space<hbm>> -> memref<20000x128xf32, #tpu.memory_space<hbm>>
        %dma_start3A_179 = tpu.memref_slice %arg11[%dma_start3A_168] : memref<2x!tpu.dma_semaphore, #tpu.memory_space<semaphore_mem>> -> memref<1x!tpu.dma_semaphore, #tpu.memory_space<semaphore_mem>>
        %dma_start3A_180 = tpu.memref_squeeze %dma_start3A_179 : memref<1x!tpu.dma_semaphore, #tpu.memory_space<semaphore_mem>> -> memref<!tpu.dma_semaphore, #tpu.memory_space<semaphore_mem>>
        tpu.enqueue_indirect_dma source(%dma_start3A_178 : memref<20000x128xf32, #tpu.memory_space<hbm>>) target(%dma_start3A_172 : memref<128x128xf32, #tpu.memory_space<vmem>>) offsets(%dma_start3A_175 : memref<128xi32, #tpu.memory_space<vmem>>) semaphore(%dma_start3A_180 : memref<!tpu.dma_semaphore, #tpu.memory_space<semaphore_mem>>)
      } else {
      }
      %scan3A_162 = arith.constant 0 : i32
      scf.yield %scan3A_162 : i32
    }
    %scan3A_49 = arith.constant 20 : i32
    %mul3A_50 = arith.constant 80 : i32
    %mul3A_51 = arith.muli %arg1, %mul3A_50 : i32
    %add3A_52 = arith.constant 40 : i32
    %add3A_53 = arith.addi %mul3A_51, %add3A_52 : i32
    "tpu.region"() ({
      %run_scoped3A = tpu.sem_alloc : memref<!tpu.dma_semaphore, #tpu.memory_space<semaphore_mem>>
      %dma_start3A_104 = arith.constant 0 : i32
      %dma_start3A_105 = tpu.memref_slice %arg2[%arg0, %add3A_53, %dma_start3A_104] : memref<2x1280x128xi32, #tpu.memory_space<hbm>> -> memref<1x40x128xi32, #tpu.memory_space<hbm>>
      %dma_start3A_106 = tpu.memref_squeeze %dma_start3A_105 : memref<1x40x128xi32, #tpu.memory_space<hbm>> -> memref<40x128xi32, #tpu.memory_space<hbm>>
      %dma_start3A_107 = arith.constant 0 : i32
      %dma_start3A_108 = tpu.memref_slice %arg2[%arg0, %add3A_53, %dma_start3A_107] : memref<2x1280x128xi32, #tpu.memory_space<hbm>> -> memref<1x40x128xi32, #tpu.memory_space<hbm>>
      %dma_start3A_109 = tpu.memref_squeeze %dma_start3A_108 : memref<1x40x128xi32, #tpu.memory_space<hbm>> -> memref<40x128xi32, #tpu.memory_space<hbm>>
      tpu.enqueue_dma source(%dma_start3A_109 : memref<40x128xi32, #tpu.memory_space<hbm>>) target(%arg7 : memref<40x128xi32, #tpu.memory_space<vmem>>) target_semaphore(%run_scoped3A : memref<!tpu.dma_semaphore, #tpu.memory_space<semaphore_mem>>)
      %dma_wait3A = arith.constant 0 : i32
      %dma_wait3A_110 = tpu.memref_slice %arg2[%arg0, %add3A_53, %dma_wait3A] : memref<2x1280x128xi32, #tpu.memory_space<hbm>> -> memref<1x40x128xi32, #tpu.memory_space<hbm>>
      %dma_wait3A_111 = tpu.memref_squeeze %dma_wait3A_110 : memref<1x40x128xi32, #tpu.memory_space<hbm>> -> memref<40x128xi32, #tpu.memory_space<hbm>>
      %dma_wait3A_112 = arith.constant 0 : i32
      %dma_wait3A_113 = tpu.memref_slice %arg2[%arg0, %add3A_53, %dma_wait3A_112] : memref<2x1280x128xi32, #tpu.memory_space<hbm>> -> memref<1x40x128xi32, #tpu.memory_space<hbm>>
      %dma_wait3A_114 = tpu.memref_squeeze %dma_wait3A_113 : memref<1x40x128xi32, #tpu.memory_space<hbm>> -> memref<40x128xi32, #tpu.memory_space<hbm>>
      tpu.wait_dma2 semaphore(%run_scoped3A : memref<!tpu.dma_semaphore, #tpu.memory_space<semaphore_mem>>) src(%dma_wait3A_114 : memref<40x128xi32, #tpu.memory_space<hbm>>) dst(%arg7 : memref<40x128xi32, #tpu.memory_space<vmem>>)
      tpu.yield
    }) : () -> ()
    "tpu.region"() ({
      %run_scoped3A = tpu.sem_alloc : memref<!tpu.dma_semaphore, #tpu.memory_space<semaphore_mem>>
      %dma_start3A_104 = arith.constant 0 : i32
      %dma_start3A_105 = tpu.memref_slice %arg3[%arg0, %add3A_53, %dma_start3A_104] : memref<2x1280x128xi32, #tpu.memory_space<hbm>> -> memref<1x40x128xi32, #tpu.memory_space<hbm>>
      %dma_start3A_106 = tpu.memref_squeeze %dma_start3A_105 : memref<1x40x128xi32, #tpu.memory_space<hbm>> -> memref<40x128xi32, #tpu.memory_space<hbm>>
      %dma_start3A_107 = arith.constant 0 : i32
      %dma_start3A_108 = tpu.memref_slice %arg3[%arg0, %add3A_53, %dma_start3A_107] : memref<2x1280x128xi32, #tpu.memory_space<hbm>> -> memref<1x40x128xi32, #tpu.memory_space<hbm>>
      %dma_start3A_109 = tpu.memref_squeeze %dma_start3A_108 : memref<1x40x128xi32, #tpu.memory_space<hbm>> -> memref<40x128xi32, #tpu.memory_space<hbm>>
      tpu.enqueue_dma source(%dma_start3A_109 : memref<40x128xi32, #tpu.memory_space<hbm>>) target(%arg8 : memref<40x128xi32, #tpu.memory_space<vmem>>) target_semaphore(%run_scoped3A : memref<!tpu.dma_semaphore, #tpu.memory_space<semaphore_mem>>)
      %dma_wait3A = arith.constant 0 : i32
      %dma_wait3A_110 = tpu.memref_slice %arg3[%arg0, %add3A_53, %dma_wait3A] : memref<2x1280x128xi32, #tpu.memory_space<hbm>> -> memref<1x40x128xi32, #tpu.memory_space<hbm>>
      %dma_wait3A_111 = tpu.memref_squeeze %dma_wait3A_110 : memref<1x40x128xi32, #tpu.memory_space<hbm>> -> memref<40x128xi32, #tpu.memory_space<hbm>>
      %dma_wait3A_112 = arith.constant 0 : i32
      %dma_wait3A_113 = tpu.memref_slice %arg3[%arg0, %add3A_53, %dma_wait3A_112] : memref<2x1280x128xi32, #tpu.memory_space<hbm>> -> memref<1x40x128xi32, #tpu.memory_space<hbm>>
      %dma_wait3A_114 = tpu.memref_squeeze %dma_wait3A_113 : memref<1x40x128xi32, #tpu.memory_space<hbm>> -> memref<40x128xi32, #tpu.memory_space<hbm>>
      tpu.wait_dma2 semaphore(%run_scoped3A : memref<!tpu.dma_semaphore, #tpu.memory_space<semaphore_mem>>) src(%dma_wait3A_114 : memref<40x128xi32, #tpu.memory_space<hbm>>) dst(%arg8 : memref<40x128xi32, #tpu.memory_space<vmem>>)
      tpu.yield
    }) : () -> ()
    %dma_start3A_54 = arith.constant 0 : i32
    %dma_start3A_55 = arith.constant 0 : i32
    %dma_start3A_56 = arith.constant 0 : i32
    %dma_start3A_57 = arith.constant 0 : i32
    %dma_start3A_58 = arith.constant 0 : i32
    %dma_start3A_59 = tpu.memref_slice %arg9[%dma_start3A_55, %dma_start3A_57, %dma_start3A_58] : memref<2x128x128xf32, #tpu.memory_space<vmem>> -> memref<1x128x128xf32, #tpu.memory_space<vmem>>
    %dma_start3A_60 = tpu.memref_squeeze %dma_start3A_59 : memref<1x128x128xf32, #tpu.memory_space<vmem>> -> memref<128x128xf32, #tpu.memory_space<vmem>>
    %dma_start3A_61 = arith.constant 0 : i32
    %dma_start3A_62 = tpu.memref_slice %arg7[%dma_start3A_54, %dma_start3A_61] : memref<40x128xi32, #tpu.memory_space<vmem>> -> memref<1x128xi32, #tpu.memory_space<vmem>>
    %dma_start3A_63 = tpu.memref_squeeze %dma_start3A_62 : memref<1x128xi32, #tpu.memory_space<vmem>> -> memref<128xi32, #tpu.memory_space<vmem>>
    %dma_start3A_64 = arith.constant 0 : i32
    %dma_start3A_65 = arith.constant 0 : i32
    %dma_start3A_66 = tpu.memref_slice %arg4[%dma_start3A_64, %dma_start3A_65] : memref<20000x128xf32, #tpu.memory_space<hbm>> -> memref<20000x128xf32, #tpu.memory_space<hbm>>
    %dma_start3A_67 = tpu.memref_slice %arg11[%dma_start3A_56] : memref<2x!tpu.dma_semaphore, #tpu.memory_space<semaphore_mem>> -> memref<1x!tpu.dma_semaphore, #tpu.memory_space<semaphore_mem>>
    %dma_start3A_68 = tpu.memref_squeeze %dma_start3A_67 : memref<1x!tpu.dma_semaphore, #tpu.memory_space<semaphore_mem>> -> memref<!tpu.dma_semaphore, #tpu.memory_space<semaphore_mem>>
    tpu.enqueue_indirect_dma source(%dma_start3A_66 : memref<20000x128xf32, #tpu.memory_space<hbm>>) target(%dma_start3A_60 : memref<128x128xf32, #tpu.memory_space<vmem>>) offsets(%dma_start3A_63 : memref<128xi32, #tpu.memory_space<vmem>>) semaphore(%dma_start3A_68 : memref<!tpu.dma_semaphore, #tpu.memory_space<semaphore_mem>>)
    %dma_start3A_69 = arith.constant 1 : i32
    %dma_start3A_70 = arith.constant 1 : i32
    %dma_start3A_71 = arith.constant 1 : i32
    %dma_start3A_72 = arith.constant 0 : i32
    %dma_start3A_73 = arith.constant 0 : i32
    %dma_start3A_74 = tpu.memref_slice %arg9[%dma_start3A_70, %dma_start3A_72, %dma_start3A_73] : memref<2x128x128xf32, #tpu.memory_space<vmem>> -> memref<1x128x128xf32, #tpu.memory_space<vmem>>
    %dma_start3A_75 = tpu.memref_squeeze %dma_start3A_74 : memref<1x128x128xf32, #tpu.memory_space<vmem>> -> memref<128x128xf32, #tpu.memory_space<vmem>>
    %dma_start3A_76 = arith.constant 0 : i32
    %dma_start3A_77 = tpu.memref_slice %arg7[%dma_start3A_69, %dma_start3A_76] : memref<40x128xi32, #tpu.memory_space<vmem>> -> memref<1x128xi32, #tpu.memory_space<vmem>>
    %dma_start3A_78 = tpu.memref_squeeze %dma_start3A_77 : memref<1x128xi32, #tpu.memory_space<vmem>> -> memref<128xi32, #tpu.memory_space<vmem>>
    %dma_start3A_79 = arith.constant 0 : i32
    %dma_start3A_80 = arith.constant 0 : i32
    %dma_start3A_81 = tpu.memref_slice %arg4[%dma_start3A_79, %dma_start3A_80] : memref<20000x128xf32, #tpu.memory_space<hbm>> -> memref<20000x128xf32, #tpu.memory_space<hbm>>
    %dma_start3A_82 = tpu.memref_slice %arg11[%dma_start3A_71] : memref<2x!tpu.dma_semaphore, #tpu.memory_space<semaphore_mem>> -> memref<1x!tpu.dma_semaphore, #tpu.memory_space<semaphore_mem>>
    %dma_start3A_83 = tpu.memref_squeeze %dma_start3A_82 : memref<1x!tpu.dma_semaphore, #tpu.memory_space<semaphore_mem>> -> memref<!tpu.dma_semaphore, #tpu.memory_space<semaphore_mem>>
    tpu.enqueue_indirect_dma source(%dma_start3A_81 : memref<20000x128xf32, #tpu.memory_space<hbm>>) target(%dma_start3A_75 : memref<128x128xf32, #tpu.memory_space<vmem>>) offsets(%dma_start3A_78 : memref<128xi32, #tpu.memory_space<vmem>>) semaphore(%dma_start3A_83 : memref<!tpu.dma_semaphore, #tpu.memory_space<semaphore_mem>>)
    %scan3A_84 = arith.constant 0 : i32
    %scan3A_85 = arith.constant 0 : i32
    %scan3A_86 = arith.constant 20 : i32
    %scan3A_87 = arith.addi %scan3A_85, %scan3A_86 : i32
    %scan3A_88 = arith.constant 1 : i32
    %scan3A_89 = scf.for %scan3A_104 = %scan3A_85 to %scan3A_87 step %scan3A_88 iter_args(%scan3A_105 = %scan3A_84) -> (i32)  : i32 {
      %mul3A_106 = arith.constant 2 : i32
      %mul3A_107 = arith.muli %scan3A_104, %mul3A_106 : i32
      %add3A_108 = arith.constant 0 : i32
      %add3A_109 = arith.addi %mul3A_107, %add3A_108 : i32
      %dma_wait3A = arith.constant 0 : i32
      %dma_wait3A_110 = arith.constant 0 : i32
      %dma_wait3A_111 = arith.constant 0 : i32
      %dma_wait3A_112 = arith.constant 0 : i32
      %dma_wait3A_113 = tpu.memref_slice %arg9[%dma_wait3A, %dma_wait3A_111, %dma_wait3A_112] : memref<2x128x128xf32, #tpu.memory_space<vmem>> -> memref<1x128x128xf32, #tpu.memory_space<vmem>>
      %dma_wait3A_114 = tpu.memref_squeeze %dma_wait3A_113 : memref<1x128x128xf32, #tpu.memory_space<vmem>> -> memref<128x128xf32, #tpu.memory_space<vmem>>
      %dma_wait3A_115 = arith.constant 0 : i32
      %dma_wait3A_116 = tpu.memref_slice %arg7[%add3A_109, %dma_wait3A_115] : memref<40x128xi32, #tpu.memory_space<vmem>> -> memref<1x128xi32, #tpu.memory_space<vmem>>
      %dma_wait3A_117 = tpu.memref_squeeze %dma_wait3A_116 : memref<1x128xi32, #tpu.memory_space<vmem>> -> memref<128xi32, #tpu.memory_space<vmem>>
      %dma_wait3A_118 = arith.constant 0 : i32
      %dma_wait3A_119 = arith.constant 0 : i32
      %dma_wait3A_120 = tpu.memref_slice %arg4[%dma_wait3A_118, %dma_wait3A_119] : memref<20000x128xf32, #tpu.memory_space<hbm>> -> memref<20000x128xf32, #tpu.memory_space<hbm>>
      %dma_wait3A_121 = tpu.memref_slice %arg11[%dma_wait3A_110] : memref<2x!tpu.dma_semaphore, #tpu.memory_space<semaphore_mem>> -> memref<1x!tpu.dma_semaphore, #tpu.memory_space<semaphore_mem>>
      %dma_wait3A_122 = tpu.memref_squeeze %dma_wait3A_121 : memref<1x!tpu.dma_semaphore, #tpu.memory_space<semaphore_mem>> -> memref<!tpu.dma_semaphore, #tpu.memory_space<semaphore_mem>>
      tpu.wait_indirect_dma semaphore(%dma_wait3A_122 : memref<!tpu.dma_semaphore, #tpu.memory_space<semaphore_mem>>) src(%dma_wait3A_120 : memref<20000x128xf32, #tpu.memory_space<hbm>>) dst(%dma_wait3A_114 : memref<128x128xf32, #tpu.memory_space<vmem>>)
      %add3A_123 = arith.constant 0 : i32
      %add3A_124 = arith.addi %mul3A_107, %add3A_123 : i32
      %run_scoped3A = arith.constant 0 : i32
      "tpu.region"() ({
        %run_scoped3A_163 = tpu.sem_alloc : memref<!tpu.dma_semaphore, #tpu.memory_space<semaphore_mem>>
        %dma_start3A_164 = arith.constant 0 : i32
        %dma_start3A_165 = arith.constant 0 : i32
        %dma_start3A_166 = tpu.memref_slice %arg9[%run_scoped3A, %dma_start3A_164, %dma_start3A_165] : memref<2x128x128xf32, #tpu.memory_space<vmem>> -> memref<1x128x128xf32, #tpu.memory_space<vmem>>
        %dma_start3A_167 = tpu.memref_squeeze %dma_start3A_166 : memref<1x128x128xf32, #tpu.memory_space<vmem>> -> memref<128x128xf32, #tpu.memory_space<vmem>>
        %dma_start3A_168 = arith.constant 0 : i32
        %dma_start3A_169 = tpu.memref_slice %arg8[%add3A_124, %dma_start3A_168] : memref<40x128xi32, #tpu.memory_space<vmem>> -> memref<1x128xi32, #tpu.memory_space<vmem>>
        %dma_start3A_170 = tpu.memref_squeeze %dma_start3A_169 : memref<1x128xi32, #tpu.memory_space<vmem>> -> memref<128xi32, #tpu.memory_space<vmem>>
        %dma_start3A_171 = arith.constant 0 : i32
        %dma_start3A_172 = arith.constant 0 : i32
        %dma_start3A_173 = tpu.memref_slice %arg10[%dma_start3A_171, %dma_start3A_172] : memref<10016x128xf32, #tpu.memory_space<vmem_shared>> -> memref<10016x128xf32, #tpu.memory_space<vmem_shared>>
        tpu.enqueue_indirect_dma source(%dma_start3A_167 : memref<128x128xf32, #tpu.memory_space<vmem>>) target(%dma_start3A_173 : memref<10016x128xf32, #tpu.memory_space<vmem_shared>>) offsets(%dma_start3A_170 : memref<128xi32, #tpu.memory_space<vmem>>) semaphore(%run_scoped3A_163 : memref<!tpu.dma_semaphore, #tpu.memory_space<semaphore_mem>>) {add = true}
        %dma_wait3A_174 = arith.constant 0 : i32
        %dma_wait3A_175 = arith.constant 0 : i32
        %dma_wait3A_176 = tpu.memref_slice %arg9[%run_scoped3A, %dma_wait3A_174, %dma_wait3A_175] : memref<2x128x128xf32, #tpu.memory_space<vmem>> -> memref<1x128x128xf32, #tpu.memory_space<vmem>>
        %dma_wait3A_177 = tpu.memref_squeeze %dma_wait3A_176 : memref<1x128x128xf32, #tpu.memory_space<vmem>> -> memref<128x128xf32, #tpu.memory_space<vmem>>
        %dma_wait3A_178 = arith.constant 0 : i32
        %dma_wait3A_179 = tpu.memref_slice %arg8[%add3A_124, %dma_wait3A_178] : memref<40x128xi32, #tpu.memory_space<vmem>> -> memref<1x128xi32, #tpu.memory_space<vmem>>
        %dma_wait3A_180 = tpu.memref_squeeze %dma_wait3A_179 : memref<1x128xi32, #tpu.memory_space<vmem>> -> memref<128xi32, #tpu.memory_space<vmem>>
        %dma_wait3A_181 = arith.constant 0 : i32
        %dma_wait3A_182 = arith.constant 0 : i32
        %dma_wait3A_183 = tpu.memref_slice %arg10[%dma_wait3A_181, %dma_wait3A_182] : memref<10016x128xf32, #tpu.memory_space<vmem_shared>> -> memref<10016x128xf32, #tpu.memory_space<vmem_shared>>
        tpu.wait_indirect_dma semaphore(%run_scoped3A_163 : memref<!tpu.dma_semaphore, #tpu.memory_space<semaphore_mem>>) src(%dma_wait3A_177 : memref<128x128xf32, #tpu.memory_space<vmem>>) dst(%dma_wait3A_183 : memref<10016x128xf32, #tpu.memory_space<vmem_shared>>)
        tpu.yield
      }) : () -> ()
      %add3A_125 = arith.constant 0 : i32
      %add3A_126 = arith.addi %mul3A_107, %add3A_125 : i32
      %add3A_127 = arith.constant 2 : i32
      %add3A_128 = arith.addi %add3A_126, %add3A_127 : i32
      %lt3A_129 = arith.constant 40 : i32
      %lt3A_130 = arith.cmpi slt, %add3A_128, %lt3A_129 : i32
      %convert_element_type3A_131 = arith.extui %lt3A_130 : i1 to i32
      %cond3A_132 = arith.constant 0 : i32
      %cond3A_133 = arith.cmpi ne, %convert_element_type3A_131, %cond3A_132 : i32
      scf.if %cond3A_133 {
        %add3A_163 = arith.constant 0 : i32
        %add3A_164 = arith.addi %mul3A_107, %add3A_163 : i32
        %add3A_165 = arith.constant 2 : i32
        %add3A_166 = arith.addi %add3A_164, %add3A_165 : i32
        %dma_start3A_167 = arith.constant 0 : i32
        %dma_start3A_168 = arith.constant 0 : i32
        %dma_start3A_169 = arith.constant 0 : i32
        %dma_start3A_170 = arith.constant 0 : i32
        %dma_start3A_171 = tpu.memref_slice %arg9[%dma_start3A_167, %dma_start3A_169, %dma_start3A_170] : memref<2x128x128xf32, #tpu.memory_space<vmem>> -> memref<1x128x128xf32, #tpu.memory_space<vmem>>
        %dma_start3A_172 = tpu.memref_squeeze %dma_start3A_171 : memref<1x128x128xf32, #tpu.memory_space<vmem>> -> memref<128x128xf32, #tpu.memory_space<vmem>>
        %dma_start3A_173 = arith.constant 0 : i32
        %dma_start3A_174 = tpu.memref_slice %arg7[%add3A_166, %dma_start3A_173] : memref<40x128xi32, #tpu.memory_space<vmem>> -> memref<1x128xi32, #tpu.memory_space<vmem>>
        %dma_start3A_175 = tpu.memref_squeeze %dma_start3A_174 : memref<1x128xi32, #tpu.memory_space<vmem>> -> memref<128xi32, #tpu.memory_space<vmem>>
        %dma_start3A_176 = arith.constant 0 : i32
        %dma_start3A_177 = arith.constant 0 : i32
        %dma_start3A_178 = tpu.memref_slice %arg4[%dma_start3A_176, %dma_start3A_177] : memref<20000x128xf32, #tpu.memory_space<hbm>> -> memref<20000x128xf32, #tpu.memory_space<hbm>>
        %dma_start3A_179 = tpu.memref_slice %arg11[%dma_start3A_168] : memref<2x!tpu.dma_semaphore, #tpu.memory_space<semaphore_mem>> -> memref<1x!tpu.dma_semaphore, #tpu.memory_space<semaphore_mem>>
        %dma_start3A_180 = tpu.memref_squeeze %dma_start3A_179 : memref<1x!tpu.dma_semaphore, #tpu.memory_space<semaphore_mem>> -> memref<!tpu.dma_semaphore, #tpu.memory_space<semaphore_mem>>
        tpu.enqueue_indirect_dma source(%dma_start3A_178 : memref<20000x128xf32, #tpu.memory_space<hbm>>) target(%dma_start3A_172 : memref<128x128xf32, #tpu.memory_space<vmem>>) offsets(%dma_start3A_175 : memref<128xi32, #tpu.memory_space<vmem>>) semaphore(%dma_start3A_180 : memref<!tpu.dma_semaphore, #tpu.memory_space<semaphore_mem>>)
      } else {
      }
      %add3A_134 = arith.constant 1 : i32
      %add3A_135 = arith.addi %mul3A_107, %add3A_134 : i32
      %dma_wait3A_136 = arith.constant 1 : i32
      %dma_wait3A_137 = arith.constant 1 : i32
      %dma_wait3A_138 = arith.constant 0 : i32
      %dma_wait3A_139 = arith.constant 0 : i32
      %dma_wait3A_140 = tpu.memref_slice %arg9[%dma_wait3A_136, %dma_wait3A_138, %dma_wait3A_139] : memref<2x128x128xf32, #tpu.memory_space<vmem>> -> memref<1x128x128xf32, #tpu.memory_space<vmem>>
      %dma_wait3A_141 = tpu.memref_squeeze %dma_wait3A_140 : memref<1x128x128xf32, #tpu.memory_space<vmem>> -> memref<128x128xf32, #tpu.memory_space<vmem>>
      %dma_wait3A_142 = arith.constant 0 : i32
      %dma_wait3A_143 = tpu.memref_slice %arg7[%add3A_135, %dma_wait3A_142] : memref<40x128xi32, #tpu.memory_space<vmem>> -> memref<1x128xi32, #tpu.memory_space<vmem>>
      %dma_wait3A_144 = tpu.memref_squeeze %dma_wait3A_143 : memref<1x128xi32, #tpu.memory_space<vmem>> -> memref<128xi32, #tpu.memory_space<vmem>>
      %dma_wait3A_145 = arith.constant 0 : i32
      %dma_wait3A_146 = arith.constant 0 : i32
      %dma_wait3A_147 = tpu.memref_slice %arg4[%dma_wait3A_145, %dma_wait3A_146] : memref<20000x128xf32, #tpu.memory_space<hbm>> -> memref<20000x128xf32, #tpu.memory_space<hbm>>
      %dma_wait3A_148 = tpu.memref_slice %arg11[%dma_wait3A_137] : memref<2x!tpu.dma_semaphore, #tpu.memory_space<semaphore_mem>> -> memref<1x!tpu.dma_semaphore, #tpu.memory_space<semaphore_mem>>
      %dma_wait3A_149 = tpu.memref_squeeze %dma_wait3A_148 : memref<1x!tpu.dma_semaphore, #tpu.memory_space<semaphore_mem>> -> memref<!tpu.dma_semaphore, #tpu.memory_space<semaphore_mem>>
      tpu.wait_indirect_dma semaphore(%dma_wait3A_149 : memref<!tpu.dma_semaphore, #tpu.memory_space<semaphore_mem>>) src(%dma_wait3A_147 : memref<20000x128xf32, #tpu.memory_space<hbm>>) dst(%dma_wait3A_141 : memref<128x128xf32, #tpu.memory_space<vmem>>)
      %add3A_150 = arith.constant 1 : i32
      %add3A_151 = arith.addi %mul3A_107, %add3A_150 : i32
      %run_scoped3A_152 = arith.constant 1 : i32
      "tpu.region"() ({
        %run_scoped3A_163 = tpu.sem_alloc : memref<!tpu.dma_semaphore, #tpu.memory_space<semaphore_mem>>
        %dma_start3A_164 = arith.constant 0 : i32
        %dma_start3A_165 = arith.constant 0 : i32
        %dma_start3A_166 = tpu.memref_slice %arg9[%run_scoped3A_152, %dma_start3A_164, %dma_start3A_165] : memref<2x128x128xf32, #tpu.memory_space<vmem>> -> memref<1x128x128xf32, #tpu.memory_space<vmem>>
        %dma_start3A_167 = tpu.memref_squeeze %dma_start3A_166 : memref<1x128x128xf32, #tpu.memory_space<vmem>> -> memref<128x128xf32, #tpu.memory_space<vmem>>
        %dma_start3A_168 = arith.constant 0 : i32
        %dma_start3A_169 = tpu.memref_slice %arg8[%add3A_151, %dma_start3A_168] : memref<40x128xi32, #tpu.memory_space<vmem>> -> memref<1x128xi32, #tpu.memory_space<vmem>>
        %dma_start3A_170 = tpu.memref_squeeze %dma_start3A_169 : memref<1x128xi32, #tpu.memory_space<vmem>> -> memref<128xi32, #tpu.memory_space<vmem>>
        %dma_start3A_171 = arith.constant 0 : i32
        %dma_start3A_172 = arith.constant 0 : i32
        %dma_start3A_173 = tpu.memref_slice %arg10[%dma_start3A_171, %dma_start3A_172] : memref<10016x128xf32, #tpu.memory_space<vmem_shared>> -> memref<10016x128xf32, #tpu.memory_space<vmem_shared>>
        tpu.enqueue_indirect_dma source(%dma_start3A_167 : memref<128x128xf32, #tpu.memory_space<vmem>>) target(%dma_start3A_173 : memref<10016x128xf32, #tpu.memory_space<vmem_shared>>) offsets(%dma_start3A_170 : memref<128xi32, #tpu.memory_space<vmem>>) semaphore(%run_scoped3A_163 : memref<!tpu.dma_semaphore, #tpu.memory_space<semaphore_mem>>) {add = true}
        %dma_wait3A_174 = arith.constant 0 : i32
        %dma_wait3A_175 = arith.constant 0 : i32
        %dma_wait3A_176 = tpu.memref_slice %arg9[%run_scoped3A_152, %dma_wait3A_174, %dma_wait3A_175] : memref<2x128x128xf32, #tpu.memory_space<vmem>> -> memref<1x128x128xf32, #tpu.memory_space<vmem>>
        %dma_wait3A_177 = tpu.memref_squeeze %dma_wait3A_176 : memref<1x128x128xf32, #tpu.memory_space<vmem>> -> memref<128x128xf32, #tpu.memory_space<vmem>>
        %dma_wait3A_178 = arith.constant 0 : i32
        %dma_wait3A_179 = tpu.memref_slice %arg8[%add3A_151, %dma_wait3A_178] : memref<40x128xi32, #tpu.memory_space<vmem>> -> memref<1x128xi32, #tpu.memory_space<vmem>>
        %dma_wait3A_180 = tpu.memref_squeeze %dma_wait3A_179 : memref<1x128xi32, #tpu.memory_space<vmem>> -> memref<128xi32, #tpu.memory_space<vmem>>
        %dma_wait3A_181 = arith.constant 0 : i32
        %dma_wait3A_182 = arith.constant 0 : i32
        %dma_wait3A_183 = tpu.memref_slice %arg10[%dma_wait3A_181, %dma_wait3A_182] : memref<10016x128xf32, #tpu.memory_space<vmem_shared>> -> memref<10016x128xf32, #tpu.memory_space<vmem_shared>>
        tpu.wait_indirect_dma semaphore(%run_scoped3A_163 : memref<!tpu.dma_semaphore, #tpu.memory_space<semaphore_mem>>) src(%dma_wait3A_177 : memref<128x128xf32, #tpu.memory_space<vmem>>) dst(%dma_wait3A_183 : memref<10016x128xf32, #tpu.memory_space<vmem_shared>>)
        tpu.yield
      }) : () -> ()
      %add3A_153 = arith.constant 1 : i32
      %add3A_154 = arith.addi %mul3A_107, %add3A_153 : i32
      %add3A_155 = arith.constant 2 : i32
      %add3A_156 = arith.addi %add3A_154, %add3A_155 : i32
      %lt3A_157 = arith.constant 40 : i32
      %lt3A_158 = arith.cmpi slt, %add3A_156, %lt3A_157 : i32
      %convert_element_type3A_159 = arith.extui %lt3A_158 : i1 to i32
      %cond3A_160 = arith.constant 0 : i32
      %cond3A_161 = arith.cmpi ne, %convert_element_type3A_159, %cond3A_160 : i32
      scf.if %cond3A_161 {
        %add3A_163 = arith.constant 1 : i32
        %add3A_164 = arith.addi %mul3A_107, %add3A_163 : i32
        %add3A_165 = arith.constant 2 : i32
        %add3A_166 = arith.addi %add3A_164, %add3A_165 : i32
        %dma_start3A_167 = arith.constant 1 : i32
        %dma_start3A_168 = arith.constant 1 : i32
        %dma_start3A_169 = arith.constant 0 : i32
        %dma_start3A_170 = arith.constant 0 : i32
        %dma_start3A_171 = tpu.memref_slice %arg9[%dma_start3A_167, %dma_start3A_169, %dma_start3A_170] : memref<2x128x128xf32, #tpu.memory_space<vmem>> -> memref<1x128x128xf32, #tpu.memory_space<vmem>>
        %dma_start3A_172 = tpu.memref_squeeze %dma_start3A_171 : memref<1x128x128xf32, #tpu.memory_space<vmem>> -> memref<128x128xf32, #tpu.memory_space<vmem>>
        %dma_start3A_173 = arith.constant 0 : i32
        %dma_start3A_174 = tpu.memref_slice %arg7[%add3A_166, %dma_start3A_173] : memref<40x128xi32, #tpu.memory_space<vmem>> -> memref<1x128xi32, #tpu.memory_space<vmem>>
        %dma_start3A_175 = tpu.memref_squeeze %dma_start3A_174 : memref<1x128xi32, #tpu.memory_space<vmem>> -> memref<128xi32, #tpu.memory_space<vmem>>
        %dma_start3A_176 = arith.constant 0 : i32
        %dma_start3A_177 = arith.constant 0 : i32
        %dma_start3A_178 = tpu.memref_slice %arg4[%dma_start3A_176, %dma_start3A_177] : memref<20000x128xf32, #tpu.memory_space<hbm>> -> memref<20000x128xf32, #tpu.memory_space<hbm>>
        %dma_start3A_179 = tpu.memref_slice %arg11[%dma_start3A_168] : memref<2x!tpu.dma_semaphore, #tpu.memory_space<semaphore_mem>> -> memref<1x!tpu.dma_semaphore, #tpu.memory_space<semaphore_mem>>
        %dma_start3A_180 = tpu.memref_squeeze %dma_start3A_179 : memref<1x!tpu.dma_semaphore, #tpu.memory_space<semaphore_mem>> -> memref<!tpu.dma_semaphore, #tpu.memory_space<semaphore_mem>>
        tpu.enqueue_indirect_dma source(%dma_start3A_178 : memref<20000x128xf32, #tpu.memory_space<hbm>>) target(%dma_start3A_172 : memref<128x128xf32, #tpu.memory_space<vmem>>) offsets(%dma_start3A_175 : memref<128xi32, #tpu.memory_space<vmem>>) semaphore(%dma_start3A_180 : memref<!tpu.dma_semaphore, #tpu.memory_space<semaphore_mem>>)
      } else {
      }
      %scan3A_162 = arith.constant 0 : i32
      scf.yield %scan3A_162 : i32
    }
    %scan3A_90 = arith.constant 20 : i32
    %barrier3A_91 = arith.constant 0 : index
    tpu.barrier barrier_id(%barrier3A_91)
    %mul3A_92 = arith.constant 10000 : i32
    %mul3A_93 = arith.muli %arg0, %mul3A_92 : i32
    %lt3A_94 = arith.constant 15 : i32
    %lt3A_95 = arith.cmpi slt, %arg1, %lt3A_94 : i32
    %convert_element_type3A_96 = arith.extui %lt3A_95 : i1 to i32
    %cond3A_97 = arith.constant 0 : i32
    %cond3A_98 = arith.cmpi ne, %convert_element_type3A_96, %cond3A_97 : i32
    scf.if %cond3A_98 {
      %mul3A_104 = arith.constant 640 : i32
      %mul3A_105 = arith.muli %arg1, %mul3A_104 : i32
      %add3A_106 = arith.constant 0 : i32
      %add3A_107 = arith.addi %add3A_106, %mul3A_105 : i32
      %mul3A_108 = arith.constant 640 : i32
      %mul3A_109 = arith.muli %arg1, %mul3A_108 : i32
      %add3A_110 = arith.addi %mul3A_93, %mul3A_109 : i32
      "tpu.region"() ({
        %run_scoped3A = tpu.sem_alloc : memref<!tpu.dma_semaphore, #tpu.memory_space<semaphore_mem>>
        %dma_start3A_111 = arith.constant 0 : i32
        %dma_start3A_112 = tpu.memref_slice %arg6[%add3A_110, %dma_start3A_111] : memref<20000x128xf32, #tpu.memory_space<hbm>> -> memref<640x128xf32, #tpu.memory_space<hbm>>
        %dma_start3A_113 = arith.constant 0 : i32
        %dma_start3A_114 = tpu.memref_slice %arg10[%add3A_107, %dma_start3A_113] : memref<10016x128xf32, #tpu.memory_space<vmem_shared>> -> memref<640x128xf32, #tpu.memory_space<vmem_shared>>
        tpu.enqueue_dma source(%dma_start3A_114 : memref<640x128xf32, #tpu.memory_space<vmem_shared>>) target(%dma_start3A_112 : memref<640x128xf32, #tpu.memory_space<hbm>>) target_semaphore(%run_scoped3A : memref<!tpu.dma_semaphore, #tpu.memory_space<semaphore_mem>>)
        %dma_wait3A = arith.constant 0 : i32
        %dma_wait3A_115 = tpu.memref_slice %arg6[%add3A_110, %dma_wait3A] : memref<20000x128xf32, #tpu.memory_space<hbm>> -> memref<640x128xf32, #tpu.memory_space<hbm>>
        %dma_wait3A_116 = arith.constant 0 : i32
        %dma_wait3A_117 = tpu.memref_slice %arg10[%add3A_107, %dma_wait3A_116] : memref<10016x128xf32, #tpu.memory_space<vmem_shared>> -> memref<640x128xf32, #tpu.memory_space<vmem_shared>>
        tpu.wait_dma2 semaphore(%run_scoped3A : memref<!tpu.dma_semaphore, #tpu.memory_space<semaphore_mem>>) src(%dma_wait3A_117 : memref<640x128xf32, #tpu.memory_space<vmem_shared>>) dst(%dma_wait3A_115 : memref<640x128xf32, #tpu.memory_space<hbm>>)
        tpu.yield
      }) : () -> ()
    } else {
    }
    %eq3A_99 = arith.constant 15 : i32
    %eq3A_100 = arith.cmpi eq, %arg1, %eq3A_99 : i32
    %convert_element_type3A_101 = arith.extui %eq3A_100 : i1 to i32
    %cond3A_102 = arith.constant 0 : i32
    %cond3A_103 = arith.cmpi ne, %convert_element_type3A_101, %cond3A_102 : i32
    scf.if %cond3A_103 {
      %add3A_104 = arith.constant 9600 : i32
      %add3A_105 = arith.addi %mul3A_93, %add3A_104 : i32
      "tpu.region"() ({
        %run_scoped3A = tpu.sem_alloc : memref<!tpu.dma_semaphore, #tpu.memory_space<semaphore_mem>>
        %dma_start3A_106 = arith.constant 0 : i32
        %dma_start3A_107 = tpu.memref_slice %arg6[%add3A_105, %dma_start3A_106] : memref<20000x128xf32, #tpu.memory_space<hbm>> -> memref<400x128xf32, #tpu.memory_space<hbm>>
        %dma_start3A_108 = arith.constant 9600 : i32
        %dma_start3A_109 = arith.constant 0 : i32
        %dma_start3A_110 = tpu.memref_slice %arg10[%dma_start3A_108, %dma_start3A_109] : memref<10016x128xf32, #tpu.memory_space<vmem_shared>> -> memref<400x128xf32, #tpu.memory_space<vmem_shared>>
        tpu.enqueue_dma source(%dma_start3A_110 : memref<400x128xf32, #tpu.memory_space<vmem_shared>>) target(%dma_start3A_107 : memref<400x128xf32, #tpu.memory_space<hbm>>) target_semaphore(%run_scoped3A : memref<!tpu.dma_semaphore, #tpu.memory_space<semaphore_mem>>)
        %dma_wait3A = arith.constant 0 : i32
        %dma_wait3A_111 = tpu.memref_slice %arg6[%add3A_105, %dma_wait3A] : memref<20000x128xf32, #tpu.memory_space<hbm>> -> memref<400x128xf32, #tpu.memory_space<hbm>>
        %dma_wait3A_112 = arith.constant 9600 : i32
        %dma_wait3A_113 = arith.constant 0 : i32
        %dma_wait3A_114 = tpu.memref_slice %arg10[%dma_wait3A_112, %dma_wait3A_113] : memref<10016x128xf32, #tpu.memory_space<vmem_shared>> -> memref<400x128xf32, #tpu.memory_space<vmem_shared>>
        tpu.wait_dma2 semaphore(%run_scoped3A : memref<!tpu.dma_semaphore, #tpu.memory_space<semaphore_mem>>) src(%dma_wait3A_114 : memref<400x128xf32, #tpu.memory_space<vmem_shared>>) dst(%dma_wait3A_111 : memref<400x128xf32, #tpu.memory_space<hbm>>)
        tpu.yield
      }) : () -> ()
    } else {
    }
    return
  }
}

#map = affine_map<(d0, d1) -> (0, 0, 0)>
#map1 = affine_map<(d0, d1) -> (0, 0)>
module attributes {stable_mosaic.version = 14 : i64} {
  func.func @_sc_row_agg(%arg0: i32, %arg1: i32, %arg2: memref<2x1280x128xi32, #tpu.memory_space<hbm>>, %arg3: memref<2x1280x128xi32, #tpu.memory_space<hbm>>, %arg4: memref<20000x128xf32, #tpu.memory_space<hbm>>, %arg5: memref<16x128xf32, #tpu.memory_space<hbm>>, %arg6: memref<20000x128xf32, #tpu.memory_space<hbm>>, %arg7: memref<40x128xi32, #tpu.memory_space<vmem>>, %arg8: memref<40x128xi32, #tpu.memory_space<vmem>>, %arg9: memref<2x128x128xf32, #tpu.memory_space<vmem>>, %arg10: memref<10016x128xf32, #tpu.memory_space<vmem_shared>>, %arg11: memref<2x!tpu.dma_semaphore, #tpu.memory_space<semaphore_mem>>) attributes {dimension_semantics = [#tpu.dimension_semantics<core_parallel>, #tpu.dimension_semantics<subcore_parallel>], iteration_bounds = array<i64: 2, 16>, scalar_prefetch = 0 : i64, scratch_operands = 5 : i64, tpu.core_type = #tpu.core_type<sc_vector_subcore>, window_params = [{transform_indices = #map}, {transform_indices = #map}, {transform_indices = #map1}, {transform_indices = #map1}, {transform_indices = #map1}]} {
    %mul3A = arith.constant 10000 : i32
    %mul3A_0 = arith.muli %arg0, %mul3A : i32
    %lt3A = arith.constant 15 : i32
    %lt3A_1 = arith.cmpi slt, %arg1, %lt3A : i32
    %convert_element_type3A = arith.extui %lt3A_1 : i1 to i32
    %cond3A = arith.constant 0 : i32
    %cond3A_2 = arith.cmpi ne, %convert_element_type3A, %cond3A : i32
    scf.if %cond3A_2 {
      %mul3A_104 = arith.constant 640 : i32
      %mul3A_105 = arith.muli %arg1, %mul3A_104 : i32
      %add3A_106 = arith.addi %mul3A_0, %mul3A_105 : i32
      %mul3A_107 = arith.constant 640 : i32
      %mul3A_108 = arith.muli %arg1, %mul3A_107 : i32
      %add3A_109 = arith.constant 0 : i32
      %add3A_110 = arith.addi %add3A_109, %mul3A_108 : i32
      "tpu.region"() ({
        %run_scoped3A = tpu.sem_alloc : memref<!tpu.dma_semaphore, #tpu.memory_space<semaphore_mem>>
        %dma_start3A_111 = arith.constant 0 : i32
        %dma_start3A_112 = tpu.memref_slice %arg10[%add3A_110, %dma_start3A_111] : memref<10016x128xf32, #tpu.memory_space<vmem_shared>> -> memref<640x128xf32, #tpu.memory_space<vmem_shared>>
        %dma_start3A_113 = arith.constant 0 : i32
        %dma_start3A_114 = tpu.memref_slice %arg4[%add3A_106, %dma_start3A_113] : memref<20000x128xf32, #tpu.memory_space<hbm>> -> memref<640x128xf32, #tpu.memory_space<hbm>>
        tpu.enqueue_dma source(%dma_start3A_114 : memref<640x128xf32, #tpu.memory_space<hbm>>) target(%dma_start3A_112 : memref<640x128xf32, #tpu.memory_space<vmem_shared>>) target_semaphore(%run_scoped3A : memref<!tpu.dma_semaphore, #tpu.memory_space<semaphore_mem>>)
        %dma_wait3A = arith.constant 0 : i32
        %dma_wait3A_115 = tpu.memref_slice %arg10[%add3A_110, %dma_wait3A] : memref<10016x128xf32, #tpu.memory_space<vmem_shared>> -> memref<640x128xf32, #tpu.memory_space<vmem_shared>>
        %dma_wait3A_116 = arith.constant 0 : i32
        %dma_wait3A_117 = tpu.memref_slice %arg4[%add3A_106, %dma_wait3A_116] : memref<20000x128xf32, #tpu.memory_space<hbm>> -> memref<640x128xf32, #tpu.memory_space<hbm>>
        tpu.wait_dma2 semaphore(%run_scoped3A : memref<!tpu.dma_semaphore, #tpu.memory_space<semaphore_mem>>) src(%dma_wait3A_117 : memref<640x128xf32, #tpu.memory_space<hbm>>) dst(%dma_wait3A_115 : memref<640x128xf32, #tpu.memory_space<vmem_shared>>)
        tpu.yield
      }) : () -> ()
    } else {
    }
    %eq3A = arith.constant 15 : i32
    %eq3A_3 = arith.cmpi eq, %arg1, %eq3A : i32
    %convert_element_type3A_4 = arith.extui %eq3A_3 : i1 to i32
    %cond3A_5 = arith.constant 0 : i32
    %cond3A_6 = arith.cmpi ne, %convert_element_type3A_4, %cond3A_5 : i32
    scf.if %cond3A_6 {
      %add3A_104 = arith.constant 9600 : i32
      %add3A_105 = arith.addi %mul3A_0, %add3A_104 : i32
      "tpu.region"() ({
        %run_scoped3A = tpu.sem_alloc : memref<!tpu.dma_semaphore, #tpu.memory_space<semaphore_mem>>
        %dma_start3A_106 = arith.constant 9600 : i32
        %dma_start3A_107 = arith.constant 0 : i32
        %dma_start3A_108 = tpu.memref_slice %arg10[%dma_start3A_106, %dma_start3A_107] : memref<10016x128xf32, #tpu.memory_space<vmem_shared>> -> memref<400x128xf32, #tpu.memory_space<vmem_shared>>
        %dma_start3A_109 = arith.constant 0 : i32
        %dma_start3A_110 = tpu.memref_slice %arg4[%add3A_105, %dma_start3A_109] : memref<20000x128xf32, #tpu.memory_space<hbm>> -> memref<400x128xf32, #tpu.memory_space<hbm>>
        tpu.enqueue_dma source(%dma_start3A_110 : memref<400x128xf32, #tpu.memory_space<hbm>>) target(%dma_start3A_108 : memref<400x128xf32, #tpu.memory_space<vmem_shared>>) target_semaphore(%run_scoped3A : memref<!tpu.dma_semaphore, #tpu.memory_space<semaphore_mem>>)
        %dma_wait3A = arith.constant 9600 : i32
        %dma_wait3A_111 = arith.constant 0 : i32
        %dma_wait3A_112 = tpu.memref_slice %arg10[%dma_wait3A, %dma_wait3A_111] : memref<10016x128xf32, #tpu.memory_space<vmem_shared>> -> memref<400x128xf32, #tpu.memory_space<vmem_shared>>
        %dma_wait3A_113 = arith.constant 0 : i32
        %dma_wait3A_114 = tpu.memref_slice %arg4[%add3A_105, %dma_wait3A_113] : memref<20000x128xf32, #tpu.memory_space<hbm>> -> memref<400x128xf32, #tpu.memory_space<hbm>>
        tpu.wait_dma2 semaphore(%run_scoped3A : memref<!tpu.dma_semaphore, #tpu.memory_space<semaphore_mem>>) src(%dma_wait3A_114 : memref<400x128xf32, #tpu.memory_space<hbm>>) dst(%dma_wait3A_112 : memref<400x128xf32, #tpu.memory_space<vmem_shared>>)
        tpu.yield
      }) : () -> ()
    } else {
    }
    %eq3A_7 = arith.constant 0 : i32
    %eq3A_8 = arith.cmpi eq, %arg1, %eq3A_7 : i32
    %convert_element_type3A_9 = arith.extui %eq3A_8 : i1 to i32
    %cond3A_10 = arith.constant 0 : i32
    %cond3A_11 = arith.cmpi ne, %convert_element_type3A_9, %cond3A_10 : i32
    scf.if %cond3A_11 {
      "tpu.region"() ({
        %run_scoped3A = tpu.sem_alloc : memref<!tpu.dma_semaphore, #tpu.memory_space<semaphore_mem>>
        %dma_start3A_104 = arith.constant 10000 : i32
        %dma_start3A_105 = arith.constant 0 : i32
        %dma_start3A_106 = tpu.memref_slice %arg10[%dma_start3A_104, %dma_start3A_105] : memref<10016x128xf32, #tpu.memory_space<vmem_shared>> -> memref<16x128xf32, #tpu.memory_space<vmem_shared>>
        tpu.enqueue_dma source(%arg5 : memref<16x128xf32, #tpu.memory_space<hbm>>) target(%dma_start3A_106 : memref<16x128xf32, #tpu.memory_space<vmem_shared>>) target_semaphore(%run_scoped3A : memref<!tpu.dma_semaphore, #tpu.memory_space<semaphore_mem>>)
        %dma_wait3A = arith.constant 10000 : i32
        %dma_wait3A_107 = arith.constant 0 : i32
        %dma_wait3A_108 = tpu.memref_slice %arg10[%dma_wait3A, %dma_wait3A_107] : memref<10016x128xf32, #tpu.memory_space<vmem_shared>> -> memref<16x128xf32, #tpu.memory_space<vmem_shared>>
        tpu.wait_dma2 semaphore(%run_scoped3A : memref<!tpu.dma_semaphore, #tpu.memory_space<semaphore_mem>>) src(%arg5 : memref<16x128xf32, #tpu.memory_space<hbm>>) dst(%dma_wait3A_108 : memref<16x128xf32, #tpu.memory_space<vmem_shared>>)
        tpu.yield
      }) : () -> ()
    } else {
    }
    %barrier3A = arith.constant 0 : index
    tpu.barrier barrier_id(%barrier3A)
    %mul3A_12 = arith.constant 80 : i32
    %mul3A_13 = arith.muli %arg1, %mul3A_12 : i32
    %add3A = arith.constant 0 : i32
    %add3A_14 = arith.addi %mul3A_13, %add3A : i32
    "tpu.region"() ({
      %run_scoped3A = tpu.sem_alloc : memref<!tpu.dma_semaphore, #tpu.memory_space<semaphore_mem>>
      %dma_start3A_104 = arith.constant 0 : i32
      %dma_start3A_105 = tpu.memref_slice %arg2[%arg0, %add3A_14, %dma_start3A_104] : memref<2x1280x128xi32, #tpu.memory_space<hbm>> -> memref<1x40x128xi32, #tpu.memory_space<hbm>>
      %dma_start3A_106 = tpu.memref_squeeze %dma_start3A_105 : memref<1x40x128xi32, #tpu.memory_space<hbm>> -> memref<40x128xi32, #tpu.memory_space<hbm>>
      %dma_start3A_107 = arith.constant 0 : i32
      %dma_start3A_108 = tpu.memref_slice %arg2[%arg0, %add3A_14, %dma_start3A_107] : memref<2x1280x128xi32, #tpu.memory_space<hbm>> -> memref<1x40x128xi32, #tpu.memory_space<hbm>>
      %dma_start3A_109 = tpu.memref_squeeze %dma_start3A_108 : memref<1x40x128xi32, #tpu.memory_space<hbm>> -> memref<40x128xi32, #tpu.memory_space<hbm>>
      tpu.enqueue_dma source(%dma_start3A_109 : memref<40x128xi32, #tpu.memory_space<hbm>>) target(%arg7 : memref<40x128xi32, #tpu.memory_space<vmem>>) target_semaphore(%run_scoped3A : memref<!tpu.dma_semaphore, #tpu.memory_space<semaphore_mem>>)
      %dma_wait3A = arith.constant 0 : i32
      %dma_wait3A_110 = tpu.memref_slice %arg2[%arg0, %add3A_14, %dma_wait3A] : memref<2x1280x128xi32, #tpu.memory_space<hbm>> -> memref<1x40x128xi32, #tpu.memory_space<hbm>>
      %dma_wait3A_111 = tpu.memref_squeeze %dma_wait3A_110 : memref<1x40x128xi32, #tpu.memory_space<hbm>> -> memref<40x128xi32, #tpu.memory_space<hbm>>
      %dma_wait3A_112 = arith.constant 0 : i32
      %dma_wait3A_113 = tpu.memref_slice %arg2[%arg0, %add3A_14, %dma_wait3A_112] : memref<2x1280x128xi32, #tpu.memory_space<hbm>> -> memref<1x40x128xi32, #tpu.memory_space<hbm>>
      %dma_wait3A_114 = tpu.memref_squeeze %dma_wait3A_113 : memref<1x40x128xi32, #tpu.memory_space<hbm>> -> memref<40x128xi32, #tpu.memory_space<hbm>>
      tpu.wait_dma2 semaphore(%run_scoped3A : memref<!tpu.dma_semaphore, #tpu.memory_space<semaphore_mem>>) src(%dma_wait3A_114 : memref<40x128xi32, #tpu.memory_space<hbm>>) dst(%arg7 : memref<40x128xi32, #tpu.memory_space<vmem>>)
      tpu.yield
    }) : () -> ()
    "tpu.region"() ({
      %run_scoped3A = tpu.sem_alloc : memref<!tpu.dma_semaphore, #tpu.memory_space<semaphore_mem>>
      %dma_start3A_104 = arith.constant 0 : i32
      %dma_start3A_105 = tpu.memref_slice %arg3[%arg0, %add3A_14, %dma_start3A_104] : memref<2x1280x128xi32, #tpu.memory_space<hbm>> -> memref<1x40x128xi32, #tpu.memory_space<hbm>>
      %dma_start3A_106 = tpu.memref_squeeze %dma_start3A_105 : memref<1x40x128xi32, #tpu.memory_space<hbm>> -> memref<40x128xi32, #tpu.memory_space<hbm>>
      %dma_start3A_107 = arith.constant 0 : i32
      %dma_start3A_108 = tpu.memref_slice %arg3[%arg0, %add3A_14, %dma_start3A_107] : memref<2x1280x128xi32, #tpu.memory_space<hbm>> -> memref<1x40x128xi32, #tpu.memory_space<hbm>>
      %dma_start3A_109 = tpu.memref_squeeze %dma_start3A_108 : memref<1x40x128xi32, #tpu.memory_space<hbm>> -> memref<40x128xi32, #tpu.memory_space<hbm>>
      tpu.enqueue_dma source(%dma_start3A_109 : memref<40x128xi32, #tpu.memory_space<hbm>>) target(%arg8 : memref<40x128xi32, #tpu.memory_space<vmem>>) target_semaphore(%run_scoped3A : memref<!tpu.dma_semaphore, #tpu.memory_space<semaphore_mem>>)
      %dma_wait3A = arith.constant 0 : i32
      %dma_wait3A_110 = tpu.memref_slice %arg3[%arg0, %add3A_14, %dma_wait3A] : memref<2x1280x128xi32, #tpu.memory_space<hbm>> -> memref<1x40x128xi32, #tpu.memory_space<hbm>>
      %dma_wait3A_111 = tpu.memref_squeeze %dma_wait3A_110 : memref<1x40x128xi32, #tpu.memory_space<hbm>> -> memref<40x128xi32, #tpu.memory_space<hbm>>
      %dma_wait3A_112 = arith.constant 0 : i32
      %dma_wait3A_113 = tpu.memref_slice %arg3[%arg0, %add3A_14, %dma_wait3A_112] : memref<2x1280x128xi32, #tpu.memory_space<hbm>> -> memref<1x40x128xi32, #tpu.memory_space<hbm>>
      %dma_wait3A_114 = tpu.memref_squeeze %dma_wait3A_113 : memref<1x40x128xi32, #tpu.memory_space<hbm>> -> memref<40x128xi32, #tpu.memory_space<hbm>>
      tpu.wait_dma2 semaphore(%run_scoped3A : memref<!tpu.dma_semaphore, #tpu.memory_space<semaphore_mem>>) src(%dma_wait3A_114 : memref<40x128xi32, #tpu.memory_space<hbm>>) dst(%arg8 : memref<40x128xi32, #tpu.memory_space<vmem>>)
      tpu.yield
    }) : () -> ()
    %dma_start3A = arith.constant 0 : i32
    %dma_start3A_15 = arith.constant 0 : i32
    %dma_start3A_16 = arith.constant 0 : i32
    %dma_start3A_17 = arith.constant 0 : i32
    %dma_start3A_18 = arith.constant 0 : i32
    %dma_start3A_19 = tpu.memref_slice %arg9[%dma_start3A_15, %dma_start3A_17, %dma_start3A_18] : memref<2x128x128xf32, #tpu.memory_space<vmem>> -> memref<1x128x128xf32, #tpu.memory_space<vmem>>
    %dma_start3A_20 = tpu.memref_squeeze %dma_start3A_19 : memref<1x128x128xf32, #tpu.memory_space<vmem>> -> memref<128x128xf32, #tpu.memory_space<vmem>>
    %dma_start3A_21 = arith.constant 0 : i32
    %dma_start3A_22 = tpu.memref_slice %arg7[%dma_start3A, %dma_start3A_21] : memref<40x128xi32, #tpu.memory_space<vmem>> -> memref<1x128xi32, #tpu.memory_space<vmem>>
    %dma_start3A_23 = tpu.memref_squeeze %dma_start3A_22 : memref<1x128xi32, #tpu.memory_space<vmem>> -> memref<128xi32, #tpu.memory_space<vmem>>
    %dma_start3A_24 = arith.constant 0 : i32
    %dma_start3A_25 = arith.constant 0 : i32
    %dma_start3A_26 = tpu.memref_slice %arg4[%dma_start3A_24, %dma_start3A_25] : memref<20000x128xf32, #tpu.memory_space<hbm>> -> memref<20000x128xf32, #tpu.memory_space<hbm>>
    %dma_start3A_27 = tpu.memref_slice %arg11[%dma_start3A_16] : memref<2x!tpu.dma_semaphore, #tpu.memory_space<semaphore_mem>> -> memref<1x!tpu.dma_semaphore, #tpu.memory_space<semaphore_mem>>
    %dma_start3A_28 = tpu.memref_squeeze %dma_start3A_27 : memref<1x!tpu.dma_semaphore, #tpu.memory_space<semaphore_mem>> -> memref<!tpu.dma_semaphore, #tpu.memory_space<semaphore_mem>>
    tpu.enqueue_indirect_dma source(%dma_start3A_26 : memref<20000x128xf32, #tpu.memory_space<hbm>>) target(%dma_start3A_20 : memref<128x128xf32, #tpu.memory_space<vmem>>) offsets(%dma_start3A_23 : memref<128xi32, #tpu.memory_space<vmem>>) semaphore(%dma_start3A_28 : memref<!tpu.dma_semaphore, #tpu.memory_space<semaphore_mem>>)
    %dma_start3A_29 = arith.constant 1 : i32
    %dma_start3A_30 = arith.constant 1 : i32
    %dma_start3A_31 = arith.constant 1 : i32
    %dma_start3A_32 = arith.constant 0 : i32
    %dma_start3A_33 = arith.constant 0 : i32
    %dma_start3A_34 = tpu.memref_slice %arg9[%dma_start3A_30, %dma_start3A_32, %dma_start3A_33] : memref<2x128x128xf32, #tpu.memory_space<vmem>> -> memref<1x128x128xf32, #tpu.memory_space<vmem>>
    %dma_start3A_35 = tpu.memref_squeeze %dma_start3A_34 : memref<1x128x128xf32, #tpu.memory_space<vmem>> -> memref<128x128xf32, #tpu.memory_space<vmem>>
    %dma_start3A_36 = arith.constant 0 : i32
    %dma_start3A_37 = tpu.memref_slice %arg7[%dma_start3A_29, %dma_start3A_36] : memref<40x128xi32, #tpu.memory_space<vmem>> -> memref<1x128xi32, #tpu.memory_space<vmem>>
    %dma_start3A_38 = tpu.memref_squeeze %dma_start3A_37 : memref<1x128xi32, #tpu.memory_space<vmem>> -> memref<128xi32, #tpu.memory_space<vmem>>
    %dma_start3A_39 = arith.constant 0 : i32
    %dma_start3A_40 = arith.constant 0 : i32
    %dma_start3A_41 = tpu.memref_slice %arg4[%dma_start3A_39, %dma_start3A_40] : memref<20000x128xf32, #tpu.memory_space<hbm>> -> memref<20000x128xf32, #tpu.memory_space<hbm>>
    %dma_start3A_42 = tpu.memref_slice %arg11[%dma_start3A_31] : memref<2x!tpu.dma_semaphore, #tpu.memory_space<semaphore_mem>> -> memref<1x!tpu.dma_semaphore, #tpu.memory_space<semaphore_mem>>
    %dma_start3A_43 = tpu.memref_squeeze %dma_start3A_42 : memref<1x!tpu.dma_semaphore, #tpu.memory_space<semaphore_mem>> -> memref<!tpu.dma_semaphore, #tpu.memory_space<semaphore_mem>>
    tpu.enqueue_indirect_dma source(%dma_start3A_41 : memref<20000x128xf32, #tpu.memory_space<hbm>>) target(%dma_start3A_35 : memref<128x128xf32, #tpu.memory_space<vmem>>) offsets(%dma_start3A_38 : memref<128xi32, #tpu.memory_space<vmem>>) semaphore(%dma_start3A_43 : memref<!tpu.dma_semaphore, #tpu.memory_space<semaphore_mem>>)
    %scan3A = arith.constant 0 : i32
    %scan3A_44 = arith.constant 0 : i32
    %scan3A_45 = arith.constant 20 : i32
    %scan3A_46 = arith.addi %scan3A_44, %scan3A_45 : i32
    %scan3A_47 = arith.constant 1 : i32
    %scan3A_48 = scf.for %scan3A_104 = %scan3A_44 to %scan3A_46 step %scan3A_47 iter_args(%scan3A_105 = %scan3A) -> (i32)  : i32 {
      %mul3A_106 = arith.constant 2 : i32
      %mul3A_107 = arith.muli %scan3A_104, %mul3A_106 : i32
      %add3A_108 = arith.constant 0 : i32
      %add3A_109 = arith.addi %mul3A_107, %add3A_108 : i32
      %dma_wait3A = arith.constant 0 : i32
      %dma_wait3A_110 = arith.constant 0 : i32
      %dma_wait3A_111 = arith.constant 0 : i32
      %dma_wait3A_112 = arith.constant 0 : i32
      %dma_wait3A_113 = tpu.memref_slice %arg9[%dma_wait3A, %dma_wait3A_111, %dma_wait3A_112] : memref<2x128x128xf32, #tpu.memory_space<vmem>> -> memref<1x128x128xf32, #tpu.memory_space<vmem>>
      %dma_wait3A_114 = tpu.memref_squeeze %dma_wait3A_113 : memref<1x128x128xf32, #tpu.memory_space<vmem>> -> memref<128x128xf32, #tpu.memory_space<vmem>>
      %dma_wait3A_115 = arith.constant 0 : i32
      %dma_wait3A_116 = tpu.memref_slice %arg7[%add3A_109, %dma_wait3A_115] : memref<40x128xi32, #tpu.memory_space<vmem>> -> memref<1x128xi32, #tpu.memory_space<vmem>>
      %dma_wait3A_117 = tpu.memref_squeeze %dma_wait3A_116 : memref<1x128xi32, #tpu.memory_space<vmem>> -> memref<128xi32, #tpu.memory_space<vmem>>
      %dma_wait3A_118 = arith.constant 0 : i32
      %dma_wait3A_119 = arith.constant 0 : i32
      %dma_wait3A_120 = tpu.memref_slice %arg4[%dma_wait3A_118, %dma_wait3A_119] : memref<20000x128xf32, #tpu.memory_space<hbm>> -> memref<20000x128xf32, #tpu.memory_space<hbm>>
      %dma_wait3A_121 = tpu.memref_slice %arg11[%dma_wait3A_110] : memref<2x!tpu.dma_semaphore, #tpu.memory_space<semaphore_mem>> -> memref<1x!tpu.dma_semaphore, #tpu.memory_space<semaphore_mem>>
      %dma_wait3A_122 = tpu.memref_squeeze %dma_wait3A_121 : memref<1x!tpu.dma_semaphore, #tpu.memory_space<semaphore_mem>> -> memref<!tpu.dma_semaphore, #tpu.memory_space<semaphore_mem>>
      tpu.wait_indirect_dma semaphore(%dma_wait3A_122 : memref<!tpu.dma_semaphore, #tpu.memory_space<semaphore_mem>>) src(%dma_wait3A_120 : memref<20000x128xf32, #tpu.memory_space<hbm>>) dst(%dma_wait3A_114 : memref<128x128xf32, #tpu.memory_space<vmem>>)
      %add3A_123 = arith.constant 0 : i32
      %add3A_124 = arith.addi %mul3A_107, %add3A_123 : i32
      %run_scoped3A = arith.constant 0 : i32
      "tpu.region"() ({
        %run_scoped3A_163 = tpu.sem_alloc : memref<!tpu.dma_semaphore, #tpu.memory_space<semaphore_mem>>
        %dma_start3A_164 = arith.constant 0 : i32
        %dma_start3A_165 = arith.constant 0 : i32
        %dma_start3A_166 = tpu.memref_slice %arg9[%run_scoped3A, %dma_start3A_164, %dma_start3A_165] : memref<2x128x128xf32, #tpu.memory_space<vmem>> -> memref<1x128x128xf32, #tpu.memory_space<vmem>>
        %dma_start3A_167 = tpu.memref_squeeze %dma_start3A_166 : memref<1x128x128xf32, #tpu.memory_space<vmem>> -> memref<128x128xf32, #tpu.memory_space<vmem>>
        %dma_start3A_168 = arith.constant 0 : i32
        %dma_start3A_169 = tpu.memref_slice %arg8[%add3A_124, %dma_start3A_168] : memref<40x128xi32, #tpu.memory_space<vmem>> -> memref<1x128xi32, #tpu.memory_space<vmem>>
        %dma_start3A_170 = tpu.memref_squeeze %dma_start3A_169 : memref<1x128xi32, #tpu.memory_space<vmem>> -> memref<128xi32, #tpu.memory_space<vmem>>
        %dma_start3A_171 = arith.constant 0 : i32
        %dma_start3A_172 = arith.constant 0 : i32
        %dma_start3A_173 = tpu.memref_slice %arg10[%dma_start3A_171, %dma_start3A_172] : memref<10016x128xf32, #tpu.memory_space<vmem_shared>> -> memref<10016x128xf32, #tpu.memory_space<vmem_shared>>
        tpu.enqueue_indirect_dma source(%dma_start3A_167 : memref<128x128xf32, #tpu.memory_space<vmem>>) target(%dma_start3A_173 : memref<10016x128xf32, #tpu.memory_space<vmem_shared>>) offsets(%dma_start3A_170 : memref<128xi32, #tpu.memory_space<vmem>>) semaphore(%run_scoped3A_163 : memref<!tpu.dma_semaphore, #tpu.memory_space<semaphore_mem>>) {add = true}
        %dma_wait3A_174 = arith.constant 0 : i32
        %dma_wait3A_175 = arith.constant 0 : i32
        %dma_wait3A_176 = tpu.memref_slice %arg9[%run_scoped3A, %dma_wait3A_174, %dma_wait3A_175] : memref<2x128x128xf32, #tpu.memory_space<vmem>> -> memref<1x128x128xf32, #tpu.memory_space<vmem>>
        %dma_wait3A_177 = tpu.memref_squeeze %dma_wait3A_176 : memref<1x128x128xf32, #tpu.memory_space<vmem>> -> memref<128x128xf32, #tpu.memory_space<vmem>>
        %dma_wait3A_178 = arith.constant 0 : i32
        %dma_wait3A_179 = tpu.memref_slice %arg8[%add3A_124, %dma_wait3A_178] : memref<40x128xi32, #tpu.memory_space<vmem>> -> memref<1x128xi32, #tpu.memory_space<vmem>>
        %dma_wait3A_180 = tpu.memref_squeeze %dma_wait3A_179 : memref<1x128xi32, #tpu.memory_space<vmem>> -> memref<128xi32, #tpu.memory_space<vmem>>
        %dma_wait3A_181 = arith.constant 0 : i32
        %dma_wait3A_182 = arith.constant 0 : i32
        %dma_wait3A_183 = tpu.memref_slice %arg10[%dma_wait3A_181, %dma_wait3A_182] : memref<10016x128xf32, #tpu.memory_space<vmem_shared>> -> memref<10016x128xf32, #tpu.memory_space<vmem_shared>>
        tpu.wait_indirect_dma semaphore(%run_scoped3A_163 : memref<!tpu.dma_semaphore, #tpu.memory_space<semaphore_mem>>) src(%dma_wait3A_177 : memref<128x128xf32, #tpu.memory_space<vmem>>) dst(%dma_wait3A_183 : memref<10016x128xf32, #tpu.memory_space<vmem_shared>>)
        tpu.yield
      }) : () -> ()
      %add3A_125 = arith.constant 0 : i32
      %add3A_126 = arith.addi %mul3A_107, %add3A_125 : i32
      %add3A_127 = arith.constant 2 : i32
      %add3A_128 = arith.addi %add3A_126, %add3A_127 : i32
      %lt3A_129 = arith.constant 40 : i32
      %lt3A_130 = arith.cmpi slt, %add3A_128, %lt3A_129 : i32
      %convert_element_type3A_131 = arith.extui %lt3A_130 : i1 to i32
      %cond3A_132 = arith.constant 0 : i32
      %cond3A_133 = arith.cmpi ne, %convert_element_type3A_131, %cond3A_132 : i32
      scf.if %cond3A_133 {
        %add3A_163 = arith.constant 0 : i32
        %add3A_164 = arith.addi %mul3A_107, %add3A_163 : i32
        %add3A_165 = arith.constant 2 : i32
        %add3A_166 = arith.addi %add3A_164, %add3A_165 : i32
        %dma_start3A_167 = arith.constant 0 : i32
        %dma_start3A_168 = arith.constant 0 : i32
        %dma_start3A_169 = arith.constant 0 : i32
        %dma_start3A_170 = arith.constant 0 : i32
        %dma_start3A_171 = tpu.memref_slice %arg9[%dma_start3A_167, %dma_start3A_169, %dma_start3A_170] : memref<2x128x128xf32, #tpu.memory_space<vmem>> -> memref<1x128x128xf32, #tpu.memory_space<vmem>>
        %dma_start3A_172 = tpu.memref_squeeze %dma_start3A_171 : memref<1x128x128xf32, #tpu.memory_space<vmem>> -> memref<128x128xf32, #tpu.memory_space<vmem>>
        %dma_start3A_173 = arith.constant 0 : i32
        %dma_start3A_174 = tpu.memref_slice %arg7[%add3A_166, %dma_start3A_173] : memref<40x128xi32, #tpu.memory_space<vmem>> -> memref<1x128xi32, #tpu.memory_space<vmem>>
        %dma_start3A_175 = tpu.memref_squeeze %dma_start3A_174 : memref<1x128xi32, #tpu.memory_space<vmem>> -> memref<128xi32, #tpu.memory_space<vmem>>
        %dma_start3A_176 = arith.constant 0 : i32
        %dma_start3A_177 = arith.constant 0 : i32
        %dma_start3A_178 = tpu.memref_slice %arg4[%dma_start3A_176, %dma_start3A_177] : memref<20000x128xf32, #tpu.memory_space<hbm>> -> memref<20000x128xf32, #tpu.memory_space<hbm>>
        %dma_start3A_179 = tpu.memref_slice %arg11[%dma_start3A_168] : memref<2x!tpu.dma_semaphore, #tpu.memory_space<semaphore_mem>> -> memref<1x!tpu.dma_semaphore, #tpu.memory_space<semaphore_mem>>
        %dma_start3A_180 = tpu.memref_squeeze %dma_start3A_179 : memref<1x!tpu.dma_semaphore, #tpu.memory_space<semaphore_mem>> -> memref<!tpu.dma_semaphore, #tpu.memory_space<semaphore_mem>>
        tpu.enqueue_indirect_dma source(%dma_start3A_178 : memref<20000x128xf32, #tpu.memory_space<hbm>>) target(%dma_start3A_172 : memref<128x128xf32, #tpu.memory_space<vmem>>) offsets(%dma_start3A_175 : memref<128xi32, #tpu.memory_space<vmem>>) semaphore(%dma_start3A_180 : memref<!tpu.dma_semaphore, #tpu.memory_space<semaphore_mem>>)
      } else {
      }
      %add3A_134 = arith.constant 1 : i32
      %add3A_135 = arith.addi %mul3A_107, %add3A_134 : i32
      %dma_wait3A_136 = arith.constant 1 : i32
      %dma_wait3A_137 = arith.constant 1 : i32
      %dma_wait3A_138 = arith.constant 0 : i32
      %dma_wait3A_139 = arith.constant 0 : i32
      %dma_wait3A_140 = tpu.memref_slice %arg9[%dma_wait3A_136, %dma_wait3A_138, %dma_wait3A_139] : memref<2x128x128xf32, #tpu.memory_space<vmem>> -> memref<1x128x128xf32, #tpu.memory_space<vmem>>
      %dma_wait3A_141 = tpu.memref_squeeze %dma_wait3A_140 : memref<1x128x128xf32, #tpu.memory_space<vmem>> -> memref<128x128xf32, #tpu.memory_space<vmem>>
      %dma_wait3A_142 = arith.constant 0 : i32
      %dma_wait3A_143 = tpu.memref_slice %arg7[%add3A_135, %dma_wait3A_142] : memref<40x128xi32, #tpu.memory_space<vmem>> -> memref<1x128xi32, #tpu.memory_space<vmem>>
      %dma_wait3A_144 = tpu.memref_squeeze %dma_wait3A_143 : memref<1x128xi32, #tpu.memory_space<vmem>> -> memref<128xi32, #tpu.memory_space<vmem>>
      %dma_wait3A_145 = arith.constant 0 : i32
      %dma_wait3A_146 = arith.constant 0 : i32
      %dma_wait3A_147 = tpu.memref_slice %arg4[%dma_wait3A_145, %dma_wait3A_146] : memref<20000x128xf32, #tpu.memory_space<hbm>> -> memref<20000x128xf32, #tpu.memory_space<hbm>>
      %dma_wait3A_148 = tpu.memref_slice %arg11[%dma_wait3A_137] : memref<2x!tpu.dma_semaphore, #tpu.memory_space<semaphore_mem>> -> memref<1x!tpu.dma_semaphore, #tpu.memory_space<semaphore_mem>>
      %dma_wait3A_149 = tpu.memref_squeeze %dma_wait3A_148 : memref<1x!tpu.dma_semaphore, #tpu.memory_space<semaphore_mem>> -> memref<!tpu.dma_semaphore, #tpu.memory_space<semaphore_mem>>
      tpu.wait_indirect_dma semaphore(%dma_wait3A_149 : memref<!tpu.dma_semaphore, #tpu.memory_space<semaphore_mem>>) src(%dma_wait3A_147 : memref<20000x128xf32, #tpu.memory_space<hbm>>) dst(%dma_wait3A_141 : memref<128x128xf32, #tpu.memory_space<vmem>>)
      %add3A_150 = arith.constant 1 : i32
      %add3A_151 = arith.addi %mul3A_107, %add3A_150 : i32
      %run_scoped3A_152 = arith.constant 1 : i32
      "tpu.region"() ({
        %run_scoped3A_163 = tpu.sem_alloc : memref<!tpu.dma_semaphore, #tpu.memory_space<semaphore_mem>>
        %dma_start3A_164 = arith.constant 0 : i32
        %dma_start3A_165 = arith.constant 0 : i32
        %dma_start3A_166 = tpu.memref_slice %arg9[%run_scoped3A_152, %dma_start3A_164, %dma_start3A_165] : memref<2x128x128xf32, #tpu.memory_space<vmem>> -> memref<1x128x128xf32, #tpu.memory_space<vmem>>
        %dma_start3A_167 = tpu.memref_squeeze %dma_start3A_166 : memref<1x128x128xf32, #tpu.memory_space<vmem>> -> memref<128x128xf32, #tpu.memory_space<vmem>>
        %dma_start3A_168 = arith.constant 0 : i32
        %dma_start3A_169 = tpu.memref_slice %arg8[%add3A_151, %dma_start3A_168] : memref<40x128xi32, #tpu.memory_space<vmem>> -> memref<1x128xi32, #tpu.memory_space<vmem>>
        %dma_start3A_170 = tpu.memref_squeeze %dma_start3A_169 : memref<1x128xi32, #tpu.memory_space<vmem>> -> memref<128xi32, #tpu.memory_space<vmem>>
        %dma_start3A_171 = arith.constant 0 : i32
        %dma_start3A_172 = arith.constant 0 : i32
        %dma_start3A_173 = tpu.memref_slice %arg10[%dma_start3A_171, %dma_start3A_172] : memref<10016x128xf32, #tpu.memory_space<vmem_shared>> -> memref<10016x128xf32, #tpu.memory_space<vmem_shared>>
        tpu.enqueue_indirect_dma source(%dma_start3A_167 : memref<128x128xf32, #tpu.memory_space<vmem>>) target(%dma_start3A_173 : memref<10016x128xf32, #tpu.memory_space<vmem_shared>>) offsets(%dma_start3A_170 : memref<128xi32, #tpu.memory_space<vmem>>) semaphore(%run_scoped3A_163 : memref<!tpu.dma_semaphore, #tpu.memory_space<semaphore_mem>>) {add = true}
        %dma_wait3A_174 = arith.constant 0 : i32
        %dma_wait3A_175 = arith.constant 0 : i32
        %dma_wait3A_176 = tpu.memref_slice %arg9[%run_scoped3A_152, %dma_wait3A_174, %dma_wait3A_175] : memref<2x128x128xf32, #tpu.memory_space<vmem>> -> memref<1x128x128xf32, #tpu.memory_space<vmem>>
        %dma_wait3A_177 = tpu.memref_squeeze %dma_wait3A_176 : memref<1x128x128xf32, #tpu.memory_space<vmem>> -> memref<128x128xf32, #tpu.memory_space<vmem>>
        %dma_wait3A_178 = arith.constant 0 : i32
        %dma_wait3A_179 = tpu.memref_slice %arg8[%add3A_151, %dma_wait3A_178] : memref<40x128xi32, #tpu.memory_space<vmem>> -> memref<1x128xi32, #tpu.memory_space<vmem>>
        %dma_wait3A_180 = tpu.memref_squeeze %dma_wait3A_179 : memref<1x128xi32, #tpu.memory_space<vmem>> -> memref<128xi32, #tpu.memory_space<vmem>>
        %dma_wait3A_181 = arith.constant 0 : i32
        %dma_wait3A_182 = arith.constant 0 : i32
        %dma_wait3A_183 = tpu.memref_slice %arg10[%dma_wait3A_181, %dma_wait3A_182] : memref<10016x128xf32, #tpu.memory_space<vmem_shared>> -> memref<10016x128xf32, #tpu.memory_space<vmem_shared>>
        tpu.wait_indirect_dma semaphore(%run_scoped3A_163 : memref<!tpu.dma_semaphore, #tpu.memory_space<semaphore_mem>>) src(%dma_wait3A_177 : memref<128x128xf32, #tpu.memory_space<vmem>>) dst(%dma_wait3A_183 : memref<10016x128xf32, #tpu.memory_space<vmem_shared>>)
        tpu.yield
      }) : () -> ()
      %add3A_153 = arith.constant 1 : i32
      %add3A_154 = arith.addi %mul3A_107, %add3A_153 : i32
      %add3A_155 = arith.constant 2 : i32
      %add3A_156 = arith.addi %add3A_154, %add3A_155 : i32
      %lt3A_157 = arith.constant 40 : i32
      %lt3A_158 = arith.cmpi slt, %add3A_156, %lt3A_157 : i32
      %convert_element_type3A_159 = arith.extui %lt3A_158 : i1 to i32
      %cond3A_160 = arith.constant 0 : i32
      %cond3A_161 = arith.cmpi ne, %convert_element_type3A_159, %cond3A_160 : i32
      scf.if %cond3A_161 {
        %add3A_163 = arith.constant 1 : i32
        %add3A_164 = arith.addi %mul3A_107, %add3A_163 : i32
        %add3A_165 = arith.constant 2 : i32
        %add3A_166 = arith.addi %add3A_164, %add3A_165 : i32
        %dma_start3A_167 = arith.constant 1 : i32
        %dma_start3A_168 = arith.constant 1 : i32
        %dma_start3A_169 = arith.constant 0 : i32
        %dma_start3A_170 = arith.constant 0 : i32
        %dma_start3A_171 = tpu.memref_slice %arg9[%dma_start3A_167, %dma_start3A_169, %dma_start3A_170] : memref<2x128x128xf32, #tpu.memory_space<vmem>> -> memref<1x128x128xf32, #tpu.memory_space<vmem>>
        %dma_start3A_172 = tpu.memref_squeeze %dma_start3A_171 : memref<1x128x128xf32, #tpu.memory_space<vmem>> -> memref<128x128xf32, #tpu.memory_space<vmem>>
        %dma_start3A_173 = arith.constant 0 : i32
        %dma_start3A_174 = tpu.memref_slice %arg7[%add3A_166, %dma_start3A_173] : memref<40x128xi32, #tpu.memory_space<vmem>> -> memref<1x128xi32, #tpu.memory_space<vmem>>
        %dma_start3A_175 = tpu.memref_squeeze %dma_start3A_174 : memref<1x128xi32, #tpu.memory_space<vmem>> -> memref<128xi32, #tpu.memory_space<vmem>>
        %dma_start3A_176 = arith.constant 0 : i32
        %dma_start3A_177 = arith.constant 0 : i32
        %dma_start3A_178 = tpu.memref_slice %arg4[%dma_start3A_176, %dma_start3A_177] : memref<20000x128xf32, #tpu.memory_space<hbm>> -> memref<20000x128xf32, #tpu.memory_space<hbm>>
        %dma_start3A_179 = tpu.memref_slice %arg11[%dma_start3A_168] : memref<2x!tpu.dma_semaphore, #tpu.memory_space<semaphore_mem>> -> memref<1x!tpu.dma_semaphore, #tpu.memory_space<semaphore_mem>>
        %dma_start3A_180 = tpu.memref_squeeze %dma_start3A_179 : memref<1x!tpu.dma_semaphore, #tpu.memory_space<semaphore_mem>> -> memref<!tpu.dma_semaphore, #tpu.memory_space<semaphore_mem>>
        tpu.enqueue_indirect_dma source(%dma_start3A_178 : memref<20000x128xf32, #tpu.memory_space<hbm>>) target(%dma_start3A_172 : memref<128x128xf32, #tpu.memory_space<vmem>>) offsets(%dma_start3A_175 : memref<128xi32, #tpu.memory_space<vmem>>) semaphore(%dma_start3A_180 : memref<!tpu.dma_semaphore, #tpu.memory_space<semaphore_mem>>)
      } else {
      }
      %scan3A_162 = arith.constant 0 : i32
      scf.yield %scan3A_162 : i32
    }
    %scan3A_49 = arith.constant 20 : i32
    %mul3A_50 = arith.constant 80 : i32
    %mul3A_51 = arith.muli %arg1, %mul3A_50 : i32
    %add3A_52 = arith.constant 40 : i32
    %add3A_53 = arith.addi %mul3A_51, %add3A_52 : i32
    "tpu.region"() ({
      %run_scoped3A = tpu.sem_alloc : memref<!tpu.dma_semaphore, #tpu.memory_space<semaphore_mem>>
      %dma_start3A_104 = arith.constant 0 : i32
      %dma_start3A_105 = tpu.memref_slice %arg2[%arg0, %add3A_53, %dma_start3A_104] : memref<2x1280x128xi32, #tpu.memory_space<hbm>> -> memref<1x40x128xi32, #tpu.memory_space<hbm>>
      %dma_start3A_106 = tpu.memref_squeeze %dma_start3A_105 : memref<1x40x128xi32, #tpu.memory_space<hbm>> -> memref<40x128xi32, #tpu.memory_space<hbm>>
      %dma_start3A_107 = arith.constant 0 : i32
      %dma_start3A_108 = tpu.memref_slice %arg2[%arg0, %add3A_53, %dma_start3A_107] : memref<2x1280x128xi32, #tpu.memory_space<hbm>> -> memref<1x40x128xi32, #tpu.memory_space<hbm>>
      %dma_start3A_109 = tpu.memref_squeeze %dma_start3A_108 : memref<1x40x128xi32, #tpu.memory_space<hbm>> -> memref<40x128xi32, #tpu.memory_space<hbm>>
      tpu.enqueue_dma source(%dma_start3A_109 : memref<40x128xi32, #tpu.memory_space<hbm>>) target(%arg7 : memref<40x128xi32, #tpu.memory_space<vmem>>) target_semaphore(%run_scoped3A : memref<!tpu.dma_semaphore, #tpu.memory_space<semaphore_mem>>)
      %dma_wait3A = arith.constant 0 : i32
      %dma_wait3A_110 = tpu.memref_slice %arg2[%arg0, %add3A_53, %dma_wait3A] : memref<2x1280x128xi32, #tpu.memory_space<hbm>> -> memref<1x40x128xi32, #tpu.memory_space<hbm>>
      %dma_wait3A_111 = tpu.memref_squeeze %dma_wait3A_110 : memref<1x40x128xi32, #tpu.memory_space<hbm>> -> memref<40x128xi32, #tpu.memory_space<hbm>>
      %dma_wait3A_112 = arith.constant 0 : i32
      %dma_wait3A_113 = tpu.memref_slice %arg2[%arg0, %add3A_53, %dma_wait3A_112] : memref<2x1280x128xi32, #tpu.memory_space<hbm>> -> memref<1x40x128xi32, #tpu.memory_space<hbm>>
      %dma_wait3A_114 = tpu.memref_squeeze %dma_wait3A_113 : memref<1x40x128xi32, #tpu.memory_space<hbm>> -> memref<40x128xi32, #tpu.memory_space<hbm>>
      tpu.wait_dma2 semaphore(%run_scoped3A : memref<!tpu.dma_semaphore, #tpu.memory_space<semaphore_mem>>) src(%dma_wait3A_114 : memref<40x128xi32, #tpu.memory_space<hbm>>) dst(%arg7 : memref<40x128xi32, #tpu.memory_space<vmem>>)
      tpu.yield
    }) : () -> ()
    "tpu.region"() ({
      %run_scoped3A = tpu.sem_alloc : memref<!tpu.dma_semaphore, #tpu.memory_space<semaphore_mem>>
      %dma_start3A_104 = arith.constant 0 : i32
      %dma_start3A_105 = tpu.memref_slice %arg3[%arg0, %add3A_53, %dma_start3A_104] : memref<2x1280x128xi32, #tpu.memory_space<hbm>> -> memref<1x40x128xi32, #tpu.memory_space<hbm>>
      %dma_start3A_106 = tpu.memref_squeeze %dma_start3A_105 : memref<1x40x128xi32, #tpu.memory_space<hbm>> -> memref<40x128xi32, #tpu.memory_space<hbm>>
      %dma_start3A_107 = arith.constant 0 : i32
      %dma_start3A_108 = tpu.memref_slice %arg3[%arg0, %add3A_53, %dma_start3A_107] : memref<2x1280x128xi32, #tpu.memory_space<hbm>> -> memref<1x40x128xi32, #tpu.memory_space<hbm>>
      %dma_start3A_109 = tpu.memref_squeeze %dma_start3A_108 : memref<1x40x128xi32, #tpu.memory_space<hbm>> -> memref<40x128xi32, #tpu.memory_space<hbm>>
      tpu.enqueue_dma source(%dma_start3A_109 : memref<40x128xi32, #tpu.memory_space<hbm>>) target(%arg8 : memref<40x128xi32, #tpu.memory_space<vmem>>) target_semaphore(%run_scoped3A : memref<!tpu.dma_semaphore, #tpu.memory_space<semaphore_mem>>)
      %dma_wait3A = arith.constant 0 : i32
      %dma_wait3A_110 = tpu.memref_slice %arg3[%arg0, %add3A_53, %dma_wait3A] : memref<2x1280x128xi32, #tpu.memory_space<hbm>> -> memref<1x40x128xi32, #tpu.memory_space<hbm>>
      %dma_wait3A_111 = tpu.memref_squeeze %dma_wait3A_110 : memref<1x40x128xi32, #tpu.memory_space<hbm>> -> memref<40x128xi32, #tpu.memory_space<hbm>>
      %dma_wait3A_112 = arith.constant 0 : i32
      %dma_wait3A_113 = tpu.memref_slice %arg3[%arg0, %add3A_53, %dma_wait3A_112] : memref<2x1280x128xi32, #tpu.memory_space<hbm>> -> memref<1x40x128xi32, #tpu.memory_space<hbm>>
      %dma_wait3A_114 = tpu.memref_squeeze %dma_wait3A_113 : memref<1x40x128xi32, #tpu.memory_space<hbm>> -> memref<40x128xi32, #tpu.memory_space<hbm>>
      tpu.wait_dma2 semaphore(%run_scoped3A : memref<!tpu.dma_semaphore, #tpu.memory_space<semaphore_mem>>) src(%dma_wait3A_114 : memref<40x128xi32, #tpu.memory_space<hbm>>) dst(%arg8 : memref<40x128xi32, #tpu.memory_space<vmem>>)
      tpu.yield
    }) : () -> ()
    %dma_start3A_54 = arith.constant 0 : i32
    %dma_start3A_55 = arith.constant 0 : i32
    %dma_start3A_56 = arith.constant 0 : i32
    %dma_start3A_57 = arith.constant 0 : i32
    %dma_start3A_58 = arith.constant 0 : i32
    %dma_start3A_59 = tpu.memref_slice %arg9[%dma_start3A_55, %dma_start3A_57, %dma_start3A_58] : memref<2x128x128xf32, #tpu.memory_space<vmem>> -> memref<1x128x128xf32, #tpu.memory_space<vmem>>
    %dma_start3A_60 = tpu.memref_squeeze %dma_start3A_59 : memref<1x128x128xf32, #tpu.memory_space<vmem>> -> memref<128x128xf32, #tpu.memory_space<vmem>>
    %dma_start3A_61 = arith.constant 0 : i32
    %dma_start3A_62 = tpu.memref_slice %arg7[%dma_start3A_54, %dma_start3A_61] : memref<40x128xi32, #tpu.memory_space<vmem>> -> memref<1x128xi32, #tpu.memory_space<vmem>>
    %dma_start3A_63 = tpu.memref_squeeze %dma_start3A_62 : memref<1x128xi32, #tpu.memory_space<vmem>> -> memref<128xi32, #tpu.memory_space<vmem>>
    %dma_start3A_64 = arith.constant 0 : i32
    %dma_start3A_65 = arith.constant 0 : i32
    %dma_start3A_66 = tpu.memref_slice %arg4[%dma_start3A_64, %dma_start3A_65] : memref<20000x128xf32, #tpu.memory_space<hbm>> -> memref<20000x128xf32, #tpu.memory_space<hbm>>
    %dma_start3A_67 = tpu.memref_slice %arg11[%dma_start3A_56] : memref<2x!tpu.dma_semaphore, #tpu.memory_space<semaphore_mem>> -> memref<1x!tpu.dma_semaphore, #tpu.memory_space<semaphore_mem>>
    %dma_start3A_68 = tpu.memref_squeeze %dma_start3A_67 : memref<1x!tpu.dma_semaphore, #tpu.memory_space<semaphore_mem>> -> memref<!tpu.dma_semaphore, #tpu.memory_space<semaphore_mem>>
    tpu.enqueue_indirect_dma source(%dma_start3A_66 : memref<20000x128xf32, #tpu.memory_space<hbm>>) target(%dma_start3A_60 : memref<128x128xf32, #tpu.memory_space<vmem>>) offsets(%dma_start3A_63 : memref<128xi32, #tpu.memory_space<vmem>>) semaphore(%dma_start3A_68 : memref<!tpu.dma_semaphore, #tpu.memory_space<semaphore_mem>>)
    %dma_start3A_69 = arith.constant 1 : i32
    %dma_start3A_70 = arith.constant 1 : i32
    %dma_start3A_71 = arith.constant 1 : i32
    %dma_start3A_72 = arith.constant 0 : i32
    %dma_start3A_73 = arith.constant 0 : i32
    %dma_start3A_74 = tpu.memref_slice %arg9[%dma_start3A_70, %dma_start3A_72, %dma_start3A_73] : memref<2x128x128xf32, #tpu.memory_space<vmem>> -> memref<1x128x128xf32, #tpu.memory_space<vmem>>
    %dma_start3A_75 = tpu.memref_squeeze %dma_start3A_74 : memref<1x128x128xf32, #tpu.memory_space<vmem>> -> memref<128x128xf32, #tpu.memory_space<vmem>>
    %dma_start3A_76 = arith.constant 0 : i32
    %dma_start3A_77 = tpu.memref_slice %arg7[%dma_start3A_69, %dma_start3A_76] : memref<40x128xi32, #tpu.memory_space<vmem>> -> memref<1x128xi32, #tpu.memory_space<vmem>>
    %dma_start3A_78 = tpu.memref_squeeze %dma_start3A_77 : memref<1x128xi32, #tpu.memory_space<vmem>> -> memref<128xi32, #tpu.memory_space<vmem>>
    %dma_start3A_79 = arith.constant 0 : i32
    %dma_start3A_80 = arith.constant 0 : i32
    %dma_start3A_81 = tpu.memref_slice %arg4[%dma_start3A_79, %dma_start3A_80] : memref<20000x128xf32, #tpu.memory_space<hbm>> -> memref<20000x128xf32, #tpu.memory_space<hbm>>
    %dma_start3A_82 = tpu.memref_slice %arg11[%dma_start3A_71] : memref<2x!tpu.dma_semaphore, #tpu.memory_space<semaphore_mem>> -> memref<1x!tpu.dma_semaphore, #tpu.memory_space<semaphore_mem>>
    %dma_start3A_83 = tpu.memref_squeeze %dma_start3A_82 : memref<1x!tpu.dma_semaphore, #tpu.memory_space<semaphore_mem>> -> memref<!tpu.dma_semaphore, #tpu.memory_space<semaphore_mem>>
    tpu.enqueue_indirect_dma source(%dma_start3A_81 : memref<20000x128xf32, #tpu.memory_space<hbm>>) target(%dma_start3A_75 : memref<128x128xf32, #tpu.memory_space<vmem>>) offsets(%dma_start3A_78 : memref<128xi32, #tpu.memory_space<vmem>>) semaphore(%dma_start3A_83 : memref<!tpu.dma_semaphore, #tpu.memory_space<semaphore_mem>>)
    %scan3A_84 = arith.constant 0 : i32
    %scan3A_85 = arith.constant 0 : i32
    %scan3A_86 = arith.constant 20 : i32
    %scan3A_87 = arith.addi %scan3A_85, %scan3A_86 : i32
    %scan3A_88 = arith.constant 1 : i32
    %scan3A_89 = scf.for %scan3A_104 = %scan3A_85 to %scan3A_87 step %scan3A_88 iter_args(%scan3A_105 = %scan3A_84) -> (i32)  : i32 {
      %mul3A_106 = arith.constant 2 : i32
      %mul3A_107 = arith.muli %scan3A_104, %mul3A_106 : i32
      %add3A_108 = arith.constant 0 : i32
      %add3A_109 = arith.addi %mul3A_107, %add3A_108 : i32
      %dma_wait3A = arith.constant 0 : i32
      %dma_wait3A_110 = arith.constant 0 : i32
      %dma_wait3A_111 = arith.constant 0 : i32
      %dma_wait3A_112 = arith.constant 0 : i32
      %dma_wait3A_113 = tpu.memref_slice %arg9[%dma_wait3A, %dma_wait3A_111, %dma_wait3A_112] : memref<2x128x128xf32, #tpu.memory_space<vmem>> -> memref<1x128x128xf32, #tpu.memory_space<vmem>>
      %dma_wait3A_114 = tpu.memref_squeeze %dma_wait3A_113 : memref<1x128x128xf32, #tpu.memory_space<vmem>> -> memref<128x128xf32, #tpu.memory_space<vmem>>
      %dma_wait3A_115 = arith.constant 0 : i32
      %dma_wait3A_116 = tpu.memref_slice %arg7[%add3A_109, %dma_wait3A_115] : memref<40x128xi32, #tpu.memory_space<vmem>> -> memref<1x128xi32, #tpu.memory_space<vmem>>
      %dma_wait3A_117 = tpu.memref_squeeze %dma_wait3A_116 : memref<1x128xi32, #tpu.memory_space<vmem>> -> memref<128xi32, #tpu.memory_space<vmem>>
      %dma_wait3A_118 = arith.constant 0 : i32
      %dma_wait3A_119 = arith.constant 0 : i32
      %dma_wait3A_120 = tpu.memref_slice %arg4[%dma_wait3A_118, %dma_wait3A_119] : memref<20000x128xf32, #tpu.memory_space<hbm>> -> memref<20000x128xf32, #tpu.memory_space<hbm>>
      %dma_wait3A_121 = tpu.memref_slice %arg11[%dma_wait3A_110] : memref<2x!tpu.dma_semaphore, #tpu.memory_space<semaphore_mem>> -> memref<1x!tpu.dma_semaphore, #tpu.memory_space<semaphore_mem>>
      %dma_wait3A_122 = tpu.memref_squeeze %dma_wait3A_121 : memref<1x!tpu.dma_semaphore, #tpu.memory_space<semaphore_mem>> -> memref<!tpu.dma_semaphore, #tpu.memory_space<semaphore_mem>>
      tpu.wait_indirect_dma semaphore(%dma_wait3A_122 : memref<!tpu.dma_semaphore, #tpu.memory_space<semaphore_mem>>) src(%dma_wait3A_120 : memref<20000x128xf32, #tpu.memory_space<hbm>>) dst(%dma_wait3A_114 : memref<128x128xf32, #tpu.memory_space<vmem>>)
      %add3A_123 = arith.constant 0 : i32
      %add3A_124 = arith.addi %mul3A_107, %add3A_123 : i32
      %run_scoped3A = arith.constant 0 : i32
      "tpu.region"() ({
        %run_scoped3A_163 = tpu.sem_alloc : memref<!tpu.dma_semaphore, #tpu.memory_space<semaphore_mem>>
        %dma_start3A_164 = arith.constant 0 : i32
        %dma_start3A_165 = arith.constant 0 : i32
        %dma_start3A_166 = tpu.memref_slice %arg9[%run_scoped3A, %dma_start3A_164, %dma_start3A_165] : memref<2x128x128xf32, #tpu.memory_space<vmem>> -> memref<1x128x128xf32, #tpu.memory_space<vmem>>
        %dma_start3A_167 = tpu.memref_squeeze %dma_start3A_166 : memref<1x128x128xf32, #tpu.memory_space<vmem>> -> memref<128x128xf32, #tpu.memory_space<vmem>>
        %dma_start3A_168 = arith.constant 0 : i32
        %dma_start3A_169 = tpu.memref_slice %arg8[%add3A_124, %dma_start3A_168] : memref<40x128xi32, #tpu.memory_space<vmem>> -> memref<1x128xi32, #tpu.memory_space<vmem>>
        %dma_start3A_170 = tpu.memref_squeeze %dma_start3A_169 : memref<1x128xi32, #tpu.memory_space<vmem>> -> memref<128xi32, #tpu.memory_space<vmem>>
        %dma_start3A_171 = arith.constant 0 : i32
        %dma_start3A_172 = arith.constant 0 : i32
        %dma_start3A_173 = tpu.memref_slice %arg10[%dma_start3A_171, %dma_start3A_172] : memref<10016x128xf32, #tpu.memory_space<vmem_shared>> -> memref<10016x128xf32, #tpu.memory_space<vmem_shared>>
        tpu.enqueue_indirect_dma source(%dma_start3A_167 : memref<128x128xf32, #tpu.memory_space<vmem>>) target(%dma_start3A_173 : memref<10016x128xf32, #tpu.memory_space<vmem_shared>>) offsets(%dma_start3A_170 : memref<128xi32, #tpu.memory_space<vmem>>) semaphore(%run_scoped3A_163 : memref<!tpu.dma_semaphore, #tpu.memory_space<semaphore_mem>>) {add = true}
        %dma_wait3A_174 = arith.constant 0 : i32
        %dma_wait3A_175 = arith.constant 0 : i32
        %dma_wait3A_176 = tpu.memref_slice %arg9[%run_scoped3A, %dma_wait3A_174, %dma_wait3A_175] : memref<2x128x128xf32, #tpu.memory_space<vmem>> -> memref<1x128x128xf32, #tpu.memory_space<vmem>>
        %dma_wait3A_177 = tpu.memref_squeeze %dma_wait3A_176 : memref<1x128x128xf32, #tpu.memory_space<vmem>> -> memref<128x128xf32, #tpu.memory_space<vmem>>
        %dma_wait3A_178 = arith.constant 0 : i32
        %dma_wait3A_179 = tpu.memref_slice %arg8[%add3A_124, %dma_wait3A_178] : memref<40x128xi32, #tpu.memory_space<vmem>> -> memref<1x128xi32, #tpu.memory_space<vmem>>
        %dma_wait3A_180 = tpu.memref_squeeze %dma_wait3A_179 : memref<1x128xi32, #tpu.memory_space<vmem>> -> memref<128xi32, #tpu.memory_space<vmem>>
        %dma_wait3A_181 = arith.constant 0 : i32
        %dma_wait3A_182 = arith.constant 0 : i32
        %dma_wait3A_183 = tpu.memref_slice %arg10[%dma_wait3A_181, %dma_wait3A_182] : memref<10016x128xf32, #tpu.memory_space<vmem_shared>> -> memref<10016x128xf32, #tpu.memory_space<vmem_shared>>
        tpu.wait_indirect_dma semaphore(%run_scoped3A_163 : memref<!tpu.dma_semaphore, #tpu.memory_space<semaphore_mem>>) src(%dma_wait3A_177 : memref<128x128xf32, #tpu.memory_space<vmem>>) dst(%dma_wait3A_183 : memref<10016x128xf32, #tpu.memory_space<vmem_shared>>)
        tpu.yield
      }) : () -> ()
      %add3A_125 = arith.constant 0 : i32
      %add3A_126 = arith.addi %mul3A_107, %add3A_125 : i32
      %add3A_127 = arith.constant 2 : i32
      %add3A_128 = arith.addi %add3A_126, %add3A_127 : i32
      %lt3A_129 = arith.constant 40 : i32
      %lt3A_130 = arith.cmpi slt, %add3A_128, %lt3A_129 : i32
      %convert_element_type3A_131 = arith.extui %lt3A_130 : i1 to i32
      %cond3A_132 = arith.constant 0 : i32
      %cond3A_133 = arith.cmpi ne, %convert_element_type3A_131, %cond3A_132 : i32
      scf.if %cond3A_133 {
        %add3A_163 = arith.constant 0 : i32
        %add3A_164 = arith.addi %mul3A_107, %add3A_163 : i32
        %add3A_165 = arith.constant 2 : i32
        %add3A_166 = arith.addi %add3A_164, %add3A_165 : i32
        %dma_start3A_167 = arith.constant 0 : i32
        %dma_start3A_168 = arith.constant 0 : i32
        %dma_start3A_169 = arith.constant 0 : i32
        %dma_start3A_170 = arith.constant 0 : i32
        %dma_start3A_171 = tpu.memref_slice %arg9[%dma_start3A_167, %dma_start3A_169, %dma_start3A_170] : memref<2x128x128xf32, #tpu.memory_space<vmem>> -> memref<1x128x128xf32, #tpu.memory_space<vmem>>
        %dma_start3A_172 = tpu.memref_squeeze %dma_start3A_171 : memref<1x128x128xf32, #tpu.memory_space<vmem>> -> memref<128x128xf32, #tpu.memory_space<vmem>>
        %dma_start3A_173 = arith.constant 0 : i32
        %dma_start3A_174 = tpu.memref_slice %arg7[%add3A_166, %dma_start3A_173] : memref<40x128xi32, #tpu.memory_space<vmem>> -> memref<1x128xi32, #tpu.memory_space<vmem>>
        %dma_start3A_175 = tpu.memref_squeeze %dma_start3A_174 : memref<1x128xi32, #tpu.memory_space<vmem>> -> memref<128xi32, #tpu.memory_space<vmem>>
        %dma_start3A_176 = arith.constant 0 : i32
        %dma_start3A_177 = arith.constant 0 : i32
        %dma_start3A_178 = tpu.memref_slice %arg4[%dma_start3A_176, %dma_start3A_177] : memref<20000x128xf32, #tpu.memory_space<hbm>> -> memref<20000x128xf32, #tpu.memory_space<hbm>>
        %dma_start3A_179 = tpu.memref_slice %arg11[%dma_start3A_168] : memref<2x!tpu.dma_semaphore, #tpu.memory_space<semaphore_mem>> -> memref<1x!tpu.dma_semaphore, #tpu.memory_space<semaphore_mem>>
        %dma_start3A_180 = tpu.memref_squeeze %dma_start3A_179 : memref<1x!tpu.dma_semaphore, #tpu.memory_space<semaphore_mem>> -> memref<!tpu.dma_semaphore, #tpu.memory_space<semaphore_mem>>
        tpu.enqueue_indirect_dma source(%dma_start3A_178 : memref<20000x128xf32, #tpu.memory_space<hbm>>) target(%dma_start3A_172 : memref<128x128xf32, #tpu.memory_space<vmem>>) offsets(%dma_start3A_175 : memref<128xi32, #tpu.memory_space<vmem>>) semaphore(%dma_start3A_180 : memref<!tpu.dma_semaphore, #tpu.memory_space<semaphore_mem>>)
      } else {
      }
      %add3A_134 = arith.constant 1 : i32
      %add3A_135 = arith.addi %mul3A_107, %add3A_134 : i32
      %dma_wait3A_136 = arith.constant 1 : i32
      %dma_wait3A_137 = arith.constant 1 : i32
      %dma_wait3A_138 = arith.constant 0 : i32
      %dma_wait3A_139 = arith.constant 0 : i32
      %dma_wait3A_140 = tpu.memref_slice %arg9[%dma_wait3A_136, %dma_wait3A_138, %dma_wait3A_139] : memref<2x128x128xf32, #tpu.memory_space<vmem>> -> memref<1x128x128xf32, #tpu.memory_space<vmem>>
      %dma_wait3A_141 = tpu.memref_squeeze %dma_wait3A_140 : memref<1x128x128xf32, #tpu.memory_space<vmem>> -> memref<128x128xf32, #tpu.memory_space<vmem>>
      %dma_wait3A_142 = arith.constant 0 : i32
      %dma_wait3A_143 = tpu.memref_slice %arg7[%add3A_135, %dma_wait3A_142] : memref<40x128xi32, #tpu.memory_space<vmem>> -> memref<1x128xi32, #tpu.memory_space<vmem>>
      %dma_wait3A_144 = tpu.memref_squeeze %dma_wait3A_143 : memref<1x128xi32, #tpu.memory_space<vmem>> -> memref<128xi32, #tpu.memory_space<vmem>>
      %dma_wait3A_145 = arith.constant 0 : i32
      %dma_wait3A_146 = arith.constant 0 : i32
      %dma_wait3A_147 = tpu.memref_slice %arg4[%dma_wait3A_145, %dma_wait3A_146] : memref<20000x128xf32, #tpu.memory_space<hbm>> -> memref<20000x128xf32, #tpu.memory_space<hbm>>
      %dma_wait3A_148 = tpu.memref_slice %arg11[%dma_wait3A_137] : memref<2x!tpu.dma_semaphore, #tpu.memory_space<semaphore_mem>> -> memref<1x!tpu.dma_semaphore, #tpu.memory_space<semaphore_mem>>
      %dma_wait3A_149 = tpu.memref_squeeze %dma_wait3A_148 : memref<1x!tpu.dma_semaphore, #tpu.memory_space<semaphore_mem>> -> memref<!tpu.dma_semaphore, #tpu.memory_space<semaphore_mem>>
      tpu.wait_indirect_dma semaphore(%dma_wait3A_149 : memref<!tpu.dma_semaphore, #tpu.memory_space<semaphore_mem>>) src(%dma_wait3A_147 : memref<20000x128xf32, #tpu.memory_space<hbm>>) dst(%dma_wait3A_141 : memref<128x128xf32, #tpu.memory_space<vmem>>)
      %add3A_150 = arith.constant 1 : i32
      %add3A_151 = arith.addi %mul3A_107, %add3A_150 : i32
      %run_scoped3A_152 = arith.constant 1 : i32
      "tpu.region"() ({
        %run_scoped3A_163 = tpu.sem_alloc : memref<!tpu.dma_semaphore, #tpu.memory_space<semaphore_mem>>
        %dma_start3A_164 = arith.constant 0 : i32
        %dma_start3A_165 = arith.constant 0 : i32
        %dma_start3A_166 = tpu.memref_slice %arg9[%run_scoped3A_152, %dma_start3A_164, %dma_start3A_165] : memref<2x128x128xf32, #tpu.memory_space<vmem>> -> memref<1x128x128xf32, #tpu.memory_space<vmem>>
        %dma_start3A_167 = tpu.memref_squeeze %dma_start3A_166 : memref<1x128x128xf32, #tpu.memory_space<vmem>> -> memref<128x128xf32, #tpu.memory_space<vmem>>
        %dma_start3A_168 = arith.constant 0 : i32
        %dma_start3A_169 = tpu.memref_slice %arg8[%add3A_151, %dma_start3A_168] : memref<40x128xi32, #tpu.memory_space<vmem>> -> memref<1x128xi32, #tpu.memory_space<vmem>>
        %dma_start3A_170 = tpu.memref_squeeze %dma_start3A_169 : memref<1x128xi32, #tpu.memory_space<vmem>> -> memref<128xi32, #tpu.memory_space<vmem>>
        %dma_start3A_171 = arith.constant 0 : i32
        %dma_start3A_172 = arith.constant 0 : i32
        %dma_start3A_173 = tpu.memref_slice %arg10[%dma_start3A_171, %dma_start3A_172] : memref<10016x128xf32, #tpu.memory_space<vmem_shared>> -> memref<10016x128xf32, #tpu.memory_space<vmem_shared>>
        tpu.enqueue_indirect_dma source(%dma_start3A_167 : memref<128x128xf32, #tpu.memory_space<vmem>>) target(%dma_start3A_173 : memref<10016x128xf32, #tpu.memory_space<vmem_shared>>) offsets(%dma_start3A_170 : memref<128xi32, #tpu.memory_space<vmem>>) semaphore(%run_scoped3A_163 : memref<!tpu.dma_semaphore, #tpu.memory_space<semaphore_mem>>) {add = true}
        %dma_wait3A_174 = arith.constant 0 : i32
        %dma_wait3A_175 = arith.constant 0 : i32
        %dma_wait3A_176 = tpu.memref_slice %arg9[%run_scoped3A_152, %dma_wait3A_174, %dma_wait3A_175] : memref<2x128x128xf32, #tpu.memory_space<vmem>> -> memref<1x128x128xf32, #tpu.memory_space<vmem>>
        %dma_wait3A_177 = tpu.memref_squeeze %dma_wait3A_176 : memref<1x128x128xf32, #tpu.memory_space<vmem>> -> memref<128x128xf32, #tpu.memory_space<vmem>>
        %dma_wait3A_178 = arith.constant 0 : i32
        %dma_wait3A_179 = tpu.memref_slice %arg8[%add3A_151, %dma_wait3A_178] : memref<40x128xi32, #tpu.memory_space<vmem>> -> memref<1x128xi32, #tpu.memory_space<vmem>>
        %dma_wait3A_180 = tpu.memref_squeeze %dma_wait3A_179 : memref<1x128xi32, #tpu.memory_space<vmem>> -> memref<128xi32, #tpu.memory_space<vmem>>
        %dma_wait3A_181 = arith.constant 0 : i32
        %dma_wait3A_182 = arith.constant 0 : i32
        %dma_wait3A_183 = tpu.memref_slice %arg10[%dma_wait3A_181, %dma_wait3A_182] : memref<10016x128xf32, #tpu.memory_space<vmem_shared>> -> memref<10016x128xf32, #tpu.memory_space<vmem_shared>>
        tpu.wait_indirect_dma semaphore(%run_scoped3A_163 : memref<!tpu.dma_semaphore, #tpu.memory_space<semaphore_mem>>) src(%dma_wait3A_177 : memref<128x128xf32, #tpu.memory_space<vmem>>) dst(%dma_wait3A_183 : memref<10016x128xf32, #tpu.memory_space<vmem_shared>>)
        tpu.yield
      }) : () -> ()
      %add3A_153 = arith.constant 1 : i32
      %add3A_154 = arith.addi %mul3A_107, %add3A_153 : i32
      %add3A_155 = arith.constant 2 : i32
      %add3A_156 = arith.addi %add3A_154, %add3A_155 : i32
      %lt3A_157 = arith.constant 40 : i32
      %lt3A_158 = arith.cmpi slt, %add3A_156, %lt3A_157 : i32
      %convert_element_type3A_159 = arith.extui %lt3A_158 : i1 to i32
      %cond3A_160 = arith.constant 0 : i32
      %cond3A_161 = arith.cmpi ne, %convert_element_type3A_159, %cond3A_160 : i32
      scf.if %cond3A_161 {
        %add3A_163 = arith.constant 1 : i32
        %add3A_164 = arith.addi %mul3A_107, %add3A_163 : i32
        %add3A_165 = arith.constant 2 : i32
        %add3A_166 = arith.addi %add3A_164, %add3A_165 : i32
        %dma_start3A_167 = arith.constant 1 : i32
        %dma_start3A_168 = arith.constant 1 : i32
        %dma_start3A_169 = arith.constant 0 : i32
        %dma_start3A_170 = arith.constant 0 : i32
        %dma_start3A_171 = tpu.memref_slice %arg9[%dma_start3A_167, %dma_start3A_169, %dma_start3A_170] : memref<2x128x128xf32, #tpu.memory_space<vmem>> -> memref<1x128x128xf32, #tpu.memory_space<vmem>>
        %dma_start3A_172 = tpu.memref_squeeze %dma_start3A_171 : memref<1x128x128xf32, #tpu.memory_space<vmem>> -> memref<128x128xf32, #tpu.memory_space<vmem>>
        %dma_start3A_173 = arith.constant 0 : i32
        %dma_start3A_174 = tpu.memref_slice %arg7[%add3A_166, %dma_start3A_173] : memref<40x128xi32, #tpu.memory_space<vmem>> -> memref<1x128xi32, #tpu.memory_space<vmem>>
        %dma_start3A_175 = tpu.memref_squeeze %dma_start3A_174 : memref<1x128xi32, #tpu.memory_space<vmem>> -> memref<128xi32, #tpu.memory_space<vmem>>
        %dma_start3A_176 = arith.constant 0 : i32
        %dma_start3A_177 = arith.constant 0 : i32
        %dma_start3A_178 = tpu.memref_slice %arg4[%dma_start3A_176, %dma_start3A_177] : memref<20000x128xf32, #tpu.memory_space<hbm>> -> memref<20000x128xf32, #tpu.memory_space<hbm>>
        %dma_start3A_179 = tpu.memref_slice %arg11[%dma_start3A_168] : memref<2x!tpu.dma_semaphore, #tpu.memory_space<semaphore_mem>> -> memref<1x!tpu.dma_semaphore, #tpu.memory_space<semaphore_mem>>
        %dma_start3A_180 = tpu.memref_squeeze %dma_start3A_179 : memref<1x!tpu.dma_semaphore, #tpu.memory_space<semaphore_mem>> -> memref<!tpu.dma_semaphore, #tpu.memory_space<semaphore_mem>>
        tpu.enqueue_indirect_dma source(%dma_start3A_178 : memref<20000x128xf32, #tpu.memory_space<hbm>>) target(%dma_start3A_172 : memref<128x128xf32, #tpu.memory_space<vmem>>) offsets(%dma_start3A_175 : memref<128xi32, #tpu.memory_space<vmem>>) semaphore(%dma_start3A_180 : memref<!tpu.dma_semaphore, #tpu.memory_space<semaphore_mem>>)
      } else {
      }
      %scan3A_162 = arith.constant 0 : i32
      scf.yield %scan3A_162 : i32
    }
    %scan3A_90 = arith.constant 20 : i32
    %barrier3A_91 = arith.constant 0 : index
    tpu.barrier barrier_id(%barrier3A_91)
    %mul3A_92 = arith.constant 10000 : i32
    %mul3A_93 = arith.muli %arg0, %mul3A_92 : i32
    %lt3A_94 = arith.constant 15 : i32
    %lt3A_95 = arith.cmpi slt, %arg1, %lt3A_94 : i32
    %convert_element_type3A_96 = arith.extui %lt3A_95 : i1 to i32
    %cond3A_97 = arith.constant 0 : i32
    %cond3A_98 = arith.cmpi ne, %convert_element_type3A_96, %cond3A_97 : i32
    scf.if %cond3A_98 {
      %mul3A_104 = arith.constant 640 : i32
      %mul3A_105 = arith.muli %arg1, %mul3A_104 : i32
      %add3A_106 = arith.constant 0 : i32
      %add3A_107 = arith.addi %add3A_106, %mul3A_105 : i32
      %mul3A_108 = arith.constant 640 : i32
      %mul3A_109 = arith.muli %arg1, %mul3A_108 : i32
      %add3A_110 = arith.addi %mul3A_93, %mul3A_109 : i32
      "tpu.region"() ({
        %run_scoped3A = tpu.sem_alloc : memref<!tpu.dma_semaphore, #tpu.memory_space<semaphore_mem>>
        %dma_start3A_111 = arith.constant 0 : i32
        %dma_start3A_112 = tpu.memref_slice %arg6[%add3A_110, %dma_start3A_111] : memref<20000x128xf32, #tpu.memory_space<hbm>> -> memref<640x128xf32, #tpu.memory_space<hbm>>
        %dma_start3A_113 = arith.constant 0 : i32
        %dma_start3A_114 = tpu.memref_slice %arg10[%add3A_107, %dma_start3A_113] : memref<10016x128xf32, #tpu.memory_space<vmem_shared>> -> memref<640x128xf32, #tpu.memory_space<vmem_shared>>
        tpu.enqueue_dma source(%dma_start3A_114 : memref<640x128xf32, #tpu.memory_space<vmem_shared>>) target(%dma_start3A_112 : memref<640x128xf32, #tpu.memory_space<hbm>>) target_semaphore(%run_scoped3A : memref<!tpu.dma_semaphore, #tpu.memory_space<semaphore_mem>>)
        %dma_wait3A = arith.constant 0 : i32
        %dma_wait3A_115 = tpu.memref_slice %arg6[%add3A_110, %dma_wait3A] : memref<20000x128xf32, #tpu.memory_space<hbm>> -> memref<640x128xf32, #tpu.memory_space<hbm>>
        %dma_wait3A_116 = arith.constant 0 : i32
        %dma_wait3A_117 = tpu.memref_slice %arg10[%add3A_107, %dma_wait3A_116] : memref<10016x128xf32, #tpu.memory_space<vmem_shared>> -> memref<640x128xf32, #tpu.memory_space<vmem_shared>>
        tpu.wait_dma2 semaphore(%run_scoped3A : memref<!tpu.dma_semaphore, #tpu.memory_space<semaphore_mem>>) src(%dma_wait3A_117 : memref<640x128xf32, #tpu.memory_space<vmem_shared>>) dst(%dma_wait3A_115 : memref<640x128xf32, #tpu.memory_space<hbm>>)
        tpu.yield
      }) : () -> ()
    } else {
    }
    %eq3A_99 = arith.constant 15 : i32
    %eq3A_100 = arith.cmpi eq, %arg1, %eq3A_99 : i32
    %convert_element_type3A_101 = arith.extui %eq3A_100 : i1 to i32
    %cond3A_102 = arith.constant 0 : i32
    %cond3A_103 = arith.cmpi ne, %convert_element_type3A_101, %cond3A_102 : i32
    scf.if %cond3A_103 {
      %add3A_104 = arith.constant 9600 : i32
      %add3A_105 = arith.addi %mul3A_93, %add3A_104 : i32
      "tpu.region"() ({
        %run_scoped3A = tpu.sem_alloc : memref<!tpu.dma_semaphore, #tpu.memory_space<semaphore_mem>>
        %dma_start3A_106 = arith.constant 0 : i32
        %dma_start3A_107 = tpu.memref_slice %arg6[%add3A_105, %dma_start3A_106] : memref<20000x128xf32, #tpu.memory_space<hbm>> -> memref<400x128xf32, #tpu.memory_space<hbm>>
        %dma_start3A_108 = arith.constant 9600 : i32
        %dma_start3A_109 = arith.constant 0 : i32
        %dma_start3A_110 = tpu.memref_slice %arg10[%dma_start3A_108, %dma_start3A_109] : memref<10016x128xf32, #tpu.memory_space<vmem_shared>> -> memref<400x128xf32, #tpu.memory_space<vmem_shared>>
        tpu.enqueue_dma source(%dma_start3A_110 : memref<400x128xf32, #tpu.memory_space<vmem_shared>>) target(%dma_start3A_107 : memref<400x128xf32, #tpu.memory_space<hbm>>) target_semaphore(%run_scoped3A : memref<!tpu.dma_semaphore, #tpu.memory_space<semaphore_mem>>)
        %dma_wait3A = arith.constant 0 : i32
        %dma_wait3A_111 = tpu.memref_slice %arg6[%add3A_105, %dma_wait3A] : memref<20000x128xf32, #tpu.memory_space<hbm>> -> memref<400x128xf32, #tpu.memory_space<hbm>>
        %dma_wait3A_112 = arith.constant 9600 : i32
        %dma_wait3A_113 = arith.constant 0 : i32
        %dma_wait3A_114 = tpu.memref_slice %arg10[%dma_wait3A_112, %dma_wait3A_113] : memref<10016x128xf32, #tpu.memory_space<vmem_shared>> -> memref<400x128xf32, #tpu.memory_space<vmem_shared>>
        tpu.wait_dma2 semaphore(%run_scoped3A : memref<!tpu.dma_semaphore, #tpu.memory_space<semaphore_mem>>) src(%dma_wait3A_114 : memref<400x128xf32, #tpu.memory_space<vmem_shared>>) dst(%dma_wait3A_111 : memref<400x128xf32, #tpu.memory_space<hbm>>)
        tpu.yield
      }) : () -> ()
    } else {
    }
    return
  }
}

module attributes {stable_mosaic.version = 14 : i64} {
  func.func @_tc_prep_body(%arg0: i32, %arg1: memref<2000x1xf32, #tpu.memory_space<vmem>>, %arg2: memref<2000x1xf32, #tpu.memory_space<vmem>>, %arg3: memref<2000x1xf32, #tpu.memory_space<vmem>>, %arg4: memref<2000x1xf32, #tpu.memory_space<vmem>>) attributes {dimension_semantics = [#tpu.dimension_semantics<arbitrary>], iteration_bounds = array<i64: 10>, scalar_prefetch = 0 : i64, scratch_operands = 0 : i64, tpu.core_type = #tpu.core_type<tc>, window_params = [{transform_indices = @transform_0, window_bounds = array<i64: 2000, 1>}, {transform_indices = @transform_1, window_bounds = array<i64: 2000, 1>}, {transform_indices = @transform_2, window_bounds = array<i64: 2000, 1>}, {transform_indices = @transform_3, window_bounds = array<i64: 2000, 1>}]} {
    %get3A = arith.constant 0 : index
    %get3A_0 = arith.constant 0 : index
    %get3A_1 = vector.load %arg1[%get3A, %get3A_0] : memref<2000x1xf32, #tpu.memory_space<vmem>>, vector<2000x1xf32>
    %rsqrt3A = math.rsqrt %get3A_1 : vector<2000x1xf32>
    %swap3A = arith.constant 0 : index
    %swap3A_2 = arith.constant 0 : index
    %swap3A_3 = vector.load %arg3[%swap3A, %swap3A_2] : memref<2000x1xf32, #tpu.memory_space<vmem>>, vector<2000x1xf32>
    tpu.vector_store %arg3[%swap3A, %swap3A_2], %rsqrt3A {strides = array<i32>} : memref<2000x1xf32, #tpu.memory_space<vmem>>, vector<2000x1xf32>,
    %get3A_4 = arith.constant 0 : index
    %get3A_5 = arith.constant 0 : index
    %get3A_6 = vector.load %arg2[%get3A_4, %get3A_5] : memref<2000x1xf32, #tpu.memory_space<vmem>>, vector<2000x1xf32>
    %mul3A = arith.mulf %get3A_6, %rsqrt3A : vector<2000x1xf32>
    %swap3A_7 = arith.constant 0 : index
    %swap3A_8 = arith.constant 0 : index
    %swap3A_9 = vector.load %arg4[%swap3A_7, %swap3A_8] : memref<2000x1xf32, #tpu.memory_space<vmem>>, vector<2000x1xf32>
    tpu.vector_store %arg4[%swap3A_7, %swap3A_8], %mul3A {strides = array<i32>} : memref<2000x1xf32, #tpu.memory_space<vmem>>, vector<2000x1xf32>,
    return
  }
  func.func @transform_0(%arg0: i32) -> (i32, i32) {
    %c0_i32 = arith.constant 0 : i32
    %c0_i32_0 = arith.constant 0 : i32
    return %arg0, %c0_i32 : i32, i32
  }
  func.func @transform_1(%arg0: i32) -> (i32, i32) {
    %c0_i32 = arith.constant 0 : i32
    %c0_i32_0 = arith.constant 0 : i32
    return %arg0, %c0_i32 : i32, i32
  }
  func.func @transform_2(%arg0: i32) -> (i32, i32) {
    %c0_i32 = arith.constant 0 : i32
    %c0_i32_0 = arith.constant 0 : i32
    return %arg0, %c0_i32 : i32, i32
  }
  func.func @transform_3(%arg0: i32) -> (i32, i32) {
    %c0_i32 = arith.constant 0 : i32
    %c0_i32_0 = arith.constant 0 : i32
    return %arg0, %c0_i32 : i32, i32
  }
}

module attributes {stable_mosaic.version = 14 : i64} {
  func.func @_tc_layer1_body(%arg0: i32, %arg1: memref<2000x1xf32, #tpu.memory_space<vmem>>, %arg2: memref<2000x1xf32, #tpu.memory_space<vmem>>, %arg3: memref<2000x1xf32, #tpu.memory_space<vmem>>, %arg4: memref<1x128xf32, #tpu.memory_space<vmem>>, %arg5: memref<1x128xf32, #tpu.memory_space<vmem>>, %arg6: memref<128x128xf32, #tpu.memory_space<vmem>>, %arg7: memref<2000x128xf32, #tpu.memory_space<vmem>>, %arg8: memref<2000x128xf32, #tpu.memory_space<vmem>>) attributes {dimension_semantics = [#tpu.dimension_semantics<arbitrary>], iteration_bounds = array<i64: 10>, scalar_prefetch = 0 : i64, scratch_operands = 0 : i64, tpu.core_type = #tpu.core_type<tc>, window_params = [{transform_indices = @transform_0, window_bounds = array<i64: 2000, 1>}, {transform_indices = @transform_1, window_bounds = array<i64: 2000, 1>}, {transform_indices = @transform_2, window_bounds = array<i64: 2000, 1>}, {pipeline_mode = #tpu.pipeline_mode<synchronous>, transform_indices = @transform_3, window_bounds = array<i64: 1, 128>}, {pipeline_mode = #tpu.pipeline_mode<synchronous>, transform_indices = @transform_4, window_bounds = array<i64: 1, 128>}, {pipeline_mode = #tpu.pipeline_mode<synchronous>, transform_indices = @transform_5, window_bounds = array<i64: 128, 128>}, {transform_indices = @transform_6, window_bounds = array<i64: 2000, 128>}, {transform_indices = @transform_7, window_bounds = array<i64: 2000, 128>}]} {
    %get3A = arith.constant 0 : index
    %get3A_0 = arith.constant 0 : index
    %get3A_1 = vector.load %arg3[%get3A, %get3A_0] : memref<2000x1xf32, #tpu.memory_space<vmem>>, vector<2000x1xf32>
    %get3A_2 = arith.constant 0 : index
    %get3A_3 = arith.constant 0 : index
    %get3A_4 = vector.load %arg1[%get3A_2, %get3A_3] : memref<2000x1xf32, #tpu.memory_space<vmem>>, vector<2000x1xf32>
    %mul3A = arith.mulf %get3A_1, %get3A_4 : vector<2000x1xf32>
    %get3A_5 = arith.constant 0 : index
    %get3A_6 = arith.constant 0 : index
    %get3A_7 = vector.load %arg4[%get3A_5, %get3A_6] : memref<1x128xf32, #tpu.memory_space<vmem>>, vector<1x128xf32>
    %mul3A_8 = vector.broadcast %mul3A : vector<2000x1xf32> to vector<2000x128xf32>
    %mul3A_9 = vector.broadcast %get3A_7 : vector<1x128xf32> to vector<2000x128xf32>
    %mul3A_10 = arith.mulf %mul3A_8, %mul3A_9 : vector<2000x128xf32>
    %get3A_11 = arith.constant 0 : index
    %get3A_12 = arith.constant 0 : index
    %get3A_13 = vector.load %arg5[%get3A_11, %get3A_12] : memref<1x128xf32, #tpu.memory_space<vmem>>, vector<1x128xf32>
    %add3A = vector.broadcast %get3A_13 : vector<1x128xf32> to vector<2000x128xf32>
    %add3A_14 = arith.addf %mul3A_10, %add3A : vector<2000x128xf32>
    %get3A_15 = arith.constant 0 : index
    %get3A_16 = arith.constant 0 : index
    %get3A_17 = vector.load %arg2[%get3A_15, %get3A_16] : memref<2000x1xf32, #tpu.memory_space<vmem>>, vector<2000x1xf32>
    %ge3A = arith.constant 0.000000e+00 : f32
    %ge3A_18 = vector.broadcast %ge3A : f32 to vector<2000x128xf32>
    %ge3A_19 = arith.cmpf oge, %add3A_14, %ge3A_18 : vector<2000x128xf32>
    %mul3A_20 = arith.constant 0.00999999977 : f32
    %mul3A_21 = vector.broadcast %mul3A_20 : f32 to vector<2000x128xf32>
    %mul3A_22 = arith.mulf %mul3A_21, %add3A_14 : vector<2000x128xf32>
    %select_n3A = arith.select %ge3A_19, %add3A_14, %mul3A_22 : vector<2000x128xi1>, vector<2000x128xf32>
    %add3A_23 = vector.broadcast %get3A_17 : vector<2000x1xf32> to vector<2000x128xf32>
    %add3A_24 = arith.addf %add3A_23, %select_n3A : vector<2000x128xf32>
    %swap3A = arith.constant 0 : index
    %swap3A_25 = arith.constant 0 : index
    %swap3A_26 = vector.load %arg7[%swap3A, %swap3A_25] : memref<2000x128xf32, #tpu.memory_space<vmem>>, vector<2000x128xf32>
    tpu.vector_store %arg7[%swap3A, %swap3A_25], %add3A_24 {strides = array<i32>} : memref<2000x128xf32, #tpu.memory_space<vmem>>, vector<2000x128xf32>,
    %get3A_27 = arith.constant 0 : index
    %get3A_28 = arith.constant 0 : index
    %get3A_29 = vector.load %arg3[%get3A_27, %get3A_28] : memref<2000x1xf32, #tpu.memory_space<vmem>>, vector<2000x1xf32>
    %get3A_30 = arith.constant 0 : index
    %get3A_31 = arith.constant 0 : index
    %get3A_32 = vector.load %arg6[%get3A_30, %get3A_31] : memref<128x128xf32, #tpu.memory_space<vmem>>, vector<128x128xf32>
    %dot_general3A = arith.constant dense<0.000000e+00> : vector<2000x128xf32>
    %dot_general3A_33 = tpu.matmul %add3A_24, %get3A_32, %dot_general3A {dimension_numbers = #tpu.dot_dimension_numbers<[1], [0], [0], [1], [0, 0, 1, 1], [], []>, transpose_lhs_hint = false} : vector<2000x128xf32>, vector<128x128xf32>, vector<2000x128xf32> -> vector<2000x128xf32>
    %mul3A_34 = vector.broadcast %get3A_29 : vector<2000x1xf32> to vector<2000x128xf32>
    %mul3A_35 = arith.mulf %mul3A_34, %dot_general3A_33 : vector<2000x128xf32>
    %swap3A_36 = arith.constant 0 : index
    %swap3A_37 = arith.constant 0 : index
    %swap3A_38 = vector.load %arg8[%swap3A_36, %swap3A_37] : memref<2000x128xf32, #tpu.memory_space<vmem>>, vector<2000x128xf32>
    tpu.vector_store %arg8[%swap3A_36, %swap3A_37], %mul3A_35 {strides = array<i32>} : memref<2000x128xf32, #tpu.memory_space<vmem>>, vector<2000x128xf32>,
    return
  }
  func.func @transform_0(%arg0: i32) -> (i32, i32) {
    %c0_i32 = arith.constant 0 : i32
    %c0_i32_0 = arith.constant 0 : i32
    return %arg0, %c0_i32 : i32, i32
  }
  func.func @transform_1(%arg0: i32) -> (i32, i32) {
    %c0_i32 = arith.constant 0 : i32
    %c0_i32_0 = arith.constant 0 : i32
    return %arg0, %c0_i32 : i32, i32
  }
  func.func @transform_2(%arg0: i32) -> (i32, i32) {
    %c0_i32 = arith.constant 0 : i32
    %c0_i32_0 = arith.constant 0 : i32
    return %arg0, %c0_i32 : i32, i32
  }
  func.func @transform_3(%arg0: i32) -> (i32, i32) {
    %c0_i32 = arith.constant 0 : i32
    %c0_i32_0 = arith.constant 0 : i32
    %c0_i32_1 = arith.constant 0 : i32
    return %c0_i32, %c0_i32_0 : i32, i32
  }
  func.func @transform_4(%arg0: i32) -> (i32, i32) {
    %c0_i32 = arith.constant 0 : i32
    %c0_i32_0 = arith.constant 0 : i32
    %c0_i32_1 = arith.constant 0 : i32
    return %c0_i32, %c0_i32_0 : i32, i32
  }
  func.func @transform_5(%arg0: i32) -> (i32, i32) {
    %c0_i32 = arith.constant 0 : i32
    %c0_i32_0 = arith.constant 0 : i32
    %c0_i32_1 = arith.constant 0 : i32
    return %c0_i32, %c0_i32_0 : i32, i32
  }
  func.func @transform_6(%arg0: i32) -> (i32, i32) {
    %c0_i32 = arith.constant 0 : i32
    %c0_i32_0 = arith.constant 0 : i32
    return %arg0, %c0_i32 : i32, i32
  }
  func.func @transform_7(%arg0: i32) -> (i32, i32) {
    %c0_i32 = arith.constant 0 : i32
    %c0_i32_0 = arith.constant 0 : i32
    return %arg0, %c0_i32 : i32, i32
  }
}

module attributes {stable_mosaic.version = 14 : i64} {
  func.func @_tc_epilogue_body(%arg0: i32, %arg1: memref<2000x128xf32, #tpu.memory_space<vmem>>, %arg2: memref<2000x128xf32, #tpu.memory_space<vmem>>, %arg3: memref<2000x1xf32, #tpu.memory_space<vmem>>, %arg4: memref<1x128xf32, #tpu.memory_space<vmem>>, %arg5: memref<128x128xf32, #tpu.memory_space<vmem>>, %arg6: memref<2000x128xf32, #tpu.memory_space<vmem>>, %arg7: memref<2000x128xf32, #tpu.memory_space<vmem>>) attributes {dimension_semantics = [#tpu.dimension_semantics<arbitrary>], iteration_bounds = array<i64: 10>, scalar_prefetch = 0 : i64, scratch_operands = 0 : i64, tpu.core_type = #tpu.core_type<tc>, window_params = [{transform_indices = @transform_0, window_bounds = array<i64: 2000, 128>}, {transform_indices = @transform_1, window_bounds = array<i64: 2000, 128>}, {transform_indices = @transform_2, window_bounds = array<i64: 2000, 1>}, {pipeline_mode = #tpu.pipeline_mode<synchronous>, transform_indices = @transform_3, window_bounds = array<i64: 1, 128>}, {pipeline_mode = #tpu.pipeline_mode<synchronous>, transform_indices = @transform_4, window_bounds = array<i64: 128, 128>}, {transform_indices = @transform_5, window_bounds = array<i64: 2000, 128>}, {transform_indices = @transform_6, window_bounds = array<i64: 2000, 128>}]} {
    %get3A = arith.constant 0 : index
    %get3A_0 = arith.constant 0 : index
    %get3A_1 = vector.load %arg3[%get3A, %get3A_0] : memref<2000x1xf32, #tpu.memory_space<vmem>>, vector<2000x1xf32>
    %get3A_2 = arith.constant 0 : index
    %get3A_3 = arith.constant 0 : index
    %get3A_4 = vector.load %arg1[%get3A_2, %get3A_3] : memref<2000x128xf32, #tpu.memory_space<vmem>>, vector<2000x128xf32>
    %mul3A = vector.broadcast %get3A_1 : vector<2000x1xf32> to vector<2000x128xf32>
    %mul3A_5 = arith.mulf %mul3A, %get3A_4 : vector<2000x128xf32>
    %get3A_6 = arith.constant 0 : index
    %get3A_7 = arith.constant 0 : index
    %get3A_8 = vector.load %arg4[%get3A_6, %get3A_7] : memref<1x128xf32, #tpu.memory_space<vmem>>, vector<1x128xf32>
    %add3A = vector.broadcast %get3A_8 : vector<1x128xf32> to vector<2000x128xf32>
    %add3A_9 = arith.addf %mul3A_5, %add3A : vector<2000x128xf32>
    %get3A_10 = arith.constant 0 : index
    %get3A_11 = arith.constant 0 : index
    %get3A_12 = vector.load %arg2[%get3A_10, %get3A_11] : memref<2000x128xf32, #tpu.memory_space<vmem>>, vector<2000x128xf32>
    %ge3A = arith.constant 0.000000e+00 : f32
    %ge3A_13 = vector.broadcast %ge3A : f32 to vector<2000x128xf32>
    %ge3A_14 = arith.cmpf oge, %add3A_9, %ge3A_13 : vector<2000x128xf32>
    %mul3A_15 = arith.constant 0.00999999977 : f32
    %mul3A_16 = vector.broadcast %mul3A_15 : f32 to vector<2000x128xf32>
    %mul3A_17 = arith.mulf %mul3A_16, %add3A_9 : vector<2000x128xf32>
    %select_n3A = arith.select %ge3A_14, %add3A_9, %mul3A_17 : vector<2000x128xi1>, vector<2000x128xf32>
    %add3A_18 = arith.addf %get3A_12, %select_n3A : vector<2000x128xf32>
    %swap3A = arith.constant 0 : index
    %swap3A_19 = arith.constant 0 : index
    %swap3A_20 = vector.load %arg6[%swap3A, %swap3A_19] : memref<2000x128xf32, #tpu.memory_space<vmem>>, vector<2000x128xf32>
    tpu.vector_store %arg6[%swap3A, %swap3A_19], %add3A_18 {strides = array<i32>} : memref<2000x128xf32, #tpu.memory_space<vmem>>, vector<2000x128xf32>,
    %get3A_21 = arith.constant 0 : index
    %get3A_22 = arith.constant 0 : index
    %get3A_23 = vector.load %arg3[%get3A_21, %get3A_22] : memref<2000x1xf32, #tpu.memory_space<vmem>>, vector<2000x1xf32>
    %get3A_24 = arith.constant 0 : index
    %get3A_25 = arith.constant 0 : index
    %get3A_26 = vector.load %arg5[%get3A_24, %get3A_25] : memref<128x128xf32, #tpu.memory_space<vmem>>, vector<128x128xf32>
    %dot_general3A = arith.constant dense<0.000000e+00> : vector<2000x128xf32>
    %dot_general3A_27 = tpu.matmul %add3A_18, %get3A_26, %dot_general3A {dimension_numbers = #tpu.dot_dimension_numbers<[1], [0], [0], [1], [0, 0, 1, 1], [], []>, transpose_lhs_hint = false} : vector<2000x128xf32>, vector<128x128xf32>, vector<2000x128xf32> -> vector<2000x128xf32>
    %mul3A_28 = vector.broadcast %get3A_23 : vector<2000x1xf32> to vector<2000x128xf32>
    %mul3A_29 = arith.mulf %mul3A_28, %dot_general3A_27 : vector<2000x128xf32>
    %swap3A_30 = arith.constant 0 : index
    %swap3A_31 = arith.constant 0 : index
    %swap3A_32 = vector.load %arg7[%swap3A_30, %swap3A_31] : memref<2000x128xf32, #tpu.memory_space<vmem>>, vector<2000x128xf32>
    tpu.vector_store %arg7[%swap3A_30, %swap3A_31], %mul3A_29 {strides = array<i32>} : memref<2000x128xf32, #tpu.memory_space<vmem>>, vector<2000x128xf32>,
    return
  }
  func.func @transform_0(%arg0: i32) -> (i32, i32) {
    %c0_i32 = arith.constant 0 : i32
    %c0_i32_0 = arith.constant 0 : i32
    return %arg0, %c0_i32 : i32, i32
  }
  func.func @transform_1(%arg0: i32) -> (i32, i32) {
    %c0_i32 = arith.constant 0 : i32
    %c0_i32_0 = arith.constant 0 : i32
    return %arg0, %c0_i32 : i32, i32
  }
  func.func @transform_2(%arg0: i32) -> (i32, i32) {
    %c0_i32 = arith.constant 0 : i32
    %c0_i32_0 = arith.constant 0 : i32
    return %arg0, %c0_i32 : i32, i32
  }
  func.func @transform_3(%arg0: i32) -> (i32, i32) {
    %c0_i32 = arith.constant 0 : i32
    %c0_i32_0 = arith.constant 0 : i32
    %c0_i32_1 = arith.constant 0 : i32
    return %c0_i32, %c0_i32_0 : i32, i32
  }
  func.func @transform_4(%arg0: i32) -> (i32, i32) {
    %c0_i32 = arith.constant 0 : i32
    %c0_i32_0 = arith.constant 0 : i32
    %c0_i32_1 = arith.constant 0 : i32
    return %c0_i32, %c0_i32_0 : i32, i32
  }
  func.func @transform_5(%arg0: i32) -> (i32, i32) {
    %c0_i32 = arith.constant 0 : i32
    %c0_i32_0 = arith.constant 0 : i32
    return %arg0, %c0_i32 : i32, i32
  }
  func.func @transform_6(%arg0: i32) -> (i32, i32) {
    %c0_i32 = arith.constant 0 : i32
    %c0_i32_0 = arith.constant 0 : i32
    return %arg0, %c0_i32 : i32, i32
  }
}

module attributes {stable_mosaic.version = 14 : i64} {
  func.func @_tc_final_body(%arg0: i32, %arg1: memref<2000x128xf32, #tpu.memory_space<vmem>>, %arg2: memref<2000x128xf32, #tpu.memory_space<vmem>>, %arg3: memref<2000x1xf32, #tpu.memory_space<vmem>>, %arg4: memref<1x128xf32, #tpu.memory_space<vmem>>, %arg5: memref<128x768xf32, #tpu.memory_space<vmem>>, %arg6: memref<1x768xf32, #tpu.memory_space<vmem>>, %arg7: memref<128x768xf32, #tpu.memory_space<vmem>>, %arg8: memref<1x768xf32, #tpu.memory_space<vmem>>, %arg9: memref<2x2x768xf32, #tpu.memory_space<vmem>>, %arg10: memref<8x128xf32, #tpu.memory_space<vmem>>) attributes {dimension_semantics = [#tpu.dimension_semantics<arbitrary>], iteration_bounds = array<i64: 10>, scalar_prefetch = 0 : i64, scratch_operands = 1 : i64, tpu.core_type = #tpu.core_type<tc>, window_params = [{transform_indices = @transform_0, window_bounds = array<i64: 2000, 128>}, {transform_indices = @transform_1, window_bounds = array<i64: 2000, 128>}, {transform_indices = @transform_2, window_bounds = array<i64: 2000, 1>}, {pipeline_mode = #tpu.pipeline_mode<synchronous>, transform_indices = @transform_3, window_bounds = array<i64: 1, 128>}, {pipeline_mode = #tpu.pipeline_mode<synchronous>, transform_indices = @transform_4, window_bounds = array<i64: 128, 768>}, {pipeline_mode = #tpu.pipeline_mode<synchronous>, transform_indices = @transform_5, window_bounds = array<i64: 1, 768>}, {pipeline_mode = #tpu.pipeline_mode<synchronous>, transform_indices = @transform_6, window_bounds = array<i64: 128, 768>}, {pipeline_mode = #tpu.pipeline_mode<synchronous>, transform_indices = @transform_7, window_bounds = array<i64: 1, 768>}, {pipeline_mode = #tpu.pipeline_mode<synchronous>, transform_indices = @transform_8, window_bounds = array<i64: 2, 2, 768>}]} {
    %get3A = arith.constant 0 : index
    %get3A_0 = arith.constant 0 : index
    %get3A_1 = vector.load %arg3[%get3A, %get3A_0] : memref<2000x1xf32, #tpu.memory_space<vmem>>, vector<2000x1xf32>
    %get3A_2 = arith.constant 0 : index
    %get3A_3 = arith.constant 0 : index
    %get3A_4 = vector.load %arg1[%get3A_2, %get3A_3] : memref<2000x128xf32, #tpu.memory_space<vmem>>, vector<2000x128xf32>
    %mul3A = vector.broadcast %get3A_1 : vector<2000x1xf32> to vector<2000x128xf32>
    %mul3A_5 = arith.mulf %mul3A, %get3A_4 : vector<2000x128xf32>
    %get3A_6 = arith.constant 0 : index
    %get3A_7 = arith.constant 0 : index
    %get3A_8 = vector.load %arg4[%get3A_6, %get3A_7] : memref<1x128xf32, #tpu.memory_space<vmem>>, vector<1x128xf32>
    %add3A = vector.broadcast %get3A_8 : vector<1x128xf32> to vector<2000x128xf32>
    %add3A_9 = arith.addf %mul3A_5, %add3A : vector<2000x128xf32>
    %get3A_10 = arith.constant 0 : index
    %get3A_11 = arith.constant 0 : index
    %get3A_12 = vector.load %arg2[%get3A_10, %get3A_11] : memref<2000x128xf32, #tpu.memory_space<vmem>>, vector<2000x128xf32>
    %ge3A = arith.constant 0.000000e+00 : f32
    %ge3A_13 = vector.broadcast %ge3A : f32 to vector<2000x128xf32>
    %ge3A_14 = arith.cmpf oge, %add3A_9, %ge3A_13 : vector<2000x128xf32>
    %mul3A_15 = arith.constant 0.00999999977 : f32
    %mul3A_16 = vector.broadcast %mul3A_15 : f32 to vector<2000x128xf32>
    %mul3A_17 = arith.mulf %mul3A_16, %add3A_9 : vector<2000x128xf32>
    %select_n3A = arith.select %ge3A_14, %add3A_9, %mul3A_17 : vector<2000x128xi1>, vector<2000x128xf32>
    %add3A_18 = arith.addf %get3A_12, %select_n3A : vector<2000x128xf32>
    %reduce_sum3A = arith.constant dense<0.000000e+00> : vector<128xf32>
    %reduce_sum3A_19 = vector.multi_reduction <add>, %add3A_18, %reduce_sum3A [0] : vector<2000x128xf32> to vector<128xf32>
    %broadcast_in_dim3A = vector.shape_cast %reduce_sum3A_19 : vector<128xf32> to vector<1x128xf32>
    %mul3A_20 = arith.constant 9.99999974E-5 : f32
    %mul3A_21 = vector.broadcast %mul3A_20 : f32 to vector<1x128xf32>
    %mul3A_22 = arith.mulf %broadcast_in_dim3A, %mul3A_21 : vector<1x128xf32>
    %eq3A = arith.constant 0 : i32
    %eq3A_23 = arith.cmpi eq, %arg0, %eq3A : i32
    %convert_element_type3A = arith.extui %eq3A_23 : i1 to i32
    %cond3A = arith.constant 0 : i32
    %cond3A_24 = arith.cmpi ne, %convert_element_type3A, %cond3A : i32
    scf.if %cond3A_24 {
      %broadcast_in_dim3A_39 = arith.constant 0.000000e+00 : f32
      %broadcast_in_dim3A_40 = vector.broadcast %broadcast_in_dim3A_39 : f32 to vector<8x128xf32>
      %swap3A = arith.constant 0 : index
      %swap3A_41 = arith.constant 0 : index
      %swap3A_42 = vector.load %arg10[%swap3A, %swap3A_41] : memref<8x128xf32, #tpu.memory_space<vmem>>, vector<8x128xf32>
      tpu.vector_store %arg10[%swap3A, %swap3A_41], %broadcast_in_dim3A_40 {strides = array<i32>} : memref<8x128xf32, #tpu.memory_space<vmem>>, vector<8x128xf32>,
    } else {
    }
    %lt3A = arith.constant 5 : i32
    %lt3A_25 = arith.cmpi slt, %arg0, %lt3A : i32
    %convert_element_type3A_26 = arith.extui %lt3A_25 : i1 to i32
    %cond3A_27 = arith.constant 0 : i32
    %cond3A_28 = arith.cmpi ne, %convert_element_type3A_26, %cond3A_27 : i32
    scf.if %cond3A_28 {
      %get3A_39 = arith.constant 0 : index
      %get3A_40 = arith.constant 0 : index
      %get3A_41 = vector.load %arg10[%get3A_39, %get3A_40] : memref<8x128xf32, #tpu.memory_space<vmem>>, vector<1x128xf32>
      %add3A_42 = arith.addf %get3A_41, %mul3A_22 : vector<1x128xf32>
      %swap3A = arith.constant 0 : index
      %swap3A_43 = arith.constant 0 : index
      %swap3A_44 = vector.load %arg10[%swap3A, %swap3A_43] : memref<8x128xf32, #tpu.memory_space<vmem>>, vector<1x128xf32>
      tpu.vector_store %arg10[%swap3A, %swap3A_43], %add3A_42 {strides = array<i32>} : memref<8x128xf32, #tpu.memory_space<vmem>>, vector<1x128xf32>,
    } else {
    }
    %ge3A_29 = arith.constant 5 : i32
    %ge3A_30 = arith.cmpi sge, %arg0, %ge3A_29 : i32
    %convert_element_type3A_31 = arith.extui %ge3A_30 : i1 to i32
    %cond3A_32 = arith.constant 0 : i32
    %cond3A_33 = arith.cmpi ne, %convert_element_type3A_31, %cond3A_32 : i32
    scf.if %cond3A_33 {
      %get3A_39 = arith.constant 1 : index
      %get3A_40 = arith.constant 0 : index
      %get3A_41 = vector.load %arg10[%get3A_39, %get3A_40] : memref<8x128xf32, #tpu.memory_space<vmem>>, vector<1x128xf32>
      %add3A_42 = arith.addf %get3A_41, %mul3A_22 : vector<1x128xf32>
      %swap3A = arith.constant 1 : index
      %swap3A_43 = arith.constant 0 : index
      %swap3A_44 = vector.load %arg10[%swap3A, %swap3A_43] : memref<8x128xf32, #tpu.memory_space<vmem>>, vector<1x128xf32>
      tpu.vector_store %arg10[%swap3A, %swap3A_43], %add3A_42 {strides = array<i32>} : memref<8x128xf32, #tpu.memory_space<vmem>>, vector<1x128xf32>,
    } else {
    }
    %eq3A_34 = arith.constant 9 : i32
    %eq3A_35 = arith.cmpi eq, %arg0, %eq3A_34 : i32
    %convert_element_type3A_36 = arith.extui %eq3A_35 : i1 to i32
    %cond3A_37 = arith.constant 0 : i32
    %cond3A_38 = arith.cmpi ne, %convert_element_type3A_36, %cond3A_37 : i32
    scf.if %cond3A_38 {
      %get3A_39 = arith.constant 0 : index
      %get3A_40 = arith.constant 0 : index
      %get3A_41 = vector.load %arg10[%get3A_39, %get3A_40] : memref<8x128xf32, #tpu.memory_space<vmem>>, vector<2x128xf32>
      %get3A_42 = arith.constant 0 : index
      %get3A_43 = arith.constant 0 : index
      %get3A_44 = vector.load %arg5[%get3A_42, %get3A_43] : memref<128x768xf32, #tpu.memory_space<vmem>>, vector<128x768xf32>
      %dot_general3A = arith.constant dense<0.000000e+00> : vector<2x768xf32>
      %dot_general3A_45 = tpu.matmul %get3A_41, %get3A_44, %dot_general3A {dimension_numbers = #tpu.dot_dimension_numbers<[1], [0], [0], [1], [0, 0, 1, 1], [], []>, transpose_lhs_hint = false} : vector<2x128xf32>, vector<128x768xf32>, vector<2x768xf32> -> vector<2x768xf32>
      %get3A_46 = arith.constant 0 : index
      %get3A_47 = arith.constant 0 : index
      %get3A_48 = vector.load %arg6[%get3A_46, %get3A_47] : memref<1x768xf32, #tpu.memory_space<vmem>>, vector<1x768xf32>
      %add3A_49 = vector.broadcast %get3A_48 : vector<1x768xf32> to vector<2x768xf32>
      %add3A_50 = arith.addf %dot_general3A_45, %add3A_49 : vector<2x768xf32>
      %get3A_51 = arith.constant 0 : index
      %get3A_52 = arith.constant 0 : index
      %get3A_53 = vector.load %arg7[%get3A_51, %get3A_52] : memref<128x768xf32, #tpu.memory_space<vmem>>, vector<128x768xf32>
      %dot_general3A_54 = arith.constant dense<0.000000e+00> : vector<2x768xf32>
      %dot_general3A_55 = tpu.matmul %get3A_41, %get3A_53, %dot_general3A_54 {dimension_numbers = #tpu.dot_dimension_numbers<[1], [0], [0], [1], [0, 0, 1, 1], [], []>, transpose_lhs_hint = false} : vector<2x128xf32>, vector<128x768xf32>, vector<2x768xf32> -> vector<2x768xf32>
      %get3A_56 = arith.constant 0 : index
      %get3A_57 = arith.constant 0 : index
      %get3A_58 = vector.load %arg8[%get3A_56, %get3A_57] : memref<1x768xf32, #tpu.memory_space<vmem>>, vector<1x768xf32>
      %add3A_59 = vector.broadcast %get3A_58 : vector<1x768xf32> to vector<2x768xf32>
      %add3A_60 = arith.addf %dot_general3A_55, %add3A_59 : vector<2x768xf32>
      %swap3A = arith.constant 0 : index
      %swap3A_61 = arith.constant 0 : index
      %swap3A_62 = arith.constant 0 : index
      %swap3A_63 = vector.load %arg9[%swap3A, %swap3A_61, %swap3A_62] : memref<2x2x768xf32, #tpu.memory_space<vmem>>, vector<1x2x768xf32>
      %swap3A_64 = vector.shape_cast %swap3A_63 : vector<1x2x768xf32> to vector<2x768xf32>
      %swap3A_65 = vector.shape_cast %add3A_50 : vector<2x768xf32> to vector<1x2x768xf32>
      tpu.vector_store %arg9[%swap3A, %swap3A_61, %swap3A_62], %swap3A_65 {strides = array<i32>} : memref<2x2x768xf32, #tpu.memory_space<vmem>>, vector<1x2x768xf32>,
      %swap3A_66 = arith.constant 1 : index
      %swap3A_67 = arith.constant 0 : index
      %swap3A_68 = arith.constant 0 : index
      %swap3A_69 = vector.load %arg9[%swap3A_66, %swap3A_67, %swap3A_68] : memref<2x2x768xf32, #tpu.memory_space<vmem>>, vector<1x2x768xf32>
      %swap3A_70 = vector.shape_cast %swap3A_69 : vector<1x2x768xf32> to vector<2x768xf32>
      %swap3A_71 = vector.shape_cast %add3A_60 : vector<2x768xf32> to vector<1x2x768xf32>
      tpu.vector_store %arg9[%swap3A_66, %swap3A_67, %swap3A_68], %swap3A_71 {strides = array<i32>} : memref<2x2x768xf32, #tpu.memory_space<vmem>>, vector<1x2x768xf32>,
    } else {
    }
    return
  }
  func.func @transform_0(%arg0: i32) -> (i32, i32) {
    %c0_i32 = arith.constant 0 : i32
    %c0_i32_0 = arith.constant 0 : i32
    return %arg0, %c0_i32 : i32, i32
  }
  func.func @transform_1(%arg0: i32) -> (i32, i32) {
    %c0_i32 = arith.constant 0 : i32
    %c0_i32_0 = arith.constant 0 : i32
    return %arg0, %c0_i32 : i32, i32
  }
  func.func @transform_2(%arg0: i32) -> (i32, i32) {
    %c0_i32 = arith.constant 0 : i32
    %c0_i32_0 = arith.constant 0 : i32
    return %arg0, %c0_i32 : i32, i32
  }
  func.func @transform_3(%arg0: i32) -> (i32, i32) {
    %c0_i32 = arith.constant 0 : i32
    %c0_i32_0 = arith.constant 0 : i32
    %c0_i32_1 = arith.constant 0 : i32
    return %c0_i32, %c0_i32_0 : i32, i32
  }
  func.func @transform_4(%arg0: i32) -> (i32, i32) {
    %c0_i32 = arith.constant 0 : i32
    %c0_i32_0 = arith.constant 0 : i32
    %c0_i32_1 = arith.constant 0 : i32
    return %c0_i32, %c0_i32_0 : i32, i32
  }
  func.func @transform_5(%arg0: i32) -> (i32, i32) {
    %c0_i32 = arith.constant 0 : i32
    %c0_i32_0 = arith.constant 0 : i32
    %c0_i32_1 = arith.constant 0 : i32
    return %c0_i32, %c0_i32_0 : i32, i32
  }
  func.func @transform_6(%arg0: i32) -> (i32, i32) {
    %c0_i32 = arith.constant 0 : i32
    %c0_i32_0 = arith.constant 0 : i32
    %c0_i32_1 = arith.constant 0 : i32
    return %c0_i32, %c0_i32_0 : i32, i32
  }
  func.func @transform_7(%arg0: i32) -> (i32, i32) {
    %c0_i32 = arith.constant 0 : i32
    %c0_i32_0 = arith.constant 0 : i32
    %c0_i32_1 = arith.constant 0 : i32
    return %c0_i32, %c0_i32_0 : i32, i32
  }
  func.func @transform_8(%arg0: i32) -> (i32, i32, i32) {
    %c0_i32 = arith.constant 0 : i32
    %c0_i32_0 = arith.constant 0 : i32
    %c0_i32_1 = arith.constant 0 : i32
    %c0_i32_2 = arith.constant 0 : i32
    return %c0_i32, %c0_i32_0, %c0_i32_1 : i32, i32, i32
  }
}

</mosaic_0001>

<sc_bundles>
// kernel: kernel.12.cloned.1.call-start
scs
__scs_entry_jumppad:
0x0: {  	(pc) =	sbr.rel $0x88, $3  }
0x1: {  	(tag) =	ssettag $0x0;
	lr =	simm.s32 $0x1  }
0x2: {  	[smem:$0x3F97] =	sst lr;
	_ =	strace $0xD0000000  }
0x3: {  	_ = 	snop  }
0x4: {  	_ = 	snop  }
0x5: {  	_ = 	snop  }
0x6: {  	_ = 	snop  }
0x7: {  	_ = 	snop  }
__scs_overlays_trampoline_lowered:
0x8: {  	[smem:$0x3FA6] =	sst s0  }
0x9: {  	[smem:$0x3FA7] =	sst s1  }
0xa: {  	[smem:$0x3FA8] =	sst s2  }
0xb: {  	[smem:$0x3FA9] =	sst s3  }
0xc: {  	[smem:$0x3FAA] =	sst s4  }
0xd: {  	[smem:$0x3FAB] =	sst s5  }
0xe: {  	[smem:$0x3FAC] =	sst s6  }
0xf: {  	[smem:$0x3FAD] =	sst s7  }
0x10: {  	[smem:$0x3FAE] =	sst s8  }
0x11: {  	[smem:$0x3FAF] =	sst s9;
	s0 =	simm.s32 @!p0 $0x0  }
0x12: {  	s1 =	sld [smem:$0x3F95];
	s0 =	simm.s32 @p0 $0x1  }
0x13: {  	[smem:$0x3FB0] =	sst s0;
	s0 =	simm.s32 @!p1 $0x0  }
0x14: {  	s2 =	sld [smem:$0x3F94];
	s0 =	simm.s32 @p1 $0x1  }
0x15: {  	[smem:$0x3FB1] =	sst s0;
	s0 =	simm.s32 @!p2 $0x0  }
0x16: {  	s3 =	sld [smem:$0x3FDB];
	s0 =	simm.s32 @p2 $0x1  }
0x17: {  	s4 =	simm.s32 $0x1BF5;
	[smem:$0x3FB3] =	sst s0  }
0x18: {  	s0 =	sld [smem:$0x3F96];
	_ =	swait.ge [sflag:s4], $0x0  }
0x19: {  	s7 =	sld [smem:$0x3F97]  }
0x1a: {  	s8 =	sadd.s32 $0xFFFFE003, lr  }
0x1b: {  	s9 =	sadd.s32 $0xFFFFFEF7, lr;
	s5 =	simm.s32 $0xFFFFFFFF;
	p2 =	slt.u32 s8, $0xFFFFF086  }
0x1c: {  	p1 =	slt.u32 s9, $0xF7A;
	s5 =	simm.s32 @!p2 $0x0  }
0x1d: {  	s5 =	simm.s32 @p1 $0x1;
	p0 =	seq.s32 s7, s2  }
0x1e: {  	s7 =	smul.u32 @!p0 $0xF7A, s2;
	p2 =	seq.s32 @!p0 s5, $0x0  }
0x1f: {  	s9 =	smul.u32 $0xF7A, s1;
	s8 =	simm.s32 @!p0 $0x1BF5;
	p2 =	por !p2, p0  }
0x20: {  	[sflag:s8] =	ssyncset.s32 @!p0 $0xFFFFF086;
	s6 =	sadd.s32 @!p0 s3, s7;
	s7 =	simm.s32 @!p0 $0x108  }
0x21: {  	s3 =	sadd.s32 s3, s9;
	s6 =	sadd.s32 @!p0 $0x88, s6;
	s7 =	simm.s32 @p2 $0x1082  }
0x22: {  	[simem:s7], [sflag:s8] =	dma.local @!p0 [hbm:s6], $0xF7A  }
0x23: {  	s9 =	sor.u32 $0xD0000000, s2;
	s6 =	simm.s32 $0x108;
	_ =	swait.ge @!p0 [sflag:s8], $0x0  }
0x24: {  	s3 =	sadd.s32 $0x88, s3;
	s6 =	simm.s32 @!p1 $0x1082;
	[sflag:s4] =	ssyncset.s32 $0xFFFFF086  }
0x25: {  	[simem:s6], [sflag:s4] =	dma.local [hbm:s3], $0xF7A  }
0x26: {  	[smem:$0x3F97] =	sst s1;
	(tag) =	ssettag s2;
	_ =	strace s9  }
0x27: {  	s1 =	sld [smem:$0x3FA7]  }
0x28: {  	s2 =	sld [smem:$0x3FA8]  }
0x29: {  	s4 =	sld [smem:$0x3FAA]  }
0x2a: {  	p0 =	seq.s32 s5, $0x0;
	s5 =	sld [smem:$0x3FAB]  }
0x2b: {  	s6 =	sld [smem:$0x3FAC]  }
0x2c: {  	s7 =	sld [smem:$0x3FAD]  }
0x2d: {  	s3 =	simm.s32 $0x108;
	s8 =	sld [smem:$0x3FAE]  }
0x2e: {  	s3 =	simm.s32 @!p0 $0x1082;
	s9 =	sld [smem:$0x3FAF]  }
0x2f: {  	lr =	sadd.s32 s0, s3;
	s0 =	sld [smem:$0x3FA6]  }
0x30: {  	s3 =	sld [smem:$0x3FA9]  }
0x31: {  	[smem:$0x3FB2] =	sst s10  }
0x32: {  	s10 =	sld [smem:$0x3FB0];
	_ =	sdelay $0x3  }
0x33: {  	p0 =	seq.s32 s10, $0x1;
	s10 =	sld [smem:$0x3FB2];
	_ =	sdelay $0x3  }
0x34: {  	[smem:$0x3FB2] =	sst s10  }
0x35: {  	s10 =	sld [smem:$0x3FB1];
	_ =	sdelay $0x3  }
0x36: {  	p1 =	seq.s32 s10, $0x1;
	s10 =	sld [smem:$0x3FB2];
	_ =	sdelay $0x3  }
0x37: {  	[smem:$0x3FB2] =	sst s10  }
0x38: {  	s10 =	sld [smem:$0x3FB3]  }
0x39: {  	_ = 	snop;
	(pc) =	sbr.ind lr, $3  }
0x3a: {  	_ = 	snop  }
0x3b: {  	_ = 	snop  }
0x3c: {  	p2 =	seq.s32 s10, $0x1;
	s10 =	sld [smem:$0x3FB2]  }
0x3d: {  	_ =	shalt  }
0x3e: {  	_ =	shalt  }
0x3f: {  	_ =	shalt  }
0x40: {  	_ =	shalt  }
0x41: {  	_ =	shalt  }
0x42: {  	_ =	shalt  }
0x43: {  	_ =	shalt  }
0x44: {  	_ =	shalt  }
0x45: {  	_ =	shalt  }
0x46: {  	_ =	shalt  }
0x47: {  	_ =	shalt  }
0x48: {  	_ =	shalt  }
0x49: {  	_ =	shalt  }
0x4a: {  	_ =	shalt  }
0x4b: {  	_ =	shalt  }
0x4c: {  	_ =	shalt  }
0x4d: {  	_ =	shalt  }
0x4e: {  	_ =	shalt  }
0x4f: {  	_ =	shalt  }
0x50: {  	_ =	shalt  }
0x51: {  	_ =	shalt  }
0x52: {  	_ =	shalt  }
0x53: {  	_ =	shalt  }
0x54: {  	_ =	shalt  }
0x55: {  	_ =	shalt  }
0x56: {  	_ =	shalt  }
0x57: {  	_ =	shalt  }
0x58: {  	_ =	shalt  }
0x59: {  	_ =	shalt  }
0x5a: {  	_ =	shalt  }
0x5b: {  	_ =	shalt  }
0x5c: {  	_ =	shalt  }
0x5d: {  	_ =	shalt  }
0x5e: {  	_ =	shalt  }
0x5f: {  	_ =	shalt  }
0x60: {  	_ =	shalt  }
0x61: {  	_ =	shalt  }
0x62: {  	_ =	shalt  }
0x63: {  	_ =	shalt  }
0x64: {  	_ =	shalt  }
0x65: {  	_ =	shalt  }
0x66: {  	_ =	shalt  }
0x67: {  	_ =	shalt  }
0x68: {  	_ =	shalt  }
0x69: {  	_ =	shalt  }
0x6a: {  	_ =	shalt  }
0x6b: {  	_ =	shalt  }
0x6c: {  	_ =	shalt  }
0x6d: {  	_ =	shalt  }
0x6e: {  	_ =	shalt  }
0x6f: {  	_ =	shalt  }
0x70: {  	_ =	shalt  }
0x71: {  	_ =	shalt  }
0x72: {  	_ =	shalt  }
0x73: {  	_ =	shalt  }
0x74: {  	_ =	shalt  }
0x75: {  	_ =	shalt  }
0x76: {  	_ =	shalt  }
0x77: {  	_ =	shalt  }
0x78: {  	_ =	shalt  }
0x79: {  	_ =	shalt  }
0x7a: {  	_ =	shalt  }
0x7b: {  	_ =	shalt  }
0x7c: {  	_ =	shalt  }
0x7d: {  	_ =	shalt  }
0x7e: {  	_ =	shalt  }
0x7f: {  	_ =	shalt  }
0x80: {  	_ =	shalt  }
0x81: {  	_ =	shalt  }
0x82: {  	_ =	shalt  }
0x83: {  	_ =	shalt  }
0x84: {  	_ =	shalt  }
0x85: {  	_ =	shalt  }
0x86: {  	_ =	shalt  }
0x87: {  	_ =	shalt  }
.Lfunc_end0:
.L_simem_size_0:
called_computation_lowered:
.L_overlay_start_0:
0x88: {  	s2 =	sld [smem:$0x3FD9]  }
0x89: {  	s3 =	sld [smem:$0x3FFE];
	_ =	sdelay $0x1  }
0x8a: {  	s1 =	srdreg.scid  }
0x8b: {  	s0 =	sand.u32 $0x1, s1  }
0x8c: {  	s17 =	sshll.u32 s0, $0xA;
	s2 =	sadd.s32 s3, s2  }
0x8d: {  	s2 =	sadd.s32 s2, s17  }
0x8e: {  	[smem:$0x3FBE] =	sst s2  }
0x8f: {  	_ = 	snop  }
0x90: {  	s2 =	sld [smem:$0x3FD0];
	(tm) =	ssettm $0x1  }
0x91: {  	s18 =	sld [smem:$0x3FFB];
	_ =	sdelay $0x3  }
0x92: {  	_ =	strace s18  }
0x93: {  	s3 =	sld [smem:$0x3FFC];
	_ =	sdelay $0x3  }
0x94: {  	_ =	strace s3  }
0x95: {  	s3 =	sld [smem:$0x3FFD];
	_ =	sdelay $0x3  }
0x96: {  	_ =	strace s3  }
0x97: {  	_ =	strace $0x8FFFFFFF  }
0x98: {  	s19 =	sld [smem:$0x3FDB];
	_ =	sdelay $0x1  }
0x99: {  	s4 =	simm.s32 $_scs_section_size  }
0x9a: {  	s5 =	simm.s32 $_size__tile_overlayer_lowered;
	s6 =	simm.s32 $_tile_overlayer_lowered  }
0x9b: {  	s22 =	simm.s32 $0x1BFF;
	s21 =	sshll.u32 s6, $0x1;
	s3 =	sadd.s32 s4, s19  }
0x9c: {  	s7 =	simm.s32 $0x0;
	s20 =	sshll.u32 s5, $0x1;
	s5 =	sadd.s32 s21, s3  }
0x9d: {  	[timem:s7], [sflag:s22] =	dma.local [hbm:s5], s20  }
0x9e: {  	_ =	swait.ge [sflag:s22], s20  }
0x9f: {  	s4 =	ssub.s32 $0x0, s20;
	[sflag:s22] =	ssyncset.done $0x0  }
0xa0: {  	[sflag:s22] =	ssyncadd.s32 s4;
	_ =	sdelay $0x1  }
0xa1: {  	s23 =	simm.s32 $0x1B8B  }
0xa2: {  	_ =	swait.ge [sflag:s23], $0x1  }
0xa3: {  	[sflag:s23] =	ssyncset.done $0x0  }
0xa4: {  	s25 =	simm.s32 $0x1B8E;
	s24 =	sld [smem:$0x3FFE];
	[sflag:s23] =	ssyncadd.s32 $0xFFFFFFFF  }
0xa5: {  	s26 =	simm.s32 $execute0_lowered;
	[smem:$0x3FD2] =	sst s25  }
0xa6: {  	s5 =	sshll.u32 s26, $0x1;
	_ =	strace $0x80000046;
	[dreg:$0x1] =	wrdreg $0xFFFFFFFF  }
0xa7: {  	s28 =	simm.s32 $_size_execute0_lowered;
	s3 =	sadd.s32 s3, s5;
	[dreg:$0x0] =	wrdreg $0x0  }
0xa8: {  	s5 =	sshll.u32 s28, $0x1;
	[dreg:$0x2] =	wrdreg s3  }
0xa9: {  	[dreg:$0x3] =	wrdreg s5  }
0xaa: {  	[dreg:$0x4] =	wrdreg $0xC0  }
0xab: {  	_ =	task [dreg:s7], $0x5FFFF  }
0xac: {  	[dreg:$0x1] =	wrdreg $0xFFFFFFFF  }
0xad: {  	[dreg:$0x0] =	wrdreg $0x60  }
0xae: {  	[dreg:$0x2] =	wrdreg s24  }
0xaf: {  	[dreg:$0x3] =	wrdreg s2  }
0xb0: {  	[dreg:$0x4] =	wrdreg $0x2B000  }
0xb1: {  	[dreg:$0x5] =	wrdreg $0x9  }
0xb2: {  	_ =	task.clear_ibuf [dreg:s7], $0x6FFFF;
	_ =	strace $0x90000046  }
0xb3: {  	s29 =	simm.s32 $0x9;
	_ =	strace $0x80000048  }
0xb4: {  	_ =	swait.ge [sflag:s29], $0x1  }
0xb5: {  	[sflag:s29] =	ssyncadd.s32 $0xFFFFFFFF  }
0xb6: {  	_ =	strace $0x90000048  }
0xb7: {  	_ =	sfence  }
0xb8: {  	s30 =	sld [smem:$0x0];
	_ =	sdelay $0x2  }
0xb9: {  	s31 =	sshll.u32 s1, $0xD;
	s1 =	sshrl.u32 s1, $0x2  }
0xba: {  	s3 =	sand.u32 $0x4000, s31;
	s1 =	sadd.s32 s1, s30  }
0xbb: {  	s0 =	sor.u32 s3, s0;
	s1 =	sshll.u32 s1, $0x11  }
0xbc: {  	s0 =	sor.u32 s1, s0  }
0xbd: {  	s0 =	sadd.s32 $0x8F2B, s0  }
0xbe: {  	[sflag:s0] =	ssyncadd.remote.s32 $0x1  }
0xbf: {  	_ =	sfence.sel $0xFFFF  }
0xc0: {  	[dreg:$0x0] =	wrdreg $0xFFFFFFFF;
	(pc) =	sbr.abs _section_cstart, $3  }
0xc1: {  	[dreg:$0x1] =	wrdreg $0xFFFFFFFF  }
0xc2: {  	_ =	task.clear_ibuf [dreg:s7], $0x2FFFF;
	_ =	strace $0x9FFFFFFF  }
0xc3: {  	(tm) =	ssettm $0x7FFFFFFF  }
tec
execute0_lowered:
.L_overlay_start_1:
0x0: {  	(tag) =	ssettag $0x1  }
0x1: {  	s10 =	rddreg [dreg:$0x0]  }
0x2: {  	s2 =	rddreg [dreg:$0x1]  }
0x3: {  	s0 =	srdreg.scid;
	s3 =	rddreg [dreg:$0x2]  }
0x4: {  	s1 =	rddreg [dreg:$0x3];
	s6 =	sand.u32 $0x1, s0  }
0x5: {  	s4 =	simm.s32 $0x0;
	s0 =	stileid.u32;
	s5 =	smul.u32 $0x28000, s6  }
0x6: {  	s17 =	simm.s32 $0x80;
	s18 =	simm.s32 $0x0;
	s7 =	smul.u32 $0x2800, s0  }
0x7: {  	[smem:$0x7FF] =	sst s4;
	s13 =	sadd.s32 $0x18000, s10;
	s11 =	smul.u32 $0x280, s0  }
0x8: {  	_ =	strace $0x80000047;
	s8 =	ssub.s32 $0x2, s6;
	s31 =	smul.u32 $0x2710, s6  }
0x9: {  	p0 =	sne.s32 s0, $0xF;
	p2 =	seq.s32 s0, $0xF;
	s12 =	sshrl.u32 s8, $0x1  }
0xa: {  	p1 =	sne.s32 @p0 s0, $0x0;
	s5 =	sadd.s32 s7, s5;
	s30 =	sshrl.u32 s11, $0x3  }
0xb: {  	s14 =	ssub.s32 s8, s12;
	s8 =	sadd.s32 s11, s3;
	s15 =	sadd.s32 s11, s31  }
0xc: {  	s11 =	sadd.s32 $0x2580, s3;
	s16 =	sshrl.u32 s31, $0x3;
	p1 =	por p1, !p0  }
0xd: {  	s5 =	sshrl.u32 s5, $0x3;
	s9 =	sadd.s32 s30, s10;
	s15 =	sshrl.u32 s15, $0x3  }
0xe: {  	s14 =	smax.u32 s14, $0x1;
	s29 =	sadd.s32 s5, s10;
	s5 =	sadd.s32 $0x17800, s10  }
0xf: {  	s7 =	sadd.s32 $0x17A00, s9;
	s9 =	sadd.s32 $0x2710, s3;
	s10 =	sadd.s32 $0x17EB0, s10  }
0x10: {  	s12 =	sadd.s32 s13, s15;
	s13 =	sadd.s32 s13, s16;
	s15 =	simm.s32 $0x1  }
0x11: {  	s16 =	simm.s32 $0x2800;
	s6 =	sadd.s32 $0x3800, s29;
	s13 =	sadd.s32 $0x4B0, s13  }
.LBB2_1:
0x12: {  	[tilespmem:s4], [sflag:$0x1] =	stream.linear.gather [hbm4b:s6+s4], $0x2800, $0x38;
	[tilespmem:$0x2D78] =	vst v63  }
0x13: {  	_ =	swait.ge [sflag:s15], $0x2800  }
0x14: {  	[sflag:s15] =	ssyncset.done $0x0  }
0x15: {  	[sflag:s15] =	ssyncadd.s32 $0xFFFFD800  }
0x16: {  	[tilespmem:s16], [sflag:$0x1] =	stream.linear.gather [hbm4b:s2+s4], $0x80, $0x38;
	[tilespmem:$0x2D78] =	vst v63  }
0x17: {  	_ =	swait.ge [sflag:s15], $0x80  }
0x18: {  	[sflag:s15] =	ssyncset.done $0x0  }
0x19: {  	s19 =	simm.s32 @p0 $0x0;
	s20 =	simm.s32 @p0 $0x2880;
	[sflag:s15] =	ssyncadd.s32 $0xFFFFFF80  }
0x1a: {  	[tilespmem:s20], [sflag:$0x1] =	stream.linear.gather @p0 [hbm4b:s7+s19], $0x280, $0x38;
	[tilespmem:$0x2D78] =	vst v63  }
0x1b: {  	s19 =	simm.s32 @p0 $0x1  }
0x1c: {  	_ =	swait.ge @p0 [sflag:s19], $0x280  }
0x1d: {  	[sflag:s19] =	ssyncset.done @p0 $0x0  }
0x1e: {  	[sflag:s19] =	ssyncadd.s32 @p0 $0xFFFFFD80  }
0x1f: {  	[spmem:s8] =	stream.linear.scatter @p0 [tilespmem:s20], [sflag:$0x1], $0x280, $0x38;
	[tilespmem:$0x2D78] =	vst v63  }
0x20: {  	_ =	swait.ge @p0 [sflag:s19], $0x280  }
0x21: {  	[sflag:s19] =	ssyncset.done @p0 $0x0  }
0x22: {  	s20 =	simm.s32 @!p1 $0x2880;
	[sflag:s19] =	ssyncadd.s32 @p0 $0xFFFFFD80;
	s19 =	simm.s32 @!p1 $0x0  }
0x23: {  	[tilespmem:s20], [sflag:$0x1] =	stream.linear.gather @!p1 [hbm4b:s5+s19], $0x10, $0x38;
	[tilespmem:$0x2D78] =	vst v63  }
0x24: {  	s19 =	simm.s32 @!p1 $0x1  }
0x25: {  	_ =	swait.ge @!p1 [sflag:s19], $0x10  }
0x26: {  	[sflag:s19] =	ssyncset.done @!p1 $0x0  }
0x27: {  	[sflag:s19] =	ssyncadd.s32 @!p1 $0xFFFFFFF0  }
0x28: {  	[spmem:s9] =	stream.linear.scatter @!p1 [tilespmem:s20], [sflag:$0x1], $0x10, $0x38;
	[tilespmem:$0x2D78] =	vst v63  }
0x29: {  	_ =	swait.ge @!p1 [sflag:s19], $0x10  }
0x2a: {  	[sflag:s19] =	ssyncset.done @!p1 $0x0  }
0x2b: {  	s20 =	simm.s32 @!p0 $0x2880;
	[sflag:s19] =	ssyncadd.s32 @!p1 $0xFFFFFFF0;
	s19 =	simm.s32 @!p0 $0x0  }
0x2c: {  	[tilespmem:s20], [sflag:$0x1] =	stream.linear.gather @!p0 [hbm4b:s10+s19], $0x190, $0x38;
	[tilespmem:$0x2D78] =	vst v63  }
0x2d: {  	s19 =	simm.s32 @!p0 $0x1  }
0x2e: {  	_ =	swait.ge @!p0 [sflag:s19], $0x190  }
0x2f: {  	[sflag:s19] =	ssyncset.done @!p0 $0x0  }
0x30: {  	[sflag:s19] =	ssyncadd.s32 @!p0 $0xFFFFFE70  }
0x31: {  	[spmem:s11] =	stream.linear.scatter @!p0 [tilespmem:s20], [sflag:$0x1], $0x190, $0x38;
	[tilespmem:$0x2D78] =	vst v63  }
0x32: {  	_ =	swait.ge @!p0 [sflag:s19], $0x190  }
0x33: {  	[sflag:s19] =	ssyncset.done @!p0 $0x0  }
0x34: {  	[sflag:s19] =	ssyncadd.s32 @!p0 $0xFFFFFE70  }
0x35: {  	s31 =	simm.s32 $0x0;
	[bflag:$0x0] =	sbarrier.arrive $0xFFFF  }
0x36: {  	[spmem:s3] =	stream.indirect.scatter.add.f32 [tilespmem:s16], [sflag:$0x1], $0x1, s31, s17, $0xb8;
	[tilespmem:$0x2D78] =	vst v63  }
0x37: {  	_ =	swait.ge [sflag:s15], $0x80  }
0x38: {  	s19 =	simm.s32 $0x200;
	[sflag:s15] =	ssyncset.done $0x0  }
.LBB2_2:
0x39: {  	s20 =	sshra.s32 s19, $0x2;
	[sflag:s15] =	ssyncadd.s32 $0xFFFFFF80;
	p3 =	sne.s32 s19, $0x9E00  }
0x3a: {  	[spmem:s3] =	stream.indirect.scatter.add.f32 [tilespmem:s16], [sflag:$0x1], $0x1, s20, s17, $0xb8;
	[tilespmem:$0x2D78] =	vst v63  }
.Ltmp0:
0x3b: {  	_ = 	snop;
	(pc) =	sbr.rel @p3 .LBB2_2-.Ltmp0, $4  }
0x3c: {  	_ = 	snop  }
0x3d: {  	s19 =	sadd.s32 $0x200, s19  }
0x3e: {  	_ =	swait.ge [sflag:s15], $0x80  }
0x3f: {  	[sflag:s15] =	ssyncset.done $0x0  }
0x40: {  	[sflag:s15] =	ssyncadd.s32 $0xFFFFFF80  }
0x41: {  	s19 =	simm.s32 @p2 $0x2880;
	s20 =	simm.s32 @p2 $0x1;
	[bflag:$0x0] =	sbarrier.arrive $0xFFFF  }
0x42: {  	[tilespmem:s19], [sflag:$0x1] =	stream.linear.gather @p2 [spmem:s11], $0x190, $0x38;
	[tilespmem:$0x2D78] =	vst v63  }
0x43: {  	_ =	swait.ge @p2 [sflag:s20], $0x190  }
0x44: {  	[sflag:s20] =	ssyncset.done @p2 $0x0  }
0x45: {  	s21 =	simm.s32 @p2 $0x0;
	[sflag:s20] =	ssyncadd.s32 @p2 $0xFFFFFE70  }
0x46: {  	[hbm4b:s13+s21] =	stream.linear.scatter @p2 [tilespmem:s19], [sflag:$0x1], $0x190, $0x38;
	[tilespmem:$0x2D78] =	vst v63  }
0x47: {  	_ =	swait.ge @p2 [sflag:s20], $0x190  }
0x48: {  	[sflag:s20] =	ssyncset.done @p2 $0x0  }
0x49: {  	s19 =	simm.s32 @!p2 $0x2880;
	[sflag:s20] =	ssyncadd.s32 @p2 $0xFFFFFE70;
	s20 =	simm.s32 @!p2 $0x1  }
0x4a: {  	[tilespmem:s19], [sflag:$0x1] =	stream.linear.gather @!p2 [spmem:s8], $0x280, $0x38;
	[tilespmem:$0x2D78] =	vst v63  }
0x4b: {  	s18 =	sadd.s32 $0x1, s18;
	_ =	swait.ge @!p2 [sflag:s20], $0x280  }
0x4c: {  	p3 =	sne.s32 s18, s14;
	[sflag:s20] =	ssyncset.done @!p2 $0x0  }
.Ltmp1:
0x4d: {  	s21 =	simm.s32 @!p2 $0x0;
	[sflag:s20] =	ssyncadd.s32 @!p2 $0xFFFFFD80;
	(pc) =	sbr.rel @p3 .LBB2_1-.Ltmp1, $4  }
0x4e: {  	[hbm4b:s12+s21] =	stream.linear.scatter @!p2 [tilespmem:s19], [sflag:$0x1], $0x280, $0x38;
	[tilespmem:$0x2D78] =	vst v63  }
0x4f: {  	_ =	swait.ge @!p2 [sflag:s20], $0x280  }
0x50: {  	[sflag:s20] =	ssyncset.done @!p2 $0x0  }
0x51: {  	[sflag:s20] =	ssyncadd.s32 @!p2 $0xFFFFFD80  }
0x52: {  	_ =	sfence.sel $0x180000  }
0x53: {  	[bflag:$0x0] =	sbarrier.arrive $0xFFFF  }
0x54: {  	p0 =	sne.s32 s0, $0x0;
	_ =	strace $0x90000047  }
0x55: {  	s0 =	sadd.s32 @!p0 $0x100000, s1;
	[bflag:$0x2] =	sbarrier.arrive $0xFFFF  }
0x56: {  	[sflag:s0] =	ssyncadd.tile.s32 @!p0 $0x1;
	_ =	shalt  }
.Lfunc_end2:
_tile_overlayer_lowered:
.L_overlay_start_2:
0x57: {  	(tag) =	ssettag $0x2  }
0x58: {  	s0 =	rddreg [dreg:$0x0];
	s2 =	stileid.u32  }
0x59: {  	s1 =	rddreg [dreg:$0x1];
	p0 =	sne.s32 s2, $0x0  }
0x5a: {  	s3 =	rddreg [dreg:$0x2];
	[bflag:$0x3] =	sbarrier.arrive $0xFFFF;
	s2 =	simm.s32 @!p0 $0x1C01  }
0x5b: {  	[timem:s3], [sflag:s2] =	dma.local @!p0 [hbm:s0], s1  }
0x5c: {  	s0 =	simm.s32 @!p0 $0x1  }
0x5d: {  	_ =	swait.ge @!p0 [sflag:s0], s1  }
0x5e: {  	s1 =	ssub.s32 @!p0 $0x0, s1;
	[sflag:s0] =	ssyncset.done @!p0 $0x0  }
0x5f: {  	[sflag:s0] =	ssyncadd.s32 @!p0 s1  }
0x60: {  	[bflag:$0x3] =	sbarrier.arrive $0xFFFF  }
0x61: {  	_ =	shalt  }

// kernel: kernel.15.cloned.1.call-start
scs
__scs_entry_jumppad:
0x0: {  	(pc) =	sbr.rel $0x88, $3  }
0x1: {  	(tag) =	ssettag $0x0;
	lr =	simm.s32 $0x1  }
0x2: {  	[smem:$0x3F97] =	sst lr;
	_ =	strace $0xD0000000  }
0x3: {  	_ = 	snop  }
0x4: {  	_ = 	snop  }
0x5: {  	_ = 	snop  }
0x6: {  	_ = 	snop  }
0x7: {  	_ = 	snop  }
__scs_overlays_trampoline_lowered:
0x8: {  	[smem:$0x3FA6] =	sst s0  }
0x9: {  	[smem:$0x3FA7] =	sst s1  }
0xa: {  	[smem:$0x3FA8] =	sst s2  }
0xb: {  	[smem:$0x3FA9] =	sst s3  }
0xc: {  	[smem:$0x3FAA] =	sst s4  }
0xd: {  	[smem:$0x3FAB] =	sst s5  }
0xe: {  	[smem:$0x3FAC] =	sst s6  }
0xf: {  	[smem:$0x3FAD] =	sst s7  }
0x10: {  	[smem:$0x3FAE] =	sst s8  }
0x11: {  	[smem:$0x3FAF] =	sst s9;
	s0 =	simm.s32 @!p0 $0x0  }
0x12: {  	s1 =	sld [smem:$0x3F95];
	s0 =	simm.s32 @p0 $0x1  }
0x13: {  	[smem:$0x3FB0] =	sst s0;
	s0 =	simm.s32 @!p1 $0x0  }
0x14: {  	s2 =	sld [smem:$0x3F94];
	s0 =	simm.s32 @p1 $0x1  }
0x15: {  	[smem:$0x3FB1] =	sst s0;
	s0 =	simm.s32 @!p2 $0x0  }
0x16: {  	s3 =	sld [smem:$0x3FDB];
	s0 =	simm.s32 @p2 $0x1  }
0x17: {  	s4 =	simm.s32 $0x1BF5;
	[smem:$0x3FB3] =	sst s0  }
0x18: {  	s0 =	sld [smem:$0x3F96];
	_ =	swait.ge [sflag:s4], $0x0  }
0x19: {  	s7 =	sld [smem:$0x3F97]  }
0x1a: {  	s8 =	sadd.s32 $0xFFFFE003, lr  }
0x1b: {  	s9 =	sadd.s32 $0xFFFFFEF7, lr;
	s5 =	simm.s32 $0xFFFFFFFF;
	p2 =	slt.u32 s8, $0xFFFFF086  }
0x1c: {  	p1 =	slt.u32 s9, $0xF7A;
	s5 =	simm.s32 @!p2 $0x0  }
0x1d: {  	s5 =	simm.s32 @p1 $0x1;
	p0 =	seq.s32 s7, s2  }
0x1e: {  	s7 =	smul.u32 @!p0 $0xF7A, s2;
	p2 =	seq.s32 @!p0 s5, $0x0  }
0x1f: {  	s9 =	smul.u32 $0xF7A, s1;
	s8 =	simm.s32 @!p0 $0x1BF5;
	p2 =	por !p2, p0  }
0x20: {  	[sflag:s8] =	ssyncset.s32 @!p0 $0xFFFFF086;
	s6 =	sadd.s32 @!p0 s3, s7;
	s7 =	simm.s32 @!p0 $0x108  }
0x21: {  	s3 =	sadd.s32 s3, s9;
	s6 =	sadd.s32 @!p0 $0x88, s6;
	s7 =	simm.s32 @p2 $0x1082  }
0x22: {  	[simem:s7], [sflag:s8] =	dma.local @!p0 [hbm:s6], $0xF7A  }
0x23: {  	s9 =	sor.u32 $0xD0000000, s2;
	s6 =	simm.s32 $0x108;
	_ =	swait.ge @!p0 [sflag:s8], $0x0  }
0x24: {  	s3 =	sadd.s32 $0x88, s3;
	s6 =	simm.s32 @!p1 $0x1082;
	[sflag:s4] =	ssyncset.s32 $0xFFFFF086  }
0x25: {  	[simem:s6], [sflag:s4] =	dma.local [hbm:s3], $0xF7A  }
0x26: {  	[smem:$0x3F97] =	sst s1;
	(tag) =	ssettag s2;
	_ =	strace s9  }
0x27: {  	s1 =	sld [smem:$0x3FA7]  }
0x28: {  	s2 =	sld [smem:$0x3FA8]  }
0x29: {  	s4 =	sld [smem:$0x3FAA]  }
0x2a: {  	p0 =	seq.s32 s5, $0x0;
	s5 =	sld [smem:$0x3FAB]  }
0x2b: {  	s6 =	sld [smem:$0x3FAC]  }
0x2c: {  	s7 =	sld [smem:$0x3FAD]  }
0x2d: {  	s3 =	simm.s32 $0x108;
	s8 =	sld [smem:$0x3FAE]  }
0x2e: {  	s3 =	simm.s32 @!p0 $0x1082;
	s9 =	sld [smem:$0x3FAF]  }
0x2f: {  	lr =	sadd.s32 s0, s3;
	s0 =	sld [smem:$0x3FA6]  }
0x30: {  	s3 =	sld [smem:$0x3FA9]  }
0x31: {  	[smem:$0x3FB2] =	sst s10  }
0x32: {  	s10 =	sld [smem:$0x3FB0];
	_ =	sdelay $0x3  }
0x33: {  	p0 =	seq.s32 s10, $0x1;
	s10 =	sld [smem:$0x3FB2];
	_ =	sdelay $0x3  }
0x34: {  	[smem:$0x3FB2] =	sst s10  }
0x35: {  	s10 =	sld [smem:$0x3FB1];
	_ =	sdelay $0x3  }
0x36: {  	p1 =	seq.s32 s10, $0x1;
	s10 =	sld [smem:$0x3FB2];
	_ =	sdelay $0x3  }
0x37: {  	[smem:$0x3FB2] =	sst s10  }
0x38: {  	s10 =	sld [smem:$0x3FB3]  }
0x39: {  	_ = 	snop;
	(pc) =	sbr.ind lr, $3  }
0x3a: {  	_ = 	snop  }
0x3b: {  	_ = 	snop  }
0x3c: {  	p2 =	seq.s32 s10, $0x1;
	s10 =	sld [smem:$0x3FB2]  }
0x3d: {  	_ =	shalt  }
0x3e: {  	_ =	shalt  }
0x3f: {  	_ =	shalt  }
0x40: {  	_ =	shalt  }
0x41: {  	_ =	shalt  }
0x42: {  	_ =	shalt  }
0x43: {  	_ =	shalt  }
0x44: {  	_ =	shalt  }
0x45: {  	_ =	shalt  }
0x46: {  	_ =	shalt  }
0x47: {  	_ =	shalt  }
0x48: {  	_ =	shalt  }
0x49: {  	_ =	shalt  }
0x4a: {  	_ =	shalt  }
0x4b: {  	_ =	shalt  }
0x4c: {  	_ =	shalt  }
0x4d: {  	_ =	shalt  }
0x4e: {  	_ =	shalt  }
0x4f: {  	_ =	shalt  }
0x50: {  	_ =	shalt  }
0x51: {  	_ =	shalt  }
0x52: {  	_ =	shalt  }
0x53: {  	_ =	shalt  }
0x54: {  	_ =	shalt  }
0x55: {  	_ =	shalt  }
0x56: {  	_ =	shalt  }
0x57: {  	_ =	shalt  }
0x58: {  	_ =	shalt  }
0x59: {  	_ =	shalt  }
0x5a: {  	_ =	shalt  }
0x5b: {  	_ =	shalt  }
0x5c: {  	_ =	shalt  }
0x5d: {  	_ =	shalt  }
0x5e: {  	_ =	shalt  }
0x5f: {  	_ =	shalt  }
0x60: {  	_ =	shalt  }
0x61: {  	_ =	shalt  }
0x62: {  	_ =	shalt  }
0x63: {  	_ =	shalt  }
0x64: {  	_ =	shalt  }
0x65: {  	_ =	shalt  }
0x66: {  	_ =	shalt  }
0x67: {  	_ =	shalt  }
0x68: {  	_ =	shalt  }
0x69: {  	_ =	shalt  }
0x6a: {  	_ =	shalt  }
0x6b: {  	_ =	shalt  }
0x6c: {  	_ =	shalt  }
0x6d: {  	_ =	shalt  }
0x6e: {  	_ =	shalt  }
0x6f: {  	_ =	shalt  }
0x70: {  	_ =	shalt  }
0x71: {  	_ =	shalt  }
0x72: {  	_ =	shalt  }
0x73: {  	_ =	shalt  }
0x74: {  	_ =	shalt  }
0x75: {  	_ =	shalt  }
0x76: {  	_ =	shalt  }
0x77: {  	_ =	shalt  }
0x78: {  	_ =	shalt  }
0x79: {  	_ =	shalt  }
0x7a: {  	_ =	shalt  }
0x7b: {  	_ =	shalt  }
0x7c: {  	_ =	shalt  }
0x7d: {  	_ =	shalt  }
0x7e: {  	_ =	shalt  }
0x7f: {  	_ =	shalt  }
0x80: {  	_ =	shalt  }
0x81: {  	_ =	shalt  }
0x82: {  	_ =	shalt  }
0x83: {  	_ =	shalt  }
0x84: {  	_ =	shalt  }
0x85: {  	_ =	shalt  }
0x86: {  	_ =	shalt  }
0x87: {  	_ =	shalt  }
.Lfunc_end0:
.L_simem_size_0:
called_computation.1_lowered:
.L_overlay_start_0:
0x88: {  	s2 =	sld [smem:$0x3FD9]  }
0x89: {  	s3 =	sld [smem:$0x3FFE];
	_ =	sdelay $0x1  }
0x8a: {  	s1 =	srdreg.scid  }
0x8b: {  	s0 =	sand.u32 $0x1, s1  }
0x8c: {  	s16 =	sshll.u32 s0, $0xA;
	s2 =	sadd.s32 s3, s2  }
0x8d: {  	s2 =	sadd.s32 s2, s16  }
0x8e: {  	[smem:$0x3FBE] =	sst s2  }
0x8f: {  	_ = 	snop  }
0x90: {  	(tm) =	ssettm $0x1  }
0x91: {  	s17 =	sld [smem:$0x3FFB];
	_ =	sdelay $0x3  }
0x92: {  	_ =	strace s17  }
0x93: {  	s2 =	sld [smem:$0x3FFC];
	_ =	sdelay $0x3  }
0x94: {  	_ =	strace s2  }
0x95: {  	s2 =	sld [smem:$0x3FFD];
	_ =	sdelay $0x3  }
0x96: {  	_ =	strace s2  }
0x97: {  	_ =	strace $0x8FFFFFFF  }
0x98: {  	s18 =	sld [smem:$0x3FDB];
	_ =	sdelay $0x1  }
0x99: {  	s19 =	simm.s32 $_scs_section_size  }
0x9a: {  	s4 =	simm.s32 $_size__tile_overlayer_lowered;
	s5 =	simm.s32 $_tile_overlayer_lowered  }
0x9b: {  	s22 =	simm.s32 $0x1BFF;
	s21 =	sshll.u32 s5, $0x1;
	s2 =	sadd.s32 s19, s18  }
0x9c: {  	s6 =	simm.s32 $0x0;
	s20 =	sshll.u32 s4, $0x1;
	s4 =	sadd.s32 s21, s2  }
0x9d: {  	[timem:s6], [sflag:s22] =	dma.local [hbm:s4], s20  }
0x9e: {  	_ =	swait.ge [sflag:s22], s20  }
0x9f: {  	s3 =	ssub.s32 $0x0, s20;
	[sflag:s22] =	ssyncset.done $0x0  }
0xa0: {  	[sflag:s22] =	ssyncadd.s32 s3;
	_ =	sdelay $0x1  }
0xa1: {  	s23 =	simm.s32 $0x1B8B  }
0xa2: {  	_ =	swait.ge [sflag:s23], $0x1  }
0xa3: {  	[sflag:s23] =	ssyncset.done $0x0  }
0xa4: {  	s25 =	simm.s32 $0x1B8E;
	s24 =	sld [smem:$0x3FFE];
	[sflag:s23] =	ssyncadd.s32 $0xFFFFFFFF  }
0xa5: {  	s26 =	simm.s32 $execute0_lowered;
	[smem:$0x3FD2] =	sst s25  }
0xa6: {  	s4 =	sshll.u32 s26, $0x1;
	_ =	strace $0x80000049;
	[dreg:$0x1] =	wrdreg $0xFFFFFFFF  }
0xa7: {  	s28 =	simm.s32 $_size_execute0_lowered;
	s2 =	sadd.s32 s2, s4;
	[dreg:$0x0] =	wrdreg $0x0  }
0xa8: {  	s4 =	sshll.u32 s28, $0x1;
	[dreg:$0x2] =	wrdreg s2  }
0xa9: {  	[dreg:$0x3] =	wrdreg s4  }
0xaa: {  	[dreg:$0x4] =	wrdreg $0xC0  }
0xab: {  	_ =	task [dreg:s6], $0x5FFFF  }
0xac: {  	[dreg:$0x1] =	wrdreg $0xFFFFFFFF  }
0xad: {  	[dreg:$0x0] =	wrdreg $0x60  }
0xae: {  	[dreg:$0x2] =	wrdreg s24  }
0xaf: {  	[dreg:$0x3] =	wrdreg $0x56800  }
0xb0: {  	[dreg:$0x4] =	wrdreg $0x9  }
0xb1: {  	_ =	task.clear_ibuf [dreg:s6], $0x5FFFF;
	_ =	strace $0x90000049  }
0xb2: {  	s29 =	simm.s32 $0x9;
	_ =	strace $0x8000004B  }
0xb3: {  	_ =	swait.ge [sflag:s29], $0x1  }
0xb4: {  	[sflag:s29] =	ssyncadd.s32 $0xFFFFFFFF  }
0xb5: {  	_ =	strace $0x9000004B  }
0xb6: {  	_ =	sfence  }
0xb7: {  	s30 =	sld [smem:$0x0];
	_ =	sdelay $0x2  }
0xb8: {  	s31 =	sshll.u32 s1, $0xD;
	s1 =	sshrl.u32 s1, $0x2  }
0xb9: {  	s3 =	sand.u32 $0x4000, s31;
	s1 =	sadd.s32 s1, s30  }
0xba: {  	s0 =	sor.u32 s3, s0;
	s1 =	sshll.u32 s1, $0x11  }
0xbb: {  	s0 =	sor.u32 s1, s0  }
0xbc: {  	s0 =	sadd.s32 $0x8F2B, s0  }
0xbd: {  	[sflag:s0] =	ssyncadd.remote.s32 $0x1  }
0xbe: {  	_ =	sfence.sel $0xFFFF  }
0xbf: {  	[dreg:$0x0] =	wrdreg $0xFFFFFFFF;
	(pc) =	sbr.abs _section_cstart, $3  }
0xc0: {  	[dreg:$0x1] =	wrdreg $0xFFFFFFFF  }
0xc1: {  	_ =	task.clear_ibuf [dreg:s6], $0x2FFFF;
	_ =	strace $0x9FFFFFFF  }
0xc2: {  	(tm) =	ssettm $0x7FFFFFFF  }
0xc3: {  	_ =	shalt  }
tec
execute0_lowered:
.L_overlay_start_1:
0x0: {  	(tag) =	ssettag $0x1  }
0x1: {  	s0 =	srdreg.scid;
	s5 =	rddreg [dreg:$0x0]  }
0x2: {  	s10 =	stileid.u32;
	s2 =	rddreg [dreg:$0x1];
	s3 =	simm.s32 $0x0  }
0x3: {  	s16 =	simm.s32 $0x9;
	s18 =	simm.s32 $0x80;
	s19 =	simm.s32 $0x5000  }
0x4: {  	s22 =	simm.s32 $0x5100;
	s31 =	simm.s32 $0x5300;
	s17 =	simm.s32 $0x1  }
0x5: {  	s20 =	simm.s32 $0x3;
	s21 =	simm.s32 $0x5;
	s23 =	simm.s32 $0x7  }
0x6: {  	s0 =	sand.u32 $0x1, s0;
	s4 =	smul.u32 $0x2800, s10;
	[smem:$0x7FF] =	sst s3  }
0x7: {  	s7 =	smul.u32 $0x280, s10;
	s8 =	sadd.s32 $0x17800, s5;
	s29 =	sadd.s32 $0x2710, s2  }
0x8: {  	s12 =	sadd.s32 $0x2580, s2;
	p0 =	sne.s32 s10, $0xF;
	p2 =	seq.s32 s10, $0xF  }
0x9: {  	s1 =	smul.u32 $0x28000, s0;
	_ =	strace $0x8000004A;
	[dreg:$0x3] =	wrdreg s8  }
0xa: {  	s6 =	smul.u32 $0x2710, s0;
	s0 =	ssub.s32 $0x2, s0;
	[dreg:$0x7] =	wrdreg s29  }
0xb: {  	p1 =	sne.s32 @p0 s10, $0x0;
	s24 =	sshrl.u32 s0, $0x1;
	s9 =	sadd.s32 s7, s2  }
0xc: {  	p1 =	por p1, !p0;
	s1 =	sadd.s32 s4, s1;
	s4 =	sadd.s32 $0x17A00, s5  }
0xd: {  	s0 =	ssub.s32 s0, s24;
	s26 =	sadd.s32 s7, s6;
	s6 =	sshrl.u32 s6, $0x3  }
0xe: {  	s24 =	simm.s32 $0x8;
	s1 =	sshrl.u32 s1, $0x3;
	s28 =	sshrl.u32 s26, $0x3  }
0xf: {  	s6 =	sadd.s32 $0x4B0, s6;
	s15 =	smax.u32 s0, $0x1;
	s26 =	simm.s32 $0x5200  }
.Ltmp0:
0x10: {  	s0 =	simm.s32 $0x5380;
	s8 =	sadd.s32 s4, s28;
	(pc) =	sbr.rel .LBB2_1-.Ltmp0, $4  }
0x11: {  	s1 =	sadd.s32 s1, s5;
	s30 =	sadd.s32 s4, s6;
	[dreg:$0x6] =	wrdreg s8  }
0x12: {  	s5 =	sadd.s32 $0xB4E00, s5;
	s25 =	sadd.s32 $0xD800, s1;
	[dreg:$0x8] =	wrdreg s30  }
0x13: {  	s1 =	sadd.s32 $0x3800, s1;
	s13 =	sadd.s32 s5, s28;
	[dreg:$0x4] =	wrdreg s25  }
0x14: {  	s14 =	sadd.s32 s5, s6;
	[dreg:$0x5] =	wrdreg s1;
	s25 =	simm.s32 $0x0  }
.LBB2_4:
0x15: {  	_ =	swait.ge [sflag:s24], $0x80  }
0x16: {  	[sflag:s24] =	ssyncset.done $0x0  }
0x17: {  	[sflag:s24] =	ssyncadd.s32 $0xFFFFFF80  }
0x18: {  	[spmem:s2] =	stream.indirect.scatter.add.f32 [tilespmem:s0], [sflag:$0x9], $0x1, s1, s18, $0xb8;
	[tilespmem:$0x58F8] =	vst v63  }
0x19: {  	_ =	swait.ge [sflag:s16], $0x80  }
0x1a: {  	[sflag:s16] =	ssyncset.done $0x0  }
0x1b: {  	[sflag:s16] =	ssyncadd.s32 $0xFFFFFF80  }
0x1c: {  	s5 =	simm.s32 @p2 $0x9;
	s1 =	simm.s32 @p2 $0x5400;
	[bflag:$0x0] =	sbarrier.arrive $0xFFFF  }
0x1d: {  	[tilespmem:s1], [sflag:$0x9] =	stream.linear.gather @p2 [spmem:s12], $0x190, $0x38;
	[tilespmem:$0x58F8] =	vst v63  }
0x1e: {  	_ =	swait.ge @p2 [sflag:s5], $0x190  }
0x1f: {  	[sflag:s5] =	ssyncset.done @p2 $0x0  }
0x20: {  	s6 =	simm.s32 @p2 $0x0;
	[sflag:s5] =	ssyncadd.s32 @p2 $0xFFFFFE70  }
0x21: {  	[hbm4b:s14+s6] =	stream.linear.scatter @p2 [tilespmem:s1], [sflag:$0x9], $0x190, $0x38;
	[tilespmem:$0x58F8] =	vst v63  }
0x22: {  	_ =	swait.ge @p2 [sflag:s5], $0x190  }
0x23: {  	[sflag:s5] =	ssyncset.done @p2 $0x0  }
0x24: {  	s1 =	simm.s32 @!p2 $0x5400;
	[sflag:s5] =	ssyncadd.s32 @p2 $0xFFFFFE70;
	s5 =	simm.s32 @!p2 $0x9  }
0x25: {  	[tilespmem:s1], [sflag:$0x9] =	stream.linear.gather @!p2 [spmem:s9], $0x280, $0x38;
	[tilespmem:$0x58F8] =	vst v63  }
0x26: {  	s25 =	sadd.s32 $0x1, s25;
	_ =	swait.ge @!p2 [sflag:s5], $0x280  }
0x27: {  	p3 =	sne.s32 s25, s15;
	[sflag:s5] =	ssyncset.done @!p2 $0x0  }
.Ltmp1:
0x28: {  	s6 =	simm.s32 @!p2 $0x0;
	[sflag:s5] =	ssyncadd.s32 @!p2 $0xFFFFFD80;
	(pc) =	sbr.rel @!p3 .LBB2_5-.Ltmp1, $4  }
0x29: {  	[hbm4b:s13+s6] =	stream.linear.scatter @!p2 [tilespmem:s1], [sflag:$0x9], $0x280, $0x38;
	[tilespmem:$0x58F8] =	vst v63  }
0x2a: {  	_ =	swait.ge @!p2 [sflag:s5], $0x280  }
0x2b: {  	[sflag:s5] =	ssyncset.done @!p2 $0x0  }
0x2c: {  	[sflag:s5] =	ssyncadd.s32 @!p2 $0xFFFFFD80  }
.LBB2_1:
0x2d: {  	s1 =	rddreg [dreg:$0x4]  }
0x2e: {  	[tilespmem:s3], [sflag:$0x9] =	stream.linear.gather [hbm4b:s1+s3], $0x2800, $0x38;
	[tilespmem:$0x58F8] =	vst v63  }
0x2f: {  	_ =	swait.ge [sflag:s16], $0x2800  }
0x30: {  	[sflag:s16] =	ssyncset.done $0x0  }
0x31: {  	s5 =	simm.s32 $0x2800;
	s29 =	rddreg [dreg:$0x5];
	[sflag:s16] =	ssyncadd.s32 $0xFFFFD800  }
0x32: {  	[tilespmem:s5], [sflag:$0x9] =	stream.linear.gather [hbm4b:s29+s3], $0x2800, $0x38;
	[tilespmem:$0x58F8] =	vst v63  }
0x33: {  	_ =	swait.ge [sflag:s16], $0x2800  }
0x34: {  	s1 =	simm.s32 @p0 $0x0;
	[sflag:s16] =	ssyncset.done $0x0  }
0x35: {  	s5 =	simm.s32 @p0 $0x5400;
	s6 =	rddreg [dreg:$0x6];
	[sflag:s16] =	ssyncadd.s32 $0xFFFFD800  }
0x36: {  	[tilespmem:s5], [sflag:$0x9] =	stream.linear.gather @p0 [hbm4b:s6+s1], $0x280, $0x38;
	[tilespmem:$0x58F8] =	vst v63  }
0x37: {  	s1 =	simm.s32 @p0 $0x9  }
0x38: {  	_ =	swait.ge @p0 [sflag:s1], $0x280  }
0x39: {  	[sflag:s1] =	ssyncset.done @p0 $0x0  }
0x3a: {  	[sflag:s1] =	ssyncadd.s32 @p0 $0xFFFFFD80  }
0x3b: {  	[spmem:s9] =	stream.linear.scatter @p0 [tilespmem:s5], [sflag:$0x9], $0x280, $0x38;
	[tilespmem:$0x58F8] =	vst v63  }
0x3c: {  	_ =	swait.ge @p0 [sflag:s1], $0x280  }
0x3d: {  	s5 =	simm.s32 @!p1 $0x5400;
	[sflag:s1] =	ssyncset.done @p0 $0x0  }
0x3e: {  	s6 =	rddreg [dreg:$0x3];
	[sflag:s1] =	ssyncadd.s32 @p0 $0xFFFFFD80;
	s1 =	simm.s32 @!p1 $0x0  }
0x3f: {  	[tilespmem:s5], [sflag:$0x9] =	stream.linear.gather @!p1 [hbm4b:s6+s1], $0x10, $0x38;
	[tilespmem:$0x58F8] =	vst v63  }
0x40: {  	s1 =	simm.s32 @!p1 $0x9  }
0x41: {  	_ =	swait.ge @!p1 [sflag:s1], $0x10  }
0x42: {  	[sflag:s1] =	ssyncset.done @!p1 $0x0  }
0x43: {  	s6 =	rddreg [dreg:$0x7];
	[sflag:s1] =	ssyncadd.s32 @!p1 $0xFFFFFFF0  }
0x44: {  	[spmem:s6] =	stream.linear.scatter @!p1 [tilespmem:s5], [sflag:$0x9], $0x10, $0x38;
	[tilespmem:$0x58F8] =	vst v63  }
0x45: {  	_ =	swait.ge @!p1 [sflag:s1], $0x10  }
0x46: {  	s5 =	simm.s32 @!p0 $0x5400;
	[sflag:s1] =	ssyncset.done @!p1 $0x0  }
0x47: {  	s6 =	rddreg [dreg:$0x8];
	[sflag:s1] =	ssyncadd.s32 @!p1 $0xFFFFFFF0;
	s1 =	simm.s32 @!p0 $0x0  }
0x48: {  	[tilespmem:s5], [sflag:$0x9] =	stream.linear.gather @!p0 [hbm4b:s6+s1], $0x190, $0x38;
	[tilespmem:$0x58F8] =	vst v63  }
0x49: {  	s1 =	simm.s32 @!p0 $0x9  }
0x4a: {  	_ =	swait.ge @!p0 [sflag:s1], $0x190  }
0x4b: {  	[sflag:s1] =	ssyncset.done @!p0 $0x0  }
0x4c: {  	[sflag:s1] =	ssyncadd.s32 @!p0 $0xFFFFFE70  }
0x4d: {  	[spmem:s12] =	stream.linear.scatter @!p0 [tilespmem:s5], [sflag:$0x9], $0x190, $0x38;
	[tilespmem:$0x58F8] =	vst v63  }
0x4e: {  	_ =	swait.ge @!p0 [sflag:s1], $0x190  }
0x4f: {  	[sflag:s1] =	ssyncset.done @!p0 $0x0  }
0x50: {  	[sflag:s1] =	ssyncadd.s32 @!p0 $0xFFFFFE70  }
0x51: {  	[bflag:$0x0] =	sbarrier.arrive $0xFFFF  }
0x52: {  	[tilespmem:s19], [sflag:$0x1] =	stream.indirect.gather [hbm4b:s4+s18], $0x1, s3, s18, $0xb8;
	[tilespmem:$0x58F8] =	vst v63  }
0x53: {  	s30 =	simm.s32 $0x5080  }
0x54: {  	[tilespmem:s30], [sflag:$0x2] =	stream.indirect.gather [hbm4b:s4+s18], $0x1, s18, s18, $0xb8;
	[tilespmem:$0x58F8] =	vst v63  }
0x55: {  	s5 =	simm.s32 $0x100  }
0x56: {  	[tilespmem:s22], [sflag:$0x3] =	stream.indirect.gather [hbm4b:s4+s18], $0x1, s5, s18, $0xb8;
	[tilespmem:$0x58F8] =	vst v63  }
0x57: {  	s7 =	simm.s32 $0x5180;
	s6 =	simm.s32 $0x180  }
0x58: {  	[tilespmem:s7], [sflag:$0x4] =	stream.indirect.gather [hbm4b:s4+s18], $0x1, s6, s18, $0xb8;
	[tilespmem:$0x58F8] =	vst v63  }
0x59: {  	s8 =	simm.s32 $0x200  }
0x5a: {  	[tilespmem:s26], [sflag:$0x5] =	stream.indirect.gather [hbm4b:s4+s18], $0x1, s8, s18, $0xb8;
	[tilespmem:$0x58F8] =	vst v63  }
0x5b: {  	s10 =	simm.s32 $0x280;
	s11 =	simm.s32 $0x5280  }
0x5c: {  	[tilespmem:s11], [sflag:$0x6] =	stream.indirect.gather [hbm4b:s4+s18], $0x1, s10, s18, $0xb8;
	[tilespmem:$0x58F8] =	vst v63  }
0x5d: {  	s29 =	simm.s32 $0x300  }
0x5e: {  	[tilespmem:s31], [sflag:$0x7] =	stream.indirect.gather [hbm4b:s4+s18], $0x1, s29, s18, $0xb8;
	[tilespmem:$0x58F8] =	vst v63  }
0x5f: {  	s28 =	simm.s32 $0x0;
	s30 =	simm.s32 $0x380  }
0x60: {  	[tilespmem:s0], [sflag:$0x8] =	stream.indirect.gather [hbm4b:s4+s18], $0x1, s30, s18, $0xb8;
	[tilespmem:$0x58F8] =	vst v63  }
.LBB2_2:
0x61: {  	_ =	swait.ge [sflag:s17], $0x80  }
0x62: {  	s29 =	sshra.s32 s28, $0x2;
	[sflag:s17] =	ssyncset.done $0x0  }
0x63: {  	s1 =	sadd.s32 $0x2800, s29;
	[sflag:s17] =	ssyncadd.s32 $0xFFFFFF80  }
0x64: {  	[spmem:s2] =	stream.indirect.scatter.add.f32 [tilespmem:s19], [sflag:$0x9], $0x1, s1, s18, $0xb8;
	[tilespmem:$0x58F8] =	vst v63  }
0x65: {  	_ =	swait.ge [sflag:s16], $0x80  }
0x66: {  	p3 =	seq.s32 s28, $0x9000;
	[sflag:s16] =	ssyncset.done $0x0  }
0x67: {  	s1 =	simm.s32 @p3 $0x2;
	[sflag:s16] =	ssyncadd.s32 $0xFFFFFF80  }
0x68: {  	_ =	swait.ge @p3 [sflag:s1], $0x80  }
0x69: {  	s5 =	sshra.s32 @p3 s28, $0x2;
	s6 =	simm.s32 @p3 $0x80;
	[sflag:s1] =	ssyncset.done @p3 $0x0  }
0x6a: {  	s7 =	simm.s32 @p3 $0x5080;
	[sflag:s1] =	ssyncadd.s32 @p3 $0xFFFFFF80;
	s1 =	sadd.s32 @p3 $0x2880, s5  }
0x6b: {  	[spmem:s2] =	stream.indirect.scatter.add.f32 @p3 [tilespmem:s7], [sflag:$0x9], $0x1, s1, s6, $0xb8;
	[tilespmem:$0x58F8] =	vst v63  }
0x6c: {  	s7 =	simm.s32 @p3 $0x9  }
0x6d: {  	_ =	swait.ge @p3 [sflag:s7], $0x80  }
0x6e: {  	s30 =	sshra.s32 @!p3 s28, $0x2;
	s10 =	simm.s32 @!p3 $0x5000;
	[sflag:s7] =	ssyncset.done @p3 $0x0  }
0x6f: {  	s8 =	sadd.s32 @!p3 $0x400, s30;
	s1 =	simm.s32 @!p3 $0x80;
	[sflag:s7] =	ssyncadd.s32 @p3 $0xFFFFFF80  }
0x70: {  	[tilespmem:s10], [sflag:$0x1] =	stream.indirect.gather @!p3 [hbm4b:s4+s1], $0x1, s8, s1, $0xb8;
	[tilespmem:$0x58F8] =	vst v63  }
0x71: {  	s8 =	simm.s32 @!p3 $0x2  }
0x72: {  	_ =	swait.ge @!p3 [sflag:s8], $0x80  }
0x73: {  	[sflag:s8] =	ssyncset.done @!p3 $0x0  }
0x74: {  	s10 =	simm.s32 @!p3 $0x5080;
	[sflag:s8] =	ssyncadd.s32 @!p3 $0xFFFFFF80;
	s8 =	sadd.s32 @!p3 $0x2880, s30  }
0x75: {  	[spmem:s2] =	stream.indirect.scatter.add.f32 @!p3 [tilespmem:s10], [sflag:$0x9], $0x1, s8, s1, $0xb8;
	[tilespmem:$0x58F8] =	vst v63  }
0x76: {  	s8 =	simm.s32 @!p3 $0x9  }
0x77: {  	_ =	swait.ge @!p3 [sflag:s8], $0x80  }
0x78: {  	[sflag:s8] =	ssyncset.done @!p3 $0x0  }
0x79: {  	s11 =	sadd.s32 @!p3 $0x480, s30;
	[sflag:s8] =	ssyncadd.s32 @!p3 $0xFFFFFF80  }
0x7a: {  	[tilespmem:s10], [sflag:$0x2] =	stream.indirect.gather @!p3 [hbm4b:s4+s1], $0x1, s11, s1, $0xb8;
	[tilespmem:$0x58F8] =	vst v63  }
0x7b: {  	_ =	swait.ge [sflag:s20], $0x80  }
0x7c: {  	[sflag:s20] =	ssyncset.done $0x0  }
0x7d: {  	s11 =	sadd.s32 $0x2900, s29;
	[sflag:s20] =	ssyncadd.s32 $0xFFFFFF80  }
0x7e: {  	[spmem:s2] =	stream.indirect.scatter.add.f32 [tilespmem:s22], [sflag:$0x9], $0x1, s11, s18, $0xb8;
	[tilespmem:$0x58F8] =	vst v63  }
0x7f: {  	_ =	swait.ge [sflag:s16], $0x80  }
0x80: {  	[sflag:s16] =	ssyncset.done $0x0  }
0x81: {  	s10 =	simm.s32 @p3 $0x4;
	[sflag:s16] =	ssyncadd.s32 $0xFFFFFF80  }
0x82: {  	_ =	swait.ge @p3 [sflag:s10], $0x80  }
0x83: {  	[sflag:s10] =	ssyncset.done @p3 $0x0  }
0x84: {  	s11 =	simm.s32 @p3 $0x5180;
	[sflag:s10] =	ssyncadd.s32 @p3 $0xFFFFFF80;
	s10 =	sadd.s32 @p3 $0x2980, s5  }
0x85: {  	[spmem:s2] =	stream.indirect.scatter.add.f32 @p3 [tilespmem:s11], [sflag:$0x9], $0x1, s10, s6, $0xb8;
	[tilespmem:$0x58F8] =	vst v63  }
0x86: {  	_ =	swait.ge @p3 [sflag:s7], $0x80  }
0x87: {  	[sflag:s7] =	ssyncset.done @p3 $0x0  }
0x88: {  	s10 =	sadd.s32 @!p3 $0x500, s30;
	s11 =	simm.s32 @!p3 $0x5100;
	[sflag:s7] =	ssyncadd.s32 @p3 $0xFFFFFF80  }
0x89: {  	[tilespmem:s11], [sflag:$0x3] =	stream.indirect.gather @!p3 [hbm4b:s4+s1], $0x1, s10, s1, $0xb8;
	[tilespmem:$0x58F8] =	vst v63  }
0x8a: {  	s10 =	simm.s32 @!p3 $0x4  }
0x8b: {  	_ =	swait.ge @!p3 [sflag:s10], $0x80  }
0x8c: {  	[sflag:s10] =	ssyncset.done @!p3 $0x0  }
0x8d: {  	s11 =	simm.s32 @!p3 $0x5180;
	[sflag:s10] =	ssyncadd.s32 @!p3 $0xFFFFFF80;
	s10 =	sadd.s32 @!p3 $0x2980, s30  }
0x8e: {  	[spmem:s2] =	stream.indirect.scatter.add.f32 @!p3 [tilespmem:s11], [sflag:$0x9], $0x1, s10, s1, $0xb8;
	[tilespmem:$0x58F8] =	vst v63  }
0x8f: {  	_ =	swait.ge @!p3 [sflag:s8], $0x80  }
0x90: {  	[sflag:s8] =	ssyncset.done @!p3 $0x0  }
0x91: {  	s10 =	sadd.s32 @!p3 $0x580, s30;
	[sflag:s8] =	ssyncadd.s32 @!p3 $0xFFFFFF80  }
0x92: {  	[tilespmem:s11], [sflag:$0x4] =	stream.indirect.gather @!p3 [hbm4b:s4+s1], $0x1, s10, s1, $0xb8;
	[tilespmem:$0x58F8] =	vst v63  }
0x93: {  	_ =	swait.ge [sflag:s21], $0x80  }
0x94: {  	[sflag:s21] =	ssyncset.done $0x0  }
0x95: {  	s11 =	sadd.s32 $0x2A00, s29;
	[sflag:s21] =	ssyncadd.s32 $0xFFFFFF80  }
0x96: {  	[spmem:s2] =	stream.indirect.scatter.add.f32 [tilespmem:s26], [sflag:$0x9], $0x1, s11, s18, $0xb8;
	[tilespmem:$0x58F8] =	vst v63  }
0x97: {  	_ =	swait.ge [sflag:s16], $0x80  }
0x98: {  	[sflag:s16] =	ssyncset.done $0x0  }
0x99: {  	s10 =	simm.s32 @p3 $0x6;
	[sflag:s16] =	ssyncadd.s32 $0xFFFFFF80  }
0x9a: {  	_ =	swait.ge @p3 [sflag:s10], $0x80  }
0x9b: {  	[sflag:s10] =	ssyncset.done @p3 $0x0  }
0x9c: {  	s5 =	sadd.s32 @p3 $0x2A80, s5;
	[sflag:s10] =	ssyncadd.s32 @p3 $0xFFFFFF80;
	s10 =	simm.s32 @p3 $0x5280  }
0x9d: {  	[spmem:s2] =	stream.indirect.scatter.add.f32 @p3 [tilespmem:s10], [sflag:$0x9], $0x1, s5, s6, $0xb8;
	[tilespmem:$0x58F8] =	vst v63  }
0x9e: {  	_ =	swait.ge @p3 [sflag:s7], $0x80  }
0x9f: {  	[sflag:s7] =	ssyncset.done @p3 $0x0  }
0xa0: {  	s5 =	sadd.s32 @!p3 $0x600, s30;
	s6 =	simm.s32 @!p3 $0x5200;
	[sflag:s7] =	ssyncadd.s32 @p3 $0xFFFFFF80  }
0xa1: {  	[tilespmem:s6], [sflag:$0x5] =	stream.indirect.gather @!p3 [hbm4b:s4+s1], $0x1, s5, s1, $0xb8;
	[tilespmem:$0x58F8] =	vst v63  }
0xa2: {  	s5 =	simm.s32 @!p3 $0x6  }
0xa3: {  	_ =	swait.ge @!p3 [sflag:s5], $0x80  }
0xa4: {  	[sflag:s5] =	ssyncset.done @!p3 $0x0  }
0xa5: {  	s6 =	simm.s32 @!p3 $0x5280;
	[sflag:s5] =	ssyncadd.s32 @!p3 $0xFFFFFF80;
	s5 =	sadd.s32 @!p3 $0x2A80, s30  }
0xa6: {  	[spmem:s2] =	stream.indirect.scatter.add.f32 @!p3 [tilespmem:s6], [sflag:$0x9], $0x1, s5, s1, $0xb8;
	[tilespmem:$0x58F8] =	vst v63  }
0xa7: {  	_ =	swait.ge @!p3 [sflag:s8], $0x80  }
0xa8: {  	[sflag:s8] =	ssyncset.done @!p3 $0x0  }
0xa9: {  	s5 =	sadd.s32 @!p3 $0x680, s30;
	[sflag:s8] =	ssyncadd.s32 @!p3 $0xFFFFFF80  }
0xaa: {  	[tilespmem:s6], [sflag:$0x6] =	stream.indirect.gather @!p3 [hbm4b:s4+s1], $0x1, s5, s1, $0xb8;
	[tilespmem:$0x58F8] =	vst v63  }
0xab: {  	_ =	swait.ge [sflag:s23], $0x80  }
0xac: {  	[sflag:s23] =	ssyncset.done $0x0  }
.Ltmp2:
0xad: {  	s30 =	sadd.s32 $0x2B00, s29;
	[sflag:s23] =	ssyncadd.s32 $0xFFFFFF80;
	(pc) =	sbr.rel @p3 .LBB2_4-.Ltmp2, $4  }
0xae: {  	[spmem:s2] =	stream.indirect.scatter.add.f32 [tilespmem:s31], [sflag:$0x9], $0x1, s30, s18, $0xb8;
	[tilespmem:$0x58F8] =	vst v63  }
0xaf: {  	_ =	swait.ge [sflag:s16], $0x80  }
0xb0: {  	[sflag:s16] =	ssyncset.done $0x0  }
0xb1: {  	s1 =	sadd.s32 $0x2B80, s29;
	[sflag:s16] =	ssyncadd.s32 $0xFFFFFF80  }
0xb2: {  	s5 =	sadd.s32 $0x700, s29  }
0xb3: {  	[tilespmem:s31], [sflag:$0x7] =	stream.indirect.gather [hbm4b:s4+s18], $0x1, s5, s18, $0xb8;
	[tilespmem:$0x58F8] =	vst v63  }
0xb4: {  	_ =	swait.ge [sflag:s24], $0x80  }
0xb5: {  	[sflag:s24] =	ssyncset.done $0x0  }
0xb6: {  	[sflag:s24] =	ssyncadd.s32 $0xFFFFFF80  }
0xb7: {  	[spmem:s2] =	stream.indirect.scatter.add.f32 [tilespmem:s0], [sflag:$0x9], $0x1, s1, s18, $0xb8;
	[tilespmem:$0x58F8] =	vst v63  }
.Ltmp3:
0xb8: {  	_ = 	snop;
	(pc) =	sbr.rel .LBB2_2-.Ltmp3, $4  }
0xb9: {  	_ =	swait.ge [sflag:s16], $0x80  }
0xba: {  	[sflag:s16] =	ssyncset.done $0x0  }
0xbb: {  	s30 =	sadd.s32 $0x780, s29;
	s28 =	sadd.s32 $0x1000, s28;
	[sflag:s16] =	ssyncadd.s32 $0xFFFFFF80  }
0xbc: {  	[tilespmem:s0], [sflag:$0x8] =	stream.indirect.gather [hbm4b:s4+s18], $0x1, s30, s18, $0xb8;
	[tilespmem:$0x58F8] =	vst v63  }
.LBB2_5:
0xbd: {  	_ =	sfence.sel $0x180000  }
0xbe: {  	[bflag:$0x0] =	sbarrier.arrive $0xFFFF  }
0xbf: {  	_ =	strace $0x9000004A  }
0xc0: {  	s0 =	stileid.u32;
	[bflag:$0x2] =	sbarrier.arrive $0xFFFF  }
0xc1: {  	p0 =	sne.s32 s0, $0x0;
	s0 =	rddreg [dreg:$0x2]  }
0xc2: {  	s0 =	sadd.s32 @!p0 $0x100000, s0  }
0xc3: {  	[sflag:s0] =	ssyncadd.tile.s32 @!p0 $0x1;
	_ =	shalt  }
.Lfunc_end2:
_tile_overlayer_lowered:
.L_overlay_start_2:
0xc4: {  	(tag) =	ssettag $0x2  }
0xc5: {  	s0 =	rddreg [dreg:$0x0];
	s2 =	stileid.u32  }
0xc6: {  	s1 =	rddreg [dreg:$0x1];
	p0 =	sne.s32 s2, $0x0  }
0xc7: {  	s3 =	rddreg [dreg:$0x2];
	[bflag:$0x3] =	sbarrier.arrive $0xFFFF;
	s2 =	simm.s32 @!p0 $0x1C09  }
0xc8: {  	[timem:s3], [sflag:s2] =	dma.local @!p0 [hbm:s0], s1  }
0xc9: {  	s0 =	simm.s32 @!p0 $0x9  }
0xca: {  	_ =	swait.ge @!p0 [sflag:s0], s1  }
0xcb: {  	s1 =	ssub.s32 @!p0 $0x0, s1;
	[sflag:s0] =	ssyncset.done @!p0 $0x0  }
0xcc: {  	[sflag:s0] =	ssyncadd.s32 @!p0 s1  }
0xcd: {  	[bflag:$0x3] =	sbarrier.arrive $0xFFFF  }
0xce: {  	_ =	shalt  }

// kernel: kernel.18.cloned.1.call-start
scs
__scs_entry_jumppad:
0x0: {  	(pc) =	sbr.rel $0x88, $3  }
0x1: {  	(tag) =	ssettag $0x0;
	lr =	simm.s32 $0x1  }
0x2: {  	[smem:$0x3F97] =	sst lr;
	_ =	strace $0xD0000000  }
0x3: {  	_ = 	snop  }
0x4: {  	_ = 	snop  }
0x5: {  	_ = 	snop  }
0x6: {  	_ = 	snop  }
0x7: {  	_ = 	snop  }
__scs_overlays_trampoline_lowered:
0x8: {  	[smem:$0x3FA6] =	sst s0  }
0x9: {  	[smem:$0x3FA7] =	sst s1  }
0xa: {  	[smem:$0x3FA8] =	sst s2  }
0xb: {  	[smem:$0x3FA9] =	sst s3  }
0xc: {  	[smem:$0x3FAA] =	sst s4  }
0xd: {  	[smem:$0x3FAB] =	sst s5  }
0xe: {  	[smem:$0x3FAC] =	sst s6  }
0xf: {  	[smem:$0x3FAD] =	sst s7  }
0x10: {  	[smem:$0x3FAE] =	sst s8  }
0x11: {  	[smem:$0x3FAF] =	sst s9;
	s0 =	simm.s32 @!p0 $0x0  }
0x12: {  	s1 =	sld [smem:$0x3F95];
	s0 =	simm.s32 @p0 $0x1  }
0x13: {  	[smem:$0x3FB0] =	sst s0;
	s0 =	simm.s32 @!p1 $0x0  }
0x14: {  	s2 =	sld [smem:$0x3F94];
	s0 =	simm.s32 @p1 $0x1  }
0x15: {  	[smem:$0x3FB1] =	sst s0;
	s0 =	simm.s32 @!p2 $0x0  }
0x16: {  	s3 =	sld [smem:$0x3FDB];
	s0 =	simm.s32 @p2 $0x1  }
0x17: {  	s4 =	simm.s32 $0x1BF5;
	[smem:$0x3FB3] =	sst s0  }
0x18: {  	s0 =	sld [smem:$0x3F96];
	_ =	swait.ge [sflag:s4], $0x0  }
0x19: {  	s7 =	sld [smem:$0x3F97]  }
0x1a: {  	s8 =	sadd.s32 $0xFFFFE003, lr  }
0x1b: {  	s9 =	sadd.s32 $0xFFFFFEF7, lr;
	s5 =	simm.s32 $0xFFFFFFFF;
	p2 =	slt.u32 s8, $0xFFFFF086  }
0x1c: {  	p1 =	slt.u32 s9, $0xF7A;
	s5 =	simm.s32 @!p2 $0x0  }
0x1d: {  	s5 =	simm.s32 @p1 $0x1;
	p0 =	seq.s32 s7, s2  }
0x1e: {  	s7 =	smul.u32 @!p0 $0xF7A, s2;
	p2 =	seq.s32 @!p0 s5, $0x0  }
0x1f: {  	s9 =	smul.u32 $0xF7A, s1;
	s8 =	simm.s32 @!p0 $0x1BF5;
	p2 =	por !p2, p0  }
0x20: {  	[sflag:s8] =	ssyncset.s32 @!p0 $0xFFFFF086;
	s6 =	sadd.s32 @!p0 s3, s7;
	s7 =	simm.s32 @!p0 $0x108  }
0x21: {  	s3 =	sadd.s32 s3, s9;
	s6 =	sadd.s32 @!p0 $0x88, s6;
	s7 =	simm.s32 @p2 $0x1082  }
0x22: {  	[simem:s7], [sflag:s8] =	dma.local @!p0 [hbm:s6], $0xF7A  }
0x23: {  	s9 =	sor.u32 $0xD0000000, s2;
	s6 =	simm.s32 $0x108;
	_ =	swait.ge @!p0 [sflag:s8], $0x0  }
0x24: {  	s3 =	sadd.s32 $0x88, s3;
	s6 =	simm.s32 @!p1 $0x1082;
	[sflag:s4] =	ssyncset.s32 $0xFFFFF086  }
0x25: {  	[simem:s6], [sflag:s4] =	dma.local [hbm:s3], $0xF7A  }
0x26: {  	[smem:$0x3F97] =	sst s1;
	(tag) =	ssettag s2;
	_ =	strace s9  }
0x27: {  	s1 =	sld [smem:$0x3FA7]  }
0x28: {  	s2 =	sld [smem:$0x3FA8]  }
0x29: {  	s4 =	sld [smem:$0x3FAA]  }
0x2a: {  	p0 =	seq.s32 s5, $0x0;
	s5 =	sld [smem:$0x3FAB]  }
0x2b: {  	s6 =	sld [smem:$0x3FAC]  }
0x2c: {  	s7 =	sld [smem:$0x3FAD]  }
0x2d: {  	s3 =	simm.s32 $0x108;
	s8 =	sld [smem:$0x3FAE]  }
0x2e: {  	s3 =	simm.s32 @!p0 $0x1082;
	s9 =	sld [smem:$0x3FAF]  }
0x2f: {  	lr =	sadd.s32 s0, s3;
	s0 =	sld [smem:$0x3FA6]  }
0x30: {  	s3 =	sld [smem:$0x3FA9]  }
0x31: {  	[smem:$0x3FB2] =	sst s10  }
0x32: {  	s10 =	sld [smem:$0x3FB0];
	_ =	sdelay $0x3  }
0x33: {  	p0 =	seq.s32 s10, $0x1;
	s10 =	sld [smem:$0x3FB2];
	_ =	sdelay $0x3  }
0x34: {  	[smem:$0x3FB2] =	sst s10  }
0x35: {  	s10 =	sld [smem:$0x3FB1];
	_ =	sdelay $0x3  }
0x36: {  	p1 =	seq.s32 s10, $0x1;
	s10 =	sld [smem:$0x3FB2];
	_ =	sdelay $0x3  }
0x37: {  	[smem:$0x3FB2] =	sst s10  }
0x38: {  	s10 =	sld [smem:$0x3FB3]  }
0x39: {  	_ = 	snop;
	(pc) =	sbr.ind lr, $3  }
0x3a: {  	_ = 	snop  }
0x3b: {  	_ = 	snop  }
0x3c: {  	p2 =	seq.s32 s10, $0x1;
	s10 =	sld [smem:$0x3FB2]  }
0x3d: {  	_ =	shalt  }
0x3e: {  	_ =	shalt  }
0x3f: {  	_ =	shalt  }
0x40: {  	_ =	shalt  }
0x41: {  	_ =	shalt  }
0x42: {  	_ =	shalt  }
0x43: {  	_ =	shalt  }
0x44: {  	_ =	shalt  }
0x45: {  	_ =	shalt  }
0x46: {  	_ =	shalt  }
0x47: {  	_ =	shalt  }
0x48: {  	_ =	shalt  }
0x49: {  	_ =	shalt  }
0x4a: {  	_ =	shalt  }
0x4b: {  	_ =	shalt  }
0x4c: {  	_ =	shalt  }
0x4d: {  	_ =	shalt  }
0x4e: {  	_ =	shalt  }
0x4f: {  	_ =	shalt  }
0x50: {  	_ =	shalt  }
0x51: {  	_ =	shalt  }
0x52: {  	_ =	shalt  }
0x53: {  	_ =	shalt  }
0x54: {  	_ =	shalt  }
0x55: {  	_ =	shalt  }
0x56: {  	_ =	shalt  }
0x57: {  	_ =	shalt  }
0x58: {  	_ =	shalt  }
0x59: {  	_ =	shalt  }
0x5a: {  	_ =	shalt  }
0x5b: {  	_ =	shalt  }
0x5c: {  	_ =	shalt  }
0x5d: {  	_ =	shalt  }
0x5e: {  	_ =	shalt  }
0x5f: {  	_ =	shalt  }
0x60: {  	_ =	shalt  }
0x61: {  	_ =	shalt  }
0x62: {  	_ =	shalt  }
0x63: {  	_ =	shalt  }
0x64: {  	_ =	shalt  }
0x65: {  	_ =	shalt  }
0x66: {  	_ =	shalt  }
0x67: {  	_ =	shalt  }
0x68: {  	_ =	shalt  }
0x69: {  	_ =	shalt  }
0x6a: {  	_ =	shalt  }
0x6b: {  	_ =	shalt  }
0x6c: {  	_ =	shalt  }
0x6d: {  	_ =	shalt  }
0x6e: {  	_ =	shalt  }
0x6f: {  	_ =	shalt  }
0x70: {  	_ =	shalt  }
0x71: {  	_ =	shalt  }
0x72: {  	_ =	shalt  }
0x73: {  	_ =	shalt  }
0x74: {  	_ =	shalt  }
0x75: {  	_ =	shalt  }
0x76: {  	_ =	shalt  }
0x77: {  	_ =	shalt  }
0x78: {  	_ =	shalt  }
0x79: {  	_ =	shalt  }
0x7a: {  	_ =	shalt  }
0x7b: {  	_ =	shalt  }
0x7c: {  	_ =	shalt  }
0x7d: {  	_ =	shalt  }
0x7e: {  	_ =	shalt  }
0x7f: {  	_ =	shalt  }
0x80: {  	_ =	shalt  }
0x81: {  	_ =	shalt  }
0x82: {  	_ =	shalt  }
0x83: {  	_ =	shalt  }
0x84: {  	_ =	shalt  }
0x85: {  	_ =	shalt  }
0x86: {  	_ =	shalt  }
0x87: {  	_ =	shalt  }
.Lfunc_end0:
.L_simem_size_0:
called_computation.2_lowered:
.L_overlay_start_0:
0x88: {  	s2 =	sld [smem:$0x3FD9]  }
0x89: {  	s3 =	sld [smem:$0x3FFE];
	_ =	sdelay $0x1  }
0x8a: {  	s1 =	srdreg.scid  }
0x8b: {  	s0 =	sand.u32 $0x1, s1  }
0x8c: {  	s17 =	sshll.u32 s0, $0xA;
	s2 =	sadd.s32 s3, s2  }
0x8d: {  	s2 =	sadd.s32 s2, s17  }
0x8e: {  	[smem:$0x3FBE] =	sst s2  }
0x8f: {  	_ = 	snop  }
0x90: {  	s2 =	sld [smem:$0x3FD0];
	(tm) =	ssettm $0x1  }
0x91: {  	s18 =	sld [smem:$0x3FFB];
	_ =	sdelay $0x3  }
0x92: {  	_ =	strace s18  }
0x93: {  	s3 =	sld [smem:$0x3FFC];
	_ =	sdelay $0x3  }
0x94: {  	_ =	strace s3  }
0x95: {  	s3 =	sld [smem:$0x3FFD];
	_ =	sdelay $0x3  }
0x96: {  	_ =	strace s3  }
0x97: {  	_ =	strace $0x8FFFFFFF  }
0x98: {  	s19 =	sld [smem:$0x3FDB];
	_ =	sdelay $0x1  }
0x99: {  	s4 =	simm.s32 $_scs_section_size  }
0x9a: {  	s5 =	simm.s32 $_size__tile_overlayer_lowered;
	s6 =	simm.s32 $_tile_overlayer_lowered  }
0x9b: {  	s22 =	simm.s32 $0x1BFF;
	s21 =	sshll.u32 s6, $0x1;
	s3 =	sadd.s32 s4, s19  }
0x9c: {  	s7 =	simm.s32 $0x0;
	s20 =	sshll.u32 s5, $0x1;
	s5 =	sadd.s32 s21, s3  }
0x9d: {  	[timem:s7], [sflag:s22] =	dma.local [hbm:s5], s20  }
0x9e: {  	_ =	swait.ge [sflag:s22], s20  }
0x9f: {  	s4 =	ssub.s32 $0x0, s20;
	[sflag:s22] =	ssyncset.done $0x0  }
0xa0: {  	[sflag:s22] =	ssyncadd.s32 s4;
	_ =	sdelay $0x1  }
0xa1: {  	s23 =	simm.s32 $0x1B8B  }
0xa2: {  	_ =	swait.ge [sflag:s23], $0x1  }
0xa3: {  	[sflag:s23] =	ssyncset.done $0x0  }
0xa4: {  	s25 =	simm.s32 $0x1B8E;
	s24 =	sld [smem:$0x3FFE];
	[sflag:s23] =	ssyncadd.s32 $0xFFFFFFFF  }
0xa5: {  	s26 =	simm.s32 $execute0_lowered;
	[smem:$0x3FD2] =	sst s25  }
0xa6: {  	s5 =	sshll.u32 s26, $0x1;
	_ =	strace $0x8000004C;
	[dreg:$0x1] =	wrdreg $0xFFFFFFFF  }
0xa7: {  	s28 =	simm.s32 $_size_execute0_lowered;
	s3 =	sadd.s32 s3, s5;
	[dreg:$0x0] =	wrdreg $0x0  }
0xa8: {  	s5 =	sshll.u32 s28, $0x1;
	[dreg:$0x2] =	wrdreg s3  }
0xa9: {  	[dreg:$0x3] =	wrdreg s5  }
0xaa: {  	[dreg:$0x4] =	wrdreg $0xC0  }
0xab: {  	_ =	task [dreg:s7], $0x5FFFF  }
0xac: {  	[dreg:$0x1] =	wrdreg $0xFFFFFFFF  }
0xad: {  	[dreg:$0x0] =	wrdreg $0x60  }
0xae: {  	[dreg:$0x2] =	wrdreg s24  }
0xaf: {  	[dreg:$0x3] =	wrdreg s2  }
0xb0: {  	[dreg:$0x4] =	wrdreg $0xA8000  }
0xb1: {  	[dreg:$0x5] =	wrdreg $0x9  }
0xb2: {  	_ =	task.clear_ibuf [dreg:s7], $0x6FFFF;
	_ =	strace $0x9000004C  }
0xb3: {  	s29 =	simm.s32 $0x9;
	_ =	strace $0x8000004E  }
0xb4: {  	_ =	swait.ge [sflag:s29], $0x1  }
0xb5: {  	[sflag:s29] =	ssyncadd.s32 $0xFFFFFFFF  }
0xb6: {  	_ =	strace $0x9000004E  }
0xb7: {  	_ =	sfence  }
0xb8: {  	s30 =	sld [smem:$0x0];
	_ =	sdelay $0x2  }
0xb9: {  	s31 =	sshll.u32 s1, $0xD;
	s1 =	sshrl.u32 s1, $0x2  }
0xba: {  	s3 =	sand.u32 $0x4000, s31;
	s1 =	sadd.s32 s1, s30  }
0xbb: {  	s0 =	sor.u32 s3, s0;
	s1 =	sshll.u32 s1, $0x11  }
0xbc: {  	s0 =	sor.u32 s1, s0  }
0xbd: {  	s0 =	sadd.s32 $0x8F2B, s0  }
0xbe: {  	[sflag:s0] =	ssyncadd.remote.s32 $0x1  }
0xbf: {  	_ =	sfence.sel $0xFFFF  }
0xc0: {  	[dreg:$0x0] =	wrdreg $0xFFFFFFFF;
	(pc) =	sbr.abs _section_cstart, $3  }
0xc1: {  	[dreg:$0x1] =	wrdreg $0xFFFFFFFF  }
0xc2: {  	_ =	task.clear_ibuf [dreg:s7], $0x2FFFF;
	_ =	strace $0x9FFFFFFF  }
0xc3: {  	(tm) =	ssettm $0x7FFFFFFF  }
tec
execute0_lowered:
.L_overlay_start_1:
0x0: {  	(tag) =	ssettag $0x1  }
0x1: {  	s0 =	rddreg [dreg:$0x0]  }
0x2: {  	s2 =	rddreg [dreg:$0x2];
	s3 =	simm.s32 $0x0  }
0x3: {  	s1 =	srdreg.scid;
	s4 =	stileid.u32;
	s21 =	simm.s32 $0x3  }
0x4: {  	s22 =	simm.s32 $0x1400;
	s23 =	simm.s32 $0x80;
	s24 =	simm.s32 $0x2800  }
0x5: {  	s28 =	simm.s32 $0x2;
	s29 =	simm.s32 $0x2700;
	s30 =	simm.s32 $0x2780  }
0x6: {  	s31 =	simm.s32 $0x0;
	[smem:$0x7FF] =	sst s3;
	s7 =	smul.u32 $0x50000, s4  }
0x7: {  	s1 =	sand.u32 $0x1, s1;
	s12 =	sadd.s32 $0xD800, s0;
	s9 =	smul.u32 $0x280, s4  }
0x8: {  	s13 =	sadd.s32 $0x3800, s0;
	s5 =	sadd.s32 $0x17800, s0;
	s25 =	smul.u32 $0x2800, s4  }
0x9: {  	s0 =	sadd.s32 $0x103000, s0;
	s19 =	sadd.s32 $0x138800, s2;
	s6 =	smul.u32 $0x2710, s1  }
0xa: {  	p0 =	sne.s32 s4, $0xF;
	p2 =	seq.s32 s4, $0xF;
	s11 =	smul.u32 $0x138800, s1  }
0xb: {  	_ =	strace $0x8000004D;
	s8 =	ssub.s32 $0x2, s1;
	s1 =	smul.u32 $0x28000, s1  }
0xc: {  	p1 =	sne.s32 @p0 s4, $0x0;
	s10 =	sshrl.u32 s8, $0x1;
	s7 =	sshrl.u32 s7, $0x2  }
0xd: {  	p1 =	por p1, !p0;
	s16 =	ssub.s32 s8, s10;
	s6 =	sadd.s32 s9, s6  }
0xe: {  	s26 =	sshrl.u32 s11, $0x3;
	s1 =	sadd.s32 s25, s1;
	s8 =	sadd.s32 $0x12C000, s2  }
0xf: {  	s19 =	sshrl.u32 @!p1 s19, $0x3;
	s25 =	simm.s32 $0x6800;
	s14 =	sshll.u32 s6, $0x4  }
0x10: {  	s6 =	sadd.s32 s7, s2;
	s15 =	sadd.s32 $0x25800, s26;
	s1 =	sshrl.u32 s1, $0x3  }
0x11: {  	s16 =	smax.u32 s16, $0x1;
	s20 =	sshrl.u32 @!p0 s8, $0x3;
	s26 =	simm.s32 $0x1  }
0x12: {  	s7 =	sadd.s32 s5, s14;
	s9 =	sadd.s32 s5, s15;
	s10 =	sadd.s32 s12, s1  }
0x13: {  	s11 =	sadd.s32 s13, s1;
	s1 =	sadd.s32 $0x280, s1;
	s14 =	sadd.s32 s0, s14  }
0x14: {  	s15 =	sadd.s32 s0, s15;
	s0 =	sshll.u32 @p0 s4, $0x6;
	s18 =	sshrl.u32 @p0 s6, $0x3  }
0x15: {  	s12 =	sadd.s32 s12, s1;
	s13 =	sadd.s32 s13, s1;
	s17 =	sor.u32 @p0 $0x1C03, s0  }
.LBB2_1:
0x16: {  	[spmem:s18], [sflag:s17] =	dma.local @p0 [hbm:s7], $0x2800  }
0x17: {  	s0 =	simm.s32 @p0 $0x3  }
0x18: {  	_ =	swait.ge @p0 [sflag:s0], $0x2800  }
0x19: {  	[sflag:s0] =	ssyncset.done @p0 $0x0  }
0x1a: {  	[sflag:s0] =	ssyncadd.s32 @p0 $0xFFFFD800  }
0x1b: {  	s0 =	simm.s32 @!p1 $0x1C03;
	s1 =	rddreg [dreg:$0x1]  }
0x1c: {  	[spmem:s19], [sflag:s0] =	dma.local @!p1 [hbm:s1], $0x100  }
0x1d: {  	s0 =	simm.s32 @!p1 $0x3  }
0x1e: {  	_ =	swait.ge @!p1 [sflag:s0], $0x100  }
0x1f: {  	[sflag:s0] =	ssyncset.done @!p1 $0x0  }
0x20: {  	[sflag:s0] =	ssyncadd.s32 @!p1 $0xFFFFFF00;
	s0 =	simm.s32 @!p0 $0x1FC3  }
0x21: {  	[spmem:s20], [sflag:s0] =	dma.local @!p0 [hbm:s9], $0x1900  }
0x22: {  	s0 =	simm.s32 @!p0 $0x3  }
0x23: {  	_ =	swait.ge @!p0 [sflag:s0], $0x1900  }
0x24: {  	[sflag:s0] =	ssyncset.done @!p0 $0x0  }
0x25: {  	[sflag:s0] =	ssyncadd.s32 @!p0 $0xFFFFE700  }
0x26: {  	[bflag:$0x0] =	sbarrier.arrive $0xFFFF  }
0x27: {  	[tilespmem:s3], [sflag:$0x3] =	stream.linear.gather [hbm4b:s10+s3], $0x1400, $0x38;
	[tilespmem:$0x1E100] =	vst v63  }
0x28: {  	_ =	swait.ge [sflag:s21], $0x1400  }
0x29: {  	[sflag:s21] =	ssyncset.done $0x0  }
0x2a: {  	[sflag:s21] =	ssyncadd.s32 $0xFFFFEC00  }
0x2b: {  	[tilespmem:s22], [sflag:$0x3] =	stream.linear.gather [hbm4b:s11+s3], $0x1400, $0x38;
	[tilespmem:$0x1E100] =	vst v63  }
0x2c: {  	_ =	swait.ge [sflag:s21], $0x1400  }
0x2d: {  	[sflag:s21] =	ssyncset.done $0x0  }
0x2e: {  	[sflag:s21] =	ssyncadd.s32 $0xFFFFEC00  }
0x2f: {  	[tilespmem:s24], [sflag:$0x1] =	stream.indirect.gather [hbm4b:s5+s23], $0x80, s3, s23, $0xb8;
	[tilespmem:$0x1E100] =	vst v63  }
0x30: {  	_ = 	snop  }
0x31: {  	[tilespmem:s25], [sflag:$0x2] =	stream.indirect.gather [hbm4b:s5+s23], $0x80, s23, s23, $0xb8;
	[tilespmem:$0x1E100] =	vst v63  }
0x32: {  	_ =	swait.ge [sflag:s26], $0x4000  }
0x33: {  	[sflag:s26] =	ssyncset.done $0x0  }
0x34: {  	s4 =	simm.s32 $0x1400;
	[sflag:s26] =	ssyncadd.s32 $0xFFFFC000  }
0x35: {  	[spmem:s2] =	stream.indirect.scatter.add.f32 [tilespmem:s24], [sflag:$0x3], $0x80, s4, s23, $0xb8;
	[tilespmem:$0x1E100] =	vst v63  }
0x36: {  	_ =	swait.ge [sflag:s21], $0x4000  }
0x37: {  	[sflag:s21] =	ssyncset.done $0x0  }
0x38: {  	s1 =	simm.s32 $0x100;
	[sflag:s21] =	ssyncadd.s32 $0xFFFFC000  }
0x39: {  	[tilespmem:s24], [sflag:$0x1] =	stream.indirect.gather [hbm4b:s5+s23], $0x80, s1, s23, $0xb8;
	[tilespmem:$0x1E100] =	vst v63  }
0x3a: {  	_ =	swait.ge [sflag:s28], $0x4000  }
0x3b: {  	[sflag:s28] =	ssyncset.done $0x0  }
0x3c: {  	s4 =	simm.s32 $0x1480;
	[sflag:s28] =	ssyncadd.s32 $0xFFFFC000  }
0x3d: {  	[spmem:s2] =	stream.indirect.scatter.add.f32 [tilespmem:s25], [sflag:$0x3], $0x80, s4, s23, $0xb8;
	[tilespmem:$0x1E100] =	vst v63  }
0x3e: {  	_ =	swait.ge [sflag:s21], $0x4000  }
0x3f: {  	[sflag:s21] =	ssyncset.done $0x0  }
0x40: {  	s0 =	simm.s32 $0x400;
	s1 =	simm.s32 $0x180;
	[sflag:s21] =	ssyncadd.s32 $0xFFFFC000  }
.LBB2_2:
0x41: {  	[tilespmem:s25], [sflag:$0x2] =	stream.indirect.gather [hbm4b:s5+s23], $0x80, s1, s23, $0xb8;
	[tilespmem:$0x1E100] =	vst v63  }
0x42: {  	s1 =	smov.u32 s0  }
0x43: {  	p3 =	sne.s32 s0, $0x4800;
	s0 =	sadd.s32 $0x400, s0;
	_ =	swait.ge [sflag:s26], $0x4000  }
0x44: {  	s1 =	sshra.s32 s1, $0x2;
	[sflag:s26] =	ssyncset.done $0x0  }
0x45: {  	s4 =	sadd.s32 $0x1400, s1;
	[sflag:s26] =	ssyncadd.s32 $0xFFFFC000  }
0x46: {  	[spmem:s2] =	stream.indirect.scatter.add.f32 [tilespmem:s24], [sflag:$0x3], $0x80, s4, s23, $0xb8;
	[tilespmem:$0x1E100] =	vst v63  }
0x47: {  	_ =	swait.ge [sflag:s21], $0x4000  }
0x48: {  	[sflag:s21] =	ssyncset.done $0x0  }
0x49: {  	s4 =	sadd.s32 $0x100, s1;
	[sflag:s21] =	ssyncadd.s32 $0xFFFFC000  }
0x4a: {  	[tilespmem:s24], [sflag:$0x1] =	stream.indirect.gather [hbm4b:s5+s23], $0x80, s4, s23, $0xb8;
	[tilespmem:$0x1E100] =	vst v63  }
0x4b: {  	_ =	swait.ge [sflag:s28], $0x4000  }
0x4c: {  	[sflag:s28] =	ssyncset.done $0x0  }
.Ltmp0:
0x4d: {  	s4 =	sadd.s32 $0x1480, s1;
	[sflag:s28] =	ssyncadd.s32 $0xFFFFC000;
	(pc) =	sbr.rel @p3 .LBB2_2-.Ltmp0, $4  }
0x4e: {  	[spmem:s2] =	stream.indirect.scatter.add.f32 [tilespmem:s25], [sflag:$0x3], $0x80, s4, s23, $0xb8;
	[tilespmem:$0x1E100] =	vst v63  }
0x4f: {  	_ =	swait.ge [sflag:s21], $0x4000  }
0x50: {  	[sflag:s21] =	ssyncset.done $0x0  }
0x51: {  	s1 =	sadd.s32 $0x180, s1;
	[sflag:s21] =	ssyncadd.s32 $0xFFFFC000  }
0x52: {  	[tilespmem:s25], [sflag:$0x2] =	stream.indirect.gather [hbm4b:s5+s23], $0x80, s1, s23, $0xb8;
	[tilespmem:$0x1E100] =	vst v63  }
0x53: {  	_ =	swait.ge [sflag:s26], $0x4000  }
0x54: {  	[sflag:s26] =	ssyncset.done $0x0  }
0x55: {  	[sflag:s26] =	ssyncadd.s32 $0xFFFFC000  }
0x56: {  	[spmem:s2] =	stream.indirect.scatter.add.f32 [tilespmem:s24], [sflag:$0x3], $0x80, s29, s23, $0xb8;
	[tilespmem:$0x1E100] =	vst v63  }
0x57: {  	_ =	swait.ge [sflag:s21], $0x4000  }
0x58: {  	[sflag:s21] =	ssyncset.done $0x0  }
0x59: {  	[sflag:s21] =	ssyncadd.s32 $0xFFFFC000  }
0x5a: {  	_ =	swait.ge [sflag:s28], $0x4000  }
0x5b: {  	[sflag:s28] =	ssyncset.done $0x0  }
0x5c: {  	[sflag:s28] =	ssyncadd.s32 $0xFFFFC000  }
0x5d: {  	[spmem:s2] =	stream.indirect.scatter.add.f32 [tilespmem:s25], [sflag:$0x3], $0x80, s30, s23, $0xb8;
	[tilespmem:$0x1E100] =	vst v63  }
0x5e: {  	_ =	swait.ge [sflag:s21], $0x4000  }
0x5f: {  	[sflag:s21] =	ssyncset.done $0x0  }
0x60: {  	s0 =	simm.s32 $0x0;
	[sflag:s21] =	ssyncadd.s32 $0xFFFFC000  }
0x61: {  	[tilespmem:s0], [sflag:$0x3] =	stream.linear.gather [hbm4b:s12+s0], $0x1400, $0x38;
	[tilespmem:$0x1E100] =	vst v63  }
0x62: {  	_ =	swait.ge [sflag:s21], $0x1400  }
0x63: {  	[sflag:s21] =	ssyncset.done $0x0  }
0x64: {  	[sflag:s21] =	ssyncadd.s32 $0xFFFFEC00  }
0x65: {  	[tilespmem:s22], [sflag:$0x3] =	stream.linear.gather [hbm4b:s13+s0], $0x1400, $0x38;
	[tilespmem:$0x1E100] =	vst v63  }
0x66: {  	_ =	swait.ge [sflag:s21], $0x1400  }
0x67: {  	[sflag:s21] =	ssyncset.done $0x0  }
0x68: {  	[sflag:s21] =	ssyncadd.s32 $0xFFFFEC00  }
0x69: {  	[tilespmem:s24], [sflag:$0x1] =	stream.indirect.gather [hbm4b:s5+s23], $0x80, s0, s23, $0xb8;
	[tilespmem:$0x1E100] =	vst v63  }
0x6a: {  	_ = 	snop  }
0x6b: {  	[tilespmem:s25], [sflag:$0x2] =	stream.indirect.gather [hbm4b:s5+s23], $0x80, s23, s23, $0xb8;
	[tilespmem:$0x1E100] =	vst v63  }
0x6c: {  	_ =	swait.ge [sflag:s26], $0x4000  }
0x6d: {  	[sflag:s26] =	ssyncset.done $0x0  }
0x6e: {  	s4 =	simm.s32 $0x1400;
	[sflag:s26] =	ssyncadd.s32 $0xFFFFC000  }
0x6f: {  	[spmem:s2] =	stream.indirect.scatter.add.f32 [tilespmem:s24], [sflag:$0x3], $0x80, s4, s23, $0xb8;
	[tilespmem:$0x1E100] =	vst v63  }
0x70: {  	_ =	swait.ge [sflag:s21], $0x4000  }
0x71: {  	[sflag:s21] =	ssyncset.done $0x0  }
0x72: {  	s1 =	simm.s32 $0x100;
	[sflag:s21] =	ssyncadd.s32 $0xFFFFC000  }
0x73: {  	[tilespmem:s24], [sflag:$0x1] =	stream.indirect.gather [hbm4b:s5+s23], $0x80, s1, s23, $0xb8;
	[tilespmem:$0x1E100] =	vst v63  }
0x74: {  	_ =	swait.ge [sflag:s28], $0x4000  }
0x75: {  	[sflag:s28] =	ssyncset.done $0x0  }
0x76: {  	s4 =	simm.s32 $0x1480;
	[sflag:s28] =	ssyncadd.s32 $0xFFFFC000  }
0x77: {  	[spmem:s2] =	stream.indirect.scatter.add.f32 [tilespmem:s25], [sflag:$0x3], $0x80, s4, s23, $0xb8;
	[tilespmem:$0x1E100] =	vst v63  }
0x78: {  	_ =	swait.ge [sflag:s21], $0x4000  }
0x79: {  	[sflag:s21] =	ssyncset.done $0x0  }
0x7a: {  	s0 =	simm.s32 $0x400;
	s1 =	simm.s32 $0x180;
	[sflag:s21] =	ssyncadd.s32 $0xFFFFC000  }
.LBB2_4:
0x7b: {  	[tilespmem:s25], [sflag:$0x2] =	stream.indirect.gather [hbm4b:s5+s23], $0x80, s1, s23, $0xb8;
	[tilespmem:$0x1E100] =	vst v63  }
0x7c: {  	s1 =	smov.u32 s0  }
0x7d: {  	p3 =	sne.s32 s0, $0x4800;
	s0 =	sadd.s32 $0x400, s0;
	_ =	swait.ge [sflag:s26], $0x4000  }
0x7e: {  	s1 =	sshra.s32 s1, $0x2;
	[sflag:s26] =	ssyncset.done $0x0  }
0x7f: {  	s4 =	sadd.s32 $0x1400, s1;
	[sflag:s26] =	ssyncadd.s32 $0xFFFFC000  }
0x80: {  	[spmem:s2] =	stream.indirect.scatter.add.f32 [tilespmem:s24], [sflag:$0x3], $0x80, s4, s23, $0xb8;
	[tilespmem:$0x1E100] =	vst v63  }
0x81: {  	_ =	swait.ge [sflag:s21], $0x4000  }
0x82: {  	[sflag:s21] =	ssyncset.done $0x0  }
0x83: {  	s4 =	sadd.s32 $0x100, s1;
	[sflag:s21] =	ssyncadd.s32 $0xFFFFC000  }
0x84: {  	[tilespmem:s24], [sflag:$0x1] =	stream.indirect.gather [hbm4b:s5+s23], $0x80, s4, s23, $0xb8;
	[tilespmem:$0x1E100] =	vst v63  }
0x85: {  	_ =	swait.ge [sflag:s28], $0x4000  }
0x86: {  	[sflag:s28] =	ssyncset.done $0x0  }
.Ltmp1:
0x87: {  	s4 =	sadd.s32 $0x1480, s1;
	[sflag:s28] =	ssyncadd.s32 $0xFFFFC000;
	(pc) =	sbr.rel @p3 .LBB2_4-.Ltmp1, $4  }
0x88: {  	[spmem:s2] =	stream.indirect.scatter.add.f32 [tilespmem:s25], [sflag:$0x3], $0x80, s4, s23, $0xb8;
	[tilespmem:$0x1E100] =	vst v63  }
0x89: {  	_ =	swait.ge [sflag:s21], $0x4000  }
0x8a: {  	[sflag:s21] =	ssyncset.done $0x0  }
0x8b: {  	s1 =	sadd.s32 $0x180, s1;
	[sflag:s21] =	ssyncadd.s32 $0xFFFFC000  }
0x8c: {  	[tilespmem:s25], [sflag:$0x2] =	stream.indirect.gather [hbm4b:s5+s23], $0x80, s1, s23, $0xb8;
	[tilespmem:$0x1E100] =	vst v63  }
0x8d: {  	_ =	swait.ge [sflag:s26], $0x4000  }
0x8e: {  	[sflag:s26] =	ssyncset.done $0x0  }
0x8f: {  	[sflag:s26] =	ssyncadd.s32 $0xFFFFC000  }
0x90: {  	[spmem:s2] =	stream.indirect.scatter.add.f32 [tilespmem:s24], [sflag:$0x3], $0x80, s29, s23, $0xb8;
	[tilespmem:$0x1E100] =	vst v63  }
0x91: {  	_ =	swait.ge [sflag:s21], $0x4000  }
0x92: {  	[sflag:s21] =	ssyncset.done $0x0  }
0x93: {  	[sflag:s21] =	ssyncadd.s32 $0xFFFFC000  }
0x94: {  	_ =	swait.ge [sflag:s28], $0x4000  }
0x95: {  	[sflag:s28] =	ssyncset.done $0x0  }
0x96: {  	[sflag:s28] =	ssyncadd.s32 $0xFFFFC000  }
0x97: {  	[spmem:s2] =	stream.indirect.scatter.add.f32 [tilespmem:s25], [sflag:$0x3], $0x80, s30, s23, $0xb8;
	[tilespmem:$0x1E100] =	vst v63  }
0x98: {  	_ =	swait.ge [sflag:s21], $0x4000  }
0x99: {  	[sflag:s21] =	ssyncset.done $0x0  }
0x9a: {  	[sflag:s21] =	ssyncadd.s32 $0xFFFFC000  }
0x9b: {  	s0 =	sshrl.u32 @p2 s8, $0x3;
	s1 =	simm.s32 @p2 $0x1FC3;
	[bflag:$0x0] =	sbarrier.arrive $0xFFFF  }
0x9c: {  	[hbm:s15], [sflag:s1] =	dma.local @p2 [spmem:s0], $0x1900  }
0x9d: {  	s0 =	simm.s32 @p2 $0x3  }
0x9e: {  	s31 =	sadd.s32 $0x1, s31;
	s1 =	stileid.u32;
	_ =	swait.ge @p2 [sflag:s0], $0x1900  }
0x9f: {  	p3 =	sne.s32 s31, s16;
	s1 =	sshll.u32 @!p2 s1, $0x6;
	[sflag:s0] =	ssyncset.done @p2 $0x0  }
0xa0: {  	[sflag:s0] =	ssyncadd.s32 @p2 $0xFFFFE700;
	s0 =	sor.u32 @!p2 $0x1C03, s1;
	s1 =	sshrl.u32 @!p2 s6, $0x3  }
0xa1: {  	[hbm:s14], [sflag:s0] =	dma.local @!p2 [spmem:s1], $0x2800  }
.Ltmp2:
0xa2: {  	_ = 	snop;
	(pc) =	sbr.rel @p3 .LBB2_1-.Ltmp2, $4  }
0xa3: {  	s0 =	simm.s32 @!p2 $0x3  }
0xa4: {  	_ =	swait.ge @!p2 [sflag:s0], $0x2800  }
0xa5: {  	[sflag:s0] =	ssyncset.done @!p2 $0x0  }
0xa6: {  	[sflag:s0] =	ssyncadd.s32 @!p2 $0xFFFFD800  }
0xa7: {  	_ =	sfence.sel $0x180000  }
0xa8: {  	[bflag:$0x0] =	sbarrier.arrive $0xFFFF  }
0xa9: {  	_ =	strace $0x9000004D  }
0xaa: {  	s0 =	stileid.u32;
	[bflag:$0x2] =	sbarrier.arrive $0xFFFF  }
0xab: {  	p0 =	sne.s32 s0, $0x0;
	s0 =	rddreg [dreg:$0x3]  }
0xac: {  	s0 =	sadd.s32 @!p0 $0x100000, s0  }
0xad: {  	[sflag:s0] =	ssyncadd.tile.s32 @!p0 $0x1;
	_ =	shalt  }
.Lfunc_end2:
_tile_overlayer_lowered:
.L_overlay_start_2:
0xae: {  	(tag) =	ssettag $0x2  }
0xaf: {  	s0 =	rddreg [dreg:$0x0];
	s2 =	stileid.u32  }
0xb0: {  	s1 =	rddreg [dreg:$0x1];
	p0 =	sne.s32 s2, $0x0  }
0xb1: {  	s3 =	rddreg [dreg:$0x2];
	[bflag:$0x3] =	sbarrier.arrive $0xFFFF;
	s2 =	simm.s32 @!p0 $0x1C03  }
0xb2: {  	[timem:s3], [sflag:s2] =	dma.local @!p0 [hbm:s0], s1  }
0xb3: {  	s0 =	simm.s32 @!p0 $0x3  }
0xb4: {  	_ =	swait.ge @!p0 [sflag:s0], s1  }
0xb5: {  	s1 =	ssub.s32 @!p0 $0x0, s1;
	[sflag:s0] =	ssyncset.done @!p0 $0x0  }
0xb6: {  	[sflag:s0] =	ssyncadd.s32 @!p0 s1  }
0xb7: {  	[bflag:$0x3] =	sbarrier.arrive $0xFFFF  }
0xb8: {  	_ =	shalt  }

// kernel: kernel.21.cloned.1.call-start
scs
__scs_entry_jumppad:
0x0: {  	(pc) =	sbr.rel $0x88, $3  }
0x1: {  	(tag) =	ssettag $0x0;
	lr =	simm.s32 $0x1  }
0x2: {  	[smem:$0x3F97] =	sst lr;
	_ =	strace $0xD0000000  }
0x3: {  	_ = 	snop  }
0x4: {  	_ = 	snop  }
0x5: {  	_ = 	snop  }
0x6: {  	_ = 	snop  }
0x7: {  	_ = 	snop  }
__scs_overlays_trampoline_lowered:
0x8: {  	[smem:$0x3FA6] =	sst s0  }
0x9: {  	[smem:$0x3FA7] =	sst s1  }
0xa: {  	[smem:$0x3FA8] =	sst s2  }
0xb: {  	[smem:$0x3FA9] =	sst s3  }
0xc: {  	[smem:$0x3FAA] =	sst s4  }
0xd: {  	[smem:$0x3FAB] =	sst s5  }
0xe: {  	[smem:$0x3FAC] =	sst s6  }
0xf: {  	[smem:$0x3FAD] =	sst s7  }
0x10: {  	[smem:$0x3FAE] =	sst s8  }
0x11: {  	[smem:$0x3FAF] =	sst s9;
	s0 =	simm.s32 @!p0 $0x0  }
0x12: {  	s1 =	sld [smem:$0x3F95];
	s0 =	simm.s32 @p0 $0x1  }
0x13: {  	[smem:$0x3FB0] =	sst s0;
	s0 =	simm.s32 @!p1 $0x0  }
0x14: {  	s2 =	sld [smem:$0x3F94];
	s0 =	simm.s32 @p1 $0x1  }
0x15: {  	[smem:$0x3FB1] =	sst s0;
	s0 =	simm.s32 @!p2 $0x0  }
0x16: {  	s3 =	sld [smem:$0x3FDB];
	s0 =	simm.s32 @p2 $0x1  }
0x17: {  	s4 =	simm.s32 $0x1BF5;
	[smem:$0x3FB3] =	sst s0  }
0x18: {  	s0 =	sld [smem:$0x3F96];
	_ =	swait.ge [sflag:s4], $0x0  }
0x19: {  	s7 =	sld [smem:$0x3F97]  }
0x1a: {  	s8 =	sadd.s32 $0xFFFFE003, lr  }
0x1b: {  	s9 =	sadd.s32 $0xFFFFFEF7, lr;
	s5 =	simm.s32 $0xFFFFFFFF;
	p2 =	slt.u32 s8, $0xFFFFF086  }
0x1c: {  	p1 =	slt.u32 s9, $0xF7A;
	s5 =	simm.s32 @!p2 $0x0  }
0x1d: {  	s5 =	simm.s32 @p1 $0x1;
	p0 =	seq.s32 s7, s2  }
0x1e: {  	s7 =	smul.u32 @!p0 $0xF7A, s2;
	p2 =	seq.s32 @!p0 s5, $0x0  }
0x1f: {  	s9 =	smul.u32 $0xF7A, s1;
	s8 =	simm.s32 @!p0 $0x1BF5;
	p2 =	por !p2, p0  }
0x20: {  	[sflag:s8] =	ssyncset.s32 @!p0 $0xFFFFF086;
	s6 =	sadd.s32 @!p0 s3, s7;
	s7 =	simm.s32 @!p0 $0x108  }
0x21: {  	s3 =	sadd.s32 s3, s9;
	s6 =	sadd.s32 @!p0 $0x88, s6;
	s7 =	simm.s32 @p2 $0x1082  }
0x22: {  	[simem:s7], [sflag:s8] =	dma.local @!p0 [hbm:s6], $0xF7A  }
0x23: {  	s9 =	sor.u32 $0xD0000000, s2;
	s6 =	simm.s32 $0x108;
	_ =	swait.ge @!p0 [sflag:s8], $0x0  }
0x24: {  	s3 =	sadd.s32 $0x88, s3;
	s6 =	simm.s32 @!p1 $0x1082;
	[sflag:s4] =	ssyncset.s32 $0xFFFFF086  }
0x25: {  	[simem:s6], [sflag:s4] =	dma.local [hbm:s3], $0xF7A  }
0x26: {  	[smem:$0x3F97] =	sst s1;
	(tag) =	ssettag s2;
	_ =	strace s9  }
0x27: {  	s1 =	sld [smem:$0x3FA7]  }
0x28: {  	s2 =	sld [smem:$0x3FA8]  }
0x29: {  	s4 =	sld [smem:$0x3FAA]  }
0x2a: {  	p0 =	seq.s32 s5, $0x0;
	s5 =	sld [smem:$0x3FAB]  }
0x2b: {  	s6 =	sld [smem:$0x3FAC]  }
0x2c: {  	s7 =	sld [smem:$0x3FAD]  }
0x2d: {  	s3 =	simm.s32 $0x108;
	s8 =	sld [smem:$0x3FAE]  }
0x2e: {  	s3 =	simm.s32 @!p0 $0x1082;
	s9 =	sld [smem:$0x3FAF]  }
0x2f: {  	lr =	sadd.s32 s0, s3;
	s0 =	sld [smem:$0x3FA6]  }
0x30: {  	s3 =	sld [smem:$0x3FA9]  }
0x31: {  	[smem:$0x3FB2] =	sst s10  }
0x32: {  	s10 =	sld [smem:$0x3FB0];
	_ =	sdelay $0x3  }
0x33: {  	p0 =	seq.s32 s10, $0x1;
	s10 =	sld [smem:$0x3FB2];
	_ =	sdelay $0x3  }
0x34: {  	[smem:$0x3FB2] =	sst s10  }
0x35: {  	s10 =	sld [smem:$0x3FB1];
	_ =	sdelay $0x3  }
0x36: {  	p1 =	seq.s32 s10, $0x1;
	s10 =	sld [smem:$0x3FB2];
	_ =	sdelay $0x3  }
0x37: {  	[smem:$0x3FB2] =	sst s10  }
0x38: {  	s10 =	sld [smem:$0x3FB3]  }
0x39: {  	_ = 	snop;
	(pc) =	sbr.ind lr, $3  }
0x3a: {  	_ = 	snop  }
0x3b: {  	_ = 	snop  }
0x3c: {  	p2 =	seq.s32 s10, $0x1;
	s10 =	sld [smem:$0x3FB2]  }
0x3d: {  	_ =	shalt  }
0x3e: {  	_ =	shalt  }
0x3f: {  	_ =	shalt  }
0x40: {  	_ =	shalt  }
0x41: {  	_ =	shalt  }
0x42: {  	_ =	shalt  }
0x43: {  	_ =	shalt  }
0x44: {  	_ =	shalt  }
0x45: {  	_ =	shalt  }
0x46: {  	_ =	shalt  }
0x47: {  	_ =	shalt  }
0x48: {  	_ =	shalt  }
0x49: {  	_ =	shalt  }
0x4a: {  	_ =	shalt  }
0x4b: {  	_ =	shalt  }
0x4c: {  	_ =	shalt  }
0x4d: {  	_ =	shalt  }
0x4e: {  	_ =	shalt  }
0x4f: {  	_ =	shalt  }
0x50: {  	_ =	shalt  }
0x51: {  	_ =	shalt  }
0x52: {  	_ =	shalt  }
0x53: {  	_ =	shalt  }
0x54: {  	_ =	shalt  }
0x55: {  	_ =	shalt  }
0x56: {  	_ =	shalt  }
0x57: {  	_ =	shalt  }
0x58: {  	_ =	shalt  }
0x59: {  	_ =	shalt  }
0x5a: {  	_ =	shalt  }
0x5b: {  	_ =	shalt  }
0x5c: {  	_ =	shalt  }
0x5d: {  	_ =	shalt  }
0x5e: {  	_ =	shalt  }
0x5f: {  	_ =	shalt  }
0x60: {  	_ =	shalt  }
0x61: {  	_ =	shalt  }
0x62: {  	_ =	shalt  }
0x63: {  	_ =	shalt  }
0x64: {  	_ =	shalt  }
0x65: {  	_ =	shalt  }
0x66: {  	_ =	shalt  }
0x67: {  	_ =	shalt  }
0x68: {  	_ =	shalt  }
0x69: {  	_ =	shalt  }
0x6a: {  	_ =	shalt  }
0x6b: {  	_ =	shalt  }
0x6c: {  	_ =	shalt  }
0x6d: {  	_ =	shalt  }
0x6e: {  	_ =	shalt  }
0x6f: {  	_ =	shalt  }
0x70: {  	_ =	shalt  }
0x71: {  	_ =	shalt  }
0x72: {  	_ =	shalt  }
0x73: {  	_ =	shalt  }
0x74: {  	_ =	shalt  }
0x75: {  	_ =	shalt  }
0x76: {  	_ =	shalt  }
0x77: {  	_ =	shalt  }
0x78: {  	_ =	shalt  }
0x79: {  	_ =	shalt  }
0x7a: {  	_ =	shalt  }
0x7b: {  	_ =	shalt  }
0x7c: {  	_ =	shalt  }
0x7d: {  	_ =	shalt  }
0x7e: {  	_ =	shalt  }
0x7f: {  	_ =	shalt  }
0x80: {  	_ =	shalt  }
0x81: {  	_ =	shalt  }
0x82: {  	_ =	shalt  }
0x83: {  	_ =	shalt  }
0x84: {  	_ =	shalt  }
0x85: {  	_ =	shalt  }
0x86: {  	_ =	shalt  }
0x87: {  	_ =	shalt  }
.Lfunc_end0:
.L_simem_size_0:
called_computation.3_lowered:
.L_overlay_start_0:
0x88: {  	s2 =	sld [smem:$0x3FD9]  }
0x89: {  	s3 =	sld [smem:$0x3FFE];
	_ =	sdelay $0x1  }
0x8a: {  	s1 =	srdreg.scid  }
0x8b: {  	s0 =	sand.u32 $0x1, s1  }
0x8c: {  	s17 =	sshll.u32 s0, $0xA;
	s2 =	sadd.s32 s3, s2  }
0x8d: {  	s2 =	sadd.s32 s2, s17  }
0x8e: {  	[smem:$0x3FBE] =	sst s2  }
0x8f: {  	_ = 	snop  }
0x90: {  	s2 =	sld [smem:$0x3FD0];
	(tm) =	ssettm $0x1  }
0x91: {  	s18 =	sld [smem:$0x3FFB];
	_ =	sdelay $0x3  }
0x92: {  	_ =	strace s18  }
0x93: {  	s3 =	sld [smem:$0x3FFC];
	_ =	sdelay $0x3  }
0x94: {  	_ =	strace s3  }
0x95: {  	s3 =	sld [smem:$0x3FFD];
	_ =	sdelay $0x3  }
0x96: {  	_ =	strace s3  }
0x97: {  	_ =	strace $0x8FFFFFFF  }
0x98: {  	s19 =	sld [smem:$0x3FDB];
	_ =	sdelay $0x1  }
0x99: {  	s4 =	simm.s32 $_scs_section_size  }
0x9a: {  	s5 =	simm.s32 $_size__tile_overlayer_lowered;
	s6 =	simm.s32 $_tile_overlayer_lowered  }
0x9b: {  	s22 =	simm.s32 $0x1BFF;
	s21 =	sshll.u32 s6, $0x1;
	s3 =	sadd.s32 s4, s19  }
0x9c: {  	s7 =	simm.s32 $0x0;
	s20 =	sshll.u32 s5, $0x1;
	s5 =	sadd.s32 s21, s3  }
0x9d: {  	[timem:s7], [sflag:s22] =	dma.local [hbm:s5], s20  }
0x9e: {  	_ =	swait.ge [sflag:s22], s20  }
0x9f: {  	s4 =	ssub.s32 $0x0, s20;
	[sflag:s22] =	ssyncset.done $0x0  }
0xa0: {  	[sflag:s22] =	ssyncadd.s32 s4;
	_ =	sdelay $0x1  }
0xa1: {  	s23 =	simm.s32 $0x1B8B  }
0xa2: {  	_ =	swait.ge [sflag:s23], $0x1  }
0xa3: {  	[sflag:s23] =	ssyncset.done $0x0  }
0xa4: {  	s25 =	simm.s32 $0x1B8E;
	s24 =	sld [smem:$0x3FFE];
	[sflag:s23] =	ssyncadd.s32 $0xFFFFFFFF  }
0xa5: {  	s26 =	simm.s32 $execute0_lowered;
	[smem:$0x3FD2] =	sst s25  }
0xa6: {  	s5 =	sshll.u32 s26, $0x1;
	_ =	strace $0x8000004F;
	[dreg:$0x1] =	wrdreg $0xFFFFFFFF  }
0xa7: {  	s28 =	simm.s32 $_size_execute0_lowered;
	s3 =	sadd.s32 s3, s5;
	[dreg:$0x0] =	wrdreg $0x0  }
0xa8: {  	s5 =	sshll.u32 s28, $0x1;
	[dreg:$0x2] =	wrdreg s3  }
0xa9: {  	[dreg:$0x3] =	wrdreg s5  }
0xaa: {  	[dreg:$0x4] =	wrdreg $0xC0  }
0xab: {  	_ =	task [dreg:s7], $0x5FFFF  }
0xac: {  	[dreg:$0x1] =	wrdreg $0xFFFFFFFF  }
0xad: {  	[dreg:$0x0] =	wrdreg $0x60  }
0xae: {  	[dreg:$0x2] =	wrdreg s24  }
0xaf: {  	[dreg:$0x3] =	wrdreg s2  }
0xb0: {  	[dreg:$0x4] =	wrdreg $0xA8000  }
0xb1: {  	[dreg:$0x5] =	wrdreg $0x9  }
0xb2: {  	_ =	task.clear_ibuf [dreg:s7], $0x6FFFF;
	_ =	strace $0x9000004F  }
0xb3: {  	s29 =	simm.s32 $0x9;
	_ =	strace $0x80000051  }
0xb4: {  	_ =	swait.ge [sflag:s29], $0x1  }
0xb5: {  	[sflag:s29] =	ssyncadd.s32 $0xFFFFFFFF  }
0xb6: {  	_ =	strace $0x90000051  }
0xb7: {  	_ =	sfence  }
0xb8: {  	s30 =	sld [smem:$0x0];
	_ =	sdelay $0x2  }
0xb9: {  	s31 =	sshll.u32 s1, $0xD;
	s1 =	sshrl.u32 s1, $0x2  }
0xba: {  	s3 =	sand.u32 $0x4000, s31;
	s1 =	sadd.s32 s1, s30  }
0xbb: {  	s0 =	sor.u32 s3, s0;
	s1 =	sshll.u32 s1, $0x11  }
0xbc: {  	s0 =	sor.u32 s1, s0  }
0xbd: {  	s0 =	sadd.s32 $0x8F2B, s0  }
0xbe: {  	[sflag:s0] =	ssyncadd.remote.s32 $0x1  }
0xbf: {  	_ =	sfence.sel $0xFFFF  }
0xc0: {  	[dreg:$0x0] =	wrdreg $0xFFFFFFFF;
	(pc) =	sbr.abs _section_cstart, $3  }
0xc1: {  	[dreg:$0x1] =	wrdreg $0xFFFFFFFF  }
0xc2: {  	_ =	task.clear_ibuf [dreg:s7], $0x2FFFF;
	_ =	strace $0x9FFFFFFF  }
0xc3: {  	(tm) =	ssettm $0x7FFFFFFF  }
tec
execute0_lowered:
.L_overlay_start_1:
0x0: {  	(tag) =	ssettag $0x1  }
0x1: {  	s0 =	rddreg [dreg:$0x0]  }
0x2: {  	s2 =	rddreg [dreg:$0x2];
	s3 =	simm.s32 $0x0  }
0x3: {  	s1 =	srdreg.scid;
	s4 =	stileid.u32;
	s21 =	simm.s32 $0x3  }
0x4: {  	s22 =	simm.s32 $0x1400;
	s23 =	simm.s32 $0x80;
	s24 =	simm.s32 $0x2800  }
0x5: {  	s28 =	simm.s32 $0x2;
	s29 =	simm.s32 $0x2700;
	s30 =	simm.s32 $0x2780  }
0x6: {  	s31 =	simm.s32 $0x0;
	[smem:$0x7FF] =	sst s3;
	s7 =	smul.u32 $0x50000, s4  }
0x7: {  	s1 =	sand.u32 $0x1, s1;
	s12 =	sadd.s32 $0xD800, s0;
	s9 =	smul.u32 $0x280, s4  }
0x8: {  	s13 =	sadd.s32 $0x3800, s0;
	s5 =	sadd.s32 $0x17800, s0;
	s25 =	smul.u32 $0x2800, s4  }
0x9: {  	s0 =	sadd.s32 $0x103000, s0;
	s19 =	sadd.s32 $0x138800, s2;
	s6 =	smul.u32 $0x2710, s1  }
0xa: {  	p0 =	sne.s32 s4, $0xF;
	p2 =	seq.s32 s4, $0xF;
	s11 =	smul.u32 $0x138800, s1  }
0xb: {  	_ =	strace $0x80000050;
	s8 =	ssub.s32 $0x2, s1;
	s1 =	smul.u32 $0x28000, s1  }
0xc: {  	p1 =	sne.s32 @p0 s4, $0x0;
	s10 =	sshrl.u32 s8, $0x1;
	s7 =	sshrl.u32 s7, $0x2  }
0xd: {  	p1 =	por p1, !p0;
	s16 =	ssub.s32 s8, s10;
	s6 =	sadd.s32 s9, s6  }
0xe: {  	s26 =	sshrl.u32 s11, $0x3;
	s1 =	sadd.s32 s25, s1;
	s8 =	sadd.s32 $0x12C000, s2  }
0xf: {  	s19 =	sshrl.u32 @!p1 s19, $0x3;
	s25 =	simm.s32 $0x6800;
	s14 =	sshll.u32 s6, $0x4  }
0x10: {  	s6 =	sadd.s32 s7, s2;
	s15 =	sadd.s32 $0x25800, s26;
	s1 =	sshrl.u32 s1, $0x3  }
0x11: {  	s16 =	smax.u32 s16, $0x1;
	s20 =	sshrl.u32 @!p0 s8, $0x3;
	s26 =	simm.s32 $0x1  }
0x12: {  	s7 =	sadd.s32 s5, s14;
	s9 =	sadd.s32 s5, s15;
	s10 =	sadd.s32 s12, s1  }
0x13: {  	s11 =	sadd.s32 s13, s1;
	s1 =	sadd.s32 $0x280, s1;
	s14 =	sadd.s32 s0, s14  }
0x14: {  	s15 =	sadd.s32 s0, s15;
	s0 =	sshll.u32 @p0 s4, $0x6;
	s18 =	sshrl.u32 @p0 s6, $0x3  }
0x15: {  	s12 =	sadd.s32 s12, s1;
	s13 =	sadd.s32 s13, s1;
	s17 =	sor.u32 @p0 $0x1C03, s0  }
.LBB2_1:
0x16: {  	[spmem:s18], [sflag:s17] =	dma.local @p0 [hbm:s7], $0x2800  }
0x17: {  	s0 =	simm.s32 @p0 $0x3  }
0x18: {  	_ =	swait.ge @p0 [sflag:s0], $0x2800  }
0x19: {  	[sflag:s0] =	ssyncset.done @p0 $0x0  }
0x1a: {  	[sflag:s0] =	ssyncadd.s32 @p0 $0xFFFFD800  }
0x1b: {  	s0 =	simm.s32 @!p1 $0x1C03;
	s1 =	rddreg [dreg:$0x1]  }
0x1c: {  	[spmem:s19], [sflag:s0] =	dma.local @!p1 [hbm:s1], $0x100  }
0x1d: {  	s0 =	simm.s32 @!p1 $0x3  }
0x1e: {  	_ =	swait.ge @!p1 [sflag:s0], $0x100  }
0x1f: {  	[sflag:s0] =	ssyncset.done @!p1 $0x0  }
0x20: {  	[sflag:s0] =	ssyncadd.s32 @!p1 $0xFFFFFF00;
	s0 =	simm.s32 @!p0 $0x1FC3  }
0x21: {  	[spmem:s20], [sflag:s0] =	dma.local @!p0 [hbm:s9], $0x1900  }
0x22: {  	s0 =	simm.s32 @!p0 $0x3  }
0x23: {  	_ =	swait.ge @!p0 [sflag:s0], $0x1900  }
0x24: {  	[sflag:s0] =	ssyncset.done @!p0 $0x0  }
0x25: {  	[sflag:s0] =	ssyncadd.s32 @!p0 $0xFFFFE700  }
0x26: {  	[bflag:$0x0] =	sbarrier.arrive $0xFFFF  }
0x27: {  	[tilespmem:s3], [sflag:$0x3] =	stream.linear.gather [hbm4b:s10+s3], $0x1400, $0x38;
	[tilespmem:$0x1E100] =	vst v63  }
0x28: {  	_ =	swait.ge [sflag:s21], $0x1400  }
0x29: {  	[sflag:s21] =	ssyncset.done $0x0  }
0x2a: {  	[sflag:s21] =	ssyncadd.s32 $0xFFFFEC00  }
0x2b: {  	[tilespmem:s22], [sflag:$0x3] =	stream.linear.gather [hbm4b:s11+s3], $0x1400, $0x38;
	[tilespmem:$0x1E100] =	vst v63  }
0x2c: {  	_ =	swait.ge [sflag:s21], $0x1400  }
0x2d: {  	[sflag:s21] =	ssyncset.done $0x0  }
0x2e: {  	[sflag:s21] =	ssyncadd.s32 $0xFFFFEC00  }
0x2f: {  	[tilespmem:s24], [sflag:$0x1] =	stream.indirect.gather [hbm4b:s5+s23], $0x80, s3, s23, $0xb8;
	[tilespmem:$0x1E100] =	vst v63  }
0x30: {  	_ = 	snop  }
0x31: {  	[tilespmem:s25], [sflag:$0x2] =	stream.indirect.gather [hbm4b:s5+s23], $0x80, s23, s23, $0xb8;
	[tilespmem:$0x1E100] =	vst v63  }
0x32: {  	_ =	swait.ge [sflag:s26], $0x4000  }
0x33: {  	[sflag:s26] =	ssyncset.done $0x0  }
0x34: {  	s4 =	simm.s32 $0x1400;
	[sflag:s26] =	ssyncadd.s32 $0xFFFFC000  }
0x35: {  	[spmem:s2] =	stream.indirect.scatter.add.f32 [tilespmem:s24], [sflag:$0x3], $0x80, s4, s23, $0xb8;
	[tilespmem:$0x1E100] =	vst v63  }
0x36: {  	_ =	swait.ge [sflag:s21], $0x4000  }
0x37: {  	[sflag:s21] =	ssyncset.done $0x0  }
0x38: {  	s1 =	simm.s32 $0x100;
	[sflag:s21] =	ssyncadd.s32 $0xFFFFC000  }
0x39: {  	[tilespmem:s24], [sflag:$0x1] =	stream.indirect.gather [hbm4b:s5+s23], $0x80, s1, s23, $0xb8;
	[tilespmem:$0x1E100] =	vst v63  }
0x3a: {  	_ =	swait.ge [sflag:s28], $0x4000  }
0x3b: {  	[sflag:s28] =	ssyncset.done $0x0  }
0x3c: {  	s4 =	simm.s32 $0x1480;
	[sflag:s28] =	ssyncadd.s32 $0xFFFFC000  }
0x3d: {  	[spmem:s2] =	stream.indirect.scatter.add.f32 [tilespmem:s25], [sflag:$0x3], $0x80, s4, s23, $0xb8;
	[tilespmem:$0x1E100] =	vst v63  }
0x3e: {  	_ =	swait.ge [sflag:s21], $0x4000  }
0x3f: {  	[sflag:s21] =	ssyncset.done $0x0  }
0x40: {  	s0 =	simm.s32 $0x400;
	s1 =	simm.s32 $0x180;
	[sflag:s21] =	ssyncadd.s32 $0xFFFFC000  }
.LBB2_2:
0x41: {  	[tilespmem:s25], [sflag:$0x2] =	stream.indirect.gather [hbm4b:s5+s23], $0x80, s1, s23, $0xb8;
	[tilespmem:$0x1E100] =	vst v63  }
0x42: {  	s1 =	smov.u32 s0  }
0x43: {  	p3 =	sne.s32 s0, $0x4800;
	s0 =	sadd.s32 $0x400, s0;
	_ =	swait.ge [sflag:s26], $0x4000  }
0x44: {  	s1 =	sshra.s32 s1, $0x2;
	[sflag:s26] =	ssyncset.done $0x0  }
0x45: {  	s4 =	sadd.s32 $0x1400, s1;
	[sflag:s26] =	ssyncadd.s32 $0xFFFFC000  }
0x46: {  	[spmem:s2] =	stream.indirect.scatter.add.f32 [tilespmem:s24], [sflag:$0x3], $0x80, s4, s23, $0xb8;
	[tilespmem:$0x1E100] =	vst v63  }
0x47: {  	_ =	swait.ge [sflag:s21], $0x4000  }
0x48: {  	[sflag:s21] =	ssyncset.done $0x0  }
0x49: {  	s4 =	sadd.s32 $0x100, s1;
	[sflag:s21] =	ssyncadd.s32 $0xFFFFC000  }
0x4a: {  	[tilespmem:s24], [sflag:$0x1] =	stream.indirect.gather [hbm4b:s5+s23], $0x80, s4, s23, $0xb8;
	[tilespmem:$0x1E100] =	vst v63  }
0x4b: {  	_ =	swait.ge [sflag:s28], $0x4000  }
0x4c: {  	[sflag:s28] =	ssyncset.done $0x0  }
.Ltmp0:
0x4d: {  	s4 =	sadd.s32 $0x1480, s1;
	[sflag:s28] =	ssyncadd.s32 $0xFFFFC000;
	(pc) =	sbr.rel @p3 .LBB2_2-.Ltmp0, $4  }
0x4e: {  	[spmem:s2] =	stream.indirect.scatter.add.f32 [tilespmem:s25], [sflag:$0x3], $0x80, s4, s23, $0xb8;
	[tilespmem:$0x1E100] =	vst v63  }
0x4f: {  	_ =	swait.ge [sflag:s21], $0x4000  }
0x50: {  	[sflag:s21] =	ssyncset.done $0x0  }
0x51: {  	s1 =	sadd.s32 $0x180, s1;
	[sflag:s21] =	ssyncadd.s32 $0xFFFFC000  }
0x52: {  	[tilespmem:s25], [sflag:$0x2] =	stream.indirect.gather [hbm4b:s5+s23], $0x80, s1, s23, $0xb8;
	[tilespmem:$0x1E100] =	vst v63  }
0x53: {  	_ =	swait.ge [sflag:s26], $0x4000  }
0x54: {  	[sflag:s26] =	ssyncset.done $0x0  }
0x55: {  	[sflag:s26] =	ssyncadd.s32 $0xFFFFC000  }
0x56: {  	[spmem:s2] =	stream.indirect.scatter.add.f32 [tilespmem:s24], [sflag:$0x3], $0x80, s29, s23, $0xb8;
	[tilespmem:$0x1E100] =	vst v63  }
0x57: {  	_ =	swait.ge [sflag:s21], $0x4000  }
0x58: {  	[sflag:s21] =	ssyncset.done $0x0  }
0x59: {  	[sflag:s21] =	ssyncadd.s32 $0xFFFFC000  }
0x5a: {  	_ =	swait.ge [sflag:s28], $0x4000  }
0x5b: {  	[sflag:s28] =	ssyncset.done $0x0  }
0x5c: {  	[sflag:s28] =	ssyncadd.s32 $0xFFFFC000  }
0x5d: {  	[spmem:s2] =	stream.indirect.scatter.add.f32 [tilespmem:s25], [sflag:$0x3], $0x80, s30, s23, $0xb8;
	[tilespmem:$0x1E100] =	vst v63  }
0x5e: {  	_ =	swait.ge [sflag:s21], $0x4000  }
0x5f: {  	[sflag:s21] =	ssyncset.done $0x0  }
0x60: {  	s0 =	simm.s32 $0x0;
	[sflag:s21] =	ssyncadd.s32 $0xFFFFC000  }
0x61: {  	[tilespmem:s0], [sflag:$0x3] =	stream.linear.gather [hbm4b:s12+s0], $0x1400, $0x38;
	[tilespmem:$0x1E100] =	vst v63  }
0x62: {  	_ =	swait.ge [sflag:s21], $0x1400  }
0x63: {  	[sflag:s21] =	ssyncset.done $0x0  }
0x64: {  	[sflag:s21] =	ssyncadd.s32 $0xFFFFEC00  }
0x65: {  	[tilespmem:s22], [sflag:$0x3] =	stream.linear.gather [hbm4b:s13+s0], $0x1400, $0x38;
	[tilespmem:$0x1E100] =	vst v63  }
0x66: {  	_ =	swait.ge [sflag:s21], $0x1400  }
0x67: {  	[sflag:s21] =	ssyncset.done $0x0  }
0x68: {  	[sflag:s21] =	ssyncadd.s32 $0xFFFFEC00  }
0x69: {  	[tilespmem:s24], [sflag:$0x1] =	stream.indirect.gather [hbm4b:s5+s23], $0x80, s0, s23, $0xb8;
	[tilespmem:$0x1E100] =	vst v63  }
0x6a: {  	_ = 	snop  }
0x6b: {  	[tilespmem:s25], [sflag:$0x2] =	stream.indirect.gather [hbm4b:s5+s23], $0x80, s23, s23, $0xb8;
	[tilespmem:$0x1E100] =	vst v63  }
0x6c: {  	_ =	swait.ge [sflag:s26], $0x4000  }
0x6d: {  	[sflag:s26] =	ssyncset.done $0x0  }
0x6e: {  	s4 =	simm.s32 $0x1400;
	[sflag:s26] =	ssyncadd.s32 $0xFFFFC000  }
0x6f: {  	[spmem:s2] =	stream.indirect.scatter.add.f32 [tilespmem:s24], [sflag:$0x3], $0x80, s4, s23, $0xb8;
	[tilespmem:$0x1E100] =	vst v63  }
0x70: {  	_ =	swait.ge [sflag:s21], $0x4000  }
0x71: {  	[sflag:s21] =	ssyncset.done $0x0  }
0x72: {  	s1 =	simm.s32 $0x100;
	[sflag:s21] =	ssyncadd.s32 $0xFFFFC000  }
0x73: {  	[tilespmem:s24], [sflag:$0x1] =	stream.indirect.gather [hbm4b:s5+s23], $0x80, s1, s23, $0xb8;
	[tilespmem:$0x1E100] =	vst v63  }
0x74: {  	_ =	swait.ge [sflag:s28], $0x4000  }
0x75: {  	[sflag:s28] =	ssyncset.done $0x0  }
0x76: {  	s4 =	simm.s32 $0x1480;
	[sflag:s28] =	ssyncadd.s32 $0xFFFFC000  }
0x77: {  	[spmem:s2] =	stream.indirect.scatter.add.f32 [tilespmem:s25], [sflag:$0x3], $0x80, s4, s23, $0xb8;
	[tilespmem:$0x1E100] =	vst v63  }
0x78: {  	_ =	swait.ge [sflag:s21], $0x4000  }
0x79: {  	[sflag:s21] =	ssyncset.done $0x0  }
0x7a: {  	s0 =	simm.s32 $0x400;
	s1 =	simm.s32 $0x180;
	[sflag:s21] =	ssyncadd.s32 $0xFFFFC000  }
.LBB2_4:
0x7b: {  	[tilespmem:s25], [sflag:$0x2] =	stream.indirect.gather [hbm4b:s5+s23], $0x80, s1, s23, $0xb8;
	[tilespmem:$0x1E100] =	vst v63  }
0x7c: {  	s1 =	smov.u32 s0  }
0x7d: {  	p3 =	sne.s32 s0, $0x4800;
	s0 =	sadd.s32 $0x400, s0;
	_ =	swait.ge [sflag:s26], $0x4000  }
0x7e: {  	s1 =	sshra.s32 s1, $0x2;
	[sflag:s26] =	ssyncset.done $0x0  }
0x7f: {  	s4 =	sadd.s32 $0x1400, s1;
	[sflag:s26] =	ssyncadd.s32 $0xFFFFC000  }
0x80: {  	[spmem:s2] =	stream.indirect.scatter.add.f32 [tilespmem:s24], [sflag:$0x3], $0x80, s4, s23, $0xb8;
	[tilespmem:$0x1E100] =	vst v63  }
0x81: {  	_ =	swait.ge [sflag:s21], $0x4000  }
0x82: {  	[sflag:s21] =	ssyncset.done $0x0  }
0x83: {  	s4 =	sadd.s32 $0x100, s1;
	[sflag:s21] =	ssyncadd.s32 $0xFFFFC000  }
0x84: {  	[tilespmem:s24], [sflag:$0x1] =	stream.indirect.gather [hbm4b:s5+s23], $0x80, s4, s23, $0xb8;
	[tilespmem:$0x1E100] =	vst v63  }
0x85: {  	_ =	swait.ge [sflag:s28], $0x4000  }
0x86: {  	[sflag:s28] =	ssyncset.done $0x0  }
.Ltmp1:
0x87: {  	s4 =	sadd.s32 $0x1480, s1;
	[sflag:s28] =	ssyncadd.s32 $0xFFFFC000;
	(pc) =	sbr.rel @p3 .LBB2_4-.Ltmp1, $4  }
0x88: {  	[spmem:s2] =	stream.indirect.scatter.add.f32 [tilespmem:s25], [sflag:$0x3], $0x80, s4, s23, $0xb8;
	[tilespmem:$0x1E100] =	vst v63  }
0x89: {  	_ =	swait.ge [sflag:s21], $0x4000  }
0x8a: {  	[sflag:s21] =	ssyncset.done $0x0  }
0x8b: {  	s1 =	sadd.s32 $0x180, s1;
	[sflag:s21] =	ssyncadd.s32 $0xFFFFC000  }
0x8c: {  	[tilespmem:s25], [sflag:$0x2] =	stream.indirect.gather [hbm4b:s5+s23], $0x80, s1, s23, $0xb8;
	[tilespmem:$0x1E100] =	vst v63  }
0x8d: {  	_ =	swait.ge [sflag:s26], $0x4000  }
0x8e: {  	[sflag:s26] =	ssyncset.done $0x0  }
0x8f: {  	[sflag:s26] =	ssyncadd.s32 $0xFFFFC000  }
0x90: {  	[spmem:s2] =	stream.indirect.scatter.add.f32 [tilespmem:s24], [sflag:$0x3], $0x80, s29, s23, $0xb8;
	[tilespmem:$0x1E100] =	vst v63  }
0x91: {  	_ =	swait.ge [sflag:s21], $0x4000  }
0x92: {  	[sflag:s21] =	ssyncset.done $0x0  }
0x93: {  	[sflag:s21] =	ssyncadd.s32 $0xFFFFC000  }
0x94: {  	_ =	swait.ge [sflag:s28], $0x4000  }
0x95: {  	[sflag:s28] =	ssyncset.done $0x0  }
0x96: {  	[sflag:s28] =	ssyncadd.s32 $0xFFFFC000  }
0x97: {  	[spmem:s2] =	stream.indirect.scatter.add.f32 [tilespmem:s25], [sflag:$0x3], $0x80, s30, s23, $0xb8;
	[tilespmem:$0x1E100] =	vst v63  }
0x98: {  	_ =	swait.ge [sflag:s21], $0x4000  }
0x99: {  	[sflag:s21] =	ssyncset.done $0x0  }
0x9a: {  	[sflag:s21] =	ssyncadd.s32 $0xFFFFC000  }
0x9b: {  	s0 =	sshrl.u32 @p2 s8, $0x3;
	s1 =	simm.s32 @p2 $0x1FC3;
	[bflag:$0x0] =	sbarrier.arrive $0xFFFF  }
0x9c: {  	[hbm:s15], [sflag:s1] =	dma.local @p2 [spmem:s0], $0x1900  }
0x9d: {  	s0 =	simm.s32 @p2 $0x3  }
0x9e: {  	s31 =	sadd.s32 $0x1, s31;
	s1 =	stileid.u32;
	_ =	swait.ge @p2 [sflag:s0], $0x1900  }
0x9f: {  	p3 =	sne.s32 s31, s16;
	s1 =	sshll.u32 @!p2 s1, $0x6;
	[sflag:s0] =	ssyncset.done @p2 $0x0  }
0xa0: {  	[sflag:s0] =	ssyncadd.s32 @p2 $0xFFFFE700;
	s0 =	sor.u32 @!p2 $0x1C03, s1;
	s1 =	sshrl.u32 @!p2 s6, $0x3  }
0xa1: {  	[hbm:s14], [sflag:s0] =	dma.local @!p2 [spmem:s1], $0x2800  }
.Ltmp2:
0xa2: {  	_ = 	snop;
	(pc) =	sbr.rel @p3 .LBB2_1-.Ltmp2, $4  }
0xa3: {  	s0 =	simm.s32 @!p2 $0x3  }
0xa4: {  	_ =	swait.ge @!p2 [sflag:s0], $0x2800  }
0xa5: {  	[sflag:s0] =	ssyncset.done @!p2 $0x0  }
0xa6: {  	[sflag:s0] =	ssyncadd.s32 @!p2 $0xFFFFD800  }
0xa7: {  	_ =	sfence.sel $0x180000  }
0xa8: {  	[bflag:$0x0] =	sbarrier.arrive $0xFFFF  }
0xa9: {  	_ =	strace $0x90000050  }
0xaa: {  	s0 =	stileid.u32;
	[bflag:$0x2] =	sbarrier.arrive $0xFFFF  }
0xab: {  	p0 =	sne.s32 s0, $0x0;
	s0 =	rddreg [dreg:$0x3]  }
0xac: {  	s0 =	sadd.s32 @!p0 $0x100000, s0  }
0xad: {  	[sflag:s0] =	ssyncadd.tile.s32 @!p0 $0x1;
	_ =	shalt  }
.Lfunc_end2:
_tile_overlayer_lowered:
.L_overlay_start_2:
0xae: {  	(tag) =	ssettag $0x2  }
0xaf: {  	s0 =	rddreg [dreg:$0x0];
	s2 =	stileid.u32  }
0xb0: {  	s1 =	rddreg [dreg:$0x1];
	p0 =	sne.s32 s2, $0x0  }
0xb1: {  	s3 =	rddreg [dreg:$0x2];
	[bflag:$0x3] =	sbarrier.arrive $0xFFFF;
	s2 =	simm.s32 @!p0 $0x1C03  }
0xb2: {  	[timem:s3], [sflag:s2] =	dma.local @!p0 [hbm:s0], s1  }
0xb3: {  	s0 =	simm.s32 @!p0 $0x3  }
0xb4: {  	_ =	swait.ge @!p0 [sflag:s0], s1  }
0xb5: {  	s1 =	ssub.s32 @!p0 $0x0, s1;
	[sflag:s0] =	ssyncset.done @!p0 $0x0  }
0xb6: {  	[sflag:s0] =	ssyncadd.s32 @!p0 s1  }
0xb7: {  	[bflag:$0x3] =	sbarrier.arrive $0xFFFF  }
0xb8: {  	_ =	shalt  }

// kernel: kernel.24.cloned.1.call-start
scs
__scs_entry_jumppad:
0x0: {  	(pc) =	sbr.rel $0x88, $3  }
0x1: {  	(tag) =	ssettag $0x0;
	lr =	simm.s32 $0x1  }
0x2: {  	[smem:$0x3F97] =	sst lr;
	_ =	strace $0xD0000000  }
0x3: {  	_ = 	snop  }
0x4: {  	_ = 	snop  }
0x5: {  	_ = 	snop  }
0x6: {  	_ = 	snop  }
0x7: {  	_ = 	snop  }
__scs_overlays_trampoline_lowered:
0x8: {  	[smem:$0x3FA6] =	sst s0  }
0x9: {  	[smem:$0x3FA7] =	sst s1  }
0xa: {  	[smem:$0x3FA8] =	sst s2  }
0xb: {  	[smem:$0x3FA9] =	sst s3  }
0xc: {  	[smem:$0x3FAA] =	sst s4  }
0xd: {  	[smem:$0x3FAB] =	sst s5  }
0xe: {  	[smem:$0x3FAC] =	sst s6  }
0xf: {  	[smem:$0x3FAD] =	sst s7  }
0x10: {  	[smem:$0x3FAE] =	sst s8  }
0x11: {  	[smem:$0x3FAF] =	sst s9;
	s0 =	simm.s32 @!p0 $0x0  }
0x12: {  	s1 =	sld [smem:$0x3F95];
	s0 =	simm.s32 @p0 $0x1  }
0x13: {  	[smem:$0x3FB0] =	sst s0;
	s0 =	simm.s32 @!p1 $0x0  }
0x14: {  	s2 =	sld [smem:$0x3F94];
	s0 =	simm.s32 @p1 $0x1  }
0x15: {  	[smem:$0x3FB1] =	sst s0;
	s0 =	simm.s32 @!p2 $0x0  }
0x16: {  	s3 =	sld [smem:$0x3FDB];
	s0 =	simm.s32 @p2 $0x1  }
0x17: {  	s4 =	simm.s32 $0x1BF5;
	[smem:$0x3FB3] =	sst s0  }
0x18: {  	s0 =	sld [smem:$0x3F96];
	_ =	swait.ge [sflag:s4], $0x0  }
0x19: {  	s7 =	sld [smem:$0x3F97]  }
0x1a: {  	s8 =	sadd.s32 $0xFFFFE003, lr  }
0x1b: {  	s9 =	sadd.s32 $0xFFFFFEF7, lr;
	s5 =	simm.s32 $0xFFFFFFFF;
	p2 =	slt.u32 s8, $0xFFFFF086  }
0x1c: {  	p1 =	slt.u32 s9, $0xF7A;
	s5 =	simm.s32 @!p2 $0x0  }
0x1d: {  	s5 =	simm.s32 @p1 $0x1;
	p0 =	seq.s32 s7, s2  }
0x1e: {  	s7 =	smul.u32 @!p0 $0xF7A, s2;
	p2 =	seq.s32 @!p0 s5, $0x0  }
0x1f: {  	s9 =	smul.u32 $0xF7A, s1;
	s8 =	simm.s32 @!p0 $0x1BF5;
	p2 =	por !p2, p0  }
0x20: {  	[sflag:s8] =	ssyncset.s32 @!p0 $0xFFFFF086;
	s6 =	sadd.s32 @!p0 s3, s7;
	s7 =	simm.s32 @!p0 $0x108  }
0x21: {  	s3 =	sadd.s32 s3, s9;
	s6 =	sadd.s32 @!p0 $0x88, s6;
	s7 =	simm.s32 @p2 $0x1082  }
0x22: {  	[simem:s7], [sflag:s8] =	dma.local @!p0 [hbm:s6], $0xF7A  }
0x23: {  	s9 =	sor.u32 $0xD0000000, s2;
	s6 =	simm.s32 $0x108;
	_ =	swait.ge @!p0 [sflag:s8], $0x0  }
0x24: {  	s3 =	sadd.s32 $0x88, s3;
	s6 =	simm.s32 @!p1 $0x1082;
	[sflag:s4] =	ssyncset.s32 $0xFFFFF086  }
0x25: {  	[simem:s6], [sflag:s4] =	dma.local [hbm:s3], $0xF7A  }
0x26: {  	[smem:$0x3F97] =	sst s1;
	(tag) =	ssettag s2;
	_ =	strace s9  }
0x27: {  	s1 =	sld [smem:$0x3FA7]  }
0x28: {  	s2 =	sld [smem:$0x3FA8]  }
0x29: {  	s4 =	sld [smem:$0x3FAA]  }
0x2a: {  	p0 =	seq.s32 s5, $0x0;
	s5 =	sld [smem:$0x3FAB]  }
0x2b: {  	s6 =	sld [smem:$0x3FAC]  }
0x2c: {  	s7 =	sld [smem:$0x3FAD]  }
0x2d: {  	s3 =	simm.s32 $0x108;
	s8 =	sld [smem:$0x3FAE]  }
0x2e: {  	s3 =	simm.s32 @!p0 $0x1082;
	s9 =	sld [smem:$0x3FAF]  }
0x2f: {  	lr =	sadd.s32 s0, s3;
	s0 =	sld [smem:$0x3FA6]  }
0x30: {  	s3 =	sld [smem:$0x3FA9]  }
0x31: {  	[smem:$0x3FB2] =	sst s10  }
0x32: {  	s10 =	sld [smem:$0x3FB0];
	_ =	sdelay $0x3  }
0x33: {  	p0 =	seq.s32 s10, $0x1;
	s10 =	sld [smem:$0x3FB2];
	_ =	sdelay $0x3  }
0x34: {  	[smem:$0x3FB2] =	sst s10  }
0x35: {  	s10 =	sld [smem:$0x3FB1];
	_ =	sdelay $0x3  }
0x36: {  	p1 =	seq.s32 s10, $0x1;
	s10 =	sld [smem:$0x3FB2];
	_ =	sdelay $0x3  }
0x37: {  	[smem:$0x3FB2] =	sst s10  }
0x38: {  	s10 =	sld [smem:$0x3FB3]  }
0x39: {  	_ = 	snop;
	(pc) =	sbr.ind lr, $3  }
0x3a: {  	_ = 	snop  }
0x3b: {  	_ = 	snop  }
0x3c: {  	p2 =	seq.s32 s10, $0x1;
	s10 =	sld [smem:$0x3FB2]  }
0x3d: {  	_ =	shalt  }
0x3e: {  	_ =	shalt  }
0x3f: {  	_ =	shalt  }
0x40: {  	_ =	shalt  }
0x41: {  	_ =	shalt  }
0x42: {  	_ =	shalt  }
0x43: {  	_ =	shalt  }
0x44: {  	_ =	shalt  }
0x45: {  	_ =	shalt  }
0x46: {  	_ =	shalt  }
0x47: {  	_ =	shalt  }
0x48: {  	_ =	shalt  }
0x49: {  	_ =	shalt  }
0x4a: {  	_ =	shalt  }
0x4b: {  	_ =	shalt  }
0x4c: {  	_ =	shalt  }
0x4d: {  	_ =	shalt  }
0x4e: {  	_ =	shalt  }
0x4f: {  	_ =	shalt  }
0x50: {  	_ =	shalt  }
0x51: {  	_ =	shalt  }
0x52: {  	_ =	shalt  }
0x53: {  	_ =	shalt  }
0x54: {  	_ =	shalt  }
0x55: {  	_ =	shalt  }
0x56: {  	_ =	shalt  }
0x57: {  	_ =	shalt  }
0x58: {  	_ =	shalt  }
0x59: {  	_ =	shalt  }
0x5a: {  	_ =	shalt  }
0x5b: {  	_ =	shalt  }
0x5c: {  	_ =	shalt  }
0x5d: {  	_ =	shalt  }
0x5e: {  	_ =	shalt  }
0x5f: {  	_ =	shalt  }
0x60: {  	_ =	shalt  }
0x61: {  	_ =	shalt  }
0x62: {  	_ =	shalt  }
0x63: {  	_ =	shalt  }
0x64: {  	_ =	shalt  }
0x65: {  	_ =	shalt  }
0x66: {  	_ =	shalt  }
0x67: {  	_ =	shalt  }
0x68: {  	_ =	shalt  }
0x69: {  	_ =	shalt  }
0x6a: {  	_ =	shalt  }
0x6b: {  	_ =	shalt  }
0x6c: {  	_ =	shalt  }
0x6d: {  	_ =	shalt  }
0x6e: {  	_ =	shalt  }
0x6f: {  	_ =	shalt  }
0x70: {  	_ =	shalt  }
0x71: {  	_ =	shalt  }
0x72: {  	_ =	shalt  }
0x73: {  	_ =	shalt  }
0x74: {  	_ =	shalt  }
0x75: {  	_ =	shalt  }
0x76: {  	_ =	shalt  }
0x77: {  	_ =	shalt  }
0x78: {  	_ =	shalt  }
0x79: {  	_ =	shalt  }
0x7a: {  	_ =	shalt  }
0x7b: {  	_ =	shalt  }
0x7c: {  	_ =	shalt  }
0x7d: {  	_ =	shalt  }
0x7e: {  	_ =	shalt  }
0x7f: {  	_ =	shalt  }
0x80: {  	_ =	shalt  }
0x81: {  	_ =	shalt  }
0x82: {  	_ =	shalt  }
0x83: {  	_ =	shalt  }
0x84: {  	_ =	shalt  }
0x85: {  	_ =	shalt  }
0x86: {  	_ =	shalt  }
0x87: {  	_ =	shalt  }
.Lfunc_end0:
.L_simem_size_0:
called_computation.4_lowered:
.L_overlay_start_0:
0x88: {  	s2 =	sld [smem:$0x3FD9]  }
0x89: {  	s3 =	sld [smem:$0x3FFE];
	_ =	sdelay $0x1  }
0x8a: {  	s1 =	srdreg.scid  }
0x8b: {  	s0 =	sand.u32 $0x1, s1  }
0x8c: {  	s17 =	sshll.u32 s0, $0xA;
	s2 =	sadd.s32 s3, s2  }
0x8d: {  	s2 =	sadd.s32 s2, s17  }
0x8e: {  	[smem:$0x3FBE] =	sst s2  }
0x8f: {  	_ = 	snop  }
0x90: {  	s2 =	sld [smem:$0x3FD0];
	(tm) =	ssettm $0x1  }
0x91: {  	s18 =	sld [smem:$0x3FFB];
	_ =	sdelay $0x3  }
0x92: {  	_ =	strace s18  }
0x93: {  	s3 =	sld [smem:$0x3FFC];
	_ =	sdelay $0x3  }
0x94: {  	_ =	strace s3  }
0x95: {  	s3 =	sld [smem:$0x3FFD];
	_ =	sdelay $0x3  }
0x96: {  	_ =	strace s3  }
0x97: {  	_ =	strace $0x8FFFFFFF  }
0x98: {  	s19 =	sld [smem:$0x3FDB];
	_ =	sdelay $0x1  }
0x99: {  	s4 =	simm.s32 $_scs_section_size  }
0x9a: {  	s5 =	simm.s32 $_size__tile_overlayer_lowered;
	s6 =	simm.s32 $_tile_overlayer_lowered  }
0x9b: {  	s22 =	simm.s32 $0x1BFF;
	s21 =	sshll.u32 s6, $0x1;
	s3 =	sadd.s32 s4, s19  }
0x9c: {  	s7 =	simm.s32 $0x0;
	s20 =	sshll.u32 s5, $0x1;
	s5 =	sadd.s32 s21, s3  }
0x9d: {  	[timem:s7], [sflag:s22] =	dma.local [hbm:s5], s20  }
0x9e: {  	_ =	swait.ge [sflag:s22], s20  }
0x9f: {  	s4 =	ssub.s32 $0x0, s20;
	[sflag:s22] =	ssyncset.done $0x0  }
0xa0: {  	[sflag:s22] =	ssyncadd.s32 s4;
	_ =	sdelay $0x1  }
0xa1: {  	s23 =	simm.s32 $0x1B8B  }
0xa2: {  	_ =	swait.ge [sflag:s23], $0x1  }
0xa3: {  	[sflag:s23] =	ssyncset.done $0x0  }
0xa4: {  	s25 =	simm.s32 $0x1B8E;
	s24 =	sld [smem:$0x3FFE];
	[sflag:s23] =	ssyncadd.s32 $0xFFFFFFFF  }
0xa5: {  	s26 =	simm.s32 $execute0_lowered;
	[smem:$0x3FD2] =	sst s25  }
0xa6: {  	s5 =	sshll.u32 s26, $0x1;
	_ =	strace $0x80000052;
	[dreg:$0x1] =	wrdreg $0xFFFFFFFF  }
0xa7: {  	s28 =	simm.s32 $_size_execute0_lowered;
	s3 =	sadd.s32 s3, s5;
	[dreg:$0x0] =	wrdreg $0x0  }
0xa8: {  	s5 =	sshll.u32 s28, $0x1;
	[dreg:$0x2] =	wrdreg s3  }
0xa9: {  	[dreg:$0x3] =	wrdreg s5  }
0xaa: {  	[dreg:$0x4] =	wrdreg $0xC0  }
0xab: {  	_ =	task [dreg:s7], $0x5FFFF  }
0xac: {  	[dreg:$0x1] =	wrdreg $0xFFFFFFFF  }
0xad: {  	[dreg:$0x0] =	wrdreg $0x60  }
0xae: {  	[dreg:$0x2] =	wrdreg s24  }
0xaf: {  	[dreg:$0x3] =	wrdreg s2  }
0xb0: {  	[dreg:$0x4] =	wrdreg $0xA8000  }
0xb1: {  	[dreg:$0x5] =	wrdreg $0x9  }
0xb2: {  	_ =	task.clear_ibuf [dreg:s7], $0x6FFFF;
	_ =	strace $0x90000052  }
0xb3: {  	s29 =	simm.s32 $0x9;
	_ =	strace $0x80000054  }
0xb4: {  	_ =	swait.ge [sflag:s29], $0x1  }
0xb5: {  	[sflag:s29] =	ssyncadd.s32 $0xFFFFFFFF  }
0xb6: {  	_ =	strace $0x90000054  }
0xb7: {  	_ =	sfence  }
0xb8: {  	s30 =	sld [smem:$0x0];
	_ =	sdelay $0x2  }
0xb9: {  	s31 =	sshll.u32 s1, $0xD;
	s1 =	sshrl.u32 s1, $0x2  }
0xba: {  	s3 =	sand.u32 $0x4000, s31;
	s1 =	sadd.s32 s1, s30  }
0xbb: {  	s0 =	sor.u32 s3, s0;
	s1 =	sshll.u32 s1, $0x11  }
0xbc: {  	s0 =	sor.u32 s1, s0  }
0xbd: {  	s0 =	sadd.s32 $0x8F2B, s0  }
0xbe: {  	[sflag:s0] =	ssyncadd.remote.s32 $0x1  }
0xbf: {  	_ =	sfence.sel $0xFFFF  }
0xc0: {  	[dreg:$0x0] =	wrdreg $0xFFFFFFFF;
	(pc) =	sbr.abs _section_cstart, $3  }
0xc1: {  	[dreg:$0x1] =	wrdreg $0xFFFFFFFF  }
0xc2: {  	_ =	task.clear_ibuf [dreg:s7], $0x2FFFF;
	_ =	strace $0x9FFFFFFF  }
0xc3: {  	(tm) =	ssettm $0x7FFFFFFF  }
tec
execute0_lowered:
.L_overlay_start_1:
0x0: {  	(tag) =	ssettag $0x1  }
0x1: {  	s0 =	rddreg [dreg:$0x0]  }
0x2: {  	s2 =	rddreg [dreg:$0x2];
	s3 =	simm.s32 $0x0  }
0x3: {  	s1 =	srdreg.scid;
	s4 =	stileid.u32;
	s21 =	simm.s32 $0x3  }
0x4: {  	s22 =	simm.s32 $0x1400;
	s23 =	simm.s32 $0x80;
	s24 =	simm.s32 $0x2800  }
0x5: {  	s28 =	simm.s32 $0x2;
	s29 =	simm.s32 $0x2700;
	s30 =	simm.s32 $0x2780  }
0x6: {  	s31 =	simm.s32 $0x0;
	[smem:$0x7FF] =	sst s3;
	s7 =	smul.u32 $0x50000, s4  }
0x7: {  	s1 =	sand.u32 $0x1, s1;
	s12 =	sadd.s32 $0xD800, s0;
	s9 =	smul.u32 $0x280, s4  }
0x8: {  	s13 =	sadd.s32 $0x3800, s0;
	s5 =	sadd.s32 $0x17800, s0;
	s25 =	smul.u32 $0x2800, s4  }
0x9: {  	s0 =	sadd.s32 $0xB4E00, s0;
	s19 =	sadd.s32 $0x138800, s2;
	s6 =	smul.u32 $0x2710, s1  }
0xa: {  	p0 =	sne.s32 s4, $0xF;
	p2 =	seq.s32 s4, $0xF;
	s11 =	smul.u32 $0x138800, s1  }
0xb: {  	_ =	strace $0x80000053;
	s8 =	ssub.s32 $0x2, s1;
	s1 =	smul.u32 $0x28000, s1  }
0xc: {  	p1 =	sne.s32 @p0 s4, $0x0;
	s10 =	sshrl.u32 s8, $0x1;
	s7 =	sshrl.u32 s7, $0x2  }
0xd: {  	p1 =	por p1, !p0;
	s16 =	ssub.s32 s8, s10;
	s6 =	sadd.s32 s9, s6  }
0xe: {  	s26 =	sshrl.u32 s11, $0x3;
	s1 =	sadd.s32 s25, s1;
	s8 =	sadd.s32 $0x12C000, s2  }
0xf: {  	s19 =	sshrl.u32 @!p1 s19, $0x3;
	s25 =	simm.s32 $0x6800;
	s14 =	sshll.u32 s6, $0x4  }
0x10: {  	s6 =	sadd.s32 s7, s2;
	s15 =	sadd.s32 $0x25800, s26;
	s1 =	sshrl.u32 s1, $0x3  }
0x11: {  	s16 =	smax.u32 s16, $0x1;
	s20 =	sshrl.u32 @!p0 s8, $0x3;
	s26 =	simm.s32 $0x1  }
0x12: {  	s7 =	sadd.s32 s5, s14;
	s9 =	sadd.s32 s5, s15;
	s10 =	sadd.s32 s12, s1  }
0x13: {  	s11 =	sadd.s32 s13, s1;
	s1 =	sadd.s32 $0x280, s1;
	s14 =	sadd.s32 s0, s14  }
0x14: {  	s15 =	sadd.s32 s0, s15;
	s0 =	sshll.u32 @p0 s4, $0x6;
	s18 =	sshrl.u32 @p0 s6, $0x3  }
0x15: {  	s12 =	sadd.s32 s12, s1;
	s13 =	sadd.s32 s13, s1;
	s17 =	sor.u32 @p0 $0x1C03, s0  }
.LBB2_1:
0x16: {  	[spmem:s18], [sflag:s17] =	dma.local @p0 [hbm:s7], $0x2800  }
0x17: {  	s0 =	simm.s32 @p0 $0x3  }
0x18: {  	_ =	swait.ge @p0 [sflag:s0], $0x2800  }
0x19: {  	[sflag:s0] =	ssyncset.done @p0 $0x0  }
0x1a: {  	[sflag:s0] =	ssyncadd.s32 @p0 $0xFFFFD800  }
0x1b: {  	s0 =	simm.s32 @!p1 $0x1C03;
	s1 =	rddreg [dreg:$0x1]  }
0x1c: {  	[spmem:s19], [sflag:s0] =	dma.local @!p1 [hbm:s1], $0x100  }
0x1d: {  	s0 =	simm.s32 @!p1 $0x3  }
0x1e: {  	_ =	swait.ge @!p1 [sflag:s0], $0x100  }
0x1f: {  	[sflag:s0] =	ssyncset.done @!p1 $0x0  }
0x20: {  	[sflag:s0] =	ssyncadd.s32 @!p1 $0xFFFFFF00;
	s0 =	simm.s32 @!p0 $0x1FC3  }
0x21: {  	[spmem:s20], [sflag:s0] =	dma.local @!p0 [hbm:s9], $0x1900  }
0x22: {  	s0 =	simm.s32 @!p0 $0x3  }
0x23: {  	_ =	swait.ge @!p0 [sflag:s0], $0x1900  }
0x24: {  	[sflag:s0] =	ssyncset.done @!p0 $0x0  }
0x25: {  	[sflag:s0] =	ssyncadd.s32 @!p0 $0xFFFFE700  }
0x26: {  	[bflag:$0x0] =	sbarrier.arrive $0xFFFF  }
0x27: {  	[tilespmem:s3], [sflag:$0x3] =	stream.linear.gather [hbm4b:s10+s3], $0x1400, $0x38;
	[tilespmem:$0x1E100] =	vst v63  }
0x28: {  	_ =	swait.ge [sflag:s21], $0x1400  }
0x29: {  	[sflag:s21] =	ssyncset.done $0x0  }
0x2a: {  	[sflag:s21] =	ssyncadd.s32 $0xFFFFEC00  }
0x2b: {  	[tilespmem:s22], [sflag:$0x3] =	stream.linear.gather [hbm4b:s11+s3], $0x1400, $0x38;
	[tilespmem:$0x1E100] =	vst v63  }
0x2c: {  	_ =	swait.ge [sflag:s21], $0x1400  }
0x2d: {  	[sflag:s21] =	ssyncset.done $0x0  }
0x2e: {  	[sflag:s21] =	ssyncadd.s32 $0xFFFFEC00  }
0x2f: {  	[tilespmem:s24], [sflag:$0x1] =	stream.indirect.gather [hbm4b:s5+s23], $0x80, s3, s23, $0xb8;
	[tilespmem:$0x1E100] =	vst v63  }
0x30: {  	_ = 	snop  }
0x31: {  	[tilespmem:s25], [sflag:$0x2] =	stream.indirect.gather [hbm4b:s5+s23], $0x80, s23, s23, $0xb8;
	[tilespmem:$0x1E100] =	vst v63  }
0x32: {  	_ =	swait.ge [sflag:s26], $0x4000  }
0x33: {  	[sflag:s26] =	ssyncset.done $0x0  }
0x34: {  	s4 =	simm.s32 $0x1400;
	[sflag:s26] =	ssyncadd.s32 $0xFFFFC000  }
0x35: {  	[spmem:s2] =	stream.indirect.scatter.add.f32 [tilespmem:s24], [sflag:$0x3], $0x80, s4, s23, $0xb8;
	[tilespmem:$0x1E100] =	vst v63  }
0x36: {  	_ =	swait.ge [sflag:s21], $0x4000  }
0x37: {  	[sflag:s21] =	ssyncset.done $0x0  }
0x38: {  	s1 =	simm.s32 $0x100;
	[sflag:s21] =	ssyncadd.s32 $0xFFFFC000  }
0x39: {  	[tilespmem:s24], [sflag:$0x1] =	stream.indirect.gather [hbm4b:s5+s23], $0x80, s1, s23, $0xb8;
	[tilespmem:$0x1E100] =	vst v63  }
0x3a: {  	_ =	swait.ge [sflag:s28], $0x4000  }
0x3b: {  	[sflag:s28] =	ssyncset.done $0x0  }
0x3c: {  	s4 =	simm.s32 $0x1480;
	[sflag:s28] =	ssyncadd.s32 $0xFFFFC000  }
0x3d: {  	[spmem:s2] =	stream.indirect.scatter.add.f32 [tilespmem:s25], [sflag:$0x3], $0x80, s4, s23, $0xb8;
	[tilespmem:$0x1E100] =	vst v63  }
0x3e: {  	_ =	swait.ge [sflag:s21], $0x4000  }
0x3f: {  	[sflag:s21] =	ssyncset.done $0x0  }
0x40: {  	s0 =	simm.s32 $0x400;
	s1 =	simm.s32 $0x180;
	[sflag:s21] =	ssyncadd.s32 $0xFFFFC000  }
.LBB2_2:
0x41: {  	[tilespmem:s25], [sflag:$0x2] =	stream.indirect.gather [hbm4b:s5+s23], $0x80, s1, s23, $0xb8;
	[tilespmem:$0x1E100] =	vst v63  }
0x42: {  	s1 =	smov.u32 s0  }
0x43: {  	p3 =	sne.s32 s0, $0x4800;
	s0 =	sadd.s32 $0x400, s0;
	_ =	swait.ge [sflag:s26], $0x4000  }
0x44: {  	s1 =	sshra.s32 s1, $0x2;
	[sflag:s26] =	ssyncset.done $0x0  }
0x45: {  	s4 =	sadd.s32 $0x1400, s1;
	[sflag:s26] =	ssyncadd.s32 $0xFFFFC000  }
0x46: {  	[spmem:s2] =	stream.indirect.scatter.add.f32 [tilespmem:s24], [sflag:$0x3], $0x80, s4, s23, $0xb8;
	[tilespmem:$0x1E100] =	vst v63  }
0x47: {  	_ =	swait.ge [sflag:s21], $0x4000  }
0x48: {  	[sflag:s21] =	ssyncset.done $0x0  }
0x49: {  	s4 =	sadd.s32 $0x100, s1;
	[sflag:s21] =	ssyncadd.s32 $0xFFFFC000  }
0x4a: {  	[tilespmem:s24], [sflag:$0x1] =	stream.indirect.gather [hbm4b:s5+s23], $0x80, s4, s23, $0xb8;
	[tilespmem:$0x1E100] =	vst v63  }
0x4b: {  	_ =	swait.ge [sflag:s28], $0x4000  }
0x4c: {  	[sflag:s28] =	ssyncset.done $0x0  }
.Ltmp0:
0x4d: {  	s4 =	sadd.s32 $0x1480, s1;
	[sflag:s28] =	ssyncadd.s32 $0xFFFFC000;
	(pc) =	sbr.rel @p3 .LBB2_2-.Ltmp0, $4  }
0x4e: {  	[spmem:s2] =	stream.indirect.scatter.add.f32 [tilespmem:s25], [sflag:$0x3], $0x80, s4, s23, $0xb8;
	[tilespmem:$0x1E100] =	vst v63  }
0x4f: {  	_ =	swait.ge [sflag:s21], $0x4000  }
0x50: {  	[sflag:s21] =	ssyncset.done $0x0  }
0x51: {  	s1 =	sadd.s32 $0x180, s1;
	[sflag:s21] =	ssyncadd.s32 $0xFFFFC000  }
0x52: {  	[tilespmem:s25], [sflag:$0x2] =	stream.indirect.gather [hbm4b:s5+s23], $0x80, s1, s23, $0xb8;
	[tilespmem:$0x1E100] =	vst v63  }
0x53: {  	_ =	swait.ge [sflag:s26], $0x4000  }
0x54: {  	[sflag:s26] =	ssyncset.done $0x0  }
0x55: {  	[sflag:s26] =	ssyncadd.s32 $0xFFFFC000  }
0x56: {  	[spmem:s2] =	stream.indirect.scatter.add.f32 [tilespmem:s24], [sflag:$0x3], $0x80, s29, s23, $0xb8;
	[tilespmem:$0x1E100] =	vst v63  }
0x57: {  	_ =	swait.ge [sflag:s21], $0x4000  }
0x58: {  	[sflag:s21] =	ssyncset.done $0x0  }
0x59: {  	[sflag:s21] =	ssyncadd.s32 $0xFFFFC000  }
0x5a: {  	_ =	swait.ge [sflag:s28], $0x4000  }
0x5b: {  	[sflag:s28] =	ssyncset.done $0x0  }
0x5c: {  	[sflag:s28] =	ssyncadd.s32 $0xFFFFC000  }
0x5d: {  	[spmem:s2] =	stream.indirect.scatter.add.f32 [tilespmem:s25], [sflag:$0x3], $0x80, s30, s23, $0xb8;
	[tilespmem:$0x1E100] =	vst v63  }
0x5e: {  	_ =	swait.ge [sflag:s21], $0x4000  }
0x5f: {  	[sflag:s21] =	ssyncset.done $0x0  }
0x60: {  	s0 =	simm.s32 $0x0;
	[sflag:s21] =	ssyncadd.s32 $0xFFFFC000  }
0x61: {  	[tilespmem:s0], [sflag:$0x3] =	stream.linear.gather [hbm4b:s12+s0], $0x1400, $0x38;
	[tilespmem:$0x1E100] =	vst v63  }
0x62: {  	_ =	swait.ge [sflag:s21], $0x1400  }
0x63: {  	[sflag:s21] =	ssyncset.done $0x0  }
0x64: {  	[sflag:s21] =	ssyncadd.s32 $0xFFFFEC00  }
0x65: {  	[tilespmem:s22], [sflag:$0x3] =	stream.linear.gather [hbm4b:s13+s0], $0x1400, $0x38;
	[tilespmem:$0x1E100] =	vst v63  }
0x66: {  	_ =	swait.ge [sflag:s21], $0x1400  }
0x67: {  	[sflag:s21] =	ssyncset.done $0x0  }
0x68: {  	[sflag:s21] =	ssyncadd.s32 $0xFFFFEC00  }
0x69: {  	[tilespmem:s24], [sflag:$0x1] =	stream.indirect.gather [hbm4b:s5+s23], $0x80, s0, s23, $0xb8;
	[tilespmem:$0x1E100] =	vst v63  }
0x6a: {  	_ = 	snop  }
0x6b: {  	[tilespmem:s25], [sflag:$0x2] =	stream.indirect.gather [hbm4b:s5+s23], $0x80, s23, s23, $0xb8;
	[tilespmem:$0x1E100] =	vst v63  }
0x6c: {  	_ =	swait.ge [sflag:s26], $0x4000  }
0x6d: {  	[sflag:s26] =	ssyncset.done $0x0  }
0x6e: {  	s4 =	simm.s32 $0x1400;
	[sflag:s26] =	ssyncadd.s32 $0xFFFFC000  }
0x6f: {  	[spmem:s2] =	stream.indirect.scatter.add.f32 [tilespmem:s24], [sflag:$0x3], $0x80, s4, s23, $0xb8;
	[tilespmem:$0x1E100] =	vst v63  }
0x70: {  	_ =	swait.ge [sflag:s21], $0x4000  }
0x71: {  	[sflag:s21] =	ssyncset.done $0x0  }
0x72: {  	s1 =	simm.s32 $0x100;
	[sflag:s21] =	ssyncadd.s32 $0xFFFFC000  }
0x73: {  	[tilespmem:s24], [sflag:$0x1] =	stream.indirect.gather [hbm4b:s5+s23], $0x80, s1, s23, $0xb8;
	[tilespmem:$0x1E100] =	vst v63  }
0x74: {  	_ =	swait.ge [sflag:s28], $0x4000  }
0x75: {  	[sflag:s28] =	ssyncset.done $0x0  }
0x76: {  	s4 =	simm.s32 $0x1480;
	[sflag:s28] =	ssyncadd.s32 $0xFFFFC000  }
0x77: {  	[spmem:s2] =	stream.indirect.scatter.add.f32 [tilespmem:s25], [sflag:$0x3], $0x80, s4, s23, $0xb8;
	[tilespmem:$0x1E100] =	vst v63  }
0x78: {  	_ =	swait.ge [sflag:s21], $0x4000  }
0x79: {  	[sflag:s21] =	ssyncset.done $0x0  }
0x7a: {  	s0 =	simm.s32 $0x400;
	s1 =	simm.s32 $0x180;
	[sflag:s21] =	ssyncadd.s32 $0xFFFFC000  }
.LBB2_4:
0x7b: {  	[tilespmem:s25], [sflag:$0x2] =	stream.indirect.gather [hbm4b:s5+s23], $0x80, s1, s23, $0xb8;
	[tilespmem:$0x1E100] =	vst v63  }
0x7c: {  	s1 =	smov.u32 s0  }
0x7d: {  	p3 =	sne.s32 s0, $0x4800;
	s0 =	sadd.s32 $0x400, s0;
	_ =	swait.ge [sflag:s26], $0x4000  }
0x7e: {  	s1 =	sshra.s32 s1, $0x2;
	[sflag:s26] =	ssyncset.done $0x0  }
0x7f: {  	s4 =	sadd.s32 $0x1400, s1;
	[sflag:s26] =	ssyncadd.s32 $0xFFFFC000  }
0x80: {  	[spmem:s2] =	stream.indirect.scatter.add.f32 [tilespmem:s24], [sflag:$0x3], $0x80, s4, s23, $0xb8;
	[tilespmem:$0x1E100] =	vst v63  }
0x81: {  	_ =	swait.ge [sflag:s21], $0x4000  }
0x82: {  	[sflag:s21] =	ssyncset.done $0x0  }
0x83: {  	s4 =	sadd.s32 $0x100, s1;
	[sflag:s21] =	ssyncadd.s32 $0xFFFFC000  }
0x84: {  	[tilespmem:s24], [sflag:$0x1] =	stream.indirect.gather [hbm4b:s5+s23], $0x80, s4, s23, $0xb8;
	[tilespmem:$0x1E100] =	vst v63  }
0x85: {  	_ =	swait.ge [sflag:s28], $0x4000  }
0x86: {  	[sflag:s28] =	ssyncset.done $0x0  }
.Ltmp1:
0x87: {  	s4 =	sadd.s32 $0x1480, s1;
	[sflag:s28] =	ssyncadd.s32 $0xFFFFC000;
	(pc) =	sbr.rel @p3 .LBB2_4-.Ltmp1, $4  }
0x88: {  	[spmem:s2] =	stream.indirect.scatter.add.f32 [tilespmem:s25], [sflag:$0x3], $0x80, s4, s23, $0xb8;
	[tilespmem:$0x1E100] =	vst v63  }
0x89: {  	_ =	swait.ge [sflag:s21], $0x4000  }
0x8a: {  	[sflag:s21] =	ssyncset.done $0x0  }
0x8b: {  	s1 =	sadd.s32 $0x180, s1;
	[sflag:s21] =	ssyncadd.s32 $0xFFFFC000  }
0x8c: {  	[tilespmem:s25], [sflag:$0x2] =	stream.indirect.gather [hbm4b:s5+s23], $0x80, s1, s23, $0xb8;
	[tilespmem:$0x1E100] =	vst v63  }
0x8d: {  	_ =	swait.ge [sflag:s26], $0x4000  }
0x8e: {  	[sflag:s26] =	ssyncset.done $0x0  }
0x8f: {  	[sflag:s26] =	ssyncadd.s32 $0xFFFFC000  }
0x90: {  	[spmem:s2] =	stream.indirect.scatter.add.f32 [tilespmem:s24], [sflag:$0x3], $0x80, s29, s23, $0xb8;
	[tilespmem:$0x1E100] =	vst v63  }
0x91: {  	_ =	swait.ge [sflag:s21], $0x4000  }
0x92: {  	[sflag:s21] =	ssyncset.done $0x0  }
0x93: {  	[sflag:s21] =	ssyncadd.s32 $0xFFFFC000  }
0x94: {  	_ =	swait.ge [sflag:s28], $0x4000  }
0x95: {  	[sflag:s28] =	ssyncset.done $0x0  }
0x96: {  	[sflag:s28] =	ssyncadd.s32 $0xFFFFC000  }
0x97: {  	[spmem:s2] =	stream.indirect.scatter.add.f32 [tilespmem:s25], [sflag:$0x3], $0x80, s30, s23, $0xb8;
	[tilespmem:$0x1E100] =	vst v63  }
0x98: {  	_ =	swait.ge [sflag:s21], $0x4000  }
0x99: {  	[sflag:s21] =	ssyncset.done $0x0  }
0x9a: {  	[sflag:s21] =	ssyncadd.s32 $0xFFFFC000  }
0x9b: {  	s0 =	sshrl.u32 @p2 s8, $0x3;
	s1 =	simm.s32 @p2 $0x1FC3;
	[bflag:$0x0] =	sbarrier.arrive $0xFFFF  }
0x9c: {  	[hbm:s15], [sflag:s1] =	dma.local @p2 [spmem:s0], $0x1900  }
0x9d: {  	s0 =	simm.s32 @p2 $0x3  }
0x9e: {  	s31 =	sadd.s32 $0x1, s31;
	s1 =	stileid.u32;
	_ =	swait.ge @p2 [sflag:s0], $0x1900  }
0x9f: {  	p3 =	sne.s32 s31, s16;
	s1 =	sshll.u32 @!p2 s1, $0x6;
	[sflag:s0] =	ssyncset.done @p2 $0x0  }
0xa0: {  	[sflag:s0] =	ssyncadd.s32 @p2 $0xFFFFE700;
	s0 =	sor.u32 @!p2 $0x1C03, s1;
	s1 =	sshrl.u32 @!p2 s6, $0x3  }
0xa1: {  	[hbm:s14], [sflag:s0] =	dma.local @!p2 [spmem:s1], $0x2800  }
.Ltmp2:
0xa2: {  	_ = 	snop;
	(pc) =	sbr.rel @p3 .LBB2_1-.Ltmp2, $4  }
0xa3: {  	s0 =	simm.s32 @!p2 $0x3  }
0xa4: {  	_ =	swait.ge @!p2 [sflag:s0], $0x2800  }
0xa5: {  	[sflag:s0] =	ssyncset.done @!p2 $0x0  }
0xa6: {  	[sflag:s0] =	ssyncadd.s32 @!p2 $0xFFFFD800  }
0xa7: {  	_ =	sfence.sel $0x180000  }
0xa8: {  	[bflag:$0x0] =	sbarrier.arrive $0xFFFF  }
0xa9: {  	_ =	strace $0x90000053  }
0xaa: {  	s0 =	stileid.u32;
	[bflag:$0x2] =	sbarrier.arrive $0xFFFF  }
0xab: {  	p0 =	sne.s32 s0, $0x0;
	s0 =	rddreg [dreg:$0x3]  }
0xac: {  	s0 =	sadd.s32 @!p0 $0x100000, s0  }
0xad: {  	[sflag:s0] =	ssyncadd.tile.s32 @!p0 $0x1;
	_ =	shalt  }
.Lfunc_end2:
_tile_overlayer_lowered:
.L_overlay_start_2:
0xae: {  	(tag) =	ssettag $0x2  }
0xaf: {  	s0 =	rddreg [dreg:$0x0];
	s2 =	stileid.u32  }
0xb0: {  	s1 =	rddreg [dreg:$0x1];
	p0 =	sne.s32 s2, $0x0  }
0xb1: {  	s3 =	rddreg [dreg:$0x2];
	[bflag:$0x3] =	sbarrier.arrive $0xFFFF;
	s2 =	simm.s32 @!p0 $0x1C03  }
0xb2: {  	[timem:s3], [sflag:s2] =	dma.local @!p0 [hbm:s0], s1  }
0xb3: {  	s0 =	simm.s32 @!p0 $0x3  }
0xb4: {  	_ =	swait.ge @!p0 [sflag:s0], s1  }
0xb5: {  	s1 =	ssub.s32 @!p0 $0x0, s1;
	[sflag:s0] =	ssyncset.done @!p0 $0x0  }
0xb6: {  	[sflag:s0] =	ssyncadd.s32 @!p0 s1  }
0xb7: {  	[bflag:$0x3] =	sbarrier.arrive $0xFFFF  }
0xb8: {  	_ =	shalt  }

</sc_bundles>
